<compile_context>
chip_gen: v7x
topology: tpu7x:2x2x1
jax: 0.10.2.dev20260603
libtpu: 0.0.44.dev20260713+nightly
codegen_flags: <defaults>
</compile_context>

<pallas_src>
import functools

import jax
import jax.numpy as jnp
from jax import lax
from jax.experimental import pallas as pl
from jax.experimental.pallas import tpu as pltpu
from jax.experimental.pallas import tpu_sc as plsc

_TEMP = 10.0
_NC = 2
_NS = 16
_CR = 8
_CC = 1024


def _make_sc_kernel(R, M):
    NW = _NC * _NS
    rows_per_w = R // NW
    chunks = (rows_per_w // _CR) * (M // _CC)
    col_halves = M // _CC
    nvec = _CC // 16

    mesh = plsc.VectorSubcoreMesh(core_axis_name="c", subcore_axis_name="s")

    buf_types = [
        pltpu.VMEM((_CR, _CC), jnp.float32),
        pltpu.VMEM((_CR, _CC), jnp.float32),
        pltpu.VMEM((_CR, _CC), jnp.int32),
        pltpu.VMEM((_CR, _CC), jnp.float32),
    ]

    @functools.partial(
        pl.kernel,
        out_type=jax.ShapeDtypeStruct((R, M), jnp.float32),
        mesh=mesh,
        compiler_params=pltpu.CompilerParams(use_tc_tiling_on_sc=True),
        scratch_types=buf_types + buf_types + [
            pltpu.VMEM((M,), jnp.float32),
            pltpu.VMEM((M,), jnp.float32),
            pltpu.SemaphoreType.DMA,
            pltpu.SemaphoreType.DMA,
            pltpu.SemaphoreType.DMA,
            pltpu.SemaphoreType.DMA,
        ],
    )
    def sc_kernel(x_hbm, o_hbm, t0_hbm, t1_hbm, ci_hbm, out_hbm,
                  x_a, o_a, ci_a, out_a, x_b, o_b, ci_b, out_b,
                  t0_v, t1_v, sin_a, sin_b, sout_a, sout_b):
        bufs = ((x_a, o_a, ci_a, out_a, sin_a, sout_a),
                (x_b, o_b, ci_b, out_b, sin_b, sout_b))
        wid = lax.axis_index("s") * _NC + lax.axis_index("c")
        row_base = wid * rows_per_w
        pltpu.sync_copy(t0_hbm, t0_v)
        pltpu.sync_copy(t1_hbm, t1_v)

        @plsc.parallel_loop(0, M, 16, unroll=8)
        def _scale(i):
            t0_v[pl.ds(i, 16)] = t0_v[pl.ds(i, 16)] * _TEMP
            t1_v[pl.ds(i, 16)] = t1_v[pl.ds(i, 16)] * _TEMP

        def chunk_origin(g):
            row0 = row_base + (g // col_halves) * _CR
            cb = (g % col_halves) * _CC
            return row0, cb

        def in_descs(g, xbuf, obuf, cibuf, sem):
            row0, cb = chunk_origin(g)
            return (
                (x_hbm.at[pl.ds(row0, _CR), pl.ds(cb, _CC)], xbuf, sem),
                (o_hbm.at[pl.ds(row0, _CR), pl.ds(cb, _CC)], obuf, sem),
                (ci_hbm.at[pl.ds(row0, _CR), pl.ds(cb, _CC)], cibuf, sem),
            )

        def start_in(g, xbuf, obuf, cibuf, sem):
            for src, dst, s in in_descs(g, xbuf, obuf, cibuf, sem):
                pltpu.async_copy(src, dst, s)

        def wait_in(g, xbuf, obuf, cibuf, sem):
            for src, dst, s in in_descs(g, xbuf, obuf, cibuf, sem):
                pltpu.make_async_copy(src, dst, s).wait()

        def out_desc(g, outbuf, sem):
            row0, cb = chunk_origin(g)
            return (outbuf, out_hbm.at[pl.ds(row0, _CR), pl.ds(cb, _CC)], sem)

        def compute(g, xbuf, obuf, cibuf, outbuf):
            _, cb = chunk_origin(g)

            @plsc.parallel_loop(0, nvec, 1, unroll=2)
            def _vec(kk):
                moff = kk * 16
                t0 = t0_v[pl.ds(cb + moff, 16)]
                t1 = t1_v[pl.ds(cb + moff, 16)]
                for s in range(_CR):
                    c16 = cibuf[s, pl.ds(moff, 16)]
                    xv = xbuf[s, pl.ds(moff, 16)]
                    ov = obuf[s, pl.ds(moff, 16)]
                    cz = c16 == 0
                    v = jnp.where(cz, xv, ov)
                    th = jnp.where(cz, t0, t1)
                    denom = 1.0 + jnp.exp(th - _TEMP * jnp.abs(v))
                    outbuf[s, pl.ds(moff, 16)] = v / denom

        start_in(0, x_a, o_a, ci_a, sin_a)

        def body(g2, carry):
            for side in range(2):
                g = 2 * g2 + side
                xbuf, obuf, cibuf, outbuf, sin, sout = bufs[side]
                nxbuf, nobuf, ncibuf, _, nsin, _ = bufs[1 - side]
                wait_in(g, xbuf, obuf, cibuf, sin)

                @pl.when(g + 1 < chunks)
                def _():
                    start_in(g + 1, nxbuf, nobuf, ncibuf, nsin)

                @pl.when(g2 > 0)
                def _():
                    src, dst, s = out_desc(g - 2, outbuf, sout)
                    pltpu.make_async_copy(src, dst, s).wait()

                compute(g, xbuf, obuf, cibuf, outbuf)
                src, dst, s = out_desc(g, outbuf, sout)
                pltpu.async_copy(src, dst, s)
            return carry

        lax.fori_loop(0, chunks // 2, body, 0)
        pltpu.make_async_copy(*out_desc(chunks - 2, out_a, sout_a)).wait()
        pltpu.make_async_copy(*out_desc(chunks - 1, out_b, sout_b)).wait()

    return sc_kernel


def kernel(x, other_inputs_0, theta0, theta1, choice_indices):
    B, S, M = x.shape
    R = B * S
    cip = jnp.pad(choice_indices, ((0, 0), (0, 0), (2, 0)))
    sc = _make_sc_kernel(R, M)
    out = sc(
        x.reshape(R, M),
        other_inputs_0.reshape(R, M),
        theta0,
        theta1,
        cip.reshape(R, M),
    )
    return out.reshape(B, S, M)

# --- scband reference (transcript-rebuilt; emitter-appended) ---
"""Pipeline reference for scband-multi-motif-parallel-sparsity-enforcer-50173807952768 (READ-ONLY COPY).

The authoritative reference and input builder live on the scoring server;
editing this copy changes nothing except your own understanding.
"""

import jax, jax.numpy as jnp
import numpy as np

_TEMP = 10.0

def _enforce(x, theta):
    # Soft sparsity enforcement per motif: smooth magnitude thresholding with a
    # learned per-motif threshold. Returns (mask, sparse_output) matching the
    # torch enforcer's (aux, output) tuple convention.
    mask = jax.nn.sigmoid(_TEMP * (jnp.abs(x) - theta))
    return mask, x * mask

def setup_inputs(seed: int = 0) -> dict:
    key = jax.random.key(seed)
    k1, k2, k3, k4, k5 = jax.random.split(key, 5)
    B, S, M = 4, 2048, 2048
    x = jax.random.normal(k1, (B, S, M), dtype=jnp.float32)
    other_inputs_0 = jax.random.normal(k2, (B, S, M), dtype=jnp.float32)
    choice_indices = jax.random.randint(k3, (B, S, M - 2), 0, 2)
    theta0 = jnp.abs(jax.random.normal(k4, (M,), dtype=jnp.float32)) * 0.5
    theta1 = jnp.abs(jax.random.normal(k5, (M,), dtype=jnp.float32)) * 0.5
    return {"x": x, "other_inputs_0": other_inputs_0, "theta0": theta0, "theta1": theta1, "choice_indices": choice_indices}

def reference(x, other_inputs_0, theta0, theta1, choice_indices):
    # enforcer 0 on x, enforcer 1 on other_inputs_0
    m0, o0 = _enforce(x, theta0)
    m1, o1 = _enforce(other_inputs_0, theta1)
    # torch.stack([out for _, out in enforcer_outputs], dim=-1) -> [B, S, M, 2]
    result = jnp.stack([o0, o1], axis=-1)
    # nn.functional.pad(choice_indices, [2, 0]) pads last dim with 2 zeros in front
    ci = jnp.pad(choice_indices, ((0, 0), (0, 0), (2, 0)))
    B, S, M = ci.shape
    b = jnp.arange(B)[:, None, None]
    s = jnp.arange(S)[None, :, None]
    m = jnp.arange(M)[None, None, :]
    # result[batch_idxs, seq_idxs, mot_idxs, choice_indices] -> [B, S, M]
    gathered = result[b, s, m, ci]
    return gathered

if __name__ == "__main__":
    import jax
    _d = setup_inputs()
    print(jax.jit(kernel)(*tuple(_d.values())))

</pallas_src>

<mosaic_0001>
#map = affine_map<(d0, d1) -> (0, 0)>
#map1 = affine_map<(d0, d1) -> (0)>
module attributes {stable_mosaic.version = 14 : i64} {
  func.func @sc_kernel(%arg0: i32, %arg1: i32, %arg2: memref<8192x2048xf32, #tpu.memory_space<hbm>>, %arg3: memref<8192x2048xf32, #tpu.memory_space<hbm>>, %arg4: memref<2048xf32, #tpu.memory_space<hbm>>, %arg5: memref<2048xf32, #tpu.memory_space<hbm>>, %arg6: memref<8192x2048xi32, #tpu.memory_space<hbm>>, %arg7: memref<8192x2048xf32, #tpu.memory_space<hbm>>, %arg8: memref<8x1024xf32, #tpu.memory_space<vmem>>, %arg9: memref<8x1024xf32, #tpu.memory_space<vmem>>, %arg10: memref<8x1024xi32, #tpu.memory_space<vmem>>, %arg11: memref<8x1024xf32, #tpu.memory_space<vmem>>, %arg12: memref<8x1024xf32, #tpu.memory_space<vmem>>, %arg13: memref<8x1024xf32, #tpu.memory_space<vmem>>, %arg14: memref<8x1024xi32, #tpu.memory_space<vmem>>, %arg15: memref<8x1024xf32, #tpu.memory_space<vmem>>, %arg16: memref<2048xf32, #tpu.memory_space<vmem>>, %arg17: memref<2048xf32, #tpu.memory_space<vmem>>, %arg18: memref<!tpu.dma_semaphore, #tpu.memory_space<semaphore_mem>>, %arg19: memref<!tpu.dma_semaphore, #tpu.memory_space<semaphore_mem>>, %arg20: memref<!tpu.dma_semaphore, #tpu.memory_space<semaphore_mem>>, %arg21: memref<!tpu.dma_semaphore, #tpu.memory_space<semaphore_mem>>) attributes {dimension_semantics = [#tpu.dimension_semantics<core_parallel>, #tpu.dimension_semantics<subcore_parallel>], iteration_bounds = array<i64: 2, 16>, scalar_prefetch = 0 : i64, scratch_operands = 14 : i64, tpu.core_type = #tpu.core_type<sc_vector_subcore>, window_params = [{transform_indices = #map}, {transform_indices = #map}, {transform_indices = #map1}, {transform_indices = #map1}, {transform_indices = #map}, {transform_indices = #map}]} {
    %mul3A = arith.constant 2 : i32
    %mul3A_0 = arith.muli %arg1, %mul3A : i32
    %add3A = arith.addi %mul3A_0, %arg0 : i32
    %mul3A_1 = arith.constant 256 : i32
    %mul3A_2 = arith.muli %add3A, %mul3A_1 : i32
    "tpu.region"() ({
      %run_scoped3A = tpu.sem_alloc : memref<!tpu.dma_semaphore, #tpu.memory_space<semaphore_mem>>
      tpu.enqueue_dma source(%arg4 : memref<2048xf32, #tpu.memory_space<hbm>>) target(%arg16 : memref<2048xf32, #tpu.memory_space<vmem>>) target_semaphore(%run_scoped3A : memref<!tpu.dma_semaphore, #tpu.memory_space<semaphore_mem>>)
      tpu.wait_dma2 semaphore(%run_scoped3A : memref<!tpu.dma_semaphore, #tpu.memory_space<semaphore_mem>>) src(%arg4 : memref<2048xf32, #tpu.memory_space<hbm>>) dst(%arg16 : memref<2048xf32, #tpu.memory_space<vmem>>)
      tpu.yield
    }) : () -> ()
    "tpu.region"() ({
      %run_scoped3A = tpu.sem_alloc : memref<!tpu.dma_semaphore, #tpu.memory_space<semaphore_mem>>
      tpu.enqueue_dma source(%arg5 : memref<2048xf32, #tpu.memory_space<hbm>>) target(%arg17 : memref<2048xf32, #tpu.memory_space<vmem>>) target_semaphore(%run_scoped3A : memref<!tpu.dma_semaphore, #tpu.memory_space<semaphore_mem>>)
      tpu.wait_dma2 semaphore(%run_scoped3A : memref<!tpu.dma_semaphore, #tpu.memory_space<semaphore_mem>>) src(%arg5 : memref<2048xf32, #tpu.memory_space<hbm>>) dst(%arg17 : memref<2048xf32, #tpu.memory_space<vmem>>)
      tpu.yield
    }) : () -> ()
    %parallel_loop3A = arith.constant 0 : i32
    %parallel_loop3A_3 = arith.constant 2048 : i32
    %parallel_loop3A_4 = arith.constant 16 : i32
    scf.for %parallel_loop3A_34 = %parallel_loop3A to %parallel_loop3A_3 step %parallel_loop3A_4  : i32 {
      %parallel_loop3A_35 = arith.index_cast %parallel_loop3A_34 : i32 to index
      %parallel_loop3A_36 = tpu.vector_load %arg16[%parallel_loop3A_35] {strides = array<i32>} : memref<2048xf32, #tpu.memory_space<vmem>>, vector<16xf32>,
      %parallel_loop3A_37 = vector.shape_cast %parallel_loop3A_36 : vector<16xf32> to vector<16xf32>
      %parallel_loop3A_38 = arith.constant 1.000000e+01 : f32
      %parallel_loop3A_39 = vector.broadcast %parallel_loop3A_38 : f32 to vector<16xf32>
      %parallel_loop3A_40 = arith.mulf %parallel_loop3A_37, %parallel_loop3A_39 : vector<16xf32>
      %parallel_loop3A_41 = arith.index_cast %parallel_loop3A_34 : i32 to index
      %parallel_loop3A_42 = tpu.vector_load %arg16[%parallel_loop3A_41] {strides = array<i32>} : memref<2048xf32, #tpu.memory_space<vmem>>, vector<16xf32>,
      %parallel_loop3A_43 = vector.shape_cast %parallel_loop3A_42 : vector<16xf32> to vector<16xf32>
      %parallel_loop3A_44 = vector.shape_cast %parallel_loop3A_40 : vector<16xf32> to vector<16xf32>
      tpu.vector_store %arg16[%parallel_loop3A_41], %parallel_loop3A_44 {strides = array<i32>} : memref<2048xf32, #tpu.memory_space<vmem>>, vector<16xf32>,
      %parallel_loop3A_45 = arith.index_cast %parallel_loop3A_34 : i32 to index
      %parallel_loop3A_46 = tpu.vector_load %arg17[%parallel_loop3A_45] {strides = array<i32>} : memref<2048xf32, #tpu.memory_space<vmem>>, vector<16xf32>,
      %parallel_loop3A_47 = vector.shape_cast %parallel_loop3A_46 : vector<16xf32> to vector<16xf32>
      %parallel_loop3A_48 = arith.constant 1.000000e+01 : f32
      %parallel_loop3A_49 = vector.broadcast %parallel_loop3A_48 : f32 to vector<16xf32>
      %parallel_loop3A_50 = arith.mulf %parallel_loop3A_47, %parallel_loop3A_49 : vector<16xf32>
      %parallel_loop3A_51 = arith.index_cast %parallel_loop3A_34 : i32 to index
      %parallel_loop3A_52 = tpu.vector_load %arg17[%parallel_loop3A_51] {strides = array<i32>} : memref<2048xf32, #tpu.memory_space<vmem>>, vector<16xf32>,
      %parallel_loop3A_53 = vector.shape_cast %parallel_loop3A_52 : vector<16xf32> to vector<16xf32>
      %parallel_loop3A_54 = vector.shape_cast %parallel_loop3A_50 : vector<16xf32> to vector<16xf32>
      tpu.vector_store %arg17[%parallel_loop3A_51], %parallel_loop3A_54 {strides = array<i32>} : memref<2048xf32, #tpu.memory_space<vmem>>, vector<16xf32>,
    } {sc.loop_unroll_factor = 8 : i64, sc.parallel_access}
    %add3A_5 = arith.constant 0 : i32
    %add3A_6 = arith.addi %mul3A_2, %add3A_5 : i32
    %dma_start3A = arith.constant 0 : i32
    %dma_start3A_7 = tpu.memref_slice %arg2[%add3A_6, %dma_start3A] : memref<8192x2048xf32, #tpu.memory_space<hbm>> -> memref<8x1024xf32, #tpu.memory_space<hbm>>
    %dma_start3A_8 = arith.constant 0 : i32
    %dma_start3A_9 = tpu.memref_slice %arg2[%add3A_6, %dma_start3A_8] : memref<8192x2048xf32, #tpu.memory_space<hbm>> -> memref<8x1024xf32, #tpu.memory_space<hbm>>
    tpu.enqueue_dma source(%dma_start3A_9 : memref<8x1024xf32, #tpu.memory_space<hbm>>) target(%arg8 : memref<8x1024xf32, #tpu.memory_space<vmem>>) target_semaphore(%arg18 : memref<!tpu.dma_semaphore, #tpu.memory_space<semaphore_mem>>)
    %dma_start3A_10 = arith.constant 0 : i32
    %dma_start3A_11 = tpu.memref_slice %arg3[%add3A_6, %dma_start3A_10] : memref<8192x2048xf32, #tpu.memory_space<hbm>> -> memref<8x1024xf32, #tpu.memory_space<hbm>>
    %dma_start3A_12 = arith.constant 0 : i32
    %dma_start3A_13 = tpu.memref_slice %arg3[%add3A_6, %dma_start3A_12] : memref<8192x2048xf32, #tpu.memory_space<hbm>> -> memref<8x1024xf32, #tpu.memory_space<hbm>>
    tpu.enqueue_dma source(%dma_start3A_13 : memref<8x1024xf32, #tpu.memory_space<hbm>>) target(%arg9 : memref<8x1024xf32, #tpu.memory_space<vmem>>) target_semaphore(%arg18 : memref<!tpu.dma_semaphore, #tpu.memory_space<semaphore_mem>>)
    %dma_start3A_14 = arith.constant 0 : i32
    %dma_start3A_15 = tpu.memref_slice %arg6[%add3A_6, %dma_start3A_14] : memref<8192x2048xi32, #tpu.memory_space<hbm>> -> memref<8x1024xi32, #tpu.memory_space<hbm>>
    %dma_start3A_16 = arith.constant 0 : i32
    %dma_start3A_17 = tpu.memref_slice %arg6[%add3A_6, %dma_start3A_16] : memref<8192x2048xi32, #tpu.memory_space<hbm>> -> memref<8x1024xi32, #tpu.memory_space<hbm>>
    tpu.enqueue_dma source(%dma_start3A_17 : memref<8x1024xi32, #tpu.memory_space<hbm>>) target(%arg10 : memref<8x1024xi32, #tpu.memory_space<vmem>>) target_semaphore(%arg18 : memref<!tpu.dma_semaphore, #tpu.memory_space<semaphore_mem>>)
    %scan3A = arith.constant 0 : i32
    %scan3A_18 = arith.constant 0 : i32
    %scan3A_19 = arith.constant 32 : i32
    %scan3A_20 = arith.addi %scan3A_18, %scan3A_19 : i32
    %scan3A_21 = arith.constant 1 : i32
    scf.for %scan3A_34 = %scan3A_18 to %scan3A_20 step %scan3A_21  : i32 {
      %mul3A_35 = arith.constant 2 : i32
      %mul3A_36 = arith.muli %mul3A_35, %scan3A_34 : i32
      %add3A_37 = arith.constant 0 : i32
      %add3A_38 = arith.addi %mul3A_36, %add3A_37 : i32
      %jit3A = arith.constant 2 : i32
      %div3A = arith.divsi %add3A_38, %jit3A : i32
      %sign3A = arith.constant 0 : i32
      %sign3A_39 = arith.cmpi sgt, %add3A_38, %sign3A : i32
      %sign3A_40 = arith.extui %sign3A_39 : i1 to i32
      %sign3A_41 = arith.constant 0 : i32
      %sign3A_42 = arith.cmpi slt, %add3A_38, %sign3A_41 : i32
      %sign3A_43 = arith.extui %sign3A_42 : i1 to i32
      %sign3A_44 = arith.subi %sign3A_40, %sign3A_43 : i32
      %sign3A_45 = arith.constant 0 : i32
      %sign3A_46 = arith.cmpi sgt, %jit3A, %sign3A_45 : i32
      %sign3A_47 = arith.extui %sign3A_46 : i1 to i32
      %sign3A_48 = arith.constant 0 : i32
      %sign3A_49 = arith.cmpi slt, %jit3A, %sign3A_48 : i32
      %sign3A_50 = arith.extui %sign3A_49 : i1 to i32
      %sign3A_51 = arith.subi %sign3A_47, %sign3A_50 : i32
      %ne3A = arith.cmpi ne, %sign3A_44, %sign3A_51 : i32
      %rem3A = arith.remsi %add3A_38, %jit3A : i32
      %ne3A_52 = arith.constant 0 : i32
      %ne3A_53 = arith.cmpi ne, %rem3A, %ne3A_52 : i32
      %and3A = arith.andi %ne3A, %ne3A_53 : i1
      %sub3A = arith.constant 1 : i32
      %sub3A_54 = arith.subi %div3A, %sub3A : i32
      %select_n3A = arith.select %and3A, %sub3A_54, %div3A : i32
      %mul3A_55 = arith.constant 8 : i32
      %mul3A_56 = arith.muli %select_n3A, %mul3A_55 : i32
      %add3A_57 = arith.addi %mul3A_2, %mul3A_56 : i32
      %jit3A_58 = arith.constant 2 : i32
      %eq3A = arith.constant 0 : i32
      %eq3A_59 = arith.cmpi eq, %jit3A_58, %eq3A : i32
      %jit3A_60 = arith.constant 1 : i32
      %select_n3A_61 = arith.select %eq3A_59, %jit3A_60, %jit3A_58 : i32
      %rem3A_62 = arith.remsi %add3A_38, %select_n3A_61 : i32
      %ne3A_63 = arith.constant 0 : i32
      %ne3A_64 = arith.cmpi ne, %rem3A_62, %ne3A_63 : i32
      %lt3A = arith.constant 0 : i32
      %lt3A_65 = arith.cmpi slt, %rem3A_62, %lt3A : i32
      %lt3A_66 = arith.constant 0 : i32
      %lt3A_67 = arith.cmpi slt, %select_n3A_61, %lt3A_66 : i32
      %ne3A_68 = arith.xori %lt3A_65, %lt3A_67 : i1
      %and3A_69 = arith.andi %ne3A_68, %ne3A_64 : i1
      %add3A_70 = arith.addi %rem3A_62, %select_n3A_61 : i32
      %select_n3A_71 = arith.select %and3A_69, %add3A_70, %rem3A_62 : i32
      %mul3A_72 = arith.constant 1024 : i32
      %mul3A_73 = arith.muli %select_n3A_71, %mul3A_72 : i32
      %dma_wait3A_74 = tpu.memref_slice %arg2[%add3A_57, %mul3A_73] : memref<8192x2048xf32, #tpu.memory_space<hbm>> -> memref<8x1024xf32, #tpu.memory_space<hbm>>
      %dma_wait3A_75 = tpu.memref_slice %arg2[%add3A_57, %mul3A_73] : memref<8192x2048xf32, #tpu.memory_space<hbm>> -> memref<8x1024xf32, #tpu.memory_space<hbm>>
      tpu.wait_dma2 semaphore(%arg18 : memref<!tpu.dma_semaphore, #tpu.memory_space<semaphore_mem>>) src(%dma_wait3A_75 : memref<8x1024xf32, #tpu.memory_space<hbm>>) dst(%arg8 : memref<8x1024xf32, #tpu.memory_space<vmem>>)
      %dma_wait3A_76 = tpu.memref_slice %arg3[%add3A_57, %mul3A_73] : memref<8192x2048xf32, #tpu.memory_space<hbm>> -> memref<8x1024xf32, #tpu.memory_space<hbm>>
      %dma_wait3A_77 = tpu.memref_slice %arg3[%add3A_57, %mul3A_73] : memref<8192x2048xf32, #tpu.memory_space<hbm>> -> memref<8x1024xf32, #tpu.memory_space<hbm>>
      tpu.wait_dma2 semaphore(%arg18 : memref<!tpu.dma_semaphore, #tpu.memory_space<semaphore_mem>>) src(%dma_wait3A_77 : memref<8x1024xf32, #tpu.memory_space<hbm>>) dst(%arg9 : memref<8x1024xf32, #tpu.memory_space<vmem>>)
      %dma_wait3A_78 = tpu.memref_slice %arg6[%add3A_57, %mul3A_73] : memref<8192x2048xi32, #tpu.memory_space<hbm>> -> memref<8x1024xi32, #tpu.memory_space<hbm>>
      %dma_wait3A_79 = tpu.memref_slice %arg6[%add3A_57, %mul3A_73] : memref<8192x2048xi32, #tpu.memory_space<hbm>> -> memref<8x1024xi32, #tpu.memory_space<hbm>>
      tpu.wait_dma2 semaphore(%arg18 : memref<!tpu.dma_semaphore, #tpu.memory_space<semaphore_mem>>) src(%dma_wait3A_79 : memref<8x1024xi32, #tpu.memory_space<hbm>>) dst(%arg10 : memref<8x1024xi32, #tpu.memory_space<vmem>>)
      %add3A_80 = arith.constant 1 : i32
      %add3A_81 = arith.addi %add3A_38, %add3A_80 : i32
      %lt3A_82 = arith.constant 64 : i32
      %lt3A_83 = arith.cmpi slt, %add3A_81, %lt3A_82 : i32
      %convert_element_type3A = arith.extui %lt3A_83 : i1 to i32
      %cond3A = arith.constant 0 : i32
      %cond3A_84 = arith.cmpi ne, %convert_element_type3A, %cond3A : i32
      scf.if %cond3A_84 {
        %add3A_346 = arith.constant 1 : i32
        %add3A_347 = arith.addi %add3A_38, %add3A_346 : i32
        %jit3A_348 = arith.constant 2 : i32
        %div3A_349 = arith.divsi %add3A_347, %jit3A_348 : i32
        %sign3A_350 = arith.constant 0 : i32
        %sign3A_351 = arith.cmpi sgt, %add3A_347, %sign3A_350 : i32
        %sign3A_352 = arith.extui %sign3A_351 : i1 to i32
        %sign3A_353 = arith.constant 0 : i32
        %sign3A_354 = arith.cmpi slt, %add3A_347, %sign3A_353 : i32
        %sign3A_355 = arith.extui %sign3A_354 : i1 to i32
        %sign3A_356 = arith.subi %sign3A_352, %sign3A_355 : i32
        %sign3A_357 = arith.constant 0 : i32
        %sign3A_358 = arith.cmpi sgt, %jit3A_348, %sign3A_357 : i32
        %sign3A_359 = arith.extui %sign3A_358 : i1 to i32
        %sign3A_360 = arith.constant 0 : i32
        %sign3A_361 = arith.cmpi slt, %jit3A_348, %sign3A_360 : i32
        %sign3A_362 = arith.extui %sign3A_361 : i1 to i32
        %sign3A_363 = arith.subi %sign3A_359, %sign3A_362 : i32
        %ne3A_364 = arith.cmpi ne, %sign3A_356, %sign3A_363 : i32
        %rem3A_365 = arith.remsi %add3A_347, %jit3A_348 : i32
        %ne3A_366 = arith.constant 0 : i32
        %ne3A_367 = arith.cmpi ne, %rem3A_365, %ne3A_366 : i32
        %and3A_368 = arith.andi %ne3A_364, %ne3A_367 : i1
        %sub3A_369 = arith.constant 1 : i32
        %sub3A_370 = arith.subi %div3A_349, %sub3A_369 : i32
        %select_n3A_371 = arith.select %and3A_368, %sub3A_370, %div3A_349 : i32
        %mul3A_372 = arith.constant 8 : i32
        %mul3A_373 = arith.muli %select_n3A_371, %mul3A_372 : i32
        %add3A_374 = arith.addi %mul3A_2, %mul3A_373 : i32
        %jit3A_375 = arith.constant 2 : i32
        %eq3A_376 = arith.constant 0 : i32
        %eq3A_377 = arith.cmpi eq, %jit3A_375, %eq3A_376 : i32
        %jit3A_378 = arith.constant 1 : i32
        %select_n3A_379 = arith.select %eq3A_377, %jit3A_378, %jit3A_375 : i32
        %rem3A_380 = arith.remsi %add3A_347, %select_n3A_379 : i32
        %ne3A_381 = arith.constant 0 : i32
        %ne3A_382 = arith.cmpi ne, %rem3A_380, %ne3A_381 : i32
        %lt3A_383 = arith.constant 0 : i32
        %lt3A_384 = arith.cmpi slt, %rem3A_380, %lt3A_383 : i32
        %lt3A_385 = arith.constant 0 : i32
        %lt3A_386 = arith.cmpi slt, %select_n3A_379, %lt3A_385 : i32
        %ne3A_387 = arith.xori %lt3A_384, %lt3A_386 : i1
        %and3A_388 = arith.andi %ne3A_387, %ne3A_382 : i1
        %add3A_389 = arith.addi %rem3A_380, %select_n3A_379 : i32
        %select_n3A_390 = arith.select %and3A_388, %add3A_389, %rem3A_380 : i32
        %mul3A_391 = arith.constant 1024 : i32
        %mul3A_392 = arith.muli %select_n3A_390, %mul3A_391 : i32
        %dma_start3A_393 = tpu.memref_slice %arg2[%add3A_374, %mul3A_392] : memref<8192x2048xf32, #tpu.memory_space<hbm>> -> memref<8x1024xf32, #tpu.memory_space<hbm>>
        %dma_start3A_394 = tpu.memref_slice %arg2[%add3A_374, %mul3A_392] : memref<8192x2048xf32, #tpu.memory_space<hbm>> -> memref<8x1024xf32, #tpu.memory_space<hbm>>
        tpu.enqueue_dma source(%dma_start3A_394 : memref<8x1024xf32, #tpu.memory_space<hbm>>) target(%arg12 : memref<8x1024xf32, #tpu.memory_space<vmem>>) target_semaphore(%arg19 : memref<!tpu.dma_semaphore, #tpu.memory_space<semaphore_mem>>)
        %dma_start3A_395 = tpu.memref_slice %arg3[%add3A_374, %mul3A_392] : memref<8192x2048xf32, #tpu.memory_space<hbm>> -> memref<8x1024xf32, #tpu.memory_space<hbm>>
        %dma_start3A_396 = tpu.memref_slice %arg3[%add3A_374, %mul3A_392] : memref<8192x2048xf32, #tpu.memory_space<hbm>> -> memref<8x1024xf32, #tpu.memory_space<hbm>>
        tpu.enqueue_dma source(%dma_start3A_396 : memref<8x1024xf32, #tpu.memory_space<hbm>>) target(%arg13 : memref<8x1024xf32, #tpu.memory_space<vmem>>) target_semaphore(%arg19 : memref<!tpu.dma_semaphore, #tpu.memory_space<semaphore_mem>>)
        %dma_start3A_397 = tpu.memref_slice %arg6[%add3A_374, %mul3A_392] : memref<8192x2048xi32, #tpu.memory_space<hbm>> -> memref<8x1024xi32, #tpu.memory_space<hbm>>
        %dma_start3A_398 = tpu.memref_slice %arg6[%add3A_374, %mul3A_392] : memref<8192x2048xi32, #tpu.memory_space<hbm>> -> memref<8x1024xi32, #tpu.memory_space<hbm>>
        tpu.enqueue_dma source(%dma_start3A_398 : memref<8x1024xi32, #tpu.memory_space<hbm>>) target(%arg14 : memref<8x1024xi32, #tpu.memory_space<vmem>>) target_semaphore(%arg19 : memref<!tpu.dma_semaphore, #tpu.memory_space<semaphore_mem>>)
      } else {
      }
      %gt3A = arith.constant 0 : i32
      %gt3A_85 = arith.cmpi sgt, %scan3A_34, %gt3A : i32
      %convert_element_type3A_86 = arith.extui %gt3A_85 : i1 to i32
      %cond3A_87 = arith.constant 0 : i32
      %cond3A_88 = arith.cmpi ne, %convert_element_type3A_86, %cond3A_87 : i32
      scf.if %cond3A_88 {
        %sub3A_346 = arith.constant 2 : i32
        %sub3A_347 = arith.subi %add3A_38, %sub3A_346 : i32
        %jit3A_348 = arith.constant 2 : i32
        %div3A_349 = arith.divsi %sub3A_347, %jit3A_348 : i32
        %sign3A_350 = arith.constant 0 : i32
        %sign3A_351 = arith.cmpi sgt, %sub3A_347, %sign3A_350 : i32
        %sign3A_352 = arith.extui %sign3A_351 : i1 to i32
        %sign3A_353 = arith.constant 0 : i32
        %sign3A_354 = arith.cmpi slt, %sub3A_347, %sign3A_353 : i32
        %sign3A_355 = arith.extui %sign3A_354 : i1 to i32
        %sign3A_356 = arith.subi %sign3A_352, %sign3A_355 : i32
        %sign3A_357 = arith.constant 0 : i32
        %sign3A_358 = arith.cmpi sgt, %jit3A_348, %sign3A_357 : i32
        %sign3A_359 = arith.extui %sign3A_358 : i1 to i32
        %sign3A_360 = arith.constant 0 : i32
        %sign3A_361 = arith.cmpi slt, %jit3A_348, %sign3A_360 : i32
        %sign3A_362 = arith.extui %sign3A_361 : i1 to i32
        %sign3A_363 = arith.subi %sign3A_359, %sign3A_362 : i32
        %ne3A_364 = arith.cmpi ne, %sign3A_356, %sign3A_363 : i32
        %rem3A_365 = arith.remsi %sub3A_347, %jit3A_348 : i32
        %ne3A_366 = arith.constant 0 : i32
        %ne3A_367 = arith.cmpi ne, %rem3A_365, %ne3A_366 : i32
        %and3A_368 = arith.andi %ne3A_364, %ne3A_367 : i1
        %sub3A_369 = arith.constant 1 : i32
        %sub3A_370 = arith.subi %div3A_349, %sub3A_369 : i32
        %select_n3A_371 = arith.select %and3A_368, %sub3A_370, %div3A_349 : i32
        %mul3A_372 = arith.constant 8 : i32
        %mul3A_373 = arith.muli %select_n3A_371, %mul3A_372 : i32
        %add3A_374 = arith.addi %mul3A_2, %mul3A_373 : i32
        %jit3A_375 = arith.constant 2 : i32
        %eq3A_376 = arith.constant 0 : i32
        %eq3A_377 = arith.cmpi eq, %jit3A_375, %eq3A_376 : i32
        %jit3A_378 = arith.constant 1 : i32
        %select_n3A_379 = arith.select %eq3A_377, %jit3A_378, %jit3A_375 : i32
        %rem3A_380 = arith.remsi %sub3A_347, %select_n3A_379 : i32
        %ne3A_381 = arith.constant 0 : i32
        %ne3A_382 = arith.cmpi ne, %rem3A_380, %ne3A_381 : i32
        %lt3A_383 = arith.constant 0 : i32
        %lt3A_384 = arith.cmpi slt, %rem3A_380, %lt3A_383 : i32
        %lt3A_385 = arith.constant 0 : i32
        %lt3A_386 = arith.cmpi slt, %select_n3A_379, %lt3A_385 : i32
        %ne3A_387 = arith.xori %lt3A_384, %lt3A_386 : i1
        %and3A_388 = arith.andi %ne3A_387, %ne3A_382 : i1
        %add3A_389 = arith.addi %rem3A_380, %select_n3A_379 : i32
        %select_n3A_390 = arith.select %and3A_388, %add3A_389, %rem3A_380 : i32
        %mul3A_391 = arith.constant 1024 : i32
        %mul3A_392 = arith.muli %select_n3A_390, %mul3A_391 : i32
        %dma_wait3A_393 = tpu.memref_slice %arg7[%add3A_374, %mul3A_392] : memref<8192x2048xf32, #tpu.memory_space<hbm>> -> memref<8x1024xf32, #tpu.memory_space<hbm>>
        %dma_wait3A_394 = tpu.memref_slice %arg7[%add3A_374, %mul3A_392] : memref<8192x2048xf32, #tpu.memory_space<hbm>> -> memref<8x1024xf32, #tpu.memory_space<hbm>>
        tpu.wait_dma2 semaphore(%arg20 : memref<!tpu.dma_semaphore, #tpu.memory_space<semaphore_mem>>) src(%arg11 : memref<8x1024xf32, #tpu.memory_space<vmem>>) dst(%dma_wait3A_394 : memref<8x1024xf32, #tpu.memory_space<hbm>>)
      } else {
      }
      %jit3A_89 = arith.constant 2 : i32
      %div3A_90 = arith.divsi %add3A_38, %jit3A_89 : i32
      %sign3A_91 = arith.constant 0 : i32
      %sign3A_92 = arith.cmpi sgt, %add3A_38, %sign3A_91 : i32
      %sign3A_93 = arith.extui %sign3A_92 : i1 to i32
      %sign3A_94 = arith.constant 0 : i32
      %sign3A_95 = arith.cmpi slt, %add3A_38, %sign3A_94 : i32
      %sign3A_96 = arith.extui %sign3A_95 : i1 to i32
      %sign3A_97 = arith.subi %sign3A_93, %sign3A_96 : i32
      %sign3A_98 = arith.constant 0 : i32
      %sign3A_99 = arith.cmpi sgt, %jit3A_89, %sign3A_98 : i32
      %sign3A_100 = arith.extui %sign3A_99 : i1 to i32
      %sign3A_101 = arith.constant 0 : i32
      %sign3A_102 = arith.cmpi slt, %jit3A_89, %sign3A_101 : i32
      %sign3A_103 = arith.extui %sign3A_102 : i1 to i32
      %sign3A_104 = arith.subi %sign3A_100, %sign3A_103 : i32
      %ne3A_105 = arith.cmpi ne, %sign3A_97, %sign3A_104 : i32
      %rem3A_106 = arith.remsi %add3A_38, %jit3A_89 : i32
      %ne3A_107 = arith.constant 0 : i32
      %ne3A_108 = arith.cmpi ne, %rem3A_106, %ne3A_107 : i32
      %and3A_109 = arith.andi %ne3A_105, %ne3A_108 : i1
      %sub3A_110 = arith.constant 1 : i32
      %sub3A_111 = arith.subi %div3A_90, %sub3A_110 : i32
      %select_n3A_112 = arith.select %and3A_109, %sub3A_111, %div3A_90 : i32
      %mul3A_113 = arith.constant 8 : i32
      %mul3A_114 = arith.muli %select_n3A_112, %mul3A_113 : i32
      %add3A_115 = arith.addi %mul3A_2, %mul3A_114 : i32
      %jit3A_116 = arith.constant 2 : i32
      %eq3A_117 = arith.constant 0 : i32
      %eq3A_118 = arith.cmpi eq, %jit3A_116, %eq3A_117 : i32
      %jit3A_119 = arith.constant 1 : i32
      %select_n3A_120 = arith.select %eq3A_118, %jit3A_119, %jit3A_116 : i32
      %rem3A_121 = arith.remsi %add3A_38, %select_n3A_120 : i32
      %ne3A_122 = arith.constant 0 : i32
      %ne3A_123 = arith.cmpi ne, %rem3A_121, %ne3A_122 : i32
      %lt3A_124 = arith.constant 0 : i32
      %lt3A_125 = arith.cmpi slt, %rem3A_121, %lt3A_124 : i32
      %lt3A_126 = arith.constant 0 : i32
      %lt3A_127 = arith.cmpi slt, %select_n3A_120, %lt3A_126 : i32
      %ne3A_128 = arith.xori %lt3A_125, %lt3A_127 : i1
      %and3A_129 = arith.andi %ne3A_128, %ne3A_123 : i1
      %add3A_130 = arith.addi %rem3A_121, %select_n3A_120 : i32
      %select_n3A_131 = arith.select %and3A_129, %add3A_130, %rem3A_121 : i32
      %mul3A_132 = arith.constant 1024 : i32
      %mul3A_133 = arith.muli %select_n3A_131, %mul3A_132 : i32
      %parallel_loop3A_134 = arith.constant 0 : i32
      %parallel_loop3A_135 = arith.constant 64 : i32
      %parallel_loop3A_136 = arith.constant 1 : i32
      scf.for %parallel_loop3A_346 = %parallel_loop3A_134 to %parallel_loop3A_135 step %parallel_loop3A_136  : i32 {
        %parallel_loop3A_347 = arith.constant 16 : i32
        %parallel_loop3A_348 = arith.muli %parallel_loop3A_346, %parallel_loop3A_347 : i32
        %parallel_loop3A_349 = arith.addi %mul3A_133, %parallel_loop3A_348 : i32
        %parallel_loop3A_350 = arith.index_cast %parallel_loop3A_349 : i32 to index
        %parallel_loop3A_351 = tpu.vector_load %arg16[%parallel_loop3A_350] {strides = array<i32>} : memref<2048xf32, #tpu.memory_space<vmem>>, vector<16xf32>,
        %parallel_loop3A_352 = vector.shape_cast %parallel_loop3A_351 : vector<16xf32> to vector<16xf32>
        %parallel_loop3A_353 = arith.addi %mul3A_133, %parallel_loop3A_348 : i32
        %parallel_loop3A_354 = arith.index_cast %parallel_loop3A_353 : i32 to index
        %parallel_loop3A_355 = tpu.vector_load %arg17[%parallel_loop3A_354] {strides = array<i32>} : memref<2048xf32, #tpu.memory_space<vmem>>, vector<16xf32>,
        %parallel_loop3A_356 = vector.shape_cast %parallel_loop3A_355 : vector<16xf32> to vector<16xf32>
        %parallel_loop3A_357 = arith.constant 0 : i32
        %parallel_loop3A_358 = arith.index_cast %parallel_loop3A_357 : i32 to index
        %parallel_loop3A_359 = arith.index_cast %parallel_loop3A_348 : i32 to index
        %parallel_loop3A_360 = tpu.vector_load %arg10[%parallel_loop3A_358, %parallel_loop3A_359] {strides = array<i32>} : memref<8x1024xi32, #tpu.memory_space<vmem>>, vector<1x16xi32>,
        %parallel_loop3A_361 = vector.shape_cast %parallel_loop3A_360 : vector<1x16xi32> to vector<16xi32>
        %parallel_loop3A_362 = arith.constant 0 : i32
        %parallel_loop3A_363 = arith.index_cast %parallel_loop3A_362 : i32 to index
        %parallel_loop3A_364 = arith.index_cast %parallel_loop3A_348 : i32 to index
        %parallel_loop3A_365 = tpu.vector_load %arg8[%parallel_loop3A_363, %parallel_loop3A_364] {strides = array<i32>} : memref<8x1024xf32, #tpu.memory_space<vmem>>, vector<1x16xf32>,
        %parallel_loop3A_366 = vector.shape_cast %parallel_loop3A_365 : vector<1x16xf32> to vector<16xf32>
        %parallel_loop3A_367 = arith.constant 0 : i32
        %parallel_loop3A_368 = arith.index_cast %parallel_loop3A_367 : i32 to index
        %parallel_loop3A_369 = arith.index_cast %parallel_loop3A_348 : i32 to index
        %parallel_loop3A_370 = tpu.vector_load %arg9[%parallel_loop3A_368, %parallel_loop3A_369] {strides = array<i32>} : memref<8x1024xf32, #tpu.memory_space<vmem>>, vector<1x16xf32>,
        %parallel_loop3A_371 = vector.shape_cast %parallel_loop3A_370 : vector<1x16xf32> to vector<16xf32>
        %parallel_loop3A_372 = arith.constant 0 : i32
        %parallel_loop3A_373 = vector.broadcast %parallel_loop3A_372 : i32 to vector<16xi32>
        %parallel_loop3A_374 = arith.cmpi eq, %parallel_loop3A_361, %parallel_loop3A_373 : vector<16xi32>
        %parallel_loop3A_375 = arith.select %parallel_loop3A_374, %parallel_loop3A_366, %parallel_loop3A_371 : vector<16xi1>, vector<16xf32>
        %parallel_loop3A_376 = arith.select %parallel_loop3A_374, %parallel_loop3A_352, %parallel_loop3A_356 : vector<16xi1>, vector<16xf32>
        %parallel_loop3A_377 = math.absf %parallel_loop3A_375 : vector<16xf32>
        %parallel_loop3A_378 = arith.constant 1.000000e+01 : f32
        %parallel_loop3A_379 = vector.broadcast %parallel_loop3A_378 : f32 to vector<16xf32>
        %parallel_loop3A_380 = arith.mulf %parallel_loop3A_379, %parallel_loop3A_377 : vector<16xf32>
        %parallel_loop3A_381 = arith.subf %parallel_loop3A_376, %parallel_loop3A_380 : vector<16xf32>
        %parallel_loop3A_382 = math.exp %parallel_loop3A_381 : vector<16xf32>
        %parallel_loop3A_383 = arith.constant 1.000000e+00 : f32
        %parallel_loop3A_384 = vector.broadcast %parallel_loop3A_383 : f32 to vector<16xf32>
        %parallel_loop3A_385 = arith.addf %parallel_loop3A_384, %parallel_loop3A_382 : vector<16xf32>
        %parallel_loop3A_386 = arith.divf %parallel_loop3A_375, %parallel_loop3A_385 : vector<16xf32>
        %parallel_loop3A_387 = arith.constant 0 : i32
        %parallel_loop3A_388 = arith.index_cast %parallel_loop3A_387 : i32 to index
        %parallel_loop3A_389 = arith.index_cast %parallel_loop3A_348 : i32 to index
        %parallel_loop3A_390 = tpu.vector_load %arg11[%parallel_loop3A_388, %parallel_loop3A_389] {strides = array<i32>} : memref<8x1024xf32, #tpu.memory_space<vmem>>, vector<1x16xf32>,
        %parallel_loop3A_391 = vector.shape_cast %parallel_loop3A_390 : vector<1x16xf32> to vector<16xf32>
        %parallel_loop3A_392 = vector.shape_cast %parallel_loop3A_386 : vector<16xf32> to vector<1x16xf32>
        tpu.vector_store %arg11[%parallel_loop3A_388, %parallel_loop3A_389], %parallel_loop3A_392 {strides = array<i32>} : memref<8x1024xf32, #tpu.memory_space<vmem>>, vector<1x16xf32>,
        %parallel_loop3A_393 = arith.constant 1 : i32
        %parallel_loop3A_394 = arith.index_cast %parallel_loop3A_393 : i32 to index
        %parallel_loop3A_395 = arith.index_cast %parallel_loop3A_348 : i32 to index
        %parallel_loop3A_396 = tpu.vector_load %arg10[%parallel_loop3A_394, %parallel_loop3A_395] {strides = array<i32>} : memref<8x1024xi32, #tpu.memory_space<vmem>>, vector<1x16xi32>,
        %parallel_loop3A_397 = vector.shape_cast %parallel_loop3A_396 : vector<1x16xi32> to vector<16xi32>
        %parallel_loop3A_398 = arith.constant 1 : i32
        %parallel_loop3A_399 = arith.index_cast %parallel_loop3A_398 : i32 to index
        %parallel_loop3A_400 = arith.index_cast %parallel_loop3A_348 : i32 to index
        %parallel_loop3A_401 = tpu.vector_load %arg8[%parallel_loop3A_399, %parallel_loop3A_400] {strides = array<i32>} : memref<8x1024xf32, #tpu.memory_space<vmem>>, vector<1x16xf32>,
        %parallel_loop3A_402 = vector.shape_cast %parallel_loop3A_401 : vector<1x16xf32> to vector<16xf32>
        %parallel_loop3A_403 = arith.constant 1 : i32
        %parallel_loop3A_404 = arith.index_cast %parallel_loop3A_403 : i32 to index
        %parallel_loop3A_405 = arith.index_cast %parallel_loop3A_348 : i32 to index
        %parallel_loop3A_406 = tpu.vector_load %arg9[%parallel_loop3A_404, %parallel_loop3A_405] {strides = array<i32>} : memref<8x1024xf32, #tpu.memory_space<vmem>>, vector<1x16xf32>,
        %parallel_loop3A_407 = vector.shape_cast %parallel_loop3A_406 : vector<1x16xf32> to vector<16xf32>
        %parallel_loop3A_408 = arith.constant 0 : i32
        %parallel_loop3A_409 = vector.broadcast %parallel_loop3A_408 : i32 to vector<16xi32>
        %parallel_loop3A_410 = arith.cmpi eq, %parallel_loop3A_397, %parallel_loop3A_409 : vector<16xi32>
        %parallel_loop3A_411 = arith.select %parallel_loop3A_410, %parallel_loop3A_402, %parallel_loop3A_407 : vector<16xi1>, vector<16xf32>
        %parallel_loop3A_412 = arith.select %parallel_loop3A_410, %parallel_loop3A_352, %parallel_loop3A_356 : vector<16xi1>, vector<16xf32>
        %parallel_loop3A_413 = math.absf %parallel_loop3A_411 : vector<16xf32>
        %parallel_loop3A_414 = arith.constant 1.000000e+01 : f32
        %parallel_loop3A_415 = vector.broadcast %parallel_loop3A_414 : f32 to vector<16xf32>
        %parallel_loop3A_416 = arith.mulf %parallel_loop3A_415, %parallel_loop3A_413 : vector<16xf32>
        %parallel_loop3A_417 = arith.subf %parallel_loop3A_412, %parallel_loop3A_416 : vector<16xf32>
        %parallel_loop3A_418 = math.exp %parallel_loop3A_417 : vector<16xf32>
        %parallel_loop3A_419 = arith.constant 1.000000e+00 : f32
        %parallel_loop3A_420 = vector.broadcast %parallel_loop3A_419 : f32 to vector<16xf32>
        %parallel_loop3A_421 = arith.addf %parallel_loop3A_420, %parallel_loop3A_418 : vector<16xf32>
        %parallel_loop3A_422 = arith.divf %parallel_loop3A_411, %parallel_loop3A_421 : vector<16xf32>
        %parallel_loop3A_423 = arith.constant 1 : i32
        %parallel_loop3A_424 = arith.index_cast %parallel_loop3A_423 : i32 to index
        %parallel_loop3A_425 = arith.index_cast %parallel_loop3A_348 : i32 to index
        %parallel_loop3A_426 = tpu.vector_load %arg11[%parallel_loop3A_424, %parallel_loop3A_425] {strides = array<i32>} : memref<8x1024xf32, #tpu.memory_space<vmem>>, vector<1x16xf32>,
        %parallel_loop3A_427 = vector.shape_cast %parallel_loop3A_426 : vector<1x16xf32> to vector<16xf32>
        %parallel_loop3A_428 = vector.shape_cast %parallel_loop3A_422 : vector<16xf32> to vector<1x16xf32>
        tpu.vector_store %arg11[%parallel_loop3A_424, %parallel_loop3A_425], %parallel_loop3A_428 {strides = array<i32>} : memref<8x1024xf32, #tpu.memory_space<vmem>>, vector<1x16xf32>,
        %parallel_loop3A_429 = arith.constant 2 : i32
        %parallel_loop3A_430 = arith.index_cast %parallel_loop3A_429 : i32 to index
        %parallel_loop3A_431 = arith.index_cast %parallel_loop3A_348 : i32 to index
        %parallel_loop3A_432 = tpu.vector_load %arg10[%parallel_loop3A_430, %parallel_loop3A_431] {strides = array<i32>} : memref<8x1024xi32, #tpu.memory_space<vmem>>, vector<1x16xi32>,
        %parallel_loop3A_433 = vector.shape_cast %parallel_loop3A_432 : vector<1x16xi32> to vector<16xi32>
        %parallel_loop3A_434 = arith.constant 2 : i32
        %parallel_loop3A_435 = arith.index_cast %parallel_loop3A_434 : i32 to index
        %parallel_loop3A_436 = arith.index_cast %parallel_loop3A_348 : i32 to index
        %parallel_loop3A_437 = tpu.vector_load %arg8[%parallel_loop3A_435, %parallel_loop3A_436] {strides = array<i32>} : memref<8x1024xf32, #tpu.memory_space<vmem>>, vector<1x16xf32>,
        %parallel_loop3A_438 = vector.shape_cast %parallel_loop3A_437 : vector<1x16xf32> to vector<16xf32>
        %parallel_loop3A_439 = arith.constant 2 : i32
        %parallel_loop3A_440 = arith.index_cast %parallel_loop3A_439 : i32 to index
        %parallel_loop3A_441 = arith.index_cast %parallel_loop3A_348 : i32 to index
        %parallel_loop3A_442 = tpu.vector_load %arg9[%parallel_loop3A_440, %parallel_loop3A_441] {strides = array<i32>} : memref<8x1024xf32, #tpu.memory_space<vmem>>, vector<1x16xf32>,
        %parallel_loop3A_443 = vector.shape_cast %parallel_loop3A_442 : vector<1x16xf32> to vector<16xf32>
        %parallel_loop3A_444 = arith.constant 0 : i32
        %parallel_loop3A_445 = vector.broadcast %parallel_loop3A_444 : i32 to vector<16xi32>
        %parallel_loop3A_446 = arith.cmpi eq, %parallel_loop3A_433, %parallel_loop3A_445 : vector<16xi32>
        %parallel_loop3A_447 = arith.select %parallel_loop3A_446, %parallel_loop3A_438, %parallel_loop3A_443 : vector<16xi1>, vector<16xf32>
        %parallel_loop3A_448 = arith.select %parallel_loop3A_446, %parallel_loop3A_352, %parallel_loop3A_356 : vector<16xi1>, vector<16xf32>
        %parallel_loop3A_449 = math.absf %parallel_loop3A_447 : vector<16xf32>
        %parallel_loop3A_450 = arith.constant 1.000000e+01 : f32
        %parallel_loop3A_451 = vector.broadcast %parallel_loop3A_450 : f32 to vector<16xf32>
        %parallel_loop3A_452 = arith.mulf %parallel_loop3A_451, %parallel_loop3A_449 : vector<16xf32>
        %parallel_loop3A_453 = arith.subf %parallel_loop3A_448, %parallel_loop3A_452 : vector<16xf32>
        %parallel_loop3A_454 = math.exp %parallel_loop3A_453 : vector<16xf32>
        %parallel_loop3A_455 = arith.constant 1.000000e+00 : f32
        %parallel_loop3A_456 = vector.broadcast %parallel_loop3A_455 : f32 to vector<16xf32>
        %parallel_loop3A_457 = arith.addf %parallel_loop3A_456, %parallel_loop3A_454 : vector<16xf32>
        %parallel_loop3A_458 = arith.divf %parallel_loop3A_447, %parallel_loop3A_457 : vector<16xf32>
        %parallel_loop3A_459 = arith.constant 2 : i32
        %parallel_loop3A_460 = arith.index_cast %parallel_loop3A_459 : i32 to index
        %parallel_loop3A_461 = arith.index_cast %parallel_loop3A_348 : i32 to index
        %parallel_loop3A_462 = tpu.vector_load %arg11[%parallel_loop3A_460, %parallel_loop3A_461] {strides = array<i32>} : memref<8x1024xf32, #tpu.memory_space<vmem>>, vector<1x16xf32>,
        %parallel_loop3A_463 = vector.shape_cast %parallel_loop3A_462 : vector<1x16xf32> to vector<16xf32>
        %parallel_loop3A_464 = vector.shape_cast %parallel_loop3A_458 : vector<16xf32> to vector<1x16xf32>
        tpu.vector_store %arg11[%parallel_loop3A_460, %parallel_loop3A_461], %parallel_loop3A_464 {strides = array<i32>} : memref<8x1024xf32, #tpu.memory_space<vmem>>, vector<1x16xf32>,
        %parallel_loop3A_465 = arith.constant 3 : i32
        %parallel_loop3A_466 = arith.index_cast %parallel_loop3A_465 : i32 to index
        %parallel_loop3A_467 = arith.index_cast %parallel_loop3A_348 : i32 to index
        %parallel_loop3A_468 = tpu.vector_load %arg10[%parallel_loop3A_466, %parallel_loop3A_467] {strides = array<i32>} : memref<8x1024xi32, #tpu.memory_space<vmem>>, vector<1x16xi32>,
        %parallel_loop3A_469 = vector.shape_cast %parallel_loop3A_468 : vector<1x16xi32> to vector<16xi32>
        %parallel_loop3A_470 = arith.constant 3 : i32
        %parallel_loop3A_471 = arith.index_cast %parallel_loop3A_470 : i32 to index
        %parallel_loop3A_472 = arith.index_cast %parallel_loop3A_348 : i32 to index
        %parallel_loop3A_473 = tpu.vector_load %arg8[%parallel_loop3A_471, %parallel_loop3A_472] {strides = array<i32>} : memref<8x1024xf32, #tpu.memory_space<vmem>>, vector<1x16xf32>,
        %parallel_loop3A_474 = vector.shape_cast %parallel_loop3A_473 : vector<1x16xf32> to vector<16xf32>
        %parallel_loop3A_475 = arith.constant 3 : i32
        %parallel_loop3A_476 = arith.index_cast %parallel_loop3A_475 : i32 to index
        %parallel_loop3A_477 = arith.index_cast %parallel_loop3A_348 : i32 to index
        %parallel_loop3A_478 = tpu.vector_load %arg9[%parallel_loop3A_476, %parallel_loop3A_477] {strides = array<i32>} : memref<8x1024xf32, #tpu.memory_space<vmem>>, vector<1x16xf32>,
        %parallel_loop3A_479 = vector.shape_cast %parallel_loop3A_478 : vector<1x16xf32> to vector<16xf32>
        %parallel_loop3A_480 = arith.constant 0 : i32
        %parallel_loop3A_481 = vector.broadcast %parallel_loop3A_480 : i32 to vector<16xi32>
        %parallel_loop3A_482 = arith.cmpi eq, %parallel_loop3A_469, %parallel_loop3A_481 : vector<16xi32>
        %parallel_loop3A_483 = arith.select %parallel_loop3A_482, %parallel_loop3A_474, %parallel_loop3A_479 : vector<16xi1>, vector<16xf32>
        %parallel_loop3A_484 = arith.select %parallel_loop3A_482, %parallel_loop3A_352, %parallel_loop3A_356 : vector<16xi1>, vector<16xf32>
        %parallel_loop3A_485 = math.absf %parallel_loop3A_483 : vector<16xf32>
        %parallel_loop3A_486 = arith.constant 1.000000e+01 : f32
        %parallel_loop3A_487 = vector.broadcast %parallel_loop3A_486 : f32 to vector<16xf32>
        %parallel_loop3A_488 = arith.mulf %parallel_loop3A_487, %parallel_loop3A_485 : vector<16xf32>
        %parallel_loop3A_489 = arith.subf %parallel_loop3A_484, %parallel_loop3A_488 : vector<16xf32>
        %parallel_loop3A_490 = math.exp %parallel_loop3A_489 : vector<16xf32>
        %parallel_loop3A_491 = arith.constant 1.000000e+00 : f32
        %parallel_loop3A_492 = vector.broadcast %parallel_loop3A_491 : f32 to vector<16xf32>
        %parallel_loop3A_493 = arith.addf %parallel_loop3A_492, %parallel_loop3A_490 : vector<16xf32>
        %parallel_loop3A_494 = arith.divf %parallel_loop3A_483, %parallel_loop3A_493 : vector<16xf32>
        %parallel_loop3A_495 = arith.constant 3 : i32
        %parallel_loop3A_496 = arith.index_cast %parallel_loop3A_495 : i32 to index
        %parallel_loop3A_497 = arith.index_cast %parallel_loop3A_348 : i32 to index
        %parallel_loop3A_498 = tpu.vector_load %arg11[%parallel_loop3A_496, %parallel_loop3A_497] {strides = array<i32>} : memref<8x1024xf32, #tpu.memory_space<vmem>>, vector<1x16xf32>,
        %parallel_loop3A_499 = vector.shape_cast %parallel_loop3A_498 : vector<1x16xf32> to vector<16xf32>
        %parallel_loop3A_500 = vector.shape_cast %parallel_loop3A_494 : vector<16xf32> to vector<1x16xf32>
        tpu.vector_store %arg11[%parallel_loop3A_496, %parallel_loop3A_497], %parallel_loop3A_500 {strides = array<i32>} : memref<8x1024xf32, #tpu.memory_space<vmem>>, vector<1x16xf32>,
        %parallel_loop3A_501 = arith.constant 4 : i32
        %parallel_loop3A_502 = arith.index_cast %parallel_loop3A_501 : i32 to index
        %parallel_loop3A_503 = arith.index_cast %parallel_loop3A_348 : i32 to index
        %parallel_loop3A_504 = tpu.vector_load %arg10[%parallel_loop3A_502, %parallel_loop3A_503] {strides = array<i32>} : memref<8x1024xi32, #tpu.memory_space<vmem>>, vector<1x16xi32>,
        %parallel_loop3A_505 = vector.shape_cast %parallel_loop3A_504 : vector<1x16xi32> to vector<16xi32>
        %parallel_loop3A_506 = arith.constant 4 : i32
        %parallel_loop3A_507 = arith.index_cast %parallel_loop3A_506 : i32 to index
        %parallel_loop3A_508 = arith.index_cast %parallel_loop3A_348 : i32 to index
        %parallel_loop3A_509 = tpu.vector_load %arg8[%parallel_loop3A_507, %parallel_loop3A_508] {strides = array<i32>} : memref<8x1024xf32, #tpu.memory_space<vmem>>, vector<1x16xf32>,
        %parallel_loop3A_510 = vector.shape_cast %parallel_loop3A_509 : vector<1x16xf32> to vector<16xf32>
        %parallel_loop3A_511 = arith.constant 4 : i32
        %parallel_loop3A_512 = arith.index_cast %parallel_loop3A_511 : i32 to index
        %parallel_loop3A_513 = arith.index_cast %parallel_loop3A_348 : i32 to index
        %parallel_loop3A_514 = tpu.vector_load %arg9[%parallel_loop3A_512, %parallel_loop3A_513] {strides = array<i32>} : memref<8x1024xf32, #tpu.memory_space<vmem>>, vector<1x16xf32>,
        %parallel_loop3A_515 = vector.shape_cast %parallel_loop3A_514 : vector<1x16xf32> to vector<16xf32>
        %parallel_loop3A_516 = arith.constant 0 : i32
        %parallel_loop3A_517 = vector.broadcast %parallel_loop3A_516 : i32 to vector<16xi32>
        %parallel_loop3A_518 = arith.cmpi eq, %parallel_loop3A_505, %parallel_loop3A_517 : vector<16xi32>
        %parallel_loop3A_519 = arith.select %parallel_loop3A_518, %parallel_loop3A_510, %parallel_loop3A_515 : vector<16xi1>, vector<16xf32>
        %parallel_loop3A_520 = arith.select %parallel_loop3A_518, %parallel_loop3A_352, %parallel_loop3A_356 : vector<16xi1>, vector<16xf32>
        %parallel_loop3A_521 = math.absf %parallel_loop3A_519 : vector<16xf32>
        %parallel_loop3A_522 = arith.constant 1.000000e+01 : f32
        %parallel_loop3A_523 = vector.broadcast %parallel_loop3A_522 : f32 to vector<16xf32>
        %parallel_loop3A_524 = arith.mulf %parallel_loop3A_523, %parallel_loop3A_521 : vector<16xf32>
        %parallel_loop3A_525 = arith.subf %parallel_loop3A_520, %parallel_loop3A_524 : vector<16xf32>
        %parallel_loop3A_526 = math.exp %parallel_loop3A_525 : vector<16xf32>
        %parallel_loop3A_527 = arith.constant 1.000000e+00 : f32
        %parallel_loop3A_528 = vector.broadcast %parallel_loop3A_527 : f32 to vector<16xf32>
        %parallel_loop3A_529 = arith.addf %parallel_loop3A_528, %parallel_loop3A_526 : vector<16xf32>
        %parallel_loop3A_530 = arith.divf %parallel_loop3A_519, %parallel_loop3A_529 : vector<16xf32>
        %parallel_loop3A_531 = arith.constant 4 : i32
        %parallel_loop3A_532 = arith.index_cast %parallel_loop3A_531 : i32 to index
        %parallel_loop3A_533 = arith.index_cast %parallel_loop3A_348 : i32 to index
        %parallel_loop3A_534 = tpu.vector_load %arg11[%parallel_loop3A_532, %parallel_loop3A_533] {strides = array<i32>} : memref<8x1024xf32, #tpu.memory_space<vmem>>, vector<1x16xf32>,
        %parallel_loop3A_535 = vector.shape_cast %parallel_loop3A_534 : vector<1x16xf32> to vector<16xf32>
        %parallel_loop3A_536 = vector.shape_cast %parallel_loop3A_530 : vector<16xf32> to vector<1x16xf32>
        tpu.vector_store %arg11[%parallel_loop3A_532, %parallel_loop3A_533], %parallel_loop3A_536 {strides = array<i32>} : memref<8x1024xf32, #tpu.memory_space<vmem>>, vector<1x16xf32>,
        %parallel_loop3A_537 = arith.constant 5 : i32
        %parallel_loop3A_538 = arith.index_cast %parallel_loop3A_537 : i32 to index
        %parallel_loop3A_539 = arith.index_cast %parallel_loop3A_348 : i32 to index
        %parallel_loop3A_540 = tpu.vector_load %arg10[%parallel_loop3A_538, %parallel_loop3A_539] {strides = array<i32>} : memref<8x1024xi32, #tpu.memory_space<vmem>>, vector<1x16xi32>,
        %parallel_loop3A_541 = vector.shape_cast %parallel_loop3A_540 : vector<1x16xi32> to vector<16xi32>
        %parallel_loop3A_542 = arith.constant 5 : i32
        %parallel_loop3A_543 = arith.index_cast %parallel_loop3A_542 : i32 to index
        %parallel_loop3A_544 = arith.index_cast %parallel_loop3A_348 : i32 to index
        %parallel_loop3A_545 = tpu.vector_load %arg8[%parallel_loop3A_543, %parallel_loop3A_544] {strides = array<i32>} : memref<8x1024xf32, #tpu.memory_space<vmem>>, vector<1x16xf32>,
        %parallel_loop3A_546 = vector.shape_cast %parallel_loop3A_545 : vector<1x16xf32> to vector<16xf32>
        %parallel_loop3A_547 = arith.constant 5 : i32
        %parallel_loop3A_548 = arith.index_cast %parallel_loop3A_547 : i32 to index
        %parallel_loop3A_549 = arith.index_cast %parallel_loop3A_348 : i32 to index
        %parallel_loop3A_550 = tpu.vector_load %arg9[%parallel_loop3A_548, %parallel_loop3A_549] {strides = array<i32>} : memref<8x1024xf32, #tpu.memory_space<vmem>>, vector<1x16xf32>,
        %parallel_loop3A_551 = vector.shape_cast %parallel_loop3A_550 : vector<1x16xf32> to vector<16xf32>
        %parallel_loop3A_552 = arith.constant 0 : i32
        %parallel_loop3A_553 = vector.broadcast %parallel_loop3A_552 : i32 to vector<16xi32>
        %parallel_loop3A_554 = arith.cmpi eq, %parallel_loop3A_541, %parallel_loop3A_553 : vector<16xi32>
        %parallel_loop3A_555 = arith.select %parallel_loop3A_554, %parallel_loop3A_546, %parallel_loop3A_551 : vector<16xi1>, vector<16xf32>
        %parallel_loop3A_556 = arith.select %parallel_loop3A_554, %parallel_loop3A_352, %parallel_loop3A_356 : vector<16xi1>, vector<16xf32>
        %parallel_loop3A_557 = math.absf %parallel_loop3A_555 : vector<16xf32>
        %parallel_loop3A_558 = arith.constant 1.000000e+01 : f32
        %parallel_loop3A_559 = vector.broadcast %parallel_loop3A_558 : f32 to vector<16xf32>
        %parallel_loop3A_560 = arith.mulf %parallel_loop3A_559, %parallel_loop3A_557 : vector<16xf32>
        %parallel_loop3A_561 = arith.subf %parallel_loop3A_556, %parallel_loop3A_560 : vector<16xf32>
        %parallel_loop3A_562 = math.exp %parallel_loop3A_561 : vector<16xf32>
        %parallel_loop3A_563 = arith.constant 1.000000e+00 : f32
        %parallel_loop3A_564 = vector.broadcast %parallel_loop3A_563 : f32 to vector<16xf32>
        %parallel_loop3A_565 = arith.addf %parallel_loop3A_564, %parallel_loop3A_562 : vector<16xf32>
        %parallel_loop3A_566 = arith.divf %parallel_loop3A_555, %parallel_loop3A_565 : vector<16xf32>
        %parallel_loop3A_567 = arith.constant 5 : i32
        %parallel_loop3A_568 = arith.index_cast %parallel_loop3A_567 : i32 to index
        %parallel_loop3A_569 = arith.index_cast %parallel_loop3A_348 : i32 to index
        %parallel_loop3A_570 = tpu.vector_load %arg11[%parallel_loop3A_568, %parallel_loop3A_569] {strides = array<i32>} : memref<8x1024xf32, #tpu.memory_space<vmem>>, vector<1x16xf32>,
        %parallel_loop3A_571 = vector.shape_cast %parallel_loop3A_570 : vector<1x16xf32> to vector<16xf32>
        %parallel_loop3A_572 = vector.shape_cast %parallel_loop3A_566 : vector<16xf32> to vector<1x16xf32>
        tpu.vector_store %arg11[%parallel_loop3A_568, %parallel_loop3A_569], %parallel_loop3A_572 {strides = array<i32>} : memref<8x1024xf32, #tpu.memory_space<vmem>>, vector<1x16xf32>,
        %parallel_loop3A_573 = arith.constant 6 : i32
        %parallel_loop3A_574 = arith.index_cast %parallel_loop3A_573 : i32 to index
        %parallel_loop3A_575 = arith.index_cast %parallel_loop3A_348 : i32 to index
        %parallel_loop3A_576 = tpu.vector_load %arg10[%parallel_loop3A_574, %parallel_loop3A_575] {strides = array<i32>} : memref<8x1024xi32, #tpu.memory_space<vmem>>, vector<1x16xi32>,
        %parallel_loop3A_577 = vector.shape_cast %parallel_loop3A_576 : vector<1x16xi32> to vector<16xi32>
        %parallel_loop3A_578 = arith.constant 6 : i32
        %parallel_loop3A_579 = arith.index_cast %parallel_loop3A_578 : i32 to index
        %parallel_loop3A_580 = arith.index_cast %parallel_loop3A_348 : i32 to index
        %parallel_loop3A_581 = tpu.vector_load %arg8[%parallel_loop3A_579, %parallel_loop3A_580] {strides = array<i32>} : memref<8x1024xf32, #tpu.memory_space<vmem>>, vector<1x16xf32>,
        %parallel_loop3A_582 = vector.shape_cast %parallel_loop3A_581 : vector<1x16xf32> to vector<16xf32>
        %parallel_loop3A_583 = arith.constant 6 : i32
        %parallel_loop3A_584 = arith.index_cast %parallel_loop3A_583 : i32 to index
        %parallel_loop3A_585 = arith.index_cast %parallel_loop3A_348 : i32 to index
        %parallel_loop3A_586 = tpu.vector_load %arg9[%parallel_loop3A_584, %parallel_loop3A_585] {strides = array<i32>} : memref<8x1024xf32, #tpu.memory_space<vmem>>, vector<1x16xf32>,
        %parallel_loop3A_587 = vector.shape_cast %parallel_loop3A_586 : vector<1x16xf32> to vector<16xf32>
        %parallel_loop3A_588 = arith.constant 0 : i32
        %parallel_loop3A_589 = vector.broadcast %parallel_loop3A_588 : i32 to vector<16xi32>
        %parallel_loop3A_590 = arith.cmpi eq, %parallel_loop3A_577, %parallel_loop3A_589 : vector<16xi32>
        %parallel_loop3A_591 = arith.select %parallel_loop3A_590, %parallel_loop3A_582, %parallel_loop3A_587 : vector<16xi1>, vector<16xf32>
        %parallel_loop3A_592 = arith.select %parallel_loop3A_590, %parallel_loop3A_352, %parallel_loop3A_356 : vector<16xi1>, vector<16xf32>
        %parallel_loop3A_593 = math.absf %parallel_loop3A_591 : vector<16xf32>
        %parallel_loop3A_594 = arith.constant 1.000000e+01 : f32
        %parallel_loop3A_595 = vector.broadcast %parallel_loop3A_594 : f32 to vector<16xf32>
        %parallel_loop3A_596 = arith.mulf %parallel_loop3A_595, %parallel_loop3A_593 : vector<16xf32>
        %parallel_loop3A_597 = arith.subf %parallel_loop3A_592, %parallel_loop3A_596 : vector<16xf32>
        %parallel_loop3A_598 = math.exp %parallel_loop3A_597 : vector<16xf32>
        %parallel_loop3A_599 = arith.constant 1.000000e+00 : f32
        %parallel_loop3A_600 = vector.broadcast %parallel_loop3A_599 : f32 to vector<16xf32>
        %parallel_loop3A_601 = arith.addf %parallel_loop3A_600, %parallel_loop3A_598 : vector<16xf32>
        %parallel_loop3A_602 = arith.divf %parallel_loop3A_591, %parallel_loop3A_601 : vector<16xf32>
        %parallel_loop3A_603 = arith.constant 6 : i32
        %parallel_loop3A_604 = arith.index_cast %parallel_loop3A_603 : i32 to index
        %parallel_loop3A_605 = arith.index_cast %parallel_loop3A_348 : i32 to index
        %parallel_loop3A_606 = tpu.vector_load %arg11[%parallel_loop3A_604, %parallel_loop3A_605] {strides = array<i32>} : memref<8x1024xf32, #tpu.memory_space<vmem>>, vector<1x16xf32>,
        %parallel_loop3A_607 = vector.shape_cast %parallel_loop3A_606 : vector<1x16xf32> to vector<16xf32>
        %parallel_loop3A_608 = vector.shape_cast %parallel_loop3A_602 : vector<16xf32> to vector<1x16xf32>
        tpu.vector_store %arg11[%parallel_loop3A_604, %parallel_loop3A_605], %parallel_loop3A_608 {strides = array<i32>} : memref<8x1024xf32, #tpu.memory_space<vmem>>, vector<1x16xf32>,
        %parallel_loop3A_609 = arith.constant 7 : i32
        %parallel_loop3A_610 = arith.index_cast %parallel_loop3A_609 : i32 to index
        %parallel_loop3A_611 = arith.index_cast %parallel_loop3A_348 : i32 to index
        %parallel_loop3A_612 = tpu.vector_load %arg10[%parallel_loop3A_610, %parallel_loop3A_611] {strides = array<i32>} : memref<8x1024xi32, #tpu.memory_space<vmem>>, vector<1x16xi32>,
        %parallel_loop3A_613 = vector.shape_cast %parallel_loop3A_612 : vector<1x16xi32> to vector<16xi32>
        %parallel_loop3A_614 = arith.constant 7 : i32
        %parallel_loop3A_615 = arith.index_cast %parallel_loop3A_614 : i32 to index
        %parallel_loop3A_616 = arith.index_cast %parallel_loop3A_348 : i32 to index
        %parallel_loop3A_617 = tpu.vector_load %arg8[%parallel_loop3A_615, %parallel_loop3A_616] {strides = array<i32>} : memref<8x1024xf32, #tpu.memory_space<vmem>>, vector<1x16xf32>,
        %parallel_loop3A_618 = vector.shape_cast %parallel_loop3A_617 : vector<1x16xf32> to vector<16xf32>
        %parallel_loop3A_619 = arith.constant 7 : i32
        %parallel_loop3A_620 = arith.index_cast %parallel_loop3A_619 : i32 to index
        %parallel_loop3A_621 = arith.index_cast %parallel_loop3A_348 : i32 to index
        %parallel_loop3A_622 = tpu.vector_load %arg9[%parallel_loop3A_620, %parallel_loop3A_621] {strides = array<i32>} : memref<8x1024xf32, #tpu.memory_space<vmem>>, vector<1x16xf32>,
        %parallel_loop3A_623 = vector.shape_cast %parallel_loop3A_622 : vector<1x16xf32> to vector<16xf32>
        %parallel_loop3A_624 = arith.constant 0 : i32
        %parallel_loop3A_625 = vector.broadcast %parallel_loop3A_624 : i32 to vector<16xi32>
        %parallel_loop3A_626 = arith.cmpi eq, %parallel_loop3A_613, %parallel_loop3A_625 : vector<16xi32>
        %parallel_loop3A_627 = arith.select %parallel_loop3A_626, %parallel_loop3A_618, %parallel_loop3A_623 : vector<16xi1>, vector<16xf32>
        %parallel_loop3A_628 = arith.select %parallel_loop3A_626, %parallel_loop3A_352, %parallel_loop3A_356 : vector<16xi1>, vector<16xf32>
        %parallel_loop3A_629 = math.absf %parallel_loop3A_627 : vector<16xf32>
        %parallel_loop3A_630 = arith.constant 1.000000e+01 : f32
        %parallel_loop3A_631 = vector.broadcast %parallel_loop3A_630 : f32 to vector<16xf32>
        %parallel_loop3A_632 = arith.mulf %parallel_loop3A_631, %parallel_loop3A_629 : vector<16xf32>
        %parallel_loop3A_633 = arith.subf %parallel_loop3A_628, %parallel_loop3A_632 : vector<16xf32>
        %parallel_loop3A_634 = math.exp %parallel_loop3A_633 : vector<16xf32>
        %parallel_loop3A_635 = arith.constant 1.000000e+00 : f32
        %parallel_loop3A_636 = vector.broadcast %parallel_loop3A_635 : f32 to vector<16xf32>
        %parallel_loop3A_637 = arith.addf %parallel_loop3A_636, %parallel_loop3A_634 : vector<16xf32>
        %parallel_loop3A_638 = arith.divf %parallel_loop3A_627, %parallel_loop3A_637 : vector<16xf32>
        %parallel_loop3A_639 = arith.constant 7 : i32
        %parallel_loop3A_640 = arith.index_cast %parallel_loop3A_639 : i32 to index
        %parallel_loop3A_641 = arith.index_cast %parallel_loop3A_348 : i32 to index
        %parallel_loop3A_642 = tpu.vector_load %arg11[%parallel_loop3A_640, %parallel_loop3A_641] {strides = array<i32>} : memref<8x1024xf32, #tpu.memory_space<vmem>>, vector<1x16xf32>,
        %parallel_loop3A_643 = vector.shape_cast %parallel_loop3A_642 : vector<1x16xf32> to vector<16xf32>
        %parallel_loop3A_644 = vector.shape_cast %parallel_loop3A_638 : vector<16xf32> to vector<1x16xf32>
        tpu.vector_store %arg11[%parallel_loop3A_640, %parallel_loop3A_641], %parallel_loop3A_644 {strides = array<i32>} : memref<8x1024xf32, #tpu.memory_space<vmem>>, vector<1x16xf32>,
      } {sc.loop_unroll_factor = 2 : i64, sc.parallel_access}
      %jit3A_137 = arith.constant 2 : i32
      %div3A_138 = arith.divsi %add3A_38, %jit3A_137 : i32
      %sign3A_139 = arith.constant 0 : i32
      %sign3A_140 = arith.cmpi sgt, %add3A_38, %sign3A_139 : i32
      %sign3A_141 = arith.extui %sign3A_140 : i1 to i32
      %sign3A_142 = arith.constant 0 : i32
      %sign3A_143 = arith.cmpi slt, %add3A_38, %sign3A_142 : i32
      %sign3A_144 = arith.extui %sign3A_143 : i1 to i32
      %sign3A_145 = arith.subi %sign3A_141, %sign3A_144 : i32
      %sign3A_146 = arith.constant 0 : i32
      %sign3A_147 = arith.cmpi sgt, %jit3A_137, %sign3A_146 : i32
      %sign3A_148 = arith.extui %sign3A_147 : i1 to i32
      %sign3A_149 = arith.constant 0 : i32
      %sign3A_150 = arith.cmpi slt, %jit3A_137, %sign3A_149 : i32
      %sign3A_151 = arith.extui %sign3A_150 : i1 to i32
      %sign3A_152 = arith.subi %sign3A_148, %sign3A_151 : i32
      %ne3A_153 = arith.cmpi ne, %sign3A_145, %sign3A_152 : i32
      %rem3A_154 = arith.remsi %add3A_38, %jit3A_137 : i32
      %ne3A_155 = arith.constant 0 : i32
      %ne3A_156 = arith.cmpi ne, %rem3A_154, %ne3A_155 : i32
      %and3A_157 = arith.andi %ne3A_153, %ne3A_156 : i1
      %sub3A_158 = arith.constant 1 : i32
      %sub3A_159 = arith.subi %div3A_138, %sub3A_158 : i32
      %select_n3A_160 = arith.select %and3A_157, %sub3A_159, %div3A_138 : i32
      %mul3A_161 = arith.constant 8 : i32
      %mul3A_162 = arith.muli %select_n3A_160, %mul3A_161 : i32
      %add3A_163 = arith.addi %mul3A_2, %mul3A_162 : i32
      %jit3A_164 = arith.constant 2 : i32
      %eq3A_165 = arith.constant 0 : i32
      %eq3A_166 = arith.cmpi eq, %jit3A_164, %eq3A_165 : i32
      %jit3A_167 = arith.constant 1 : i32
      %select_n3A_168 = arith.select %eq3A_166, %jit3A_167, %jit3A_164 : i32
      %rem3A_169 = arith.remsi %add3A_38, %select_n3A_168 : i32
      %ne3A_170 = arith.constant 0 : i32
      %ne3A_171 = arith.cmpi ne, %rem3A_169, %ne3A_170 : i32
      %lt3A_172 = arith.constant 0 : i32
      %lt3A_173 = arith.cmpi slt, %rem3A_169, %lt3A_172 : i32
      %lt3A_174 = arith.constant 0 : i32
      %lt3A_175 = arith.cmpi slt, %select_n3A_168, %lt3A_174 : i32
      %ne3A_176 = arith.xori %lt3A_173, %lt3A_175 : i1
      %and3A_177 = arith.andi %ne3A_176, %ne3A_171 : i1
      %add3A_178 = arith.addi %rem3A_169, %select_n3A_168 : i32
      %select_n3A_179 = arith.select %and3A_177, %add3A_178, %rem3A_169 : i32
      %mul3A_180 = arith.constant 1024 : i32
      %mul3A_181 = arith.muli %select_n3A_179, %mul3A_180 : i32
      %dma_start3A_182 = tpu.memref_slice %arg7[%add3A_163, %mul3A_181] : memref<8192x2048xf32, #tpu.memory_space<hbm>> -> memref<8x1024xf32, #tpu.memory_space<hbm>>
      %dma_start3A_183 = tpu.memref_slice %arg7[%add3A_163, %mul3A_181] : memref<8192x2048xf32, #tpu.memory_space<hbm>> -> memref<8x1024xf32, #tpu.memory_space<hbm>>
      tpu.enqueue_dma source(%arg11 : memref<8x1024xf32, #tpu.memory_space<vmem>>) target(%dma_start3A_183 : memref<8x1024xf32, #tpu.memory_space<hbm>>) target_semaphore(%arg20 : memref<!tpu.dma_semaphore, #tpu.memory_space<semaphore_mem>>)
      %mul3A_184 = arith.constant 2 : i32
      %mul3A_185 = arith.muli %mul3A_184, %scan3A_34 : i32
      %add3A_186 = arith.constant 1 : i32
      %add3A_187 = arith.addi %mul3A_185, %add3A_186 : i32
      %jit3A_188 = arith.constant 2 : i32
      %div3A_189 = arith.divsi %add3A_187, %jit3A_188 : i32
      %sign3A_190 = arith.constant 0 : i32
      %sign3A_191 = arith.cmpi sgt, %add3A_187, %sign3A_190 : i32
      %sign3A_192 = arith.extui %sign3A_191 : i1 to i32
      %sign3A_193 = arith.constant 0 : i32
      %sign3A_194 = arith.cmpi slt, %add3A_187, %sign3A_193 : i32
      %sign3A_195 = arith.extui %sign3A_194 : i1 to i32
      %sign3A_196 = arith.subi %sign3A_192, %sign3A_195 : i32
      %sign3A_197 = arith.constant 0 : i32
      %sign3A_198 = arith.cmpi sgt, %jit3A_188, %sign3A_197 : i32
      %sign3A_199 = arith.extui %sign3A_198 : i1 to i32
      %sign3A_200 = arith.constant 0 : i32
      %sign3A_201 = arith.cmpi slt, %jit3A_188, %sign3A_200 : i32
      %sign3A_202 = arith.extui %sign3A_201 : i1 to i32
      %sign3A_203 = arith.subi %sign3A_199, %sign3A_202 : i32
      %ne3A_204 = arith.cmpi ne, %sign3A_196, %sign3A_203 : i32
      %rem3A_205 = arith.remsi %add3A_187, %jit3A_188 : i32
      %ne3A_206 = arith.constant 0 : i32
      %ne3A_207 = arith.cmpi ne, %rem3A_205, %ne3A_206 : i32
      %and3A_208 = arith.andi %ne3A_204, %ne3A_207 : i1
      %sub3A_209 = arith.constant 1 : i32
      %sub3A_210 = arith.subi %div3A_189, %sub3A_209 : i32
      %select_n3A_211 = arith.select %and3A_208, %sub3A_210, %div3A_189 : i32
      %mul3A_212 = arith.constant 8 : i32
      %mul3A_213 = arith.muli %select_n3A_211, %mul3A_212 : i32
      %add3A_214 = arith.addi %mul3A_2, %mul3A_213 : i32
      %jit3A_215 = arith.constant 2 : i32
      %eq3A_216 = arith.constant 0 : i32
      %eq3A_217 = arith.cmpi eq, %jit3A_215, %eq3A_216 : i32
      %jit3A_218 = arith.constant 1 : i32
      %select_n3A_219 = arith.select %eq3A_217, %jit3A_218, %jit3A_215 : i32
      %rem3A_220 = arith.remsi %add3A_187, %select_n3A_219 : i32
      %ne3A_221 = arith.constant 0 : i32
      %ne3A_222 = arith.cmpi ne, %rem3A_220, %ne3A_221 : i32
      %lt3A_223 = arith.constant 0 : i32
      %lt3A_224 = arith.cmpi slt, %rem3A_220, %lt3A_223 : i32
      %lt3A_225 = arith.constant 0 : i32
      %lt3A_226 = arith.cmpi slt, %select_n3A_219, %lt3A_225 : i32
      %ne3A_227 = arith.xori %lt3A_224, %lt3A_226 : i1
      %and3A_228 = arith.andi %ne3A_227, %ne3A_222 : i1
      %add3A_229 = arith.addi %rem3A_220, %select_n3A_219 : i32
      %select_n3A_230 = arith.select %and3A_228, %add3A_229, %rem3A_220 : i32
      %mul3A_231 = arith.constant 1024 : i32
      %mul3A_232 = arith.muli %select_n3A_230, %mul3A_231 : i32
      %dma_wait3A_233 = tpu.memref_slice %arg2[%add3A_214, %mul3A_232] : memref<8192x2048xf32, #tpu.memory_space<hbm>> -> memref<8x1024xf32, #tpu.memory_space<hbm>>
      %dma_wait3A_234 = tpu.memref_slice %arg2[%add3A_214, %mul3A_232] : memref<8192x2048xf32, #tpu.memory_space<hbm>> -> memref<8x1024xf32, #tpu.memory_space<hbm>>
      tpu.wait_dma2 semaphore(%arg19 : memref<!tpu.dma_semaphore, #tpu.memory_space<semaphore_mem>>) src(%dma_wait3A_234 : memref<8x1024xf32, #tpu.memory_space<hbm>>) dst(%arg12 : memref<8x1024xf32, #tpu.memory_space<vmem>>)
      %dma_wait3A_235 = tpu.memref_slice %arg3[%add3A_214, %mul3A_232] : memref<8192x2048xf32, #tpu.memory_space<hbm>> -> memref<8x1024xf32, #tpu.memory_space<hbm>>
      %dma_wait3A_236 = tpu.memref_slice %arg3[%add3A_214, %mul3A_232] : memref<8192x2048xf32, #tpu.memory_space<hbm>> -> memref<8x1024xf32, #tpu.memory_space<hbm>>
      tpu.wait_dma2 semaphore(%arg19 : memref<!tpu.dma_semaphore, #tpu.memory_space<semaphore_mem>>) src(%dma_wait3A_236 : memref<8x1024xf32, #tpu.memory_space<hbm>>) dst(%arg13 : memref<8x1024xf32, #tpu.memory_space<vmem>>)
      %dma_wait3A_237 = tpu.memref_slice %arg6[%add3A_214, %mul3A_232] : memref<8192x2048xi32, #tpu.memory_space<hbm>> -> memref<8x1024xi32, #tpu.memory_space<hbm>>
      %dma_wait3A_238 = tpu.memref_slice %arg6[%add3A_214, %mul3A_232] : memref<8192x2048xi32, #tpu.memory_space<hbm>> -> memref<8x1024xi32, #tpu.memory_space<hbm>>
      tpu.wait_dma2 semaphore(%arg19 : memref<!tpu.dma_semaphore, #tpu.memory_space<semaphore_mem>>) src(%dma_wait3A_238 : memref<8x1024xi32, #tpu.memory_space<hbm>>) dst(%arg14 : memref<8x1024xi32, #tpu.memory_space<vmem>>)
      %add3A_239 = arith.constant 1 : i32
      %add3A_240 = arith.addi %add3A_187, %add3A_239 : i32
      %lt3A_241 = arith.constant 64 : i32
      %lt3A_242 = arith.cmpi slt, %add3A_240, %lt3A_241 : i32
      %convert_element_type3A_243 = arith.extui %lt3A_242 : i1 to i32
      %cond3A_244 = arith.constant 0 : i32
      %cond3A_245 = arith.cmpi ne, %convert_element_type3A_243, %cond3A_244 : i32
      scf.if %cond3A_245 {
        %add3A_346 = arith.constant 1 : i32
        %add3A_347 = arith.addi %add3A_187, %add3A_346 : i32
        %jit3A_348 = arith.constant 2 : i32
        %div3A_349 = arith.divsi %add3A_347, %jit3A_348 : i32
        %sign3A_350 = arith.constant 0 : i32
        %sign3A_351 = arith.cmpi sgt, %add3A_347, %sign3A_350 : i32
        %sign3A_352 = arith.extui %sign3A_351 : i1 to i32
        %sign3A_353 = arith.constant 0 : i32
        %sign3A_354 = arith.cmpi slt, %add3A_347, %sign3A_353 : i32
        %sign3A_355 = arith.extui %sign3A_354 : i1 to i32
        %sign3A_356 = arith.subi %sign3A_352, %sign3A_355 : i32
        %sign3A_357 = arith.constant 0 : i32
        %sign3A_358 = arith.cmpi sgt, %jit3A_348, %sign3A_357 : i32
        %sign3A_359 = arith.extui %sign3A_358 : i1 to i32
        %sign3A_360 = arith.constant 0 : i32
        %sign3A_361 = arith.cmpi slt, %jit3A_348, %sign3A_360 : i32
        %sign3A_362 = arith.extui %sign3A_361 : i1 to i32
        %sign3A_363 = arith.subi %sign3A_359, %sign3A_362 : i32
        %ne3A_364 = arith.cmpi ne, %sign3A_356, %sign3A_363 : i32
        %rem3A_365 = arith.remsi %add3A_347, %jit3A_348 : i32
        %ne3A_366 = arith.constant 0 : i32
        %ne3A_367 = arith.cmpi ne, %rem3A_365, %ne3A_366 : i32
        %and3A_368 = arith.andi %ne3A_364, %ne3A_367 : i1
        %sub3A_369 = arith.constant 1 : i32
        %sub3A_370 = arith.subi %div3A_349, %sub3A_369 : i32
        %select_n3A_371 = arith.select %and3A_368, %sub3A_370, %div3A_349 : i32
        %mul3A_372 = arith.constant 8 : i32
        %mul3A_373 = arith.muli %select_n3A_371, %mul3A_372 : i32
        %add3A_374 = arith.addi %mul3A_2, %mul3A_373 : i32
        %jit3A_375 = arith.constant 2 : i32
        %eq3A_376 = arith.constant 0 : i32
        %eq3A_377 = arith.cmpi eq, %jit3A_375, %eq3A_376 : i32
        %jit3A_378 = arith.constant 1 : i32
        %select_n3A_379 = arith.select %eq3A_377, %jit3A_378, %jit3A_375 : i32
        %rem3A_380 = arith.remsi %add3A_347, %select_n3A_379 : i32
        %ne3A_381 = arith.constant 0 : i32
        %ne3A_382 = arith.cmpi ne, %rem3A_380, %ne3A_381 : i32
        %lt3A_383 = arith.constant 0 : i32
        %lt3A_384 = arith.cmpi slt, %rem3A_380, %lt3A_383 : i32
        %lt3A_385 = arith.constant 0 : i32
        %lt3A_386 = arith.cmpi slt, %select_n3A_379, %lt3A_385 : i32
        %ne3A_387 = arith.xori %lt3A_384, %lt3A_386 : i1
        %and3A_388 = arith.andi %ne3A_387, %ne3A_382 : i1
        %add3A_389 = arith.addi %rem3A_380, %select_n3A_379 : i32
        %select_n3A_390 = arith.select %and3A_388, %add3A_389, %rem3A_380 : i32
        %mul3A_391 = arith.constant 1024 : i32
        %mul3A_392 = arith.muli %select_n3A_390, %mul3A_391 : i32
        %dma_start3A_393 = tpu.memref_slice %arg2[%add3A_374, %mul3A_392] : memref<8192x2048xf32, #tpu.memory_space<hbm>> -> memref<8x1024xf32, #tpu.memory_space<hbm>>
        %dma_start3A_394 = tpu.memref_slice %arg2[%add3A_374, %mul3A_392] : memref<8192x2048xf32, #tpu.memory_space<hbm>> -> memref<8x1024xf32, #tpu.memory_space<hbm>>
        tpu.enqueue_dma source(%dma_start3A_394 : memref<8x1024xf32, #tpu.memory_space<hbm>>) target(%arg8 : memref<8x1024xf32, #tpu.memory_space<vmem>>) target_semaphore(%arg18 : memref<!tpu.dma_semaphore, #tpu.memory_space<semaphore_mem>>)
        %dma_start3A_395 = tpu.memref_slice %arg3[%add3A_374, %mul3A_392] : memref<8192x2048xf32, #tpu.memory_space<hbm>> -> memref<8x1024xf32, #tpu.memory_space<hbm>>
        %dma_start3A_396 = tpu.memref_slice %arg3[%add3A_374, %mul3A_392] : memref<8192x2048xf32, #tpu.memory_space<hbm>> -> memref<8x1024xf32, #tpu.memory_space<hbm>>
        tpu.enqueue_dma source(%dma_start3A_396 : memref<8x1024xf32, #tpu.memory_space<hbm>>) target(%arg9 : memref<8x1024xf32, #tpu.memory_space<vmem>>) target_semaphore(%arg18 : memref<!tpu.dma_semaphore, #tpu.memory_space<semaphore_mem>>)
        %dma_start3A_397 = tpu.memref_slice %arg6[%add3A_374, %mul3A_392] : memref<8192x2048xi32, #tpu.memory_space<hbm>> -> memref<8x1024xi32, #tpu.memory_space<hbm>>
        %dma_start3A_398 = tpu.memref_slice %arg6[%add3A_374, %mul3A_392] : memref<8192x2048xi32, #tpu.memory_space<hbm>> -> memref<8x1024xi32, #tpu.memory_space<hbm>>
        tpu.enqueue_dma source(%dma_start3A_398 : memref<8x1024xi32, #tpu.memory_space<hbm>>) target(%arg10 : memref<8x1024xi32, #tpu.memory_space<vmem>>) target_semaphore(%arg18 : memref<!tpu.dma_semaphore, #tpu.memory_space<semaphore_mem>>)
      } else {
      }
      %gt3A_246 = arith.constant 0 : i32
      %gt3A_247 = arith.cmpi sgt, %scan3A_34, %gt3A_246 : i32
      %convert_element_type3A_248 = arith.extui %gt3A_247 : i1 to i32
      %cond3A_249 = arith.constant 0 : i32
      %cond3A_250 = arith.cmpi ne, %convert_element_type3A_248, %cond3A_249 : i32
      scf.if %cond3A_250 {
        %sub3A_346 = arith.constant 2 : i32
        %sub3A_347 = arith.subi %add3A_187, %sub3A_346 : i32
        %jit3A_348 = arith.constant 2 : i32
        %div3A_349 = arith.divsi %sub3A_347, %jit3A_348 : i32
        %sign3A_350 = arith.constant 0 : i32
        %sign3A_351 = arith.cmpi sgt, %sub3A_347, %sign3A_350 : i32
        %sign3A_352 = arith.extui %sign3A_351 : i1 to i32
        %sign3A_353 = arith.constant 0 : i32
        %sign3A_354 = arith.cmpi slt, %sub3A_347, %sign3A_353 : i32
        %sign3A_355 = arith.extui %sign3A_354 : i1 to i32
        %sign3A_356 = arith.subi %sign3A_352, %sign3A_355 : i32
        %sign3A_357 = arith.constant 0 : i32
        %sign3A_358 = arith.cmpi sgt, %jit3A_348, %sign3A_357 : i32
        %sign3A_359 = arith.extui %sign3A_358 : i1 to i32
        %sign3A_360 = arith.constant 0 : i32
        %sign3A_361 = arith.cmpi slt, %jit3A_348, %sign3A_360 : i32
        %sign3A_362 = arith.extui %sign3A_361 : i1 to i32
        %sign3A_363 = arith.subi %sign3A_359, %sign3A_362 : i32
        %ne3A_364 = arith.cmpi ne, %sign3A_356, %sign3A_363 : i32
        %rem3A_365 = arith.remsi %sub3A_347, %jit3A_348 : i32
        %ne3A_366 = arith.constant 0 : i32
        %ne3A_367 = arith.cmpi ne, %rem3A_365, %ne3A_366 : i32
        %and3A_368 = arith.andi %ne3A_364, %ne3A_367 : i1
        %sub3A_369 = arith.constant 1 : i32
        %sub3A_370 = arith.subi %div3A_349, %sub3A_369 : i32
        %select_n3A_371 = arith.select %and3A_368, %sub3A_370, %div3A_349 : i32
        %mul3A_372 = arith.constant 8 : i32
        %mul3A_373 = arith.muli %select_n3A_371, %mul3A_372 : i32
        %add3A_374 = arith.addi %mul3A_2, %mul3A_373 : i32
        %jit3A_375 = arith.constant 2 : i32
        %eq3A_376 = arith.constant 0 : i32
        %eq3A_377 = arith.cmpi eq, %jit3A_375, %eq3A_376 : i32
        %jit3A_378 = arith.constant 1 : i32
        %select_n3A_379 = arith.select %eq3A_377, %jit3A_378, %jit3A_375 : i32
        %rem3A_380 = arith.remsi %sub3A_347, %select_n3A_379 : i32
        %ne3A_381 = arith.constant 0 : i32
        %ne3A_382 = arith.cmpi ne, %rem3A_380, %ne3A_381 : i32
        %lt3A_383 = arith.constant 0 : i32
        %lt3A_384 = arith.cmpi slt, %rem3A_380, %lt3A_383 : i32
        %lt3A_385 = arith.constant 0 : i32
        %lt3A_386 = arith.cmpi slt, %select_n3A_379, %lt3A_385 : i32
        %ne3A_387 = arith.xori %lt3A_384, %lt3A_386 : i1
        %and3A_388 = arith.andi %ne3A_387, %ne3A_382 : i1
        %add3A_389 = arith.addi %rem3A_380, %select_n3A_379 : i32
        %select_n3A_390 = arith.select %and3A_388, %add3A_389, %rem3A_380 : i32
        %mul3A_391 = arith.constant 1024 : i32
        %mul3A_392 = arith.muli %select_n3A_390, %mul3A_391 : i32
        %dma_wait3A_393 = tpu.memref_slice %arg7[%add3A_374, %mul3A_392] : memref<8192x2048xf32, #tpu.memory_space<hbm>> -> memref<8x1024xf32, #tpu.memory_space<hbm>>
        %dma_wait3A_394 = tpu.memref_slice %arg7[%add3A_374, %mul3A_392] : memref<8192x2048xf32, #tpu.memory_space<hbm>> -> memref<8x1024xf32, #tpu.memory_space<hbm>>
        tpu.wait_dma2 semaphore(%arg21 : memref<!tpu.dma_semaphore, #tpu.memory_space<semaphore_mem>>) src(%arg15 : memref<8x1024xf32, #tpu.memory_space<vmem>>) dst(%dma_wait3A_394 : memref<8x1024xf32, #tpu.memory_space<hbm>>)
      } else {
      }
      %jit3A_251 = arith.constant 2 : i32
      %div3A_252 = arith.divsi %add3A_187, %jit3A_251 : i32
      %sign3A_253 = arith.constant 0 : i32
      %sign3A_254 = arith.cmpi sgt, %add3A_187, %sign3A_253 : i32
      %sign3A_255 = arith.extui %sign3A_254 : i1 to i32
      %sign3A_256 = arith.constant 0 : i32
      %sign3A_257 = arith.cmpi slt, %add3A_187, %sign3A_256 : i32
      %sign3A_258 = arith.extui %sign3A_257 : i1 to i32
      %sign3A_259 = arith.subi %sign3A_255, %sign3A_258 : i32
      %sign3A_260 = arith.constant 0 : i32
      %sign3A_261 = arith.cmpi sgt, %jit3A_251, %sign3A_260 : i32
      %sign3A_262 = arith.extui %sign3A_261 : i1 to i32
      %sign3A_263 = arith.constant 0 : i32
      %sign3A_264 = arith.cmpi slt, %jit3A_251, %sign3A_263 : i32
      %sign3A_265 = arith.extui %sign3A_264 : i1 to i32
      %sign3A_266 = arith.subi %sign3A_262, %sign3A_265 : i32
      %ne3A_267 = arith.cmpi ne, %sign3A_259, %sign3A_266 : i32
      %rem3A_268 = arith.remsi %add3A_187, %jit3A_251 : i32
      %ne3A_269 = arith.constant 0 : i32
      %ne3A_270 = arith.cmpi ne, %rem3A_268, %ne3A_269 : i32
      %and3A_271 = arith.andi %ne3A_267, %ne3A_270 : i1
      %sub3A_272 = arith.constant 1 : i32
      %sub3A_273 = arith.subi %div3A_252, %sub3A_272 : i32
      %select_n3A_274 = arith.select %and3A_271, %sub3A_273, %div3A_252 : i32
      %mul3A_275 = arith.constant 8 : i32
      %mul3A_276 = arith.muli %select_n3A_274, %mul3A_275 : i32
      %add3A_277 = arith.addi %mul3A_2, %mul3A_276 : i32
      %jit3A_278 = arith.constant 2 : i32
      %eq3A_279 = arith.constant 0 : i32
      %eq3A_280 = arith.cmpi eq, %jit3A_278, %eq3A_279 : i32
      %jit3A_281 = arith.constant 1 : i32
      %select_n3A_282 = arith.select %eq3A_280, %jit3A_281, %jit3A_278 : i32
      %rem3A_283 = arith.remsi %add3A_187, %select_n3A_282 : i32
      %ne3A_284 = arith.constant 0 : i32
      %ne3A_285 = arith.cmpi ne, %rem3A_283, %ne3A_284 : i32
      %lt3A_286 = arith.constant 0 : i32
      %lt3A_287 = arith.cmpi slt, %rem3A_283, %lt3A_286 : i32
      %lt3A_288 = arith.constant 0 : i32
      %lt3A_289 = arith.cmpi slt, %select_n3A_282, %lt3A_288 : i32
      %ne3A_290 = arith.xori %lt3A_287, %lt3A_289 : i1
      %and3A_291 = arith.andi %ne3A_290, %ne3A_285 : i1
      %add3A_292 = arith.addi %rem3A_283, %select_n3A_282 : i32
      %select_n3A_293 = arith.select %and3A_291, %add3A_292, %rem3A_283 : i32
      %mul3A_294 = arith.constant 1024 : i32
      %mul3A_295 = arith.muli %select_n3A_293, %mul3A_294 : i32
      %parallel_loop3A_296 = arith.constant 0 : i32
      %parallel_loop3A_297 = arith.constant 64 : i32
      %parallel_loop3A_298 = arith.constant 1 : i32
      scf.for %parallel_loop3A_346 = %parallel_loop3A_296 to %parallel_loop3A_297 step %parallel_loop3A_298  : i32 {
        %parallel_loop3A_347 = arith.constant 16 : i32
        %parallel_loop3A_348 = arith.muli %parallel_loop3A_346, %parallel_loop3A_347 : i32
        %parallel_loop3A_349 = arith.addi %mul3A_295, %parallel_loop3A_348 : i32
        %parallel_loop3A_350 = arith.index_cast %parallel_loop3A_349 : i32 to index
        %parallel_loop3A_351 = tpu.vector_load %arg16[%parallel_loop3A_350] {strides = array<i32>} : memref<2048xf32, #tpu.memory_space<vmem>>, vector<16xf32>,
        %parallel_loop3A_352 = vector.shape_cast %parallel_loop3A_351 : vector<16xf32> to vector<16xf32>
        %parallel_loop3A_353 = arith.addi %mul3A_295, %parallel_loop3A_348 : i32
        %parallel_loop3A_354 = arith.index_cast %parallel_loop3A_353 : i32 to index
        %parallel_loop3A_355 = tpu.vector_load %arg17[%parallel_loop3A_354] {strides = array<i32>} : memref<2048xf32, #tpu.memory_space<vmem>>, vector<16xf32>,
        %parallel_loop3A_356 = vector.shape_cast %parallel_loop3A_355 : vector<16xf32> to vector<16xf32>
        %parallel_loop3A_357 = arith.constant 0 : i32
        %parallel_loop3A_358 = arith.index_cast %parallel_loop3A_357 : i32 to index
        %parallel_loop3A_359 = arith.index_cast %parallel_loop3A_348 : i32 to index
        %parallel_loop3A_360 = tpu.vector_load %arg14[%parallel_loop3A_358, %parallel_loop3A_359] {strides = array<i32>} : memref<8x1024xi32, #tpu.memory_space<vmem>>, vector<1x16xi32>,
        %parallel_loop3A_361 = vector.shape_cast %parallel_loop3A_360 : vector<1x16xi32> to vector<16xi32>
        %parallel_loop3A_362 = arith.constant 0 : i32
        %parallel_loop3A_363 = arith.index_cast %parallel_loop3A_362 : i32 to index
        %parallel_loop3A_364 = arith.index_cast %parallel_loop3A_348 : i32 to index
        %parallel_loop3A_365 = tpu.vector_load %arg12[%parallel_loop3A_363, %parallel_loop3A_364] {strides = array<i32>} : memref<8x1024xf32, #tpu.memory_space<vmem>>, vector<1x16xf32>,
        %parallel_loop3A_366 = vector.shape_cast %parallel_loop3A_365 : vector<1x16xf32> to vector<16xf32>
        %parallel_loop3A_367 = arith.constant 0 : i32
        %parallel_loop3A_368 = arith.index_cast %parallel_loop3A_367 : i32 to index
        %parallel_loop3A_369 = arith.index_cast %parallel_loop3A_348 : i32 to index
        %parallel_loop3A_370 = tpu.vector_load %arg13[%parallel_loop3A_368, %parallel_loop3A_369] {strides = array<i32>} : memref<8x1024xf32, #tpu.memory_space<vmem>>, vector<1x16xf32>,
        %parallel_loop3A_371 = vector.shape_cast %parallel_loop3A_370 : vector<1x16xf32> to vector<16xf32>
        %parallel_loop3A_372 = arith.constant 0 : i32
        %parallel_loop3A_373 = vector.broadcast %parallel_loop3A_372 : i32 to vector<16xi32>
        %parallel_loop3A_374 = arith.cmpi eq, %parallel_loop3A_361, %parallel_loop3A_373 : vector<16xi32>
        %parallel_loop3A_375 = arith.select %parallel_loop3A_374, %parallel_loop3A_366, %parallel_loop3A_371 : vector<16xi1>, vector<16xf32>
        %parallel_loop3A_376 = arith.select %parallel_loop3A_374, %parallel_loop3A_352, %parallel_loop3A_356 : vector<16xi1>, vector<16xf32>
        %parallel_loop3A_377 = math.absf %parallel_loop3A_375 : vector<16xf32>
        %parallel_loop3A_378 = arith.constant 1.000000e+01 : f32
        %parallel_loop3A_379 = vector.broadcast %parallel_loop3A_378 : f32 to vector<16xf32>
        %parallel_loop3A_380 = arith.mulf %parallel_loop3A_379, %parallel_loop3A_377 : vector<16xf32>
        %parallel_loop3A_381 = arith.subf %parallel_loop3A_376, %parallel_loop3A_380 : vector<16xf32>
        %parallel_loop3A_382 = math.exp %parallel_loop3A_381 : vector<16xf32>
        %parallel_loop3A_383 = arith.constant 1.000000e+00 : f32
        %parallel_loop3A_384 = vector.broadcast %parallel_loop3A_383 : f32 to vector<16xf32>
        %parallel_loop3A_385 = arith.addf %parallel_loop3A_384, %parallel_loop3A_382 : vector<16xf32>
        %parallel_loop3A_386 = arith.divf %parallel_loop3A_375, %parallel_loop3A_385 : vector<16xf32>
        %parallel_loop3A_387 = arith.constant 0 : i32
        %parallel_loop3A_388 = arith.index_cast %parallel_loop3A_387 : i32 to index
        %parallel_loop3A_389 = arith.index_cast %parallel_loop3A_348 : i32 to index
        %parallel_loop3A_390 = tpu.vector_load %arg15[%parallel_loop3A_388, %parallel_loop3A_389] {strides = array<i32>} : memref<8x1024xf32, #tpu.memory_space<vmem>>, vector<1x16xf32>,
        %parallel_loop3A_391 = vector.shape_cast %parallel_loop3A_390 : vector<1x16xf32> to vector<16xf32>
        %parallel_loop3A_392 = vector.shape_cast %parallel_loop3A_386 : vector<16xf32> to vector<1x16xf32>
        tpu.vector_store %arg15[%parallel_loop3A_388, %parallel_loop3A_389], %parallel_loop3A_392 {strides = array<i32>} : memref<8x1024xf32, #tpu.memory_space<vmem>>, vector<1x16xf32>,
        %parallel_loop3A_393 = arith.constant 1 : i32
        %parallel_loop3A_394 = arith.index_cast %parallel_loop3A_393 : i32 to index
        %parallel_loop3A_395 = arith.index_cast %parallel_loop3A_348 : i32 to index
        %parallel_loop3A_396 = tpu.vector_load %arg14[%parallel_loop3A_394, %parallel_loop3A_395] {strides = array<i32>} : memref<8x1024xi32, #tpu.memory_space<vmem>>, vector<1x16xi32>,
        %parallel_loop3A_397 = vector.shape_cast %parallel_loop3A_396 : vector<1x16xi32> to vector<16xi32>
        %parallel_loop3A_398 = arith.constant 1 : i32
        %parallel_loop3A_399 = arith.index_cast %parallel_loop3A_398 : i32 to index
        %parallel_loop3A_400 = arith.index_cast %parallel_loop3A_348 : i32 to index
        %parallel_loop3A_401 = tpu.vector_load %arg12[%parallel_loop3A_399, %parallel_loop3A_400] {strides = array<i32>} : memref<8x1024xf32, #tpu.memory_space<vmem>>, vector<1x16xf32>,
        %parallel_loop3A_402 = vector.shape_cast %parallel_loop3A_401 : vector<1x16xf32> to vector<16xf32>
        %parallel_loop3A_403 = arith.constant 1 : i32
        %parallel_loop3A_404 = arith.index_cast %parallel_loop3A_403 : i32 to index
        %parallel_loop3A_405 = arith.index_cast %parallel_loop3A_348 : i32 to index
        %parallel_loop3A_406 = tpu.vector_load %arg13[%parallel_loop3A_404, %parallel_loop3A_405] {strides = array<i32>} : memref<8x1024xf32, #tpu.memory_space<vmem>>, vector<1x16xf32>,
        %parallel_loop3A_407 = vector.shape_cast %parallel_loop3A_406 : vector<1x16xf32> to vector<16xf32>
        %parallel_loop3A_408 = arith.constant 0 : i32
        %parallel_loop3A_409 = vector.broadcast %parallel_loop3A_408 : i32 to vector<16xi32>
        %parallel_loop3A_410 = arith.cmpi eq, %parallel_loop3A_397, %parallel_loop3A_409 : vector<16xi32>
        %parallel_loop3A_411 = arith.select %parallel_loop3A_410, %parallel_loop3A_402, %parallel_loop3A_407 : vector<16xi1>, vector<16xf32>
        %parallel_loop3A_412 = arith.select %parallel_loop3A_410, %parallel_loop3A_352, %parallel_loop3A_356 : vector<16xi1>, vector<16xf32>
        %parallel_loop3A_413 = math.absf %parallel_loop3A_411 : vector<16xf32>
        %parallel_loop3A_414 = arith.constant 1.000000e+01 : f32
        %parallel_loop3A_415 = vector.broadcast %parallel_loop3A_414 : f32 to vector<16xf32>
        %parallel_loop3A_416 = arith.mulf %parallel_loop3A_415, %parallel_loop3A_413 : vector<16xf32>
        %parallel_loop3A_417 = arith.subf %parallel_loop3A_412, %parallel_loop3A_416 : vector<16xf32>
        %parallel_loop3A_418 = math.exp %parallel_loop3A_417 : vector<16xf32>
        %parallel_loop3A_419 = arith.constant 1.000000e+00 : f32
        %parallel_loop3A_420 = vector.broadcast %parallel_loop3A_419 : f32 to vector<16xf32>
        %parallel_loop3A_421 = arith.addf %parallel_loop3A_420, %parallel_loop3A_418 : vector<16xf32>
        %parallel_loop3A_422 = arith.divf %parallel_loop3A_411, %parallel_loop3A_421 : vector<16xf32>
        %parallel_loop3A_423 = arith.constant 1 : i32
        %parallel_loop3A_424 = arith.index_cast %parallel_loop3A_423 : i32 to index
        %parallel_loop3A_425 = arith.index_cast %parallel_loop3A_348 : i32 to index
        %parallel_loop3A_426 = tpu.vector_load %arg15[%parallel_loop3A_424, %parallel_loop3A_425] {strides = array<i32>} : memref<8x1024xf32, #tpu.memory_space<vmem>>, vector<1x16xf32>,
        %parallel_loop3A_427 = vector.shape_cast %parallel_loop3A_426 : vector<1x16xf32> to vector<16xf32>
        %parallel_loop3A_428 = vector.shape_cast %parallel_loop3A_422 : vector<16xf32> to vector<1x16xf32>
        tpu.vector_store %arg15[%parallel_loop3A_424, %parallel_loop3A_425], %parallel_loop3A_428 {strides = array<i32>} : memref<8x1024xf32, #tpu.memory_space<vmem>>, vector<1x16xf32>,
        %parallel_loop3A_429 = arith.constant 2 : i32
        %parallel_loop3A_430 = arith.index_cast %parallel_loop3A_429 : i32 to index
        %parallel_loop3A_431 = arith.index_cast %parallel_loop3A_348 : i32 to index
        %parallel_loop3A_432 = tpu.vector_load %arg14[%parallel_loop3A_430, %parallel_loop3A_431] {strides = array<i32>} : memref<8x1024xi32, #tpu.memory_space<vmem>>, vector<1x16xi32>,
        %parallel_loop3A_433 = vector.shape_cast %parallel_loop3A_432 : vector<1x16xi32> to vector<16xi32>
        %parallel_loop3A_434 = arith.constant 2 : i32
        %parallel_loop3A_435 = arith.index_cast %parallel_loop3A_434 : i32 to index
        %parallel_loop3A_436 = arith.index_cast %parallel_loop3A_348 : i32 to index
        %parallel_loop3A_437 = tpu.vector_load %arg12[%parallel_loop3A_435, %parallel_loop3A_436] {strides = array<i32>} : memref<8x1024xf32, #tpu.memory_space<vmem>>, vector<1x16xf32>,
        %parallel_loop3A_438 = vector.shape_cast %parallel_loop3A_437 : vector<1x16xf32> to vector<16xf32>
        %parallel_loop3A_439 = arith.constant 2 : i32
        %parallel_loop3A_440 = arith.index_cast %parallel_loop3A_439 : i32 to index
        %parallel_loop3A_441 = arith.index_cast %parallel_loop3A_348 : i32 to index
        %parallel_loop3A_442 = tpu.vector_load %arg13[%parallel_loop3A_440, %parallel_loop3A_441] {strides = array<i32>} : memref<8x1024xf32, #tpu.memory_space<vmem>>, vector<1x16xf32>,
        %parallel_loop3A_443 = vector.shape_cast %parallel_loop3A_442 : vector<1x16xf32> to vector<16xf32>
        %parallel_loop3A_444 = arith.constant 0 : i32
        %parallel_loop3A_445 = vector.broadcast %parallel_loop3A_444 : i32 to vector<16xi32>
        %parallel_loop3A_446 = arith.cmpi eq, %parallel_loop3A_433, %parallel_loop3A_445 : vector<16xi32>
        %parallel_loop3A_447 = arith.select %parallel_loop3A_446, %parallel_loop3A_438, %parallel_loop3A_443 : vector<16xi1>, vector<16xf32>
        %parallel_loop3A_448 = arith.select %parallel_loop3A_446, %parallel_loop3A_352, %parallel_loop3A_356 : vector<16xi1>, vector<16xf32>
        %parallel_loop3A_449 = math.absf %parallel_loop3A_447 : vector<16xf32>
        %parallel_loop3A_450 = arith.constant 1.000000e+01 : f32
        %parallel_loop3A_451 = vector.broadcast %parallel_loop3A_450 : f32 to vector<16xf32>
        %parallel_loop3A_452 = arith.mulf %parallel_loop3A_451, %parallel_loop3A_449 : vector<16xf32>
        %parallel_loop3A_453 = arith.subf %parallel_loop3A_448, %parallel_loop3A_452 : vector<16xf32>
        %parallel_loop3A_454 = math.exp %parallel_loop3A_453 : vector<16xf32>
        %parallel_loop3A_455 = arith.constant 1.000000e+00 : f32
        %parallel_loop3A_456 = vector.broadcast %parallel_loop3A_455 : f32 to vector<16xf32>
        %parallel_loop3A_457 = arith.addf %parallel_loop3A_456, %parallel_loop3A_454 : vector<16xf32>
        %parallel_loop3A_458 = arith.divf %parallel_loop3A_447, %parallel_loop3A_457 : vector<16xf32>
        %parallel_loop3A_459 = arith.constant 2 : i32
        %parallel_loop3A_460 = arith.index_cast %parallel_loop3A_459 : i32 to index
        %parallel_loop3A_461 = arith.index_cast %parallel_loop3A_348 : i32 to index
        %parallel_loop3A_462 = tpu.vector_load %arg15[%parallel_loop3A_460, %parallel_loop3A_461] {strides = array<i32>} : memref<8x1024xf32, #tpu.memory_space<vmem>>, vector<1x16xf32>,
        %parallel_loop3A_463 = vector.shape_cast %parallel_loop3A_462 : vector<1x16xf32> to vector<16xf32>
        %parallel_loop3A_464 = vector.shape_cast %parallel_loop3A_458 : vector<16xf32> to vector<1x16xf32>
        tpu.vector_store %arg15[%parallel_loop3A_460, %parallel_loop3A_461], %parallel_loop3A_464 {strides = array<i32>} : memref<8x1024xf32, #tpu.memory_space<vmem>>, vector<1x16xf32>,
        %parallel_loop3A_465 = arith.constant 3 : i32
        %parallel_loop3A_466 = arith.index_cast %parallel_loop3A_465 : i32 to index
        %parallel_loop3A_467 = arith.index_cast %parallel_loop3A_348 : i32 to index
        %parallel_loop3A_468 = tpu.vector_load %arg14[%parallel_loop3A_466, %parallel_loop3A_467] {strides = array<i32>} : memref<8x1024xi32, #tpu.memory_space<vmem>>, vector<1x16xi32>,
        %parallel_loop3A_469 = vector.shape_cast %parallel_loop3A_468 : vector<1x16xi32> to vector<16xi32>
        %parallel_loop3A_470 = arith.constant 3 : i32
        %parallel_loop3A_471 = arith.index_cast %parallel_loop3A_470 : i32 to index
        %parallel_loop3A_472 = arith.index_cast %parallel_loop3A_348 : i32 to index
        %parallel_loop3A_473 = tpu.vector_load %arg12[%parallel_loop3A_471, %parallel_loop3A_472] {strides = array<i32>} : memref<8x1024xf32, #tpu.memory_space<vmem>>, vector<1x16xf32>,
        %parallel_loop3A_474 = vector.shape_cast %parallel_loop3A_473 : vector<1x16xf32> to vector<16xf32>
        %parallel_loop3A_475 = arith.constant 3 : i32
        %parallel_loop3A_476 = arith.index_cast %parallel_loop3A_475 : i32 to index
        %parallel_loop3A_477 = arith.index_cast %parallel_loop3A_348 : i32 to index
        %parallel_loop3A_478 = tpu.vector_load %arg13[%parallel_loop3A_476, %parallel_loop3A_477] {strides = array<i32>} : memref<8x1024xf32, #tpu.memory_space<vmem>>, vector<1x16xf32>,
        %parallel_loop3A_479 = vector.shape_cast %parallel_loop3A_478 : vector<1x16xf32> to vector<16xf32>
        %parallel_loop3A_480 = arith.constant 0 : i32
        %parallel_loop3A_481 = vector.broadcast %parallel_loop3A_480 : i32 to vector<16xi32>
        %parallel_loop3A_482 = arith.cmpi eq, %parallel_loop3A_469, %parallel_loop3A_481 : vector<16xi32>
        %parallel_loop3A_483 = arith.select %parallel_loop3A_482, %parallel_loop3A_474, %parallel_loop3A_479 : vector<16xi1>, vector<16xf32>
        %parallel_loop3A_484 = arith.select %parallel_loop3A_482, %parallel_loop3A_352, %parallel_loop3A_356 : vector<16xi1>, vector<16xf32>
        %parallel_loop3A_485 = math.absf %parallel_loop3A_483 : vector<16xf32>
        %parallel_loop3A_486 = arith.constant 1.000000e+01 : f32
        %parallel_loop3A_487 = vector.broadcast %parallel_loop3A_486 : f32 to vector<16xf32>
        %parallel_loop3A_488 = arith.mulf %parallel_loop3A_487, %parallel_loop3A_485 : vector<16xf32>
        %parallel_loop3A_489 = arith.subf %parallel_loop3A_484, %parallel_loop3A_488 : vector<16xf32>
        %parallel_loop3A_490 = math.exp %parallel_loop3A_489 : vector<16xf32>
        %parallel_loop3A_491 = arith.constant 1.000000e+00 : f32
        %parallel_loop3A_492 = vector.broadcast %parallel_loop3A_491 : f32 to vector<16xf32>
        %parallel_loop3A_493 = arith.addf %parallel_loop3A_492, %parallel_loop3A_490 : vector<16xf32>
        %parallel_loop3A_494 = arith.divf %parallel_loop3A_483, %parallel_loop3A_493 : vector<16xf32>
        %parallel_loop3A_495 = arith.constant 3 : i32
        %parallel_loop3A_496 = arith.index_cast %parallel_loop3A_495 : i32 to index
        %parallel_loop3A_497 = arith.index_cast %parallel_loop3A_348 : i32 to index
        %parallel_loop3A_498 = tpu.vector_load %arg15[%parallel_loop3A_496, %parallel_loop3A_497] {strides = array<i32>} : memref<8x1024xf32, #tpu.memory_space<vmem>>, vector<1x16xf32>,
        %parallel_loop3A_499 = vector.shape_cast %parallel_loop3A_498 : vector<1x16xf32> to vector<16xf32>
        %parallel_loop3A_500 = vector.shape_cast %parallel_loop3A_494 : vector<16xf32> to vector<1x16xf32>
        tpu.vector_store %arg15[%parallel_loop3A_496, %parallel_loop3A_497], %parallel_loop3A_500 {strides = array<i32>} : memref<8x1024xf32, #tpu.memory_space<vmem>>, vector<1x16xf32>,
        %parallel_loop3A_501 = arith.constant 4 : i32
        %parallel_loop3A_502 = arith.index_cast %parallel_loop3A_501 : i32 to index
        %parallel_loop3A_503 = arith.index_cast %parallel_loop3A_348 : i32 to index
        %parallel_loop3A_504 = tpu.vector_load %arg14[%parallel_loop3A_502, %parallel_loop3A_503] {strides = array<i32>} : memref<8x1024xi32, #tpu.memory_space<vmem>>, vector<1x16xi32>,
        %parallel_loop3A_505 = vector.shape_cast %parallel_loop3A_504 : vector<1x16xi32> to vector<16xi32>
        %parallel_loop3A_506 = arith.constant 4 : i32
        %parallel_loop3A_507 = arith.index_cast %parallel_loop3A_506 : i32 to index
        %parallel_loop3A_508 = arith.index_cast %parallel_loop3A_348 : i32 to index
        %parallel_loop3A_509 = tpu.vector_load %arg12[%parallel_loop3A_507, %parallel_loop3A_508] {strides = array<i32>} : memref<8x1024xf32, #tpu.memory_space<vmem>>, vector<1x16xf32>,
        %parallel_loop3A_510 = vector.shape_cast %parallel_loop3A_509 : vector<1x16xf32> to vector<16xf32>
        %parallel_loop3A_511 = arith.constant 4 : i32
        %parallel_loop3A_512 = arith.index_cast %parallel_loop3A_511 : i32 to index
        %parallel_loop3A_513 = arith.index_cast %parallel_loop3A_348 : i32 to index
        %parallel_loop3A_514 = tpu.vector_load %arg13[%parallel_loop3A_512, %parallel_loop3A_513] {strides = array<i32>} : memref<8x1024xf32, #tpu.memory_space<vmem>>, vector<1x16xf32>,
        %parallel_loop3A_515 = vector.shape_cast %parallel_loop3A_514 : vector<1x16xf32> to vector<16xf32>
        %parallel_loop3A_516 = arith.constant 0 : i32
        %parallel_loop3A_517 = vector.broadcast %parallel_loop3A_516 : i32 to vector<16xi32>
        %parallel_loop3A_518 = arith.cmpi eq, %parallel_loop3A_505, %parallel_loop3A_517 : vector<16xi32>
        %parallel_loop3A_519 = arith.select %parallel_loop3A_518, %parallel_loop3A_510, %parallel_loop3A_515 : vector<16xi1>, vector<16xf32>
        %parallel_loop3A_520 = arith.select %parallel_loop3A_518, %parallel_loop3A_352, %parallel_loop3A_356 : vector<16xi1>, vector<16xf32>
        %parallel_loop3A_521 = math.absf %parallel_loop3A_519 : vector<16xf32>
        %parallel_loop3A_522 = arith.constant 1.000000e+01 : f32
        %parallel_loop3A_523 = vector.broadcast %parallel_loop3A_522 : f32 to vector<16xf32>
        %parallel_loop3A_524 = arith.mulf %parallel_loop3A_523, %parallel_loop3A_521 : vector<16xf32>
        %parallel_loop3A_525 = arith.subf %parallel_loop3A_520, %parallel_loop3A_524 : vector<16xf32>
        %parallel_loop3A_526 = math.exp %parallel_loop3A_525 : vector<16xf32>
        %parallel_loop3A_527 = arith.constant 1.000000e+00 : f32
        %parallel_loop3A_528 = vector.broadcast %parallel_loop3A_527 : f32 to vector<16xf32>
        %parallel_loop3A_529 = arith.addf %parallel_loop3A_528, %parallel_loop3A_526 : vector<16xf32>
        %parallel_loop3A_530 = arith.divf %parallel_loop3A_519, %parallel_loop3A_529 : vector<16xf32>
        %parallel_loop3A_531 = arith.constant 4 : i32
        %parallel_loop3A_532 = arith.index_cast %parallel_loop3A_531 : i32 to index
        %parallel_loop3A_533 = arith.index_cast %parallel_loop3A_348 : i32 to index
        %parallel_loop3A_534 = tpu.vector_load %arg15[%parallel_loop3A_532, %parallel_loop3A_533] {strides = array<i32>} : memref<8x1024xf32, #tpu.memory_space<vmem>>, vector<1x16xf32>,
        %parallel_loop3A_535 = vector.shape_cast %parallel_loop3A_534 : vector<1x16xf32> to vector<16xf32>
        %parallel_loop3A_536 = vector.shape_cast %parallel_loop3A_530 : vector<16xf32> to vector<1x16xf32>
        tpu.vector_store %arg15[%parallel_loop3A_532, %parallel_loop3A_533], %parallel_loop3A_536 {strides = array<i32>} : memref<8x1024xf32, #tpu.memory_space<vmem>>, vector<1x16xf32>,
        %parallel_loop3A_537 = arith.constant 5 : i32
        %parallel_loop3A_538 = arith.index_cast %parallel_loop3A_537 : i32 to index
        %parallel_loop3A_539 = arith.index_cast %parallel_loop3A_348 : i32 to index
        %parallel_loop3A_540 = tpu.vector_load %arg14[%parallel_loop3A_538, %parallel_loop3A_539] {strides = array<i32>} : memref<8x1024xi32, #tpu.memory_space<vmem>>, vector<1x16xi32>,
        %parallel_loop3A_541 = vector.shape_cast %parallel_loop3A_540 : vector<1x16xi32> to vector<16xi32>
        %parallel_loop3A_542 = arith.constant 5 : i32
        %parallel_loop3A_543 = arith.index_cast %parallel_loop3A_542 : i32 to index
        %parallel_loop3A_544 = arith.index_cast %parallel_loop3A_348 : i32 to index
        %parallel_loop3A_545 = tpu.vector_load %arg12[%parallel_loop3A_543, %parallel_loop3A_544] {strides = array<i32>} : memref<8x1024xf32, #tpu.memory_space<vmem>>, vector<1x16xf32>,
        %parallel_loop3A_546 = vector.shape_cast %parallel_loop3A_545 : vector<1x16xf32> to vector<16xf32>
        %parallel_loop3A_547 = arith.constant 5 : i32
        %parallel_loop3A_548 = arith.index_cast %parallel_loop3A_547 : i32 to index
        %parallel_loop3A_549 = arith.index_cast %parallel_loop3A_348 : i32 to index
        %parallel_loop3A_550 = tpu.vector_load %arg13[%parallel_loop3A_548, %parallel_loop3A_549] {strides = array<i32>} : memref<8x1024xf32, #tpu.memory_space<vmem>>, vector<1x16xf32>,
        %parallel_loop3A_551 = vector.shape_cast %parallel_loop3A_550 : vector<1x16xf32> to vector<16xf32>
        %parallel_loop3A_552 = arith.constant 0 : i32
        %parallel_loop3A_553 = vector.broadcast %parallel_loop3A_552 : i32 to vector<16xi32>
        %parallel_loop3A_554 = arith.cmpi eq, %parallel_loop3A_541, %parallel_loop3A_553 : vector<16xi32>
        %parallel_loop3A_555 = arith.select %parallel_loop3A_554, %parallel_loop3A_546, %parallel_loop3A_551 : vector<16xi1>, vector<16xf32>
        %parallel_loop3A_556 = arith.select %parallel_loop3A_554, %parallel_loop3A_352, %parallel_loop3A_356 : vector<16xi1>, vector<16xf32>
        %parallel_loop3A_557 = math.absf %parallel_loop3A_555 : vector<16xf32>
        %parallel_loop3A_558 = arith.constant 1.000000e+01 : f32
        %parallel_loop3A_559 = vector.broadcast %parallel_loop3A_558 : f32 to vector<16xf32>
        %parallel_loop3A_560 = arith.mulf %parallel_loop3A_559, %parallel_loop3A_557 : vector<16xf32>
        %parallel_loop3A_561 = arith.subf %parallel_loop3A_556, %parallel_loop3A_560 : vector<16xf32>
        %parallel_loop3A_562 = math.exp %parallel_loop3A_561 : vector<16xf32>
        %parallel_loop3A_563 = arith.constant 1.000000e+00 : f32
        %parallel_loop3A_564 = vector.broadcast %parallel_loop3A_563 : f32 to vector<16xf32>
        %parallel_loop3A_565 = arith.addf %parallel_loop3A_564, %parallel_loop3A_562 : vector<16xf32>
        %parallel_loop3A_566 = arith.divf %parallel_loop3A_555, %parallel_loop3A_565 : vector<16xf32>
        %parallel_loop3A_567 = arith.constant 5 : i32
        %parallel_loop3A_568 = arith.index_cast %parallel_loop3A_567 : i32 to index
        %parallel_loop3A_569 = arith.index_cast %parallel_loop3A_348 : i32 to index
        %parallel_loop3A_570 = tpu.vector_load %arg15[%parallel_loop3A_568, %parallel_loop3A_569] {strides = array<i32>} : memref<8x1024xf32, #tpu.memory_space<vmem>>, vector<1x16xf32>,
        %parallel_loop3A_571 = vector.shape_cast %parallel_loop3A_570 : vector<1x16xf32> to vector<16xf32>
        %parallel_loop3A_572 = vector.shape_cast %parallel_loop3A_566 : vector<16xf32> to vector<1x16xf32>
        tpu.vector_store %arg15[%parallel_loop3A_568, %parallel_loop3A_569], %parallel_loop3A_572 {strides = array<i32>} : memref<8x1024xf32, #tpu.memory_space<vmem>>, vector<1x16xf32>,
        %parallel_loop3A_573 = arith.constant 6 : i32
        %parallel_loop3A_574 = arith.index_cast %parallel_loop3A_573 : i32 to index
        %parallel_loop3A_575 = arith.index_cast %parallel_loop3A_348 : i32 to index
        %parallel_loop3A_576 = tpu.vector_load %arg14[%parallel_loop3A_574, %parallel_loop3A_575] {strides = array<i32>} : memref<8x1024xi32, #tpu.memory_space<vmem>>, vector<1x16xi32>,
        %parallel_loop3A_577 = vector.shape_cast %parallel_loop3A_576 : vector<1x16xi32> to vector<16xi32>
        %parallel_loop3A_578 = arith.constant 6 : i32
        %parallel_loop3A_579 = arith.index_cast %parallel_loop3A_578 : i32 to index
        %parallel_loop3A_580 = arith.index_cast %parallel_loop3A_348 : i32 to index
        %parallel_loop3A_581 = tpu.vector_load %arg12[%parallel_loop3A_579, %parallel_loop3A_580] {strides = array<i32>} : memref<8x1024xf32, #tpu.memory_space<vmem>>, vector<1x16xf32>,
        %parallel_loop3A_582 = vector.shape_cast %parallel_loop3A_581 : vector<1x16xf32> to vector<16xf32>
        %parallel_loop3A_583 = arith.constant 6 : i32
        %parallel_loop3A_584 = arith.index_cast %parallel_loop3A_583 : i32 to index
        %parallel_loop3A_585 = arith.index_cast %parallel_loop3A_348 : i32 to index
        %parallel_loop3A_586 = tpu.vector_load %arg13[%parallel_loop3A_584, %parallel_loop3A_585] {strides = array<i32>} : memref<8x1024xf32, #tpu.memory_space<vmem>>, vector<1x16xf32>,
        %parallel_loop3A_587 = vector.shape_cast %parallel_loop3A_586 : vector<1x16xf32> to vector<16xf32>
        %parallel_loop3A_588 = arith.constant 0 : i32
        %parallel_loop3A_589 = vector.broadcast %parallel_loop3A_588 : i32 to vector<16xi32>
        %parallel_loop3A_590 = arith.cmpi eq, %parallel_loop3A_577, %parallel_loop3A_589 : vector<16xi32>
        %parallel_loop3A_591 = arith.select %parallel_loop3A_590, %parallel_loop3A_582, %parallel_loop3A_587 : vector<16xi1>, vector<16xf32>
        %parallel_loop3A_592 = arith.select %parallel_loop3A_590, %parallel_loop3A_352, %parallel_loop3A_356 : vector<16xi1>, vector<16xf32>
        %parallel_loop3A_593 = math.absf %parallel_loop3A_591 : vector<16xf32>
        %parallel_loop3A_594 = arith.constant 1.000000e+01 : f32
        %parallel_loop3A_595 = vector.broadcast %parallel_loop3A_594 : f32 to vector<16xf32>
        %parallel_loop3A_596 = arith.mulf %parallel_loop3A_595, %parallel_loop3A_593 : vector<16xf32>
        %parallel_loop3A_597 = arith.subf %parallel_loop3A_592, %parallel_loop3A_596 : vector<16xf32>
        %parallel_loop3A_598 = math.exp %parallel_loop3A_597 : vector<16xf32>
        %parallel_loop3A_599 = arith.constant 1.000000e+00 : f32
        %parallel_loop3A_600 = vector.broadcast %parallel_loop3A_599 : f32 to vector<16xf32>
        %parallel_loop3A_601 = arith.addf %parallel_loop3A_600, %parallel_loop3A_598 : vector<16xf32>
        %parallel_loop3A_602 = arith.divf %parallel_loop3A_591, %parallel_loop3A_601 : vector<16xf32>
        %parallel_loop3A_603 = arith.constant 6 : i32
        %parallel_loop3A_604 = arith.index_cast %parallel_loop3A_603 : i32 to index
        %parallel_loop3A_605 = arith.index_cast %parallel_loop3A_348 : i32 to index
        %parallel_loop3A_606 = tpu.vector_load %arg15[%parallel_loop3A_604, %parallel_loop3A_605] {strides = array<i32>} : memref<8x1024xf32, #tpu.memory_space<vmem>>, vector<1x16xf32>,
        %parallel_loop3A_607 = vector.shape_cast %parallel_loop3A_606 : vector<1x16xf32> to vector<16xf32>
        %parallel_loop3A_608 = vector.shape_cast %parallel_loop3A_602 : vector<16xf32> to vector<1x16xf32>
        tpu.vector_store %arg15[%parallel_loop3A_604, %parallel_loop3A_605], %parallel_loop3A_608 {strides = array<i32>} : memref<8x1024xf32, #tpu.memory_space<vmem>>, vector<1x16xf32>,
        %parallel_loop3A_609 = arith.constant 7 : i32
        %parallel_loop3A_610 = arith.index_cast %parallel_loop3A_609 : i32 to index
        %parallel_loop3A_611 = arith.index_cast %parallel_loop3A_348 : i32 to index
        %parallel_loop3A_612 = tpu.vector_load %arg14[%parallel_loop3A_610, %parallel_loop3A_611] {strides = array<i32>} : memref<8x1024xi32, #tpu.memory_space<vmem>>, vector<1x16xi32>,
        %parallel_loop3A_613 = vector.shape_cast %parallel_loop3A_612 : vector<1x16xi32> to vector<16xi32>
        %parallel_loop3A_614 = arith.constant 7 : i32
        %parallel_loop3A_615 = arith.index_cast %parallel_loop3A_614 : i32 to index
        %parallel_loop3A_616 = arith.index_cast %parallel_loop3A_348 : i32 to index
        %parallel_loop3A_617 = tpu.vector_load %arg12[%parallel_loop3A_615, %parallel_loop3A_616] {strides = array<i32>} : memref<8x1024xf32, #tpu.memory_space<vmem>>, vector<1x16xf32>,
        %parallel_loop3A_618 = vector.shape_cast %parallel_loop3A_617 : vector<1x16xf32> to vector<16xf32>
        %parallel_loop3A_619 = arith.constant 7 : i32
        %parallel_loop3A_620 = arith.index_cast %parallel_loop3A_619 : i32 to index
        %parallel_loop3A_621 = arith.index_cast %parallel_loop3A_348 : i32 to index
        %parallel_loop3A_622 = tpu.vector_load %arg13[%parallel_loop3A_620, %parallel_loop3A_621] {strides = array<i32>} : memref<8x1024xf32, #tpu.memory_space<vmem>>, vector<1x16xf32>,
        %parallel_loop3A_623 = vector.shape_cast %parallel_loop3A_622 : vector<1x16xf32> to vector<16xf32>
        %parallel_loop3A_624 = arith.constant 0 : i32
        %parallel_loop3A_625 = vector.broadcast %parallel_loop3A_624 : i32 to vector<16xi32>
        %parallel_loop3A_626 = arith.cmpi eq, %parallel_loop3A_613, %parallel_loop3A_625 : vector<16xi32>
        %parallel_loop3A_627 = arith.select %parallel_loop3A_626, %parallel_loop3A_618, %parallel_loop3A_623 : vector<16xi1>, vector<16xf32>
        %parallel_loop3A_628 = arith.select %parallel_loop3A_626, %parallel_loop3A_352, %parallel_loop3A_356 : vector<16xi1>, vector<16xf32>
        %parallel_loop3A_629 = math.absf %parallel_loop3A_627 : vector<16xf32>
        %parallel_loop3A_630 = arith.constant 1.000000e+01 : f32
        %parallel_loop3A_631 = vector.broadcast %parallel_loop3A_630 : f32 to vector<16xf32>
        %parallel_loop3A_632 = arith.mulf %parallel_loop3A_631, %parallel_loop3A_629 : vector<16xf32>
        %parallel_loop3A_633 = arith.subf %parallel_loop3A_628, %parallel_loop3A_632 : vector<16xf32>
        %parallel_loop3A_634 = math.exp %parallel_loop3A_633 : vector<16xf32>
        %parallel_loop3A_635 = arith.constant 1.000000e+00 : f32
        %parallel_loop3A_636 = vector.broadcast %parallel_loop3A_635 : f32 to vector<16xf32>
        %parallel_loop3A_637 = arith.addf %parallel_loop3A_636, %parallel_loop3A_634 : vector<16xf32>
        %parallel_loop3A_638 = arith.divf %parallel_loop3A_627, %parallel_loop3A_637 : vector<16xf32>
        %parallel_loop3A_639 = arith.constant 7 : i32
        %parallel_loop3A_640 = arith.index_cast %parallel_loop3A_639 : i32 to index
        %parallel_loop3A_641 = arith.index_cast %parallel_loop3A_348 : i32 to index
        %parallel_loop3A_642 = tpu.vector_load %arg15[%parallel_loop3A_640, %parallel_loop3A_641] {strides = array<i32>} : memref<8x1024xf32, #tpu.memory_space<vmem>>, vector<1x16xf32>,
        %parallel_loop3A_643 = vector.shape_cast %parallel_loop3A_642 : vector<1x16xf32> to vector<16xf32>
        %parallel_loop3A_644 = vector.shape_cast %parallel_loop3A_638 : vector<16xf32> to vector<1x16xf32>
        tpu.vector_store %arg15[%parallel_loop3A_640, %parallel_loop3A_641], %parallel_loop3A_644 {strides = array<i32>} : memref<8x1024xf32, #tpu.memory_space<vmem>>, vector<1x16xf32>,
      } {sc.loop_unroll_factor = 2 : i64, sc.parallel_access}
      %jit3A_299 = arith.constant 2 : i32
      %div3A_300 = arith.divsi %add3A_187, %jit3A_299 : i32
      %sign3A_301 = arith.constant 0 : i32
      %sign3A_302 = arith.cmpi sgt, %add3A_187, %sign3A_301 : i32
      %sign3A_303 = arith.extui %sign3A_302 : i1 to i32
      %sign3A_304 = arith.constant 0 : i32
      %sign3A_305 = arith.cmpi slt, %add3A_187, %sign3A_304 : i32
      %sign3A_306 = arith.extui %sign3A_305 : i1 to i32
      %sign3A_307 = arith.subi %sign3A_303, %sign3A_306 : i32
      %sign3A_308 = arith.constant 0 : i32
      %sign3A_309 = arith.cmpi sgt, %jit3A_299, %sign3A_308 : i32
      %sign3A_310 = arith.extui %sign3A_309 : i1 to i32
      %sign3A_311 = arith.constant 0 : i32
      %sign3A_312 = arith.cmpi slt, %jit3A_299, %sign3A_311 : i32
      %sign3A_313 = arith.extui %sign3A_312 : i1 to i32
      %sign3A_314 = arith.subi %sign3A_310, %sign3A_313 : i32
      %ne3A_315 = arith.cmpi ne, %sign3A_307, %sign3A_314 : i32
      %rem3A_316 = arith.remsi %add3A_187, %jit3A_299 : i32
      %ne3A_317 = arith.constant 0 : i32
      %ne3A_318 = arith.cmpi ne, %rem3A_316, %ne3A_317 : i32
      %and3A_319 = arith.andi %ne3A_315, %ne3A_318 : i1
      %sub3A_320 = arith.constant 1 : i32
      %sub3A_321 = arith.subi %div3A_300, %sub3A_320 : i32
      %select_n3A_322 = arith.select %and3A_319, %sub3A_321, %div3A_300 : i32
      %mul3A_323 = arith.constant 8 : i32
      %mul3A_324 = arith.muli %select_n3A_322, %mul3A_323 : i32
      %add3A_325 = arith.addi %mul3A_2, %mul3A_324 : i32
      %jit3A_326 = arith.constant 2 : i32
      %eq3A_327 = arith.constant 0 : i32
      %eq3A_328 = arith.cmpi eq, %jit3A_326, %eq3A_327 : i32
      %jit3A_329 = arith.constant 1 : i32
      %select_n3A_330 = arith.select %eq3A_328, %jit3A_329, %jit3A_326 : i32
      %rem3A_331 = arith.remsi %add3A_187, %select_n3A_330 : i32
      %ne3A_332 = arith.constant 0 : i32
      %ne3A_333 = arith.cmpi ne, %rem3A_331, %ne3A_332 : i32
      %lt3A_334 = arith.constant 0 : i32
      %lt3A_335 = arith.cmpi slt, %rem3A_331, %lt3A_334 : i32
      %lt3A_336 = arith.constant 0 : i32
      %lt3A_337 = arith.cmpi slt, %select_n3A_330, %lt3A_336 : i32
      %ne3A_338 = arith.xori %lt3A_335, %lt3A_337 : i1
      %and3A_339 = arith.andi %ne3A_338, %ne3A_333 : i1
      %add3A_340 = arith.addi %rem3A_331, %select_n3A_330 : i32
      %select_n3A_341 = arith.select %and3A_339, %add3A_340, %rem3A_331 : i32
      %mul3A_342 = arith.constant 1024 : i32
      %mul3A_343 = arith.muli %select_n3A_341, %mul3A_342 : i32
      %dma_start3A_344 = tpu.memref_slice %arg7[%add3A_325, %mul3A_343] : memref<8192x2048xf32, #tpu.memory_space<hbm>> -> memref<8x1024xf32, #tpu.memory_space<hbm>>
      %dma_start3A_345 = tpu.memref_slice %arg7[%add3A_325, %mul3A_343] : memref<8192x2048xf32, #tpu.memory_space<hbm>> -> memref<8x1024xf32, #tpu.memory_space<hbm>>
      tpu.enqueue_dma source(%arg15 : memref<8x1024xf32, #tpu.memory_space<vmem>>) target(%dma_start3A_345 : memref<8x1024xf32, #tpu.memory_space<hbm>>) target_semaphore(%arg21 : memref<!tpu.dma_semaphore, #tpu.memory_space<semaphore_mem>>)
    }
    %scan3A_22 = arith.constant 32 : i32
    %add3A_23 = arith.constant 248 : i32
    %add3A_24 = arith.addi %mul3A_2, %add3A_23 : i32
    %dma_wait3A = arith.constant 0 : i32
    %dma_wait3A_25 = tpu.memref_slice %arg7[%add3A_24, %dma_wait3A] : memref<8192x2048xf32, #tpu.memory_space<hbm>> -> memref<8x1024xf32, #tpu.memory_space<hbm>>
    %dma_wait3A_26 = arith.constant 0 : i32
    %dma_wait3A_27 = tpu.memref_slice %arg7[%add3A_24, %dma_wait3A_26] : memref<8192x2048xf32, #tpu.memory_space<hbm>> -> memref<8x1024xf32, #tpu.memory_space<hbm>>
    tpu.wait_dma2 semaphore(%arg20 : memref<!tpu.dma_semaphore, #tpu.memory_space<semaphore_mem>>) src(%arg11 : memref<8x1024xf32, #tpu.memory_space<vmem>>) dst(%dma_wait3A_27 : memref<8x1024xf32, #tpu.memory_space<hbm>>)
    %add3A_28 = arith.constant 248 : i32
    %add3A_29 = arith.addi %mul3A_2, %add3A_28 : i32
    %dma_wait3A_30 = arith.constant 1024 : i32
    %dma_wait3A_31 = tpu.memref_slice %arg7[%add3A_29, %dma_wait3A_30] : memref<8192x2048xf32, #tpu.memory_space<hbm>> -> memref<8x1024xf32, #tpu.memory_space<hbm>>
    %dma_wait3A_32 = arith.constant 1024 : i32
    %dma_wait3A_33 = tpu.memref_slice %arg7[%add3A_29, %dma_wait3A_32] : memref<8192x2048xf32, #tpu.memory_space<hbm>> -> memref<8x1024xf32, #tpu.memory_space<hbm>>
    tpu.wait_dma2 semaphore(%arg21 : memref<!tpu.dma_semaphore, #tpu.memory_space<semaphore_mem>>) src(%arg15 : memref<8x1024xf32, #tpu.memory_space<vmem>>) dst(%dma_wait3A_33 : memref<8x1024xf32, #tpu.memory_space<hbm>>)
    return
  }
}

</mosaic_0001>

<sc_bundles>
// kernel: kernel.3.cloned.1.call-start
scs
__scs_entry_jumppad:
0x0: {  	(pc) =	sbr.rel $0x88, $3  }
0x1: {  	(tag) =	ssettag $0x0;
	lr =	simm.s32 $0x1  }
0x2: {  	[smem:$0x3F9C] =	sst lr;
	_ =	strace $0xD0000000  }
0x3: {  	_ = 	snop  }
0x4: {  	_ = 	snop  }
0x5: {  	_ = 	snop  }
0x6: {  	_ = 	snop  }
0x7: {  	_ = 	snop  }
__scs_overlays_trampoline_lowered:
0x8: {  	[smem:$0x3FAB] =	sst s0  }
0x9: {  	[smem:$0x3FAC] =	sst s1  }
0xa: {  	[smem:$0x3FAD] =	sst s2  }
0xb: {  	[smem:$0x3FAE] =	sst s3  }
0xc: {  	[smem:$0x3FAF] =	sst s4  }
0xd: {  	[smem:$0x3FB0] =	sst s5  }
0xe: {  	[smem:$0x3FB1] =	sst s6  }
0xf: {  	[smem:$0x3FB2] =	sst s7  }
0x10: {  	[smem:$0x3FB3] =	sst s8  }
0x11: {  	[smem:$0x3FB4] =	sst s9;
	s0 =	simm.s32 @!p0 $0x0  }
0x12: {  	s1 =	sld [smem:$0x3F9A];
	s0 =	simm.s32 @p0 $0x1  }
0x13: {  	[smem:$0x3FB5] =	sst s0;
	s0 =	simm.s32 @!p1 $0x0  }
0x14: {  	s2 =	sld [smem:$0x3F99];
	s0 =	simm.s32 @p1 $0x1  }
0x15: {  	[smem:$0x3FB6] =	sst s0;
	s0 =	simm.s32 @!p2 $0x0  }
0x16: {  	s3 =	sld [smem:$0x3FDB];
	s0 =	simm.s32 @p2 $0x1  }
0x17: {  	s4 =	simm.s32 $0x1BF5;
	[smem:$0x3FB8] =	sst s0  }
0x18: {  	s0 =	sld [smem:$0x3F9B];
	_ =	swait.ge [sflag:s4], $0x0  }
0x19: {  	s7 =	sld [smem:$0x3F9C]  }
0x1a: {  	s8 =	sadd.s32 $0xFFFFE003, lr  }
0x1b: {  	s9 =	sadd.s32 $0xFFFFFEF7, lr;
	s5 =	simm.s32 $0xFFFFFFFF;
	p2 =	slt.u32 s8, $0xFFFFF086  }
0x1c: {  	p1 =	slt.u32 s9, $0xF7A;
	s5 =	simm.s32 @!p2 $0x0  }
0x1d: {  	s5 =	simm.s32 @p1 $0x1;
	p0 =	seq.s32 s7, s2  }
0x1e: {  	s7 =	smul.u32 @!p0 $0xF7A, s2;
	p2 =	seq.s32 @!p0 s5, $0x0  }
0x1f: {  	s9 =	smul.u32 $0xF7A, s1;
	s8 =	simm.s32 @!p0 $0x1BF5;
	p2 =	por !p2, p0  }
0x20: {  	[sflag:s8] =	ssyncset.s32 @!p0 $0xFFFFF086;
	s6 =	sadd.s32 @!p0 s3, s7;
	s7 =	simm.s32 @!p0 $0x108  }
0x21: {  	s3 =	sadd.s32 s3, s9;
	s6 =	sadd.s32 @!p0 $0x88, s6;
	s7 =	simm.s32 @p2 $0x1082  }
0x22: {  	[simem:s7], [sflag:s8] =	dma.local @!p0 [hbm:s6], $0xF7A  }
0x23: {  	s9 =	sor.u32 $0xD0000000, s2;
	s6 =	simm.s32 $0x108;
	_ =	swait.ge @!p0 [sflag:s8], $0x0  }
0x24: {  	s3 =	sadd.s32 $0x88, s3;
	s6 =	simm.s32 @!p1 $0x1082;
	[sflag:s4] =	ssyncset.s32 $0xFFFFF086  }
0x25: {  	[simem:s6], [sflag:s4] =	dma.local [hbm:s3], $0xF7A  }
0x26: {  	[smem:$0x3F9C] =	sst s1;
	(tag) =	ssettag s2;
	_ =	strace s9  }
0x27: {  	s1 =	sld [smem:$0x3FAC]  }
0x28: {  	s2 =	sld [smem:$0x3FAD]  }
0x29: {  	s4 =	sld [smem:$0x3FAF]  }
0x2a: {  	p0 =	seq.s32 s5, $0x0;
	s5 =	sld [smem:$0x3FB0]  }
0x2b: {  	s6 =	sld [smem:$0x3FB1]  }
0x2c: {  	s7 =	sld [smem:$0x3FB2]  }
0x2d: {  	s3 =	simm.s32 $0x108;
	s8 =	sld [smem:$0x3FB3]  }
0x2e: {  	s3 =	simm.s32 @!p0 $0x1082;
	s9 =	sld [smem:$0x3FB4]  }
0x2f: {  	lr =	sadd.s32 s0, s3;
	s0 =	sld [smem:$0x3FAB]  }
0x30: {  	s3 =	sld [smem:$0x3FAE]  }
0x31: {  	[smem:$0x3FB7] =	sst s10  }
0x32: {  	s10 =	sld [smem:$0x3FB5];
	_ =	sdelay $0x3  }
0x33: {  	p0 =	seq.s32 s10, $0x1;
	s10 =	sld [smem:$0x3FB7];
	_ =	sdelay $0x3  }
0x34: {  	[smem:$0x3FB7] =	sst s10  }
0x35: {  	s10 =	sld [smem:$0x3FB6];
	_ =	sdelay $0x3  }
0x36: {  	p1 =	seq.s32 s10, $0x1;
	s10 =	sld [smem:$0x3FB7];
	_ =	sdelay $0x3  }
0x37: {  	[smem:$0x3FB7] =	sst s10  }
0x38: {  	s10 =	sld [smem:$0x3FB8]  }
0x39: {  	_ = 	snop;
	(pc) =	sbr.ind lr, $3  }
0x3a: {  	_ = 	snop  }
0x3b: {  	_ = 	snop  }
0x3c: {  	p2 =	seq.s32 s10, $0x1;
	s10 =	sld [smem:$0x3FB7]  }
0x3d: {  	_ =	shalt  }
0x3e: {  	_ =	shalt  }
0x3f: {  	_ =	shalt  }
0x40: {  	_ =	shalt  }
0x41: {  	_ =	shalt  }
0x42: {  	_ =	shalt  }
0x43: {  	_ =	shalt  }
0x44: {  	_ =	shalt  }
0x45: {  	_ =	shalt  }
0x46: {  	_ =	shalt  }
0x47: {  	_ =	shalt  }
0x48: {  	_ =	shalt  }
0x49: {  	_ =	shalt  }
0x4a: {  	_ =	shalt  }
0x4b: {  	_ =	shalt  }
0x4c: {  	_ =	shalt  }
0x4d: {  	_ =	shalt  }
0x4e: {  	_ =	shalt  }
0x4f: {  	_ =	shalt  }
0x50: {  	_ =	shalt  }
0x51: {  	_ =	shalt  }
0x52: {  	_ =	shalt  }
0x53: {  	_ =	shalt  }
0x54: {  	_ =	shalt  }
0x55: {  	_ =	shalt  }
0x56: {  	_ =	shalt  }
0x57: {  	_ =	shalt  }
0x58: {  	_ =	shalt  }
0x59: {  	_ =	shalt  }
0x5a: {  	_ =	shalt  }
0x5b: {  	_ =	shalt  }
0x5c: {  	_ =	shalt  }
0x5d: {  	_ =	shalt  }
0x5e: {  	_ =	shalt  }
0x5f: {  	_ =	shalt  }
0x60: {  	_ =	shalt  }
0x61: {  	_ =	shalt  }
0x62: {  	_ =	shalt  }
0x63: {  	_ =	shalt  }
0x64: {  	_ =	shalt  }
0x65: {  	_ =	shalt  }
0x66: {  	_ =	shalt  }
0x67: {  	_ =	shalt  }
0x68: {  	_ =	shalt  }
0x69: {  	_ =	shalt  }
0x6a: {  	_ =	shalt  }
0x6b: {  	_ =	shalt  }
0x6c: {  	_ =	shalt  }
0x6d: {  	_ =	shalt  }
0x6e: {  	_ =	shalt  }
0x6f: {  	_ =	shalt  }
0x70: {  	_ =	shalt  }
0x71: {  	_ =	shalt  }
0x72: {  	_ =	shalt  }
0x73: {  	_ =	shalt  }
0x74: {  	_ =	shalt  }
0x75: {  	_ =	shalt  }
0x76: {  	_ =	shalt  }
0x77: {  	_ =	shalt  }
0x78: {  	_ =	shalt  }
0x79: {  	_ =	shalt  }
0x7a: {  	_ =	shalt  }
0x7b: {  	_ =	shalt  }
0x7c: {  	_ =	shalt  }
0x7d: {  	_ =	shalt  }
0x7e: {  	_ =	shalt  }
0x7f: {  	_ =	shalt  }
0x80: {  	_ =	shalt  }
0x81: {  	_ =	shalt  }
0x82: {  	_ =	shalt  }
0x83: {  	_ =	shalt  }
0x84: {  	_ =	shalt  }
0x85: {  	_ =	shalt  }
0x86: {  	_ =	shalt  }
0x87: {  	_ =	shalt  }
.Lfunc_end0:
.L_simem_size_0:
called_computation.1_lowered:
.L_overlay_start_0:
0x88: {  	s2 =	sld [smem:$0x3FD9]  }
0x89: {  	s3 =	sld [smem:$0x3FFE];
	_ =	sdelay $0x1  }
0x8a: {  	s1 =	srdreg.scid  }
0x8b: {  	s0 =	sand.u32 $0x1, s1  }
0x8c: {  	s17 =	sshll.u32 s0, $0xA;
	s2 =	sadd.s32 s3, s2  }
0x8d: {  	s2 =	sadd.s32 s2, s17  }
0x8e: {  	[smem:$0x3FC3] =	sst s2  }
0x8f: {  	_ = 	snop  }
0x90: {  	s2 =	sld [smem:$0x3FC9]  }
0x91: {  	s18 =	sld [smem:$0x3FC8]  }
0x92: {  	s4 =	sld [smem:$0x3FC7]  }
0x93: {  	s5 =	sld [smem:$0x3FC6]  }
0x94: {  	s6 =	sld [smem:$0x3FD0];
	(tm) =	ssettm $0x1  }
0x95: {  	s7 =	sld [smem:$0x3FFB];
	_ =	sdelay $0x3  }
0x96: {  	_ =	strace s7  }
0x97: {  	s7 =	sld [smem:$0x3FFC];
	_ =	sdelay $0x3  }
0x98: {  	_ =	strace s7  }
0x99: {  	s7 =	sld [smem:$0x3FFD];
	_ =	sdelay $0x3  }
0x9a: {  	_ =	strace s7  }
0x9b: {  	_ =	strace $0x8FFFFFFF  }
0x9c: {  	s19 =	sld [smem:$0x3FDB];
	_ =	sdelay $0x1  }
0x9d: {  	s8 =	simm.s32 $_scs_section_size  }
0x9e: {  	s9 =	simm.s32 $_size__tile_overlayer_lowered;
	s10 =	simm.s32 $_tile_overlayer_lowered  }
0x9f: {  	s22 =	simm.s32 $0x1BFF;
	s21 =	sshll.u32 s10, $0x1;
	s7 =	sadd.s32 s8, s19  }
0xa0: {  	s11 =	simm.s32 $0x0;
	s20 =	sshll.u32 s9, $0x1;
	s9 =	sadd.s32 s21, s7  }
0xa1: {  	[timem:s11], [sflag:s22] =	dma.local [hbm:s9], s20  }
0xa2: {  	_ =	swait.ge [sflag:s22], s20  }
0xa3: {  	s8 =	ssub.s32 $0x0, s20;
	[sflag:s22] =	ssyncset.done $0x0  }
0xa4: {  	[sflag:s22] =	ssyncadd.s32 s8;
	_ =	sdelay $0x1  }
0xa5: {  	s23 =	simm.s32 $0x1B8B  }
0xa6: {  	_ =	swait.ge [sflag:s23], $0x1  }
0xa7: {  	[sflag:s23] =	ssyncset.done $0x0  }
0xa8: {  	s25 =	simm.s32 $0x1B8E;
	s24 =	sld [smem:$0x3FFE];
	[sflag:s23] =	ssyncadd.s32 $0xFFFFFFFF  }
0xa9: {  	s26 =	simm.s32 $execute0_lowered;
	[smem:$0x3FD2] =	sst s25  }
0xaa: {  	s9 =	sshll.u32 s26, $0x1;
	_ =	strace $0x80000049;
	[dreg:$0x1] =	wrdreg $0xFFFFFFFF  }
0xab: {  	s28 =	simm.s32 $_size_execute0_lowered;
	s7 =	sadd.s32 s7, s9;
	[dreg:$0x0] =	wrdreg $0x0  }
0xac: {  	s9 =	sshll.u32 s28, $0x1;
	[dreg:$0x2] =	wrdreg s7  }
0xad: {  	[dreg:$0x3] =	wrdreg s9  }
0xae: {  	[dreg:$0x4] =	wrdreg $0xC0  }
0xaf: {  	_ =	task [dreg:s11], $0x5FFFF  }
0xb0: {  	[dreg:$0x1] =	wrdreg $0xFFFFFFFF  }
0xb1: {  	[dreg:$0x0] =	wrdreg $0x60  }
0xb2: {  	[dreg:$0x2] =	wrdreg s2  }
0xb3: {  	[dreg:$0x3] =	wrdreg s18  }
0xb4: {  	[dreg:$0x4] =	wrdreg s4  }
0xb5: {  	[dreg:$0x5] =	wrdreg s5  }
0xb6: {  	[dreg:$0x6] =	wrdreg s24  }
0xb7: {  	[dreg:$0x7] =	wrdreg s6  }
0xb8: {  	[dreg:$0x8] =	wrdreg $0x9  }
0xb9: {  	_ =	task.clear_ibuf [dreg:s11], $0x9FFFF;
	_ =	strace $0x90000049  }
0xba: {  	s29 =	simm.s32 $0x9;
	_ =	strace $0x8000004B  }
0xbb: {  	_ =	swait.ge [sflag:s29], $0x1  }
0xbc: {  	[sflag:s29] =	ssyncadd.s32 $0xFFFFFFFF  }
0xbd: {  	_ =	strace $0x9000004B  }
0xbe: {  	_ =	sfence  }
0xbf: {  	s30 =	sld [smem:$0x0];
	_ =	sdelay $0x2  }
0xc0: {  	s31 =	sshll.u32 s1, $0xD;
	s1 =	sshrl.u32 s1, $0x2  }
0xc1: {  	s3 =	sand.u32 $0x4000, s31;
	s1 =	sadd.s32 s1, s30  }
0xc2: {  	s0 =	sor.u32 s3, s0;
	s1 =	sshll.u32 s1, $0x11  }
0xc3: {  	s0 =	sor.u32 s1, s0  }
0xc4: {  	s0 =	sadd.s32 $0x8F2B, s0  }
0xc5: {  	[sflag:s0] =	ssyncadd.remote.s32 $0x1  }
0xc6: {  	_ =	sfence.sel $0xFFFF  }
0xc7: {  	[dreg:$0x0] =	wrdreg $0xFFFFFFFF;
	(pc) =	sbr.abs _section_cstart, $3  }
0xc8: {  	[dreg:$0x1] =	wrdreg $0xFFFFFFFF  }
0xc9: {  	_ =	task.clear_ibuf [dreg:s11], $0x2FFFF;
	_ =	strace $0x9FFFFFFF  }
0xca: {  	(tm) =	ssettm $0x7FFFFFFF  }
0xcb: {  	_ =	shalt  }
tec
execute0_lowered:
.L_overlay_start_1:
0x0: {  	(tag) =	ssettag $0x1  }
0x1: {  	s25 =	rddreg [dreg:$0x0]  }
0x2: {  	s29 =	rddreg [dreg:$0x1]  }
0x3: {  	s0 =	rddreg [dreg:$0x4];
	s5 =	simm.s32 $0x0;
	s1 =	srdreg.scid  }
0x4: {  	s3 =	stileid.u32;
	[smem:$0x7FF] =	sst s5;
	s1 =	sand.u32 $0x1, s1  }
0x5: {  	s3 =	sshll.u32 s3, $0x9;
	s2 =	ssub.s32 $0x2, s1;
	s1 =	sshll.u32 s1, $0x8  }
0x6: {  	s23 =	sadd.s32 $0x800, s0;
	_ =	strace $0x8000004A;
	s1 =	sor.u32 s1, s3  }
0x7: {  	[dreg:$0x7] =	wrdreg s23;
	s26 =	sshll.u32 s1, $0x8;
	s1 =	sshrl.u32 s1, $0x3  }
0x8: {  	s28 =	sadd.s32 s25, s26;
	[dreg:$0xb] =	wrdreg s1  }
0x9: {  	s30 =	sadd.s32 s29, s26;
	[dreg:$0x8] =	wrdreg s28  }
0xa: {  	s4 =	sshrl.u32 s2, $0x1;
	s3 =	sadd.s32 s23, s26;
	[dreg:$0x9] =	wrdreg s30  }
0xb: {  	s24 =	ssub.s32 s2, s4;
	s31 =	sor.u32 $0x800, s26;
	[dreg:$0xa] =	wrdreg s3  }
0xc: {  	s0 =	smax.u32 s24, $0x1;
	[dreg:$0xc] =	wrdreg s31  }
0xd: {  	s2 =	simm.s32 $0x0;
	[dreg:$0xd] =	wrdreg s0  }
.LBB2_1:
0xe: {  	[dreg:$0xe] =	wrdreg s2  }
0xf: {  	s0 =	rddreg [dreg:$0x2];
	s1 =	simm.s32 $0x10000;
	s26 =	simm.s32 $0x5  }
0x10: {  	[tilespmem:s1], [sflag:$0x5] =	stream.linear.gather [hbm4b:s0+s5], $0x800, $0x38;
	[tilespmem:$0x11000] =	vst v63  }
0x11: {  	_ =	swait.ge [sflag:s26], $0x800  }
0x12: {  	[sflag:s26] =	ssyncset.done $0x0  }
0x13: {  	[sflag:s26] =	ssyncadd.s32 $0xFFFFF800  }
0x14: {  	s30 =	simm.s32 $0x10800;
	s28 =	rddreg [dreg:$0x3]  }
0x15: {  	[tilespmem:s30], [sflag:$0x5] =	stream.linear.gather [hbm4b:s28+s5], $0x800, $0x38;
	[tilespmem:$0x11000] =	vst v63  }
0x16: {  	_ =	swait.ge [sflag:s26], $0x800  }
0x17: {  	[sflag:s26] =	ssyncset.done $0x0  }
0x18: {  	s31 =	simm.s32 $0x10040;
	[sflag:s26] =	ssyncadd.s32 $0xFFFFF800  }
0x19: {  	v0 =	vld [tilespmem:s31+$0x30]  }
0x1a: {  	v1 =	vld [tilespmem:s31+$0xFFFFFFD0]  }
0x1b: {  	v2 =	vld [tilespmem:s31+$0xFFFFFFE0]  }
0x1c: {  	v3 =	vld [tilespmem:s31+$0xFFFFFFF0]  }
0x1d: {  	v4 =	vld [tilespmem:s31+$0x0]  }
0x1e: {  	v5 =	vld [tilespmem:s31+$0x10];
	v0 =	vmul.f32 $1.000000000e+01, v0  }
0x1f: {  	v6 =	vld [tilespmem:s31+$0x20];
	v1 =	vmul.f32 $1.000000000e+01, v1  }
0x20: {  	s0 =	simm.s32 $0x10840;
	v7 =	vld [tilespmem:s31+$0xFFFFFFC0];
	v2 =	vmul.f32 $1.000000000e+01, v2;
	[tilespmem:s31+$0x30] =	vst v0  }
0x21: {  	[tilespmem:s31+$0xFFFFFFD0] =	vst v1;
	v0 =	vmul.f32 $1.000000000e+01, v3;
	v3 =	vld [tilespmem:s0+$0x30]  }
0x22: {  	[tilespmem:s31+$0xFFFFFFE0] =	vst v2;
	v1 =	vmul.f32 $1.000000000e+01, v4;
	v8 =	vld [tilespmem:s0+$0xFFFFFFD0]  }
0x23: {  	v4 =	vmul.f32 $1.000000000e+01, v5;
	v9 =	vld [tilespmem:s0+$0xFFFFFFE0];
	[tilespmem:s31+$0xFFFFFFF0] =	vst v0  }
0x24: {  	v5 =	vmul.f32 $1.000000000e+01, v6;
	[tilespmem:s31+$0x0] =	vst v1;
	v0 =	vld [tilespmem:s0+$0xFFFFFFF0]  }
0x25: {  	v6 =	vmul.f32 $1.000000000e+01, v7;
	[tilespmem:s31+$0x10] =	vst v4;
	v2 =	vld [tilespmem:s0+$0x0]  }
0x26: {  	[tilespmem:s31+$0x20] =	vst v5;
	v1 =	vld [tilespmem:s0+$0x10];
	v7 =	vmul.f32 $1.000000000e+01, v3  }
0x27: {  	[tilespmem:s31+$0xFFFFFFC0] =	vst v6;
	v3 =	vld [tilespmem:s0+$0x20];
	v6 =	vmul.f32 $1.000000000e+01, v8  }
0x28: {  	s2 =	simm.s32 $0x100C0;
	s1 =	simm.s32 $0x0;
	v4 =	vld [tilespmem:s0+$0xFFFFFFC0];
	v5 =	vmul.f32 $1.000000000e+01, v9;
	[tilespmem:s0+$0x30] =	vst v7  }
.LBB2_2:
0x29: {  	v7 =	vld [tilespmem:s2+$0x30];
	s1 =	sadd.s32 $0x80, s1;
	[tilespmem:s0+$0xFFFFFFD0] =	vst v6;
	v0 =	vmul.f32 $1.000000000e+01, v0  }
0x2a: {  	v6 =	vld [tilespmem:s2+$0xFFFFFFD0];
	p0 =	slt.u32 s1, $0x780;
	[tilespmem:s0+$0xFFFFFFE0] =	vst v5;
	v2 =	vmul.f32 $1.000000000e+01, v2  }
0x2b: {  	v5 =	vld [tilespmem:s2+$0xFFFFFFE0];
	[tilespmem:s0+$0xFFFFFFF0] =	vst v0;
	v0 =	vmul.f32 $1.000000000e+01, v1  }
0x2c: {  	v1 =	vld [tilespmem:s2+$0xFFFFFFF0];
	[tilespmem:s0+$0x0] =	vst v2;
	v2 =	vmul.f32 $1.000000000e+01, v3  }
0x2d: {  	v3 =	vld [tilespmem:s2+$0x0];
	v4 =	vmul.f32 $1.000000000e+01, v4;
	[tilespmem:s0+$0x10] =	vst v0  }
0x2e: {  	v0 =	vld [tilespmem:s2+$0x10];
	v7 =	vmul.f32 $1.000000000e+01, v7;
	[tilespmem:s0+$0x20] =	vst v2  }
0x2f: {  	v2 =	vmul.f32 $1.000000000e+01, v6;
	v6 =	vld [tilespmem:s2+$0x20];
	[tilespmem:s0+$0xFFFFFFC0] =	vst v4  }
0x30: {  	s0 =	sadd.s32 $0x80, s0;
	v4 =	vld [tilespmem:s2+$0xFFFFFFC0];
	v5 =	vmul.f32 $1.000000000e+01, v5;
	[tilespmem:s2+$0x30] =	vst v7  }
0x31: {  	[tilespmem:s2+$0xFFFFFFD0] =	vst v2;
	v1 =	vmul.f32 $1.000000000e+01, v1;
	v7 =	vld [tilespmem:s0+$0x30]  }
0x32: {  	v8 =	vld [tilespmem:s0+$0xFFFFFFD0];
	[tilespmem:s2+$0xFFFFFFE0] =	vst v5;
	v2 =	vmul.f32 $1.000000000e+01, v3  }
0x33: {  	v5 =	vld [tilespmem:s0+$0xFFFFFFE0];
	[tilespmem:s2+$0xFFFFFFF0] =	vst v1;
	v1 =	vmul.f32 $1.000000000e+01, v0  }
.Ltmp0:
0x34: {  	v0 =	vld [tilespmem:s0+$0xFFFFFFF0];
	[tilespmem:s2+$0x0] =	vst v2;
	v3 =	vmul.f32 $1.000000000e+01, v6;
	(pc) =	sbr.rel @p0 .LBB2_2-.Ltmp0, $4  }
0x35: {  	v4 =	vmul.f32 $1.000000000e+01, v4;
	v2 =	vld [tilespmem:s0+$0x0];
	[tilespmem:s2+$0x10] =	vst v1  }
0x36: {  	v1 =	vld [tilespmem:s0+$0x10];
	[tilespmem:s2+$0x20] =	vst v3;
	v7 =	vmul.f32 $1.000000000e+01, v7  }
0x37: {  	[tilespmem:s2+$0xFFFFFFC0] =	vst v4;
	v6 =	vmul.f32 $1.000000000e+01, v8;
	v3 =	vld [tilespmem:s0+$0x20]  }
0x38: {  	s2 =	sadd.s32 $0x80, s2;
	v4 =	vld [tilespmem:s0+$0xFFFFFFC0];
	v5 =	vmul.f32 $1.000000000e+01, v5;
	[tilespmem:s0+$0x30] =	vst v7  }
0x39: {  	[tilespmem:s0+$0xFFFFFFD0] =	vst v6;
	v0 =	vmul.f32 $1.000000000e+01, v0  }
0x3a: {  	[tilespmem:s0+$0xFFFFFFE0] =	vst v5;
	v2 =	vmul.f32 $1.000000000e+01, v2  }
0x3b: {  	[tilespmem:s0+$0xFFFFFFF0] =	vst v0;
	v61 =	vmul.f32 $1.000000000e+01, v1  }
0x3c: {  	[tilespmem:s0+$0x0] =	vst v2;
	v62 =	vmul.f32 $1.000000000e+01, v3  }
0x3d: {  	v63 =	vmul.f32 $1.000000000e+01, v4;
	[tilespmem:s0+$0x10] =	vst v61  }
0x3e: {  	[tilespmem:s0+$0x20] =	vst v62  }
0x3f: {  	[tilespmem:s0+$0xFFFFFFC0] =	vst v63  }
0x40: {  	s2 =	simm.s32 $0x0;
	s0 =	rddreg [dreg:$0x8]  }
0x41: {  	[tilespmem:s2], [sflag:$0x1] =	stream.linear.gather [hbm4b:s0+s2], $0x2000, $0x38;
	[tilespmem:$0x11000] =	vst v63  }
0x42: {  	s1 =	simm.s32 $0x2000;
	s28 =	rddreg [dreg:$0x9]  }
0x43: {  	[tilespmem:s1], [sflag:$0x1] =	stream.linear.gather [hbm4b:s28+s2], $0x2000, $0x38;
	[tilespmem:$0x11000] =	vst v63  }
0x44: {  	s31 =	simm.s32 $0x4000;
	s30 =	rddreg [dreg:$0xa];
	s0 =	simm.s32 $0x0  }
0x45: {  	[tilespmem:s31], [sflag:$0x1] =	stream.linear.gather [hbm4b:s30+s2], $0x2000, $0x38;
	[tilespmem:$0x11000] =	vst v63  }
.LBB2_4:
0x46: {  	s2 =	simm.s32 $0x1  }
0x47: {  	_ =	swait.ge [sflag:s2], $0x2000  }
0x48: {  	[sflag:s2] =	ssyncset.done $0x0  }
0x49: {  	[sflag:s2] =	ssyncadd.s32 $0xFFFFE000  }
0x4a: {  	_ =	swait.ge [sflag:s2], $0x2000  }
0x4b: {  	[sflag:s2] =	ssyncset.done $0x0;
	s1 =	rddreg [dreg:$0xb]  }
0x4c: {  	[sflag:s2] =	ssyncadd.s32 $0xFFFFE000;
	s1 =	sadd.s32 s1, s0  }
0x4d: {  	_ =	swait.ge [sflag:s2], $0x2000;
	s1 =	sshll.u32 s1, $0xB  }
0x4e: {  	s20 =	simm.s32 $0x8000;
	[sflag:s2] =	ssyncset.done $0x0;
	s3 =	sor.u32 $0x400, s1  }
0x4f: {  	[dreg:$0x10] =	wrdreg s1;
	[sflag:s2] =	ssyncadd.s32 $0xFFFFE000;
	s1 =	sadd.s32 s25, s3  }
0x50: {  	[tilespmem:s20], [sflag:$0x2] =	stream.linear.gather [hbm4b:s1+s5], $0x2000, $0x38;
	[tilespmem:$0x11000] =	vst v63  }
0x51: {  	s22 =	simm.s32 $0xA000;
	s23 =	rddreg [dreg:$0x7];
	s21 =	sadd.s32 s29, s3  }
0x52: {  	[tilespmem:s22], [sflag:$0x2] =	stream.linear.gather [hbm4b:s21+s5], $0x2000, $0x38;
	[tilespmem:$0x11000] =	vst v63  }
0x53: {  	s24 =	simm.s32 $0xC000;
	p0 =	seq.s32 s0, $0x0;
	s1 =	sadd.s32 s23, s3  }
0x54: {  	[tilespmem:s24], [sflag:$0x2] =	stream.linear.gather [hbm4b:s1+s5], $0x2000, $0x38;
	[tilespmem:$0x11000] =	vst v63  }
0x55: {  	[dreg:$0xf] =	wrdreg s3;
	s1 =	simm.s32 @!p0 $0x3  }
0x56: {  	_ =	swait.ge @!p0 [sflag:s1], $0x2000  }
0x57: {  	s26 =	simm.s32 $0x10;
	[sflag:s1] =	ssyncset.done @!p0 $0x0  }
0x58: {  	s25 =	simm.s32 $0x10010;
	s3 =	simm.s32 $0x0;
	[sflag:s1] =	ssyncadd.s32 @!p0 $0xFFFFE000  }
0x59: {  	s4 =	simm.s32 $0x10810;
	s7 =	sand.u32 $0x70, s26;
	s29 =	sand.u32 $0x1C00, s3;
	v9 =	vld [tilespmem:s25+$0x0]  }
0x5a: {  	s9 =	sor.u32 s29, s7;
	v13 =	vld [tilespmem:s4+$0x0]  }
0x5b: {  	v0 =	vld [tilespmem:s9+$0x0]  }
0x5c: {  	v1 =	vld [tilespmem:s9+$0x2000]  }
0x5d: {  	v2 =	vld [tilespmem:s9+$0x80]  }
0x5e: {  	v3 =	vld [tilespmem:s9+$0x2080]  }
0x5f: {  	v4 =	vld [tilespmem:s9+$0x100]  }
0x60: {  	v8 =	vld [tilespmem:s9+$0x4000]  }
0x61: {  	v10 =	vld [tilespmem:s9+$0x4080]  }
0x62: {  	v11 =	vld [tilespmem:s9+$0x4100]  }
0x63: {  	v12 =	vld [tilespmem:s9+$0x4180]  }
0x64: {  	v14 =	vld [tilespmem:s9+$0x4200]  }
0x65: {  	v15 =	vld [tilespmem:s9+$0x4280]  }
0x66: {  	v5 =	vld [tilespmem:s9+$0x2100]  }
0x67: {  	v6 =	vld [tilespmem:s9+$0x180]  }
0x68: {  	v7 =	vld [tilespmem:s9+$0x2180];
	vm0 =	veq.s32 v8, $0x0  }
0x69: {  	v16 =	vld [tilespmem:s9+$0x200];
	vm1 =	veq.s32 v10, $0x0;
	vm2 =	veq.s32 v11, $0x0;
	vm3 =	veq.s32 v12, $0x0  }
0x6a: {  	v17 =	vld [tilespmem:s9+$0x2200];
	vm4 =	veq.s32 v14, $0x0;
	vm5 =	veq.s32 v15, $0x0;
	v11 =	vsel vm0, v9, v13  }
0x6b: {  	v8 =	vld [tilespmem:s9+$0x280];
	v12 =	vsel vm1, v9, v13;
	v14 =	vsel vm2, v9, v13;
	v0 =	vsel vm0, v0, v1  }
0x6c: {  	v10 =	vld [tilespmem:s9+$0x2280];
	v1 =	vsel vm1, v2, v3;
	v4 =	vsel vm2, v4, v5;
	v3 =	vand.u32 $0x7FFFFFFF, v0  }
0x6d: {  	v5 =	vsel vm3, v6, v7;
	v6 =	vand.u32 $0x7FFFFFFF, v1;
	v3 =	vmul.f32 $1.000000000e+01, v3  }
0x6e: {  	v15 =	vsel vm3, v9, v13;
	v18 =	vsel vm4, v9, v13;
	v6 =	vmul.f32 $1.000000000e+01, v6  }
0x6f: {  	v16 =	vsel vm4, v16, v17;
	v7 =	vand.u32 $0x7FFFFFFF, v4;
	v3 =	vsub.f32 v11, v3  }
0x70: {  	v17 =	vand.u32 $0x7FFFFFFF, v16;
	v7 =	vmul.f32 $1.000000000e+01, v7;
	v6 =	vsub.f32 v12, v6  }
0x71: {  	v8 =	vsel vm5, v8, v10;
	v10 =	vand.u32 $0x7FFFFFFF, v5;
	v3 =	vmul.f32 $1.442695020e+00, v3  }
0x72: {  	s31 =	sand.u32 $0x60, s3;
	v7 =	vsub.f32 v14, v7;
	v10 =	vmul.f32 $1.000000000e+01, v10;
	v6 =	vmul.f32 $1.442695020e+00, v6  }
0x73: {  	s1 =	sor.u32 s31, s29;
	v12 =	vmul.f32 $1.000000000e+01, v17;
	v11 =	vand.u32 $0x7FFFFFFF, v8;
	(erf) = vpow2.f32 v3  }
0x74: {  	v19 =	vld [tilespmem:s1+$0x100];
	v11 =	vmul.f32 $1.000000000e+01, v11;
	v10 =	vsub.f32 v15, v10;
	(erf) = vpow2.f32 v6  }
0x75: {  	v21 =	vld [tilespmem:s1+$0x2100];
	v2 =	vsel vm5, v9, v13;
	v7 =	vmul.f32 $1.442695020e+00, v7;
	v12 =	vsub.f32 v18, v12  }
0x76: {  	v23 =	vld [tilespmem:s1+$0x180];
	v2 =	vsub.f32 v2, v11;
	v10 =	vmul.f32 $1.442695020e+00, v10  }
0x77: {  	v24 =	vld [tilespmem:s1+$0x200];
	v11 =	vmul.f32 $1.442695020e+00, v12;
	(erf) = vpow2.f32 v7  }
0x78: {  	v14 =	vld [tilespmem:s1+$0x4000];
	v2 =	vmul.f32 $1.442695020e+00, v2;
	(erf) = vpow2.f32 v10  }
0x79: {  	v17 =	vld [tilespmem:s1+$0x2080];
	(erf) = vpow2.f32 v11  }
0x7a: {  	v15 =	vld [tilespmem:s1+$0x80];
	(erf) = vpow2.f32 v2  }
0x7b: {  	v3 =	vld [tilespmem:s1+$0x4080]  }
0x7c: {  	v12 =	vld [tilespmem:s1+$0x2000];
	v18 =	vpop (erf)  }
0x7d: {  	v6 =	vld [tilespmem:s1+$0x4100];
	v18 =	vadd.f32 $1.000000000e+00, v18;
	v20 =	vpop (erf)  }
0x7e: {  	v7 =	vld [tilespmem:s1+$0x4180];
	v20 =	vadd.f32 $1.000000000e+00, v20  }
0x7f: {  	v10 =	vld [tilespmem:s1+$0x4200]  }
0x80: {  	vm14 =	veq.s32 v14, $0x0;
	v14 =	vld [tilespmem:s1+$0x2180];
	v22 =	vpop (erf)  }
0x81: {  	v2 =	vld [tilespmem:s1+$0x0];
	vm15 =	veq.s32 v3, $0x0;
	v22 =	vadd.f32 $1.000000000e+00, v22;
	(erf) = vrcp.f32 v18;
	v18 =	vpop (erf)  }
0x82: {  	v11 =	vld [tilespmem:s1+$0x4280];
	vm8 =	veq.s32 v6, $0x0;
	(erf) = vrcp.f32 v20;
	v18 =	vadd.f32 $1.000000000e+00, v18;
	v20 =	vpop (erf)  }
0x83: {  	vm9 =	veq.s32 v7, $0x0;
	v7 =	vld [tilespmem:s4+$0xFFFFFFF0];
	(erf) = vrcp.f32 v22;
	v3 =	vadd.f32 $1.000000000e+00, v20;
	v20 =	vpop (erf)  }
0x84: {  	vm10 =	veq.s32 v10, $0x0;
	v10 =	vld [tilespmem:s1+$0x280];
	v6 =	vadd.f32 $1.000000000e+00, v20;
	(erf) = vrcp.f32 v18  }
0x85: {  	v22 =	vld [tilespmem:s1+$0x2200];
	(erf) = vrcp.f32 v3  }
0x86: {  	v2 =	vsel vm14, v2, v12;
	v18 =	vld [tilespmem:s1+$0x2280];
	(erf) = vrcp.f32 v6  }
0x87: {  	vm11 =	veq.s32 v11, $0x0;
	v11 =	vsel vm15, v15, v17;
	v15 =	vand.u32 $0x7FFFFFFF, v2;
	v6 =	vld [tilespmem:s25+$0xFFFFFFF0]  }
0x88: {  	v12 =	vsel vm9, v23, v14;
	v17 =	vand.u32 $0x7FFFFFFF, v11;
	v15 =	vmul.f32 $1.000000000e+01, v15  }
0x89: {  	v20 =	vand.u32 $0x7FFFFFFF, v12;
	v3 =	vsel vm8, v19, v21;
	v21 =	vmul.f32 $1.000000000e+01, v17  }
0x8a: {  	v20 =	vmul.f32 $1.000000000e+01, v20;
	v19 =	vand.u32 $0x7FFFFFFF, v3;
	v14 =	vsel vm10, v24, v22;
	v23 =	vpop (erf)  }
0x8b: {  	v19 =	vmul.f32 $1.000000000e+01, v19;
	v17 =	vsel vm11, v10, v18;
	v0 =	vmul.f32 v23, v0;
	v10 =	vpop (erf)  }
0x8c: {  	v22 =	vand.u32 $0x7FFFFFFF, v14;
	v1 =	vmul.f32 v10, v1;
	v10 =	vpop (erf);
	v23 =	vsel vm14, v6, v7  }
0x8d: {  	v24 =	vsel vm15, v6, v7;
	[tilespmem:s9+$0x6000] =	vst v0;
	v0 =	vmul.f32 v10, v4;
	v15 =	vsub.f32 v23, v15;
	v4 =	vpop (erf)  }
0x8e: {  	v10 =	vsel vm8, v6, v7;
	v21 =	vsub.f32 v24, v21;
	[tilespmem:s9+$0x6080] =	vst v1;
	v1 =	vmul.f32 v4, v5;
	v4 =	vpop (erf)  }
0x8f: {  	s6 =	simm.s32 $0x30;
	s5 =	sand.u32 $0x7, s3;
	s4 =	simm.s32 $0x100;
	[tilespmem:s9+$0x6100] =	vst v0;
	v0 =	vmul.f32 v4, v16;
	v4 =	vpop (erf);
	v16 =	vsub.f32 v10, v19;
	v19 =	vmul.f32 $1.442695020e+00, v15  }
0x90: {  	s10 =	sand.u32 $0x70, s6;
	s8 =	sshll.u32 s5, $0x4;
	s12 =	sand.u32 $0x1C00, s4;
	v22 =	vmul.f32 $1.000000000e+01, v22;
	[tilespmem:s9+$0x6180] =	vst v1;
	v1 =	vmul.f32 v4, v8  }
0x91: {  	s13 =	sadd.s32 $0x0, s8;
	s16 =	sor.u32 s12, s10;
	v5 =	vsel vm9, v6, v7;
	v8 =	vmul.f32 $1.442695020e+00, v21;
	(erf) = vpow2.f32 v19  }
0x92: {  	s19 =	sadd.s32 $0x10, s13;
	v27 =	vld [tilespmem:s16+$0x4080];
	v18 =	vand.u32 $0x7FFFFFFF, v17;
	v5 =	vsub.f32 v5, v20;
	[tilespmem:s9+$0x6200] =	vst v0;
	v0 =	vmul.f32 $1.442695020e+00, v16  }
0x93: {  	s10 =	sor.u32 $0x300, s19;
	v28 =	vld [tilespmem:s16+$0x4200];
	v4 =	vmul.f32 $1.000000000e+01, v18;
	[tilespmem:s9+$0x6280] =	vst v1;
	(erf) = vpow2.f32 v8  }
0x94: {  	v5 =	vmul.f32 $1.442695020e+00, v5;
	v1 =	vsel vm10, v6, v7;
	v18 =	vld [tilespmem:s10+$0x0];
	(erf) = vpow2.f32 v0  }
0x95: {  	v8 =	vsel vm11, v6, v7;
	v1 =	vsub.f32 v1, v22;
	v19 =	vld [tilespmem:s10+$0x4000]  }
0x96: {  	v0 =	vsub.f32 v8, v4;
	v4 =	vld [tilespmem:s10+$0x2000];
	(erf) = vpow2.f32 v5  }
0x97: {  	v29 =	vld [tilespmem:s16+$0x4280];
	v1 =	vmul.f32 $1.442695020e+00, v1  }
0x98: {  	v24 =	vld [tilespmem:s16+$0x2180];
	v0 =	vmul.f32 $1.442695020e+00, v0  }
0x99: {  	s11 =	simm.s32 $0x10030;
	v23 =	vld [tilespmem:s16+$0x4000];
	(erf) = vpow2.f32 v1  }
0x9a: {  	s14 =	simm.s32 $0x10830;
	v10 =	vld [tilespmem:s11+$0x0];
	(erf) = vpow2.f32 v0;
	vm12 =	veq.s32 v19, $0x0;
	v21 =	vpop (erf)  }
0x9b: {  	v15 =	vld [tilespmem:s14+$0x0];
	v4 =	vsel vm12, v18, v4;
	v21 =	vadd.f32 $1.000000000e+00, v21  }
0x9c: {  	v16 =	vld [tilespmem:s16+$0x0];
	v20 =	vand.u32 $0x7FFFFFFF, v4;
	v22 =	vpop (erf)  }
0x9d: {  	v8 =	vld [tilespmem:s16+$0x80];
	v20 =	vmul.f32 $1.000000000e+01, v20;
	v26 =	vpop (erf)  }
0x9e: {  	v5 =	vld [tilespmem:s16+$0x2000];
	v25 =	vsel vm12, v9, v13;
	v22 =	vadd.f32 $1.000000000e+00, v22;
	v26 =	vadd.f32 $1.000000000e+00, v26  }
0x9f: {  	v1 =	vld [tilespmem:s16+$0x2080];
	v20 =	vsub.f32 v25, v20;
	(erf) = vrcp.f32 v21;
	v21 =	vpop (erf)  }
0xa0: {  	v0 =	vld [tilespmem:s16+$0x100];
	(erf) = vrcp.f32 v22;
	v21 =	vadd.f32 $1.000000000e+00, v21  }
0xa1: {  	v19 =	vld [tilespmem:s16+$0x2100];
	v20 =	vmul.f32 $1.442695020e+00, v20;
	(erf) = vrcp.f32 v26  }
0xa2: {  	v18 =	vld [tilespmem:s16+$0x180];
	v26 =	vpop (erf);
	(erf) = vrcp.f32 v21  }
0xa3: {  	vm13 =	veq.s32 v23, $0x0;
	v22 =	vld [tilespmem:s16+$0x4180];
	v21 =	vadd.f32 $1.000000000e+00, v26;
	v26 =	vpop (erf);
	(erf) = vpow2.f32 v20  }
0xa4: {  	vm14 =	veq.s32 v27, $0x0;
	v34 =	vsel vm13, v16, v5;
	v25 =	vld [tilespmem:s16+$0x4100]  }
0xa5: {  	vm9 =	veq.s32 v28, $0x0;
	v5 =	vand.u32 $0x7FFFFFFF, v34;
	v20 =	vadd.f32 $1.000000000e+00, v26;
	v26 =	vld [tilespmem:s16+$0x200]  }
0xa6: {  	v5 =	vmul.f32 $1.000000000e+01, v5;
	v35 =	vsel vm14, v8, v1;
	(erf) = vrcp.f32 v21;
	v21 =	vld [tilespmem:s16+$0x2200]  }
0xa7: {  	vm10 =	veq.s32 v29, $0x0;
	v30 =	vsel vm13, v10, v15;
	v8 =	vand.u32 $0x7FFFFFFF, v35  }
0xa8: {  	v28 =	vld [tilespmem:s16+$0x2280];
	v5 =	vsub.f32 v30, v5;
	v8 =	vmul.f32 $1.000000000e+01, v8;
	vm8 =	veq.s32 v22, $0x0;
	v22 =	vpop (erf)  }
0xa9: {  	v31 =	vsel vm14, v10, v15;
	vm15 =	veq.s32 v25, $0x0;
	(erf) = vrcp.f32 v20;
	v20 =	vld [tilespmem:s16+$0x280];
	v23 =	vpop (erf)  }
0xaa: {  	s15 =	simm.s32 $0x20;
	v5 =	vmul.f32 $1.442695020e+00, v5;
	v8 =	vsub.f32 v31, v8;
	v36 =	vsel vm15, v0, v19;
	v25 =	vpop (erf)  }
0xab: {  	s20 =	sand.u32 $0x60, s15;
	v19 =	vand.u32 $0x7FFFFFFF, v36;
	v27 =	vsel vm8, v18, v24;
	v24 =	vsel vm9, v26, v21;
	v26 =	vpop (erf)  }
0xac: {  	s9 =	sor.u32 s20, s12;
	v33 =	vsel vm9, v10, v15;
	v8 =	vmul.f32 $1.442695020e+00, v8;
	v19 =	vmul.f32 $1.000000000e+01, v19;
	v18 =	vpop (erf)  }
0xad: {  	v37 =	vld [tilespmem:s9+$0x4080];
	v29 =	vsel vm15, v10, v15;
	v32 =	vsel vm8, v10, v15;
	v18 =	vadd.f32 $1.000000000e+00, v18  }
0xae: {  	v38 =	vld [tilespmem:s9+$0x4280];
	v19 =	vsub.f32 v29, v19;
	v21 =	vand.u32 $0x7FFFFFFF, v27;
	v16 =	vsel vm10, v20, v28  }
0xaf: {  	v63 =	vld [tilespmem:s9+$0x200];
	v28 =	vand.u32 $0x7FFFFFFF, v24;
	v21 =	vmul.f32 $1.000000000e+01, v21;
	(erf) = vrcp.f32 v18  }
0xb0: {  	v31 =	vld [tilespmem:s9+$0x4180];
	v30 =	vand.u32 $0x7FFFFFFF, v16;
	v28 =	vmul.f32 $1.000000000e+01, v28;
	(erf) = vpow2.f32 v5  }
0xb1: {  	v29 =	vld [tilespmem:s9+$0x4200];
	v21 =	vsub.f32 v32, v21;
	v30 =	vmul.f32 $1.000000000e+01, v30;
	(erf) = vpow2.f32 v8  }
0xb2: {  	v1 =	vsel vm10, v10, v15;
	v19 =	vmul.f32 $1.442695020e+00, v19;
	v20 =	vld [tilespmem:s9+$0x4000];
	v28 =	vsub.f32 v33, v28  }
0xb3: {  	v21 =	vmul.f32 $1.442695020e+00, v21;
	v1 =	vsub.f32 v1, v30;
	v30 =	vld [tilespmem:s9+$0x180]  }
0xb4: {  	v18 =	vld [tilespmem:s9+$0x4100];
	v28 =	vmul.f32 $1.442695020e+00, v28;
	(erf) = vpow2.f32 v19  }
0xb5: {  	v5 =	vld [tilespmem:s9+$0x0];
	(erf) = vpow2.f32 v21  }
0xb6: {  	v32 =	vpop (erf);
	v1 =	vmul.f32 $1.442695020e+00, v1;
	v8 =	vld [tilespmem:s9+$0x2000];
	(erf) = vpow2.f32 v28  }
0xb7: {  	v33 =	vpop (erf);
	v19 =	vld [tilespmem:s9+$0x80]  }
0xb8: {  	v21 =	vld [tilespmem:s9+$0x2080];
	(erf) = vpow2.f32 v1;
	v39 =	vpop (erf)  }
0xb9: {  	v28 =	vld [tilespmem:s9+$0x100];
	vm13 =	veq.s32 v18, $0x0;
	v18 =	vpop (erf)  }
0xba: {  	vm15 =	veq.s32 v29, $0x0;
	vm11 =	veq.s32 v20, $0x0;
	v1 =	vld [tilespmem:s9+$0x2100];
	v18 =	vadd.f32 $1.000000000e+00, v18;
	v44 =	vpop (erf)  }
0xbb: {  	v20 =	vld [tilespmem:s9+$0x2180];
	v29 =	vmul.f32 v39, v4;
	v4 =	vsel vm11, v5, v8;
	v8 =	vadd.f32 $1.000000000e+00, v44  }
0xbc: {  	s2 =	sor.u32 s26, s3;
	v40 =	vld [tilespmem:s9+$0x280];
	vm12 =	veq.s32 v37, $0x0;
	(erf) = vrcp.f32 v18  }
0xbd: {  	s17 =	sor.u32 $0x380, s2;
	v5 =	vsel vm12, v19, v21;
	v21 =	vld [tilespmem:s9+$0x2280];
	v45 =	vpop (erf);
	[tilespmem:s10+$0x6000] =	vst v29;
	(erf) = vrcp.f32 v8  }
0xbe: {  	vm14 =	veq.s32 v31, $0x0;
	v19 =	vadd.f32 $1.000000000e+00, v45;
	v46 =	vld [tilespmem:s17+$0x0];
	v18 =	vpop (erf)  }
0xbf: {  	vm9 =	veq.s32 v38, $0x0;
	v47 =	vadd.f32 $1.000000000e+00, v18;
	v8 =	vpop (erf);
	v18 =	vsel vm13, v28, v1;
	v28 =	vld [tilespmem:s17+$0x4000]  }
0xc0: {  	(erf) = vrcp.f32 v19;
	v19 =	vsel vm14, v30, v20;
	v30 =	vld [tilespmem:s17+$0x2000];
	v8 =	vadd.f32 $1.000000000e+00, v8  }
0xc1: {  	v31 =	vld [tilespmem:s9+$0x2200];
	v48 =	vand.u32 $0x7FFFFFFF, v5;
	v29 =	vand.u32 $0x7FFFFFFF, v4;
	v1 =	vpop (erf);
	(erf) = vrcp.f32 v47  }
0xc2: {  	v0 =	vld [tilespmem:s11+$0xFFFFFFF0];
	v21 =	vsel vm9, v40, v21;
	v20 =	vadd.f32 $1.000000000e+00, v1;
	(erf) = vrcp.f32 v8  }
0xc3: {  	v39 =	vmul.f32 $1.000000000e+01, v48;
	v29 =	vmul.f32 $1.000000000e+01, v29;
	v40 =	vand.u32 $0x7FFFFFFF, v21;
	v1 =	vld [tilespmem:s14+$0xFFFFFFF0]  }
0xc4: {  	v8 =	vand.u32 $0x7FFFFFFF, v19;
	(erf) = vrcp.f32 v20;
	vm6 =	veq.s32 v28, $0x0  }
0xc5: {  	v41 =	vand.u32 $0x7FFFFFFF, v18;
	v28 =	vmul.f32 $1.000000000e+01, v8;
	v8 =	vsel vm6, v46, v30;
	v50 =	vpop (erf)  }
0xc6: {  	v49 =	vmul.f32 $1.000000000e+01, v40;
	v20 =	vsel vm15, v63, v31;
	v38 =	vand.u32 $0x7FFFFFFF, v8;
	v52 =	vpop (erf)  }
0xc7: {  	v9 =	vsel vm6, v9, v13;
	v38 =	vmul.f32 $1.000000000e+01, v38;
	v13 =	vmul.f32 v52, v35  }
0xc8: {  	v31 =	vmul.f32 $1.000000000e+01, v41;
	v37 =	vand.u32 $0x7FFFFFFF, v20;
	v51 =	vsel vm11, v0, v1  }
0xc9: {  	v30 =	vmul.f32 $1.000000000e+01, v37;
	v29 =	vsub.f32 v51, v29;
	v53 =	vpop (erf);
	v9 =	vsub.f32 v9, v38  }
0xca: {  	s18 =	simm.s32 $0x200;
	s2 =	simm.s32 $0x50;
	v34 =	vmul.f32 v50, v34;
	v42 =	vsel vm12, v0, v1;
	v55 =	vmul.f32 v53, v36;
	v56 =	vpop (erf)  }
0xcb: {  	s21 =	simm.s32 $0x2;
	s26 =	sand.u32 $0x70, s2;
	s25 =	sand.u32 $0x1C00, s18;
	v58 =	vsub.f32 v42, v39;
	[tilespmem:s16+$0x6080] =	vst v13;
	v29 =	vmul.f32 $1.442695020e+00, v29;
	v13 =	vpop (erf);
	v9 =	vmul.f32 $1.442695020e+00, v9  }
0xcc: {  	s22 =	sand.u32 $0x7, s21;
	s29 =	sor.u32 s25, s26;
	v54 =	vsel vm13, v0, v1;
	[tilespmem:s16+$0x6000] =	vst v34;
	v27 =	vmul.f32 v56, v27;
	v24 =	vmul.f32 v13, v24  }
0xcd: {  	s7 =	sshll.u32 s22, $0x4;
	v60 =	vld [tilespmem:s29+$0x80];
	v57 =	vsel vm14, v0, v1;
	[tilespmem:s16+$0x6100] =	vst v55;
	v59 =	vpop (erf);
	(erf) = vpow2.f32 v9;
	v9 =	vmul.f32 $1.442695020e+00, v58  }
0xce: {  	s14 =	sadd.s32 $0x100, s7;
	v61 =	vld [tilespmem:s29+$0x2080];
	v31 =	vsub.f32 v54, v31;
	[tilespmem:s16+$0x6180] =	vst v27;
	v27 =	vmul.f32 v59, v16;
	(erf) = vpow2.f32 v29  }
0xcf: {  	s19 =	sadd.s32 $0x10, s14;
	v62 =	vld [tilespmem:s29+$0x100];
	v28 =	vsub.f32 v57, v28;
	[tilespmem:s16+$0x6200] =	vst v24;
	(erf) = vpow2.f32 v9;
	v9 =	vsel vm9, v0, v1  }
0xd0: {  	s20 =	sor.u32 $0x300, s19;
	v43 =	vld [tilespmem:s29+$0x4200];
	v24 =	vmul.f32 $1.442695020e+00, v31;
	[tilespmem:s16+$0x6280] =	vst v27;
	v27 =	vsel vm15, v0, v1;
	v9 =	vsub.f32 v9, v49  }
0xd1: {  	v28 =	vmul.f32 $1.442695020e+00, v28;
	v29 =	vld [tilespmem:s20+$0x0];
	v27 =	vsub.f32 v27, v30  }
0xd2: {  	v30 =	vld [tilespmem:s20+$0x4000];
	(erf) = vpow2.f32 v24;
	v9 =	vmul.f32 $1.442695020e+00, v9  }
0xd3: {  	v24 =	vld [tilespmem:s20+$0x2000];
	(erf) = vpow2.f32 v28;
	v27 =	vmul.f32 $1.442695020e+00, v27  }
0xd4: {  	v44 =	vld [tilespmem:s29+$0x4280]  }
0xd5: {  	v45 =	vld [tilespmem:s29+$0x200];
	(erf) = vpow2.f32 v27  }
0xd6: {  	v46 =	vld [tilespmem:s29+$0x2200];
	(erf) = vpow2.f32 v9;
	v9 =	vpop (erf)  }
0xd7: {  	v52 =	vld [tilespmem:s29+$0x4080];
	vm10 =	veq.s32 v30, $0x0;
	v27 =	vpop (erf)  }
0xd8: {  	v54 =	vld [tilespmem:s29+$0x4180];
	v40 =	vsel vm10, v29, v24;
	v27 =	vadd.f32 $1.000000000e+00, v27  }
0xd9: {  	v57 =	vld [tilespmem:s29+$0x280];
	v9 =	vadd.f32 $1.000000000e+00, v9;
	v24 =	vand.u32 $0x7FFFFFFF, v40  }
0xda: {  	s23 =	simm.s32 $0x10050;
	v25 =	vmul.f32 v25, v3;
	v53 =	vld [tilespmem:s29+$0x4100];
	v24 =	vmul.f32 $1.000000000e+01, v24;
	v49 =	vpop (erf)  }
0xdb: {  	s24 =	simm.s32 $0x10850;
	v13 =	vld [tilespmem:s23+$0x0];
	v50 =	vsel vm10, v10, v15;
	(erf) = vrcp.f32 v9;
	v37 =	vadd.f32 $1.000000000e+00, v49;
	v51 =	vpop (erf)  }
0xdc: {  	v16 =	vld [tilespmem:s24+$0x0];
	v39 =	vadd.f32 $1.000000000e+00, v51;
	v24 =	vsub.f32 v50, v24;
	(erf) = vrcp.f32 v27;
	v27 =	vpop (erf)  }
0xdd: {  	v32 =	vmul.f32 v32, v14;
	v58 =	vld [tilespmem:s29+$0x2280];
	(erf) = vrcp.f32 v37;
	v27 =	vadd.f32 $1.000000000e+00, v27  }
0xde: {  	vm8 =	veq.s32 v44, $0x0;
	v31 =	vld [tilespmem:s29+$0x0];
	v24 =	vmul.f32 $1.442695020e+00, v24;
	(erf) = vrcp.f32 v39  }
0xdf: {  	vm12 =	veq.s32 v52, $0x0;
	vm14 =	veq.s32 v54, $0x0;
	v9 =	vld [tilespmem:s29+$0x4000];
	v55 =	vpop (erf);
	(erf) = vrcp.f32 v27  }
0xe0: {  	v54 =	vmul.f32 v26, v12;
	v38 =	vsel vm12, v60, v61;
	v28 =	vld [tilespmem:s29+$0x2000];
	v56 =	vpop (erf);
	(erf) = vpow2.f32 v24  }
0xe1: {  	vm13 =	veq.s32 v53, $0x0;
	v60 =	vand.u32 $0x7FFFFFFF, v38;
	v30 =	vld [tilespmem:s29+$0x2100];
	v24 =	vadd.f32 $1.000000000e+00, v56  }
0xe2: {  	v63 =	vld [tilespmem:s29+$0x2180];
	vm15 =	veq.s32 v43, $0x0;
	v41 =	vmul.f32 $1.000000000e+01, v60;
	v27 =	vadd.f32 $1.000000000e+00, v55  }
0xe3: {  	v35 =	vsel vm15, v45, v46;
	v48 =	vsel vm12, v13, v16;
	v59 =	vsel vm13, v13, v16;
	v29 =	vld [tilespmem:s29+$0x180]  }
0xe4: {  	v41 =	vsub.f32 v48, v41;
	vm11 =	veq.s32 v9, $0x0;
	(erf) = vrcp.f32 v27;
	v9 =	vpop (erf)  }
0xe5: {  	v34 =	vsel vm8, v57, v58;
	v39 =	vsel vm11, v31, v28;
	(erf) = vrcp.f32 v24;
	v24 =	vpop (erf)  }
0xe6: {  	v41 =	vmul.f32 $1.442695020e+00, v41;
	v37 =	vsel vm13, v62, v30;
	v30 =	vand.u32 $0x7FFFFFFF, v39;
	v27 =	vpop (erf)  }
0xe7: {  	v49 =	vsel vm14, v13, v16;
	v51 =	vand.u32 $0x7FFFFFFF, v35;
	v30 =	vmul.f32 $1.000000000e+01, v30;
	v28 =	vpop (erf)  }
0xe8: {  	s10 =	simm.s32 $0x40;
	v36 =	vsel vm14, v29, v63;
	v62 =	vand.u32 $0x7FFFFFFF, v37;
	v47 =	vsel vm11, v13, v16;
	v29 =	vpop (erf)  }
0xe9: {  	s21 =	sand.u32 $0x60, s10;
	v63 =	vand.u32 $0x7FFFFFFF, v36;
	v43 =	vmul.f32 $1.000000000e+01, v62;
	v30 =	vsub.f32 v47, v30;
	v61 =	vpop (erf)  }
0xea: {  	s19 =	sor.u32 s21, s25;
	v46 =	vmul.f32 $1.000000000e+01, v63;
	v55 =	vand.u32 $0x7FFFFFFF, v34;
	v42 =	vadd.f32 $1.000000000e+00, v61  }
0xeb: {  	v3 =	vld [tilespmem:s19+$0x180];
	v43 =	vsub.f32 v59, v43;
	v56 =	vmul.f32 $1.000000000e+01, v51;
	v30 =	vmul.f32 $1.442695020e+00, v30  }
0xec: {  	v14 =	vld [tilespmem:s19+$0x200];
	v31 =	vsel vm8, v13, v16;
	v47 =	vmul.f32 $1.000000000e+01, v55;
	(erf) = vrcp.f32 v42  }
0xed: {  	v52 =	vld [tilespmem:s19+$0x4080];
	v46 =	vsub.f32 v49, v46;
	v43 =	vmul.f32 $1.442695020e+00, v43;
	(erf) = vpow2.f32 v30  }
0xee: {  	v12 =	vld [tilespmem:s19+$0x2180];
	v50 =	vsel vm15, v13, v16;
	v31 =	vsub.f32 v31, v47;
	(erf) = vpow2.f32 v41  }
0xef: {  	v60 =	vld [tilespmem:s19+$0x2000];
	v44 =	vsub.f32 v50, v56;
	v30 =	vmul.f32 $1.442695020e+00, v46;
	(erf) = vpow2.f32 v43  }
0xf0: {  	v45 =	vld [tilespmem:s19+$0x4000];
	v31 =	vmul.f32 $1.442695020e+00, v31  }
0xf1: {  	v58 =	vld [tilespmem:s19+$0x4280];
	v44 =	vmul.f32 $1.442695020e+00, v44  }
0xf2: {  	v48 =	vld [tilespmem:s19+$0x4180];
	(erf) = vpow2.f32 v30  }
0xf3: {  	v62 =	vld [tilespmem:s19+$0x2080];
	(erf) = vpow2.f32 v44;
	v30 =	vpop (erf)  }
0xf4: {  	v63 =	vld [tilespmem:s19+$0x100];
	(erf) = vpow2.f32 v31;
	v31 =	vpop (erf)  }
0xf5: {  	v53 =	vmul.f32 v23, v11;
	v59 =	vld [tilespmem:s19+$0x0];
	v11 =	vpop (erf)  }
0xf6: {  	v33 =	vmul.f32 v33, v17;
	v42 =	vld [tilespmem:s19+$0x4100];
	v11 =	vmul.f32 v11, v40;
	v17 =	vpop (erf)  }
0xf7: {  	v47 =	vmul.f32 v22, v2;
	v2 =	vld [tilespmem:s19+$0x2100];
	v17 =	vadd.f32 $1.000000000e+00, v17;
	v23 =	vpop (erf)  }
0xf8: {  	vm9 =	veq.s32 v45, $0x0;
	v61 =	vld [tilespmem:s19+$0x80];
	[tilespmem:s20+$0x6000] =	vst v11;
	v11 =	vadd.f32 $1.000000000e+00, v23;
	v56 =	vpop (erf)  }
0xf9: {  	s5 =	sor.u32 s6, s4;
	v57 =	vld [tilespmem:s19+$0x4200];
	vm12 =	veq.s32 v48, $0x0;
	v41 =	vadd.f32 $1.000000000e+00, v56;
	(erf) = vrcp.f32 v17  }
0xfa: {  	s11 =	sor.u32 $0x380, s5;
	v26 =	vld [tilespmem:s19+$0x2200];
	vm10 =	veq.s32 v52, $0x0;
	v12 =	vsel vm12, v3, v12;
	(erf) = vrcp.f32 v11  }
0xfb: {  	v52 =	vand.u32 $0x7FFFFFFF, v12;
	vm11 =	veq.s32 v42, $0x0;
	v42 =	vld [tilespmem:s11+$0x0];
	v17 =	vpop (erf);
	(erf) = vrcp.f32 v41  }
0xfc: {  	vm14 =	veq.s32 v58, $0x0;
	v22 =	vsel vm9, v59, v60;
	v58 =	vld [tilespmem:s11+$0x4000];
	v17 =	vadd.f32 $1.000000000e+00, v17;
	v59 =	vpop (erf)  }
0xfd: {  	v23 =	vsel vm10, v61, v62;
	v60 =	vld [tilespmem:s11+$0x2000];
	v11 =	vsel vm11, v63, v2;
	v2 =	vadd.f32 $1.000000000e+00, v59;
	v61 =	vpop (erf)  }
0xfe: {  	vm13 =	veq.s32 v57, $0x0;
	v40 =	vld [tilespmem:s19+$0x280];
	v41 =	vadd.f32 $1.000000000e+00, v61;
	(erf) = vrcp.f32 v17  }
0xff: {  	[tilespmem:s1+$0x6100] =	vst v25;
	v25 =	vmul.f32 $1.000000000e+01, v52;
	v57 =	vand.u32 $0x7FFFFFFF, v22;
	v62 =	vld [tilespmem:s19+$0x2280];
	(erf) = vrcp.f32 v2  }
0x100: {  	[tilespmem:s1+$0x6200] =	vst v32;
	v3 =	vld [tilespmem:s23+$0xFFFFFFF0];
	v14 =	vsel vm13, v14, v26;
	v43 =	vmul.f32 $1.000000000e+01, v57;
	(erf) = vrcp.f32 v41  }
0x101: {  	[tilespmem:s1+$0x6280] =	vst v33;
	v56 =	vand.u32 $0x7FFFFFFF, v14;
	v63 =	vand.u32 $0x7FFFFFFF, v11;
	vm15 =	veq.s32 v58, $0x0;
	v2 =	vld [tilespmem:s24+$0xFFFFFFF0]  }
0x102: {  	s22 =	sand.u32 $0x3, s3;
	[tilespmem:s1+$0x6180] =	vst v54;
	v55 =	vmul.f32 $1.000000000e+01, v63;
	v17 =	vand.u32 $0x7FFFFFFF, v23;
	v26 =	vsel vm15, v42, v60;
	v59 =	vpop (erf)  }
0x103: {  	s5 =	sshll.u32 s22, $0x5;
	[tilespmem:s1+$0x6080] =	vst v53;
	v10 =	vsel vm15, v10, v15;
	v57 =	vand.u32 $0x7FFFFFFF, v26;
	v15 =	vmul.f32 v59, v39;
	v61 =	vpop (erf)  }
0x104: {  	s5 =	sadd.s32 $0x0, s5;
	[tilespmem:s1+$0x6000] =	vst v47;
	v41 =	vmul.f32 $1.000000000e+01, v17;
	v17 =	vsel vm14, v40, v62;
	v40 =	vmul.f32 $1.000000000e+01, v57;
	v63 =	vpop (erf)  }
0x105: {  	s5 =	sor.u32 $0x300, s5;
	v44 =	vmul.f32 $1.000000000e+01, v56;
	v58 =	vand.u32 $0x7FFFFFFF, v17;
	[tilespmem:s29+$0x6000] =	vst v15;
	v15 =	vmul.f32 v63, v37  }
0x106: {  	s12 =	simm.s32 $0x70;
	s16 =	simm.s32 $0x300;
	v48 =	vld [tilespmem:s5+$0x4000];
	v10 =	vsub.f32 v10, v40;
	v60 =	vsel vm9, v3, v2;
	v38 =	vmul.f32 v61, v38  }
0x107: {  	s31 =	sand.u32 $0x1C00, s16;
	s23 =	simm.s32 $0x4;
	v51 =	vld [tilespmem:s5+$0x0];
	s20 =	sand.u32 $0x70, s12;
	v62 =	vsel vm10, v3, v2;
	v49 =	vsel vm11, v3, v2;
	v32 =	vsub.f32 v60, v43;
	v50 =	vpop (erf)  }
0x108: {  	s1 =	sand.u32 $0x7, s23;
	v54 =	vld [tilespmem:s5+$0x2000];
	s14 =	sor.u32 s31, s20;
	v52 =	vsel vm12, v3, v2;
	v10 =	vmul.f32 $1.442695020e+00, v10;
	[tilespmem:s29+$0x6080] =	vst v38;
	v36 =	vmul.f32 v50, v36;
	v53 =	vpop (erf)  }
0x109: {  	s25 =	sshll.u32 s1, $0x4;
	v42 =	vld [tilespmem:s14+$0x180];
	v33 =	vsub.f32 v62, v41;
	v32 =	vmul.f32 $1.442695020e+00, v32;
	[tilespmem:s29+$0x6100] =	vst v15;
	v35 =	vmul.f32 v53, v35;
	v15 =	vpop (erf)  }
0x10a: {  	s21 =	sadd.s32 $0x200, s25;
	v39 =	vld [tilespmem:s14+$0x2000];
	v55 =	vsub.f32 v49, v55;
	(erf) = vpow2.f32 v10;
	[tilespmem:s29+$0x6180] =	vst v36;
	v34 =	vmul.f32 v15, v34  }
0x10b: {  	s6 =	sadd.s32 $0x10, s21;
	v56 =	vmul.f32 $1.000000000e+01, v58;
	v25 =	vsub.f32 v52, v25;
	v41 =	vld [tilespmem:s14+$0x0];
	v33 =	vmul.f32 $1.442695020e+00, v33;
	[tilespmem:s29+$0x6200] =	vst v35  }
0x10c: {  	s21 =	sor.u32 $0x300, s6;
	v57 =	vsel vm13, v3, v2;
	v43 =	vld [tilespmem:s14+$0x80];
	v37 =	vmul.f32 $1.442695020e+00, v55;
	(erf) = vpow2.f32 v32;
	[tilespmem:s29+$0x6280] =	vst v34  }
0x10d: {  	v58 =	vsel vm14, v3, v2;
	v59 =	vmul.f32 $1.442695020e+00, v25;
	(erf) = vpow2.f32 v33;
	v60 =	vld [tilespmem:s21+$0x0]  }
0x10e: {  	vm9 =	veq.s32 v48, $0x0;
	v61 =	vsub.f32 v57, v44;
	(erf) = vpow2.f32 v37;
	v62 =	vld [tilespmem:s21+$0x4000]  }
0x10f: {  	v25 =	vsel vm9, v51, v54;
	v32 =	vsub.f32 v58, v56;
	(erf) = vpow2.f32 v59;
	v63 =	vld [tilespmem:s21+$0x2000]  }
0x110: {  	s24 =	simm.s32 $0x10070;
	v44 =	vld [tilespmem:s14+$0x100];
	v47 =	vand.u32 $0x7FFFFFFF, v25;
	v33 =	vmul.f32 $1.442695020e+00, v61  }
0x111: {  	v10 =	vld [tilespmem:s24+$0x0];
	v32 =	vmul.f32 $1.442695020e+00, v32;
	v34 =	vmul.f32 $1.000000000e+01, v47  }
0x112: {  	v48 =	vsel vm9, v6, v7;
	v54 =	vld [tilespmem:s14+$0x4000];
	(erf) = vpow2.f32 v33  }
0x113: {  	s26 =	simm.s32 $0x10870;
	v56 =	vld [tilespmem:s14+$0x4200];
	(erf) = vpow2.f32 v32;
	v50 =	vsub.f32 v48, v34;
	v49 =	vpop (erf);
	vm10 =	veq.s32 v62, $0x0  }
0x114: {  	v15 =	vld [tilespmem:s26+$0x0];
	v51 =	vadd.f32 $1.000000000e+00, v49;
	v47 =	vsel vm10, v60, v63  }
0x115: {  	v35 =	vld [tilespmem:s14+$0x2100];
	v32 =	vmul.f32 $1.442695020e+00, v50;
	v52 =	vpop (erf);
	v36 =	vand.u32 $0x7FFFFFFF, v47  }
0x116: {  	v33 =	vld [tilespmem:s14+$0x2080];
	(erf) = vrcp.f32 v51;
	v37 =	vadd.f32 $1.000000000e+00, v52;
	v53 =	vpop (erf);
	v36 =	vmul.f32 $1.000000000e+01, v36  }
0x117: {  	v34 =	vld [tilespmem:s14+$0x2180];
	v58 =	vsel vm10, v13, v16;
	v38 =	vadd.f32 $1.000000000e+00, v53;
	v59 =	vpop (erf);
	(erf) = vpow2.f32 v32  }
0x118: {  	v62 =	vld [tilespmem:s14+$0x4100];
	v46 =	vadd.f32 $1.000000000e+00, v59;
	(erf) = vrcp.f32 v37;
	v61 =	vpop (erf);
	v36 =	vsub.f32 v58, v36  }
0x119: {  	v60 =	vld [tilespmem:s14+$0x4080];
	v37 =	vadd.f32 $1.000000000e+00, v61;
	(erf) = vrcp.f32 v38  }
0x11a: {  	v63 =	vld [tilespmem:s14+$0x4180];
	(erf) = vrcp.f32 v46;
	v36 =	vmul.f32 $1.442695020e+00, v36  }
0x11b: {  	v24 =	vmul.f32 v24, v4;
	v50 =	vld [tilespmem:s14+$0x200];
	v55 =	vpop (erf);
	(erf) = vrcp.f32 v37  }
0x11c: {  	vm11 =	veq.s32 v54, $0x0;
	vm15 =	veq.s32 v56, $0x0;
	v51 =	vld [tilespmem:s14+$0x2200];
	v58 =	vpop (erf);
	(erf) = vpow2.f32 v36  }
0x11d: {  	v27 =	vmul.f32 v27, v5;
	v56 =	vsel vm15, v10, v15;
	v53 =	vsel vm11, v10, v15;
	v59 =	vld [tilespmem:s14+$0x4280]  }
0x11e: {  	v61 =	vld [tilespmem:s14+$0x2280];
	v57 =	vadd.f32 $1.000000000e+00, v55;
	vm13 =	veq.s32 v62, $0x0;
	v46 =	vadd.f32 $1.000000000e+00, v58  }
0x11f: {  	vm12 =	veq.s32 v60, $0x0;
	v60 =	vld [tilespmem:s14+$0x280];
	vm14 =	veq.s32 v63, $0x0;
	v63 =	vsel vm13, v10, v15;
	v36 =	vpop (erf)  }
0x120: {  	s29 =	simm.s32 $0x60;
	v44 =	vsel vm13, v44, v35;
	v62 =	vsel vm12, v10, v15;
	(erf) = vrcp.f32 v57;
	v40 =	vpop (erf)  }
0x121: {  	s22 =	sand.u32 $0x60, s29;
	v55 =	vsel vm14, v10, v15;
	(erf) = vrcp.f32 v46;
	v46 =	vsel vm11, v41, v39;
	v37 =	vpop (erf)  }
0x122: {  	s1 =	sor.u32 s22, s31;
	v45 =	vsel vm12, v43, v33;
	v43 =	vsel vm14, v42, v34;
	v57 =	vand.u32 $0x7FFFFFFF, v46;
	v38 =	vpop (erf)  }
0x123: {  	v54 =	vld [tilespmem:s1+$0x4180];
	vm8 =	veq.s32 v59, $0x0;
	v58 =	vand.u32 $0x7FFFFFFF, v45;
	v34 =	vmul.f32 $1.000000000e+01, v57;
	v32 =	vpop (erf)  }
0x124: {  	v4 =	vld [tilespmem:s1+$0x2100];
	v42 =	vsel vm15, v50, v51;
	v35 =	vmul.f32 $1.000000000e+01, v58;
	v41 =	vsel vm8, v60, v61;
	v33 =	vpop (erf)  }
0x125: {  	v5 =	vld [tilespmem:s1+$0x180];
	v60 =	vand.u32 $0x7FFFFFFF, v44;
	v61 =	vand.u32 $0x7FFFFFFF, v43;
	v34 =	vsub.f32 v53, v34;
	v59 =	vpop (erf)  }
0x126: {  	v51 =	vld [tilespmem:s1+$0x4000];
	v35 =	vsub.f32 v62, v35;
	v50 =	vmul.f32 $1.000000000e+01, v60;
	v48 =	vadd.f32 $1.000000000e+00, v59  }
0x127: {  	v58 =	vld [tilespmem:s1+$0x4080];
	v52 =	vmul.f32 $1.000000000e+01, v61;
	v62 =	vand.u32 $0x7FFFFFFF, v41;
	v34 =	vmul.f32 $1.442695020e+00, v34  }
0x128: {  	v61 =	vld [tilespmem:s1+$0x80];
	v57 =	vand.u32 $0x7FFFFFFF, v42;
	v35 =	vmul.f32 $1.442695020e+00, v35;
	(erf) = vrcp.f32 v48  }
0x129: {  	v49 =	vsub.f32 v63, v50;
	v63 =	vmul.f32 $1.000000000e+01, v57;
	v57 =	vld [tilespmem:s1+$0x4200];
	(erf) = vpow2.f32 v34  }
0x12a: {  	v52 =	vsub.f32 v55, v52;
	v55 =	vld [tilespmem:s1+$0x4280];
	v53 =	vmul.f32 $1.000000000e+01, v62;
	(erf) = vpow2.f32 v35  }
0x12b: {  	v39 =	vsel vm8, v10, v15;
	v62 =	vld [tilespmem:s1+$0x2080];
	v49 =	vmul.f32 $1.442695020e+00, v49;
	v50 =	vsub.f32 v56, v63  }
0x12c: {  	v56 =	vld [tilespmem:s1+$0x0];
	v39 =	vsub.f32 v39, v53;
	v59 =	vmul.f32 $1.442695020e+00, v52  }
0x12d: {  	v60 =	vmul.f32 $1.442695020e+00, v50;
	v48 =	vld [tilespmem:s1+$0x4100];
	(erf) = vpow2.f32 v49  }
0x12e: {  	v63 =	vld [tilespmem:s1+$0x100];
	v39 =	vmul.f32 $1.442695020e+00, v39;
	(erf) = vpow2.f32 v59  }
0x12f: {  	v50 =	vld [tilespmem:s1+$0x2280];
	v34 =	vpop (erf);
	(erf) = vpow2.f32 v60  }
0x130: {  	v52 =	vld [tilespmem:s1+$0x2000];
	v35 =	vpop (erf);
	(erf) = vpow2.f32 v39  }
0x131: {  	v31 =	vmul.f32 v31, v21;
	v59 =	vmul.f32 v30, v20;
	v20 =	vld [tilespmem:s1+$0x2180];
	v21 =	vpop (erf)  }
0x132: {  	v18 =	vmul.f32 v28, v18;
	vm11 =	veq.s32 v48, $0x0;
	v48 =	vld [tilespmem:s1+$0x280];
	v21 =	vmul.f32 v21, v47;
	v28 =	vpop (erf)  }
0x133: {  	s2 =	sor.u32 s2, s18;
	v19 =	vmul.f32 v29, v19;
	v39 =	vld [tilespmem:s1+$0x200];
	v28 =	vadd.f32 $1.000000000e+00, v28;
	v29 =	vpop (erf)  }
0x134: {  	s2 =	sor.u32 $0x380, s2;
	vm12 =	veq.s32 v54, $0x0;
	v47 =	vld [tilespmem:s1+$0x2200];
	[tilespmem:s21+$0x6000] =	vst v21;
	v21 =	vadd.f32 $1.000000000e+00, v29  }
0x135: {  	vm9 =	veq.s32 v51, $0x0;
	vm10 =	veq.s32 v58, $0x0;
	v49 =	vld [tilespmem:s2+$0x0];
	(erf) = vrcp.f32 v28  }
0x136: {  	vm13 =	veq.s32 v57, $0x0;
	v30 =	vsel vm9, v56, v52;
	v60 =	vpop (erf);
	v52 =	vld [tilespmem:s2+$0x4000];
	(erf) = vrcp.f32 v21  }
0x137: {  	v51 =	vand.u32 $0x7FFFFFFF, v30;
	v29 =	vsel vm10, v61, v62;
	v61 =	vadd.f32 $1.000000000e+00, v60;
	v53 =	vld [tilespmem:s2+$0x2000];
	v28 =	vpop (erf)  }
0x138: {  	vm14 =	veq.s32 v55, $0x0;
	v51 =	vmul.f32 $1.000000000e+01, v51;
	v62 =	vadd.f32 $1.000000000e+00, v28;
	v21 =	vpop (erf)  }
0x139: {  	(erf) = vrcp.f32 v61;
	v28 =	vsel vm11, v63, v4;
	v21 =	vadd.f32 $1.000000000e+00, v21;
	v4 =	vpop (erf)  }
0x13a: {  	v20 =	vsel vm12, v5, v20;
	v63 =	vadd.f32 $1.000000000e+00, v4;
	(erf) = vrcp.f32 v62  }
0x13b: {  	[tilespmem:s9+$0x6000] =	vst v24;
	v5 =	vld [tilespmem:s26+$0xFFFFFFF0];
	v24 =	vsel vm14, v48, v50;
	vm15 =	veq.s32 v52, $0x0;
	(erf) = vrcp.f32 v21  }
0x13c: {  	[tilespmem:s9+$0x6180] =	vst v19;
	v19 =	vand.u32 $0x7FFFFFFF, v24;
	v4 =	vld [tilespmem:s24+$0xFFFFFFF0];
	v21 =	vsel vm13, v39, v47;
	v39 =	vsel vm15, v49, v53  }
0x13d: {  	[tilespmem:s9+$0x6100] =	vst v18;
	v60 =	vand.u32 $0x7FFFFFFF, v29;
	(erf) = vrcp.f32 v63;
	v18 =	vand.u32 $0x7FFFFFFF, v39  }
0x13e: {  	s23 =	simm.s32 $0x1;
	v54 =	vmul.f32 $1.000000000e+01, v60;
	v61 =	vand.u32 $0x7FFFFFFF, v28;
	v18 =	vmul.f32 $1.000000000e+01, v18;
	v63 =	vpop (erf)  }
0x13f: {  	[tilespmem:s9+$0x6080] =	vst v27;
	s7 =	sand.u32 $0x3, s23;
	v62 =	vand.u32 $0x7FFFFFFF, v20;
	v27 =	vmul.f32 $1.000000000e+01, v61;
	v13 =	vsel vm15, v13, v16;
	v53 =	vpop (erf)  }
0x140: {  	s7 =	sshll.u32 s7, $0x5;
	v49 =	vmul.f32 $1.000000000e+01, v62;
	v13 =	vsub.f32 v13, v18;
	v18 =	vmul.f32 v53, v45  }
0x141: {  	s7 =	sadd.s32 $0x100, s7;
	[tilespmem:s9+$0x6280] =	vst v31;
	v47 =	vand.u32 $0x7FFFFFFF, v21;
	v52 =	vsel vm9, v4, v5;
	v16 =	vmul.f32 v63, v46  }
0x142: {  	s8 =	simm.s32 $0x400;
	s13 =	sor.u32 $0x300, s7;
	s7 =	simm.s32 $0x90;
	[tilespmem:s9+$0x6200] =	vst v59;
	v47 =	vmul.f32 $1.000000000e+01, v47;
	v31 =	vsel vm10, v4, v5;
	v55 =	vpop (erf);
	v50 =	vsub.f32 v52, v51  }
0x143: {  	s6 =	sand.u32 $0x1C00, s8;
	s23 =	sand.u32 $0x70, s7;
	v56 =	vld [tilespmem:s13+$0x4000];
	v57 =	vsel vm11, v4, v5;
	[tilespmem:s14+$0x6000] =	vst v16;
	v16 =	vmul.f32 v55, v44;
	v13 =	vmul.f32 $1.442695020e+00, v13;
	v58 =	vpop (erf)  }
0x144: {  	s30 =	sor.u32 s6, s23;
	v59 =	vld [tilespmem:s13+$0x0];
	s24 =	simm.s32 $0x6;
	v60 =	vsel vm12, v4, v5;
	v63 =	vmul.f32 $1.000000000e+01, v19;
	[tilespmem:s14+$0x6080] =	vst v18;
	v50 =	vmul.f32 $1.442695020e+00, v50;
	v18 =	vpop (erf)  }
0x145: {  	v48 =	vld [tilespmem:s30+$0x2180];
	s25 =	sand.u32 $0x7, s24;
	v31 =	vsub.f32 v31, v54;
	[tilespmem:s14+$0x6100] =	vst v16;
	(erf) = vpow2.f32 v13;
	v16 =	vmul.f32 v18, v42  }
0x146: {  	s22 =	simm.s32 $0x10890;
	v61 =	vld [tilespmem:s13+$0x2000];
	s31 =	sshll.u32 s25, $0x4;
	v27 =	vsub.f32 v57, v27;
	v52 =	vsub.f32 v60, v49;
	v43 =	vmul.f32 v58, v43;
	v62 =	vpop (erf)  }
0x147: {  	s20 =	sadd.s32 $0x300, s31;
	v19 =	vld [tilespmem:s22+$0x0];
	(erf) = vpow2.f32 v50;
	v13 =	vmul.f32 v62, v41;
	[tilespmem:s14+$0x6200] =	vst v16;
	v16 =	vsel vm13, v4, v5  }
0x148: {  	s20 =	sadd.s32 $0x10, s20;
	v46 =	vld [tilespmem:s30+$0x2100];
	v31 =	vmul.f32 $1.442695020e+00, v31;
	[tilespmem:s14+$0x6180] =	vst v43;
	v16 =	vsub.f32 v16, v47  }
0x149: {  	s23 =	sor.u32 $0x300, s20;
	v49 =	vld [tilespmem:s30+$0x100];
	v27 =	vmul.f32 $1.442695020e+00, v27;
	v42 =	vmul.f32 $1.442695020e+00, v52;
	[tilespmem:s14+$0x6280] =	vst v13  }
0x14a: {  	(erf) = vpow2.f32 v31;
	v13 =	vsel vm14, v4, v5;
	v53 =	vld [tilespmem:s23+$0x0];
	v16 =	vmul.f32 $1.442695020e+00, v16  }
0x14b: {  	vm9 =	veq.s32 v56, $0x0;
	(erf) = vpow2.f32 v27;
	v54 =	vld [tilespmem:s23+$0x4000];
	v13 =	vsub.f32 v13, v63  }
0x14c: {  	v31 =	vsel vm9, v59, v61;
	(erf) = vpow2.f32 v42;
	v27 =	vld [tilespmem:s23+$0x2000]  }
0x14d: {  	v51 =	vld [tilespmem:s30+$0x4100];
	v55 =	vand.u32 $0x7FFFFFFF, v31;
	v13 =	vmul.f32 $1.442695020e+00, v13  }
0x14e: {  	v40 =	vadd.f32 $1.000000000e+00, v40;
	v44 =	vld [tilespmem:s30+$0x80];
	v41 =	vmul.f32 $1.000000000e+01, v55;
	(erf) = vpow2.f32 v16;
	v16 =	vpop (erf)  }
0x14f: {  	s26 =	simm.s32 $0x10090;
	v56 =	vsel vm9, v0, v1;
	v50 =	vld [tilespmem:s30+$0x4000];
	(erf) = vpow2.f32 v13;
	v16 =	vadd.f32 $1.000000000e+00, v16  }
0x150: {  	v18 =	vld [tilespmem:s26+$0x0];
	v41 =	vsub.f32 v56, v41;
	vm10 =	veq.s32 v54, $0x0;
	(erf) = vrcp.f32 v40;
	v57 =	vpop (erf)  }
0x151: {  	v43 =	vld [tilespmem:s30+$0x0];
	v13 =	vsel vm10, v53, v27;
	(erf) = vrcp.f32 v16;
	v16 =	vadd.f32 $1.000000000e+00, v57  }
0x152: {  	v26 =	vmul.f32 v36, v26;
	v42 =	vld [tilespmem:s30+$0x2000];
	v41 =	vmul.f32 $1.442695020e+00, v41;
	v27 =	vand.u32 $0x7FFFFFFF, v13  }
0x153: {  	v14 =	vmul.f32 v34, v14;
	v63 =	vld [tilespmem:s30+$0x4200];
	v58 =	vpop (erf);
	v27 =	vmul.f32 $1.000000000e+01, v27  }
0x154: {  	v47 =	vld [tilespmem:s30+$0x2080];
	v59 =	vsel vm10, v10, v15;
	v45 =	vadd.f32 $1.000000000e+00, v58;
	v60 =	vpop (erf);
	(erf) = vpow2.f32 v41  }
0x155: {  	v41 =	vld [tilespmem:s30+$0x4080];
	v52 =	vadd.f32 $1.000000000e+00, v60;
	v27 =	vsub.f32 v59, v27;
	(erf) = vrcp.f32 v16;
	v16 =	vpop (erf)  }
0x156: {  	v17 =	vmul.f32 v35, v17;
	v40 =	vld [tilespmem:s30+$0x180];
	(erf) = vrcp.f32 v45;
	v16 =	vadd.f32 $1.000000000e+00, v16  }
0x157: {  	vm13 =	veq.s32 v51, $0x0;
	v45 =	vld [tilespmem:s30+$0x4180];
	v61 =	vmul.f32 $1.442695020e+00, v27;
	(erf) = vrcp.f32 v52  }
0x158: {  	vm11 =	veq.s32 v50, $0x0;
	vm15 =	veq.s32 v63, $0x0;
	v52 =	vld [tilespmem:s30+$0x4280];
	v62 =	vpop (erf);
	(erf) = vrcp.f32 v16  }
0x159: {  	v63 =	vld [tilespmem:s30+$0x2280];
	v54 =	vsel vm11, v18, v19;
	v27 =	vmul.f32 v9, v8;
	v9 =	vpop (erf);
	(erf) = vpow2.f32 v61  }
0x15a: {  	v60 =	vld [tilespmem:s30+$0x200];
	v8 =	vmul.f32 v37, v22;
	vm12 =	veq.s32 v41, $0x0;
	v16 =	vadd.f32 $1.000000000e+00, v62  }
0x15b: {  	v22 =	vadd.f32 $1.000000000e+00, v9;
	v9 =	vmul.f32 v38, v23;
	v53 =	vpop (erf);
	v62 =	vld [tilespmem:s30+$0x280];
	v57 =	vsel vm12, v18, v19  }
0x15c: {  	s31 =	simm.s32 $0x80;
	v44 =	vsel vm12, v44, v47;
	v61 =	vld [tilespmem:s30+$0x2200];
	vm14 =	veq.s32 v45, $0x0;
	v45 =	vsel vm11, v43, v42;
	v56 =	vpop (erf)  }
0x15d: {  	s24 =	sand.u32 $0x60, s31;
	v43 =	vsel vm13, v49, v46;
	(erf) = vrcp.f32 v16;
	vm8 =	veq.s32 v52, $0x0;
	v23 =	vpop (erf)  }
0x15e: {  	s9 =	sor.u32 s24, s6;
	v52 =	vsel vm13, v18, v19;
	v58 =	vsel vm14, v18, v19;
	v42 =	vsel vm14, v40, v48;
	v38 =	vpop (erf)  }
0x15f: {  	v51 =	vld [tilespmem:s9+$0x4080];
	v55 =	vand.u32 $0x7FFFFFFF, v45;
	v50 =	vand.u32 $0x7FFFFFFF, v43;
	(erf) = vrcp.f32 v22;
	v16 =	vpop (erf)  }
0x160: {  	[tilespmem:s19+$0x6000] =	vst v8;
	v8 =	vld [tilespmem:s26+$0xFFFFFFF0];
	v36 =	vmul.f32 $1.000000000e+01, v55;
	v55 =	vand.u32 $0x7FFFFFFF, v42;
	v50 =	vmul.f32 $1.000000000e+01, v50;
	v37 =	vpop (erf)  }
0x161: {  	v49 =	vld [tilespmem:s9+$0x4000];
	v40 =	vsel vm8, v62, v63;
	v41 =	vsel vm15, v60, v61;
	v60 =	vand.u32 $0x7FFFFFFF, v44;
	v22 =	vpop (erf)  }
0x162: {  	[tilespmem:s19+$0x6080] =	vst v9;
	v9 =	vld [tilespmem:s22+$0xFFFFFFF0];
	v36 =	vsub.f32 v54, v36;
	v54 =	vmul.f32 $1.000000000e+01, v55;
	v46 =	vmul.f32 $1.000000000e+01, v60;
	v61 =	vpop (erf)  }
0x163: {  	v50 =	vsub.f32 v52, v50;
	v62 =	vld [tilespmem:s9+$0x2080];
	v55 =	vand.u32 $0x7FFFFFFF, v40;
	v48 =	vadd.f32 $1.000000000e+00, v61  }
0x164: {  	v63 =	vld [tilespmem:s9+$0x180];
	v60 =	vand.u32 $0x7FFFFFFF, v41;
	v36 =	vmul.f32 $1.442695020e+00, v36;
	v46 =	vsub.f32 v57, v46  }
0x165: {  	v54 =	vsub.f32 v58, v54;
	v55 =	vmul.f32 $1.000000000e+01, v55;
	v58 =	vld [tilespmem:s9+$0x0];
	(erf) = vrcp.f32 v48  }
0x166: {  	v52 =	vmul.f32 $1.000000000e+01, v60;
	v60 =	vld [tilespmem:s9+$0x4280];
	v46 =	vmul.f32 $1.442695020e+00, v46  }
0x167: {  	v50 =	vmul.f32 $1.442695020e+00, v50;
	v57 =	vld [tilespmem:s9+$0x4200];
	(erf) = vpow2.f32 v36  }
0x168: {  	v59 =	vsel vm15, v18, v19;
	v47 =	vsel vm8, v18, v19;
	v61 =	vld [tilespmem:s9+$0x4100];
	(erf) = vpow2.f32 v46  }
0x169: {  	v47 =	vsub.f32 v47, v55;
	v52 =	vsub.f32 v59, v52;
	v48 =	vld [tilespmem:s9+$0x4180];
	(erf) = vpow2.f32 v50  }
0x16a: {  	v35 =	vmul.f32 v56, v39;
	v54 =	vmul.f32 $1.442695020e+00, v54;
	v36 =	vld [tilespmem:s9+$0x2000]  }
0x16b: {  	v47 =	vmul.f32 $1.442695020e+00, v47;
	v52 =	vmul.f32 $1.442695020e+00, v52;
	v46 =	vld [tilespmem:s9+$0x80]  }
0x16c: {  	(erf) = vpow2.f32 v54;
	v54 =	vmul.f32 v32, v11;
	v11 =	vld [tilespmem:s9+$0x100];
	v32 =	vpop (erf)  }
0x16d: {  	(erf) = vpow2.f32 v52;
	v52 =	vmul.f32 v33, v12;
	v12 =	vld [tilespmem:s9+$0x2100];
	v33 =	vpop (erf)  }
0x16e: {  	(erf) = vpow2.f32 v47;
	v47 =	vmul.f32 v53, v25;
	v25 =	vld [tilespmem:s9+$0x2180];
	v56 =	vpop (erf)  }
0x16f: {  	vm10 =	veq.s32 v51, $0x0;
	vm9 =	veq.s32 v49, $0x0;
	v49 =	vld [tilespmem:s9+$0x200];
	v13 =	vmul.f32 v56, v13  }
0x170: {  	vm14 =	veq.s32 v60, $0x0;
	vm13 =	veq.s32 v57, $0x0;
	vm12 =	veq.s32 v48, $0x0;
	v48 =	vld [tilespmem:s9+$0x2200];
	v59 =	vpop (erf)  }
0x171: {  	s12 =	sor.u32 s12, s16;
	vm11 =	veq.s32 v61, $0x0;
	v53 =	vld [tilespmem:s9+$0x280];
	v39 =	vsel vm9, v58, v36;
	v60 =	vpop (erf);
	[tilespmem:s23+$0x6000] =	vst v13;
	v13 =	vadd.f32 $1.000000000e+00, v59  }
0x172: {  	s20 =	sor.u32 $0x380, s12;
	v36 =	vsel vm10, v46, v62;
	v50 =	vand.u32 $0x7FFFFFFF, v39;
	v46 =	vadd.f32 $1.000000000e+00, v60;
	v61 =	vpop (erf);
	v60 =	vld [tilespmem:s9+$0x2280]  }
0x173: {  	v11 =	vsel vm11, v11, v12;
	v12 =	vsel vm12, v63, v25;
	v25 =	vld [tilespmem:s20+$0x4000];
	v62 =	vadd.f32 $1.000000000e+00, v61  }
0x174: {  	v55 =	vand.u32 $0x7FFFFFFF, v36;
	v50 =	vmul.f32 $1.000000000e+01, v50;
	v51 =	vld [tilespmem:s20+$0x0];
	(erf) = vrcp.f32 v13  }
0x175: {  	s25 =	simm.s32 $0x2;
	[tilespmem:s19+$0x6100] =	vst v54;
	v54 =	vsel vm10, v8, v9;
	v55 =	vmul.f32 $1.000000000e+01, v55;
	v56 =	vld [tilespmem:s20+$0x2000];
	(erf) = vrcp.f32 v46;
	v13 =	vpop (erf)  }
0x176: {  	s12 =	sand.u32 $0x3, s25;
	v61 =	vand.u32 $0x7FFFFFFF, v11;
	(erf) = vrcp.f32 v62;
	v13 =	vadd.f32 $1.000000000e+00, v13;
	v63 =	vpop (erf)  }
0x177: {  	[tilespmem:s19+$0x6200] =	vst v14;
	s12 =	sshll.u32 s12, $0x5;
	v14 =	vsel vm14, v53, v60;
	v46 =	vadd.f32 $1.000000000e+00, v63;
	v62 =	vpop (erf);
	v63 =	vand.u32 $0x7FFFFFFF, v12  }
0x178: {  	[tilespmem:s19+$0x6280] =	vst v17;
	s12 =	sadd.s32 $0x200, s12;
	vm15 =	veq.s32 v25, $0x0;
	v34 =	vadd.f32 $1.000000000e+00, v62;
	(erf) = vrcp.f32 v13  }
0x179: {  	s14 =	sor.u32 $0x300, s12;
	[tilespmem:s19+$0x6180] =	vst v52;
	v17 =	vand.u32 $0x7FFFFFFF, v14;
	v13 =	vsel vm13, v49, v48;
	(erf) = vrcp.f32 v46  }
0x17a: {  	v25 =	vsel vm15, v51, v56;
	v48 =	vmul.f32 $1.000000000e+01, v63;
	v51 =	vld [tilespmem:s14+$0x4000];
	(erf) = vrcp.f32 v34  }
0x17b: {  	v52 =	vmul.f32 $1.000000000e+01, v17;
	v17 =	vsel vm9, v8, v9;
	v59 =	vand.u32 $0x7FFFFFFF, v25  }
0x17c: {  	s26 =	sor.u32 s3, s3;
	v10 =	vsel vm15, v10, v15;
	v17 =	vsub.f32 v17, v50;
	v49 =	vmul.f32 $1.000000000e+01, v59  }
0x17d: {  	s19 =	sor.u32 $0x380, s26;
	[tilespmem:s5+$0x6000] =	vst v47;
	v56 =	vsel vm12, v8, v9;
	v58 =	vand.u32 $0x7FFFFFFF, v13;
	v34 =	vmul.f32 $1.000000000e+01, v61  }
0x17e: {  	s21 =	simm.s32 $0x8;
	v50 =	vld [tilespmem:s19+$0x4000];
	v46 =	vmul.f32 $1.000000000e+01, v58;
	v17 =	vmul.f32 $1.442695020e+00, v17;
	v15 =	vpop (erf);
	v10 =	vsub.f32 v10, v49  }
0x17f: {  	s28 =	simm.s32 $0xB0;
	s3 =	sand.u32 $0x7, s21;
	s22 =	simm.s32 $0x500;
	v47 =	vld [tilespmem:s14+$0x2000];
	v15 =	vmul.f32 v15, v45;
	v60 =	vpop (erf);
	vm8 =	veq.s32 v51, $0x0;
	v51 =	vmul.f32 v22, v20  }
0x180: {  	s6 =	sand.u32 $0x1C00, s22;
	s5 =	sshll.u32 s3, $0x4;
	s3 =	sand.u32 $0x70, s28;
	v57 =	vld [tilespmem:s19+$0x0];
	v49 =	vsel vm11, v8, v9;
	v22 =	vmul.f32 v33, v24;
	v44 =	vmul.f32 v60, v44;
	v61 =	vpop (erf)  }
0x181: {  	s24 =	sor.u32 s6, s3;
	v53 =	vld [tilespmem:s14+$0x0];
	v34 =	vsub.f32 v49, v34;
	v10 =	vmul.f32 $1.442695020e+00, v10;
	[tilespmem:s30+$0x6000] =	vst v15;
	v15 =	vmul.f32 v61, v43;
	v62 =	vpop (erf)  }
0x182: {  	v24 =	vld [tilespmem:s24+$0x200];
	v43 =	vmul.f32 v38, v30;
	v30 =	vsub.f32 v54, v55;
	[tilespmem:s30+$0x6080] =	vst v44;
	v42 =	vmul.f32 v62, v42;
	v63 =	vpop (erf)  }
0x183: {  	v60 =	vld [tilespmem:s19+$0x2000];
	vm9 =	veq.s32 v50, $0x0;
	(erf) = vpow2.f32 v10;
	[tilespmem:s30+$0x6100] =	vst v15;
	v61 =	vmul.f32 v63, v41;
	v62 =	vpop (erf)  }
0x184: {  	s5 =	sadd.s32 $0x400, s5;
	v38 =	vld [tilespmem:s24+$0x0];
	v6 =	vsel vm9, v6, v7;
	v30 =	vmul.f32 $1.442695020e+00, v30;
	[tilespmem:s30+$0x6180] =	vst v42;
	v10 =	vmul.f32 v62, v40  }
0x185: {  	s26 =	simm.s32 $0x108B0;
	s5 =	sadd.s32 $0x10, s5;
	v7 =	vld [tilespmem:s24+$0x4180];
	v44 =	vmul.f32 v16, v29;
	v29 =	vsub.f32 v56, v48;
	(erf) = vpow2.f32 v17;
	[tilespmem:s30+$0x6200] =	vst v61  }
0x186: {  	s5 =	sor.u32 $0x300, s5;
	v45 =	vsel vm13, v8, v9;
	v34 =	vmul.f32 $1.442695020e+00, v34;
	v16 =	vld [tilespmem:s26+$0x0];
	(erf) = vpow2.f32 v30;
	[tilespmem:s30+$0x6280] =	vst v10  }
0x187: {  	v29 =	vmul.f32 $1.442695020e+00, v29;
	v30 =	vsub.f32 v45, v46;
	v10 =	vsel vm14, v8, v9;
	v63 =	vld [tilespmem:s5+$0x0]  }
0x188: {  	s23 =	simm.s32 $0x100B0;
	v17 =	vsel vm8, v53, v47;
	(erf) = vpow2.f32 v34;
	v48 =	vld [tilespmem:s5+$0x4000];
	v10 =	vsub.f32 v10, v52  }
0x189: {  	v49 =	vand.u32 $0x7FFFFFFF, v17;
	(erf) = vpow2.f32 v29;
	v30 =	vmul.f32 $1.442695020e+00, v30;
	v42 =	vld [tilespmem:s5+$0x2000]  }
0x18a: {  	v15 =	vld [tilespmem:s23+$0x0];
	v34 =	vmul.f32 $1.000000000e+01, v49;
	v56 =	vmul.f32 $1.442695020e+00, v10  }
0x18b: {  	v23 =	vadd.f32 $1.000000000e+00, v23;
	v47 =	vld [tilespmem:s24+$0x2000];
	v29 =	vsel vm8, v3, v2;
	(erf) = vpow2.f32 v30  }
0x18c: {  	v53 =	vld [tilespmem:s24+$0x2100];
	v45 =	vmul.f32 v37, v28;
	v29 =	vsub.f32 v29, v34;
	v28 =	vpop (erf);
	(erf) = vpow2.f32 v56  }
0x18d: {  	v37 =	vld [tilespmem:s24+$0x100];
	v58 =	vadd.f32 $1.000000000e+00, v28;
	vm10 =	veq.s32 v48, $0x0;
	(erf) = vrcp.f32 v23  }
0x18e: {  	v40 =	vld [tilespmem:s24+$0x180];
	v29 =	vmul.f32 $1.442695020e+00, v29;
	v10 =	vsel vm9, v57, v60;
	v60 =	vpop (erf);
	v28 =	vsel vm10, v63, v42  }
0x18f: {  	v61 =	vld [tilespmem:s24+$0x2180];
	v23 =	vand.u32 $0x7FFFFFFF, v10;
	v62 =	vpop (erf);
	(erf) = vrcp.f32 v58;
	v59 =	vand.u32 $0x7FFFFFFF, v28  }
0x190: {  	v57 =	vld [tilespmem:s24+$0x4100];
	v42 =	vadd.f32 $1.000000000e+00, v60;
	v46 =	vadd.f32 $1.000000000e+00, v62;
	v41 =	vmul.f32 $1.000000000e+01, v59  }
0x191: {  	v52 =	vld [tilespmem:s24+$0x80];
	v54 =	vsel vm10, v18, v19;
	v55 =	vpop (erf);
	v23 =	vmul.f32 $1.000000000e+01, v23;
	(erf) = vpow2.f32 v29  }
0x192: {  	v30 =	vld [tilespmem:s24+$0x2080];
	v50 =	vadd.f32 $1.000000000e+00, v55;
	v56 =	vpop (erf);
	(erf) = vrcp.f32 v42;
	v41 =	vsub.f32 v54, v41  }
0x193: {  	s12 =	simm.s32 $0xA0;
	vm14 =	veq.s32 v7, $0x0;
	v63 =	vld [tilespmem:s24+$0x4000];
	v42 =	vadd.f32 $1.000000000e+00, v56;
	(erf) = vrcp.f32 v46  }
0x194: {  	s30 =	sand.u32 $0x60, s12;
	v40 =	vsel vm14, v40, v61;
	v29 =	vld [tilespmem:s24+$0x4080];
	v20 =	vpop (erf);
	(erf) = vrcp.f32 v50;
	v41 =	vmul.f32 $1.442695020e+00, v41  }
0x195: {  	s30 =	sor.u32 s30, s6;
	v58 =	vld [tilespmem:s24+$0x4200];
	vm13 =	veq.s32 v57, $0x0;
	v50 =	vmul.f32 v32, v21;
	(erf) = vrcp.f32 v42;
	v21 =	vpop (erf)  }
0x196: {  	v55 =	vld [tilespmem:s30+$0x4000];
	v6 =	vsub.f32 v6, v23;
	v20 =	vadd.f32 $1.000000000e+00, v20;
	(erf) = vpow2.f32 v41;
	v23 =	vpop (erf)  }
0x197: {  	v56 =	vsel vm14, v15, v16;
	v21 =	vadd.f32 $1.000000000e+00, v21;
	v46 =	vmul.f32 v23, v31;
	v31 =	vld [tilespmem:s24+$0x2200]  }
0x198: {  	v59 =	vld [tilespmem:s24+$0x4280];
	v6 =	vmul.f32 $1.442695020e+00, v6;
	v32 =	vsel vm13, v15, v16;
	(erf) = vrcp.f32 v20  }
0x199: {  	vm11 =	veq.s32 v63, $0x0;
	vm12 =	veq.s32 v29, $0x0;
	v29 =	vld [tilespmem:s24+$0x280];
	v33 =	vpop (erf);
	(erf) = vrcp.f32 v21  }
0x19a: {  	vm15 =	veq.s32 v58, $0x0;
	v42 =	vsel vm13, v37, v53;
	v23 =	vpop (erf);
	(erf) = vpow2.f32 v6;
	v6 =	vld [tilespmem:s24+$0x2280]  }
0x19b: {  	v7 =	vsel vm11, v15, v16;
	v47 =	vsel vm11, v38, v47;
	v41 =	vsel vm12, v52, v30;
	v49 =	vpop (erf)  }
0x19c: {  	v53 =	vld [tilespmem:s30+$0x4280];
	v60 =	vand.u32 $0x7FFFFFFF, v41;
	v48 =	vpop (erf);
	v38 =	vsel vm15, v24, v31;
	v24 =	vand.u32 $0x7FFFFFFF, v47  }
0x19d: {  	v61 =	vld [tilespmem:s30+$0x0];
	vm9 =	veq.s32 v55, $0x0;
	v37 =	vmul.f32 $1.000000000e+01, v60;
	v20 =	vpop (erf);
	v24 =	vmul.f32 $1.000000000e+01, v24  }
0x19e: {  	v62 =	vld [tilespmem:s30+$0x100];
	v54 =	vsel vm12, v15, v16;
	vm8 =	veq.s32 v59, $0x0;
	v52 =	vand.u32 $0x7FFFFFFF, v42;
	v21 =	vpop (erf)  }
0x19f: {  	v57 =	vld [tilespmem:s30+$0x4080];
	v37 =	vsub.f32 v54, v37;
	v34 =	vsel vm8, v29, v6;
	v6 =	vpop (erf);
	v7 =	vsub.f32 v7, v24  }
0x1a0: {  	v63 =	vld [tilespmem:s30+$0x180];
	v59 =	vand.u32 $0x7FFFFFFF, v40;
	v24 =	vmul.f32 $1.000000000e+01, v52;
	v6 =	vadd.f32 $1.000000000e+00, v6  }
0x1a1: {  	v55 =	vld [tilespmem:s30+$0x2200];
	vm14 =	veq.s32 v53, $0x0;
	v37 =	vmul.f32 $1.442695020e+00, v37;
	v7 =	vmul.f32 $1.442695020e+00, v7  }
0x1a2: {  	v30 =	vld [tilespmem:s30+$0x4100];
	v52 =	vmul.f32 $1.000000000e+01, v59;
	v24 =	vsub.f32 v32, v24;
	(erf) = vrcp.f32 v6  }
0x1a3: {  	v53 =	vld [tilespmem:s30+$0x2280];
	v60 =	vand.u32 $0x7FFFFFFF, v38;
	v54 =	vand.u32 $0x7FFFFFFF, v34;
	(erf) = vpow2.f32 v7  }
0x1a4: {  	v31 =	vld [tilespmem:s30+$0x4180];
	v32 =	vmul.f32 $1.000000000e+01, v60;
	v52 =	vsub.f32 v56, v52;
	v24 =	vmul.f32 $1.442695020e+00, v24  }
0x1a5: {  	v58 =	vsel vm15, v15, v16;
	v29 =	vld [tilespmem:s30+$0x4200];
	v54 =	vmul.f32 $1.000000000e+01, v54  }
0x1a6: {  	v59 =	vld [tilespmem:s30+$0x80];
	v32 =	vsub.f32 v58, v32;
	v52 =	vmul.f32 $1.442695020e+00, v52;
	(erf) = vpow2.f32 v37  }
0x1a7: {  	v60 =	vld [tilespmem:s30+$0x2080];
	v56 =	vsel vm8, v15, v16;
	(erf) = vpow2.f32 v24  }
0x1a8: {  	v6 =	vld [tilespmem:s30+$0x2000];
	v58 =	vmul.f32 v33, v25;
	v33 =	vsub.f32 v56, v54;
	(erf) = vpow2.f32 v52;
	v24 =	vpop (erf)  }
0x1a9: {  	v7 =	vld [tilespmem:s30+$0x2100];
	v37 =	vmul.f32 $1.442695020e+00, v32;
	v25 =	vpop (erf)  }
0x1aa: {  	vm13 =	veq.s32 v29, $0x0;
	v29 =	vld [tilespmem:s30+$0x280];
	v33 =	vmul.f32 $1.442695020e+00, v33;
	v32 =	vpop (erf)  }
0x1ab: {  	vm10 =	veq.s32 v57, $0x0;
	vm11 =	veq.s32 v30, $0x0;
	v52 =	vld [tilespmem:s30+$0x200];
	(erf) = vpow2.f32 v37;
	v30 =	vpop (erf)  }
0x1ac: {  	v54 =	vld [tilespmem:s30+$0x2180];
	(erf) = vpow2.f32 v33;
	v33 =	vsel vm10, v59, v60;
	v59 =	vpop (erf)  }
0x1ad: {  	v37 =	vsel vm9, v61, v6;
	v28 =	vmul.f32 v30, v28;
	v59 =	vadd.f32 $1.000000000e+00, v59  }
0x1ae: {  	vm12 =	veq.s32 v31, $0x0;
	v31 =	vsel vm11, v62, v7;
	v61 =	vand.u32 $0x7FFFFFFF, v37  }
0x1af: {  	s7 =	sor.u32 s7, s8;
	v7 =	vld [tilespmem:s26+$0xFFFFFFF0];
	v29 =	vsel vm14, v29, v53;
	v56 =	vmul.f32 $1.000000000e+01, v61;
	v62 =	vpop (erf);
	[tilespmem:s5+$0x6000] =	vst v28;
	v28 =	vand.u32 $0x7FFFFFFF, v33  }
0x1b0: {  	[tilespmem:s11+$0x6000] =	vst v26;
	v6 =	vld [tilespmem:s23+$0xFFFFFFF0];
	s5 =	sor.u32 $0x380, s7;
	v60 =	vmul.f32 $1.000000000e+01, v28;
	v28 =	vsel vm13, v52, v55;
	v52 =	vadd.f32 $1.000000000e+00, v62;
	v62 =	vpop (erf)  }
0x1b1: {  	[tilespmem:s17+$0x6000] =	vst v27;
	v30 =	vsel vm12, v63, v54;
	v54 =	vand.u32 $0x7FFFFFFF, v31;
	v61 =	vld [tilespmem:s5+$0x0];
	(erf) = vrcp.f32 v59;
	v59 =	vpop (erf)  }
0x1b2: {  	[tilespmem:s2+$0x6000] =	vst v35;
	v63 =	vmul.f32 $1.000000000e+01, v54;
	v54 =	vld [tilespmem:s5+$0x4000];
	v53 =	vadd.f32 $1.000000000e+00, v62;
	v62 =	vadd.f32 $1.000000000e+00, v59  }
0x1b3: {  	[tilespmem:s1+$0x6000] =	vst v43;
	v43 =	vld [tilespmem:s5+$0x2000]  }
0x1b4: {  	[tilespmem:s1+$0x6080] =	vst v44;
	v49 =	vmul.f32 v49, v39;
	v57 =	vand.u32 $0x7FFFFFFF, v30;
	(erf) = vrcp.f32 v52  }
0x1b5: {  	s15 =	sor.u32 s15, s4;
	[tilespmem:s1+$0x6100] =	vst v45;
	s6 =	simm.s32 $0x3;
	v45 =	vmul.f32 $1.000000000e+01, v57;
	v44 =	vand.u32 $0x7FFFFFFF, v28;
	(erf) = vrcp.f32 v53;
	v59 =	vpop (erf)  }
0x1b6: {  	s29 =	sor.u32 s29, s16;
	s16 =	simm.s32 $0x5;
	[tilespmem:s1+$0x6180] =	vst v51;
	s7 =	sand.u32 $0x3, s6;
	v51 =	vmul.f32 $1.000000000e+01, v44;
	v44 =	vadd.f32 $1.000000000e+00, v59;
	(erf) = vrcp.f32 v62;
	v62 =	vpop (erf)  }
0x1b7: {  	s8 =	sor.u32 s31, s8;
	s25 =	sor.u32 s10, s18;
	[tilespmem:s1+$0x6280] =	vst v22;
	v57 =	vand.u32 $0x7FFFFFFF, v29;
	s18 =	sshll.u32 s7, $0x5;
	vm15 =	veq.s32 v54, $0x0;
	v55 =	vadd.f32 $1.000000000e+00, v62  }
0x1b8: {  	s10 =	sor.u32 $0x380, s15;
	s15 =	sand.u32 $0x3, s16;
	[tilespmem:s13+$0x6000] =	vst v46;
	v27 =	vsel vm10, v6, v7;
	s4 =	sadd.s32 $0x300, s18;
	(erf) = vrcp.f32 v44;
	v22 =	vsel vm15, v61, v43  }
0x1b9: {  	s11 =	sor.u32 $0x380, s25;
	s25 =	sshll.u32 s15, $0x5;
	[tilespmem:s1+$0x6200] =	vst v50;
	v35 =	vld [tilespmem:s10+$0x4000];
	v26 =	vsel vm11, v6, v7;
	s18 =	sor.u32 $0x300, s4;
	v43 =	vand.u32 $0x7FFFFFFF, v22;
	(erf) = vrcp.f32 v55  }
0x1ba: {  	s15 =	sor.u32 $0x380, s8;
	s31 =	sor.u32 s12, s22;
	s3 =	simm.s32 $0x4;
	v52 =	vmul.f32 $1.000000000e+01, v57;
	v50 =	vld [tilespmem:s18+$0x0];
	v54 =	vsel vm14, v6, v7;
	v43 =	vmul.f32 $1.000000000e+01, v43  }
0x1bb: {  	s8 =	simm.s32 $0x500;
	s16 =	sor.u32 $0x380, s31;
	s6 =	sand.u32 $0x3, s3;
	v44 =	vld [tilespmem:s18+$0x4000];
	v18 =	vsel vm15, v18, v19;
	v19 =	vsub.f32 v26, v63;
	v62 =	vsel vm9, v6, v7  }
0x1bc: {  	s13 =	simm.s32 $0x6;
	s1 =	sshll.u32 s6, $0x5;
	s7 =	simm.s32 $0xA;
	v53 =	vld [tilespmem:s18+$0x2000];
	v61 =	vsel vm12, v6, v7;
	v56 =	vsub.f32 v62, v56;
	v62 =	vsub.f32 v18, v43  }
0x1bd: {  	v39 =	vld [tilespmem:s10+$0x0];
	[tilespmem:s9+$0x6000] =	vst v49;
	s17 =	sadd.s32 $0x400, s1;
	s1 =	sor.u32 $0x380, s29;
	s29 =	sadd.s32 $0x500, s25;
	v26 =	vpop (erf);
	v55 =	vsel vm13, v6, v7;
	v18 =	vsub.f32 v27, v60;
	v27 =	vmul.f32 v48, v36  }
0x1be: {  	[tilespmem:s20+$0x6000] =	vst v58;
	s4 =	sshll.u32 s0, $0xB;
	s17 =	sor.u32 $0x300, s17;
	s2 =	sor.u32 $0x300, s29;
	v36 =	vld [tilespmem:s10+$0x2000];
	v43 =	vsub.f32 v61, v45;
	v45 =	vmul.f32 v26, v47;
	v46 =	vpop (erf);
	v26 =	vmul.f32 $1.442695020e+00, v62  }
.LBB2_5:
0x1bf: {  	s20 =	sand.u32 $0x3, s13;
	v47 =	vsub.f32 v55, v51;
	v48 =	vsub.f32 v54, v52;
	v49 =	vmul.f32 v46, v41;
	v46 =	vpop (erf);
	[tilespmem:s9+$0x6080] =	vst v27  }
0x1c0: {  	s22 =	sadd.s32 $0x100, s22;
	s21 =	sadd.s32 $0x2, s21;
	vm0 =	veq.s32 v44, $0x0;
	s25 =	sshll.u32 s20, $0x5;
	[tilespmem:s24+$0x6000] =	vst v45;
	v27 =	vmul.f32 v46, v42;
	v42 =	vpop (erf);
	(erf) = vpow2.f32 v26  }
0x1c1: {  	v44 =	vmul.f32 $1.442695020e+00, v56;
	s12 =	sadd.s32 $0x20, s12;
	s23 =	sadd.s32 $0x20, s23;
	s29 =	sand.u32 $0x7, s21;
	[tilespmem:s24+$0x6080] =	vst v49;
	v26 =	vmul.f32 v42, v40;
	v41 =	vpop (erf);
	v40 =	vsel vm0, v50, v53  }
0x1c2: {  	s26 =	sadd.s32 $0x20, s26;
	s20 =	sadd.s32 $0x10, s12;
	v45 =	vmul.f32 $1.442695020e+00, v18;
	s29 =	sshll.u32 s29, $0x4;
	v42 =	vld [tilespmem:s23+$0xFFFFFFF0];
	[tilespmem:s24+$0x6100] =	vst v27;
	v49 =	vmul.f32 v41, v38;
	v38 =	vpop (erf);
	v41 =	vand.u32 $0x7FFFFFFF, v40  }
0x1c3: {  	s31 =	sand.u32 $0x1C00, s22;
	v46 =	vmul.f32 $1.442695020e+00, v19;
	v19 =	vmovc v37;
	s6 =	sand.u32 $0x70, s20;
	s29 =	sadd.s32 s8, s29;
	v18 =	vld [tilespmem:s23+$0x0];
	[tilespmem:s24+$0x6180] =	vst v26;
	v34 =	vmul.f32 v38, v34;
	v38 =	vsel vm0, v4, v5  }
0x1c4: {  	v23 =	vadd.f32 $1.000000000e+00, v23;
	s3 =	sand.u32 $0x60, s12;
	v37 =	vmul.f32 $1.442695020e+00, v43;
	v43 =	vmul.f32 $1.442695020e+00, v47;
	s6 =	sor.u32 s31, s6;
	s29 =	sadd.s32 $0x10, s29;
	v26 =	vld [tilespmem:s26+$0x0];
	[tilespmem:s24+$0x6200] =	vst v49;
	v27 =	vmovc v33  }
0x1c5: {  	s3 =	sor.u32 s3, s31;
	s25 =	sadd.s32 s25, s22;
	v47 =	vmul.f32 $1.442695020e+00, v48;
	vm0 =	veq.s32 v35, $0x0;
	s29 =	sor.u32 $0x300, s29;
	v33 =	vld [tilespmem:s6+$0x0];
	[tilespmem:s24+$0x6280] =	vst v34;
	(erf) = vpow2.f32 v44  }
0x1c6: {  	v20 =	vmul.f32 v20, v11;
	v11 =	vmovc v31;
	s25 =	sor.u32 $0x300, s25;
	s31 =	sor.u32 s12, s22;
	v35 =	vsel vm0, v39, v36;
	s24 =	smov.u32 s6;
	v34 =	vld [tilespmem:s29+$0x0];
	(erf) = vpow2.f32 v45  }
0x1c7: {  	v21 =	vmul.f32 v21, v12;
	v12 =	vmovc v30;
	s31 =	sor.u32 $0x380, s31;
	v36 =	vand.u32 $0x7FFFFFFF, v35;
	v31 =	vld [tilespmem:s29+$0x4000];
	(erf) = vpow2.f32 v46  }
0x1c8: {  	v13 =	vmul.f32 v24, v13;
	v24 =	vsel vm0, v0, v1;
	v0 =	vmovc v3;
	v30 =	vld [tilespmem:s29+$0x2000];
	(erf) = vpow2.f32 v37;
	[tilespmem:s9+$0x6100] =	vst v20  }
0x1c9: {  	v37 =	vmul.f32 v25, v14;
	v14 =	vadd.f32 $1.000000000e+00, v32;
	v20 =	vld [tilespmem:s24+$0x2000];
	(erf) = vpow2.f32 v43;
	[tilespmem:s9+$0x6180] =	vst v21;
	v3 =	vpop (erf)  }
0x1ca: {  	v25 =	vmul.f32 $1.000000000e+01, v41;
	v21 =	vld [tilespmem:s24+$0x80];
	(erf) = vpow2.f32 v47;
	[tilespmem:s9+$0x6200] =	vst v13;
	v39 =	vadd.f32 $1.000000000e+00, v3;
	v3 =	vmovc v4;
	v4 =	vmovc v8  }
0x1cb: {  	v1 =	vmovc v2;
	v8 =	vmovc v6;
	v6 =	vmov v42;
	v32 =	vld [tilespmem:s24+$0x2080];
	[tilespmem:s9+$0x6280] =	vst v37;
	(erf) = vrcp.f32 v23;
	v23 =	vmul.f32 $1.000000000e+01, v36;
	s9 =	smov.u32 s30;
	s30 =	smov.u32 s3  }
0x1cc: {  	v2 =	vmovc v5;
	v5 =	vmovc v9;
	v25 =	vsub.f32 v38, v25;
	v36 =	vld [tilespmem:s24+$0x100];
	vm0 =	veq.s32 v31, $0x0;
	(erf) = vrcp.f32 v39  }
0x1cd: {  	v9 =	vmovc v7;
	v13 =	vmovc v28;
	v31 =	vld [tilespmem:s24+$0x2100];
	v30 =	vsel vm0, v34, v30;
	v23 =	vsub.f32 v24, v23;
	(erf) = vrcp.f32 v14  }
0x1ce: {  	v25 =	vmul.f32 $1.442695020e+00, v25;
	v14 =	vmov v29;
	v7 =	vld [tilespmem:s24+$0x180];
	v24 =	vand.u32 $0x7FFFFFFF, v30;
	v28 =	vpop (erf)  }
0x1cf: {  	v29 =	vld [tilespmem:s24+$0x2180];
	v41 =	vadd.f32 $1.000000000e+00, v28;
	v24 =	vmul.f32 $1.000000000e+01, v24;
	v34 =	vpop (erf);
	v23 =	vmul.f32 $1.442695020e+00, v23  }
0x1d0: {  	v38 =	vsel vm0, v15, v16;
	v37 =	vld [tilespmem:s24+$0x4000];
	v42 =	vadd.f32 $1.000000000e+00, v34;
	v39 =	vpop (erf);
	(erf) = vpow2.f32 v25  }
0x1d1: {  	v25 =	vld [tilespmem:s24+$0x4080];
	v43 =	vadd.f32 $1.000000000e+00, v39;
	v24 =	vsub.f32 v38, v24;
	(erf) = vrcp.f32 v41;
	v28 =	vpop (erf)  }
0x1d2: {  	v38 =	vld [tilespmem:s24+$0x4100];
	v44 =	vadd.f32 $1.000000000e+00, v28;
	(erf) = vrcp.f32 v42;
	v34 =	vpop (erf)  }
0x1d3: {  	v41 =	vld [tilespmem:s24+$0x4180];
	v34 =	vadd.f32 $1.000000000e+00, v34;
	v45 =	vmul.f32 $1.442695020e+00, v24;
	(erf) = vrcp.f32 v43;
	v39 =	vpop (erf)  }
0x1d4: {  	v42 =	vld [tilespmem:s24+$0x4200];
	v39 =	vadd.f32 $1.000000000e+00, v39;
	(erf) = vrcp.f32 v44;
	v28 =	vpop (erf)  }
0x1d5: {  	v43 =	vld [tilespmem:s24+$0x4280];
	(erf) = vpow2.f32 v45;
	v24 =	vpop (erf);
	v28 =	vmul.f32 v28, v17;
	v17 =	vmov v40  }
0x1d6: {  	v44 =	vld [tilespmem:s24+$0x200];
	(erf) = vrcp.f32 v34;
	v22 =	vmul.f32 v24, v22;
	v24 =	vpop (erf)  }
0x1d7: {  	v34 =	vld [tilespmem:s24+$0x2200];
	(erf) = vrcp.f32 v39;
	[tilespmem:s14+$0x6000] =	vst v28;
	v24 =	vmul.f32 v24, v10;
	v10 =	vmov v35;
	s14 =	smov.u32 s18;
	s18 =	smov.u32 s17;
	s17 =	smov.u32 s2  }
0x1d8: {  	vm0 =	veq.s32 v37, $0x0;
	vm1 =	veq.s32 v25, $0x0;
	s2 =	smov.u32 s25;
	v25 =	vld [tilespmem:s24+$0x280];
	[tilespmem:s5+$0x6000] =	vst v22;
	(erf) = vpow2.f32 v23  }
0x1d9: {  	vm2 =	veq.s32 v38, $0x0;
	vm3 =	veq.s32 v41, $0x0;
	vm4 =	veq.s32 v42, $0x0;
	v22 =	vld [tilespmem:s24+$0x2280];
	v23 =	vpop (erf);
	[tilespmem:s19+$0x6000] =	vst v24;
	s19 =	smov.u32 s10;
	s10 =	smov.u32 s11;
	s11 =	smov.u32 s1  }
0x1da: {  	v35 =	vsel vm0, v18, v26;
	v37 =	vsel vm1, v18, v26;
	s1 =	smov.u32 s15;
	s15 =	smov.u32 s16;
	s16 =	smov.u32 s31;
	v28 =	vld [tilespmem:s30+$0x4000];
	vm5 =	veq.s32 v43, $0x0;
	v43 =	vpop (erf)  }
0x1db: {  	s7 =	sadd.s32 $0x2, s7;
	v47 =	vsel vm2, v18, v26;
	v48 =	vsel vm3, v18, v26;
	v49 =	vsel vm4, v18, v26;
	v39 =	vld [tilespmem:s30+$0x4080];
	v45 =	vpop (erf)  }
0x1dc: {  	p0 =	slt.u32 s7, $0x3E;
	v46 =	vsel vm0, v33, v20;
	v41 =	vsel vm1, v21, v32;
	v33 =	vsel vm5, v18, v26;
	v50 =	vld [tilespmem:s30+$0x4100];
	v20 =	vpop (erf)  }
0x1dd: {  	v42 =	vsel vm2, v36, v31;
	v40 =	vsel vm3, v7, v29;
	v38 =	vsel vm4, v44, v34;
	v51 =	vld [tilespmem:s30+$0x4180];
	v21 =	vpop (erf)  }
0x1de: {  	v29 =	vand.u32 $0x7FFFFFFF, v41;
	v44 =	vand.u32 $0x7FFFFFFF, v46;
	v7 =	vld [tilespmem:s30+$0x4200];
	v34 =	vsel vm5, v25, v22;
	v22 =	vpop (erf)  }
0x1df: {  	v36 =	vand.u32 $0x7FFFFFFF, v42;
	v55 =	vmul.f32 $1.000000000e+01, v44;
	v31 =	vld [tilespmem:s30+$0x4280];
	v22 =	vadd.f32 $1.000000000e+00, v22;
	v24 =	vpop (erf)  }
0x1e0: {  	v29 =	vmul.f32 $1.000000000e+01, v29;
	v52 =	vand.u32 $0x7FFFFFFF, v40;
	v53 =	vand.u32 $0x7FFFFFFF, v38;
	v44 =	vld [tilespmem:s30+$0x0];
	v25 =	vpop (erf)  }
0x1e1: {  	v36 =	vmul.f32 $1.000000000e+01, v36;
	v35 =	vsub.f32 v35, v55;
	v54 =	vld [tilespmem:s30+$0x2000];
	(erf) = vrcp.f32 v22;
	v32 =	vpop (erf)  }
0x1e2: {  	v29 =	vsub.f32 v37, v29;
	v37 =	vmul.f32 $1.000000000e+01, v52;
	v52 =	vand.u32 $0x7FFFFFFF, v34;
	v22 =	vld [tilespmem:s30+$0x80]  }
0x1e3: {  	v36 =	vsub.f32 v47, v36;
	v47 =	vmul.f32 $1.000000000e+01, v53;
	v35 =	vmul.f32 $1.442695020e+00, v35;
	v55 =	vld [tilespmem:s30+$0x2080]  }
0x1e4: {  	v29 =	vmul.f32 $1.442695020e+00, v29;
	v37 =	vsub.f32 v48, v37;
	v48 =	vmul.f32 $1.000000000e+01, v52;
	v53 =	vld [tilespmem:s30+$0x100]  }
0x1e5: {  	v36 =	vmul.f32 $1.442695020e+00, v36;
	v47 =	vsub.f32 v49, v47;
	v52 =	vld [tilespmem:s30+$0x2100];
	(erf) = vpow2.f32 v35  }
0x1e6: {  	v37 =	vmul.f32 $1.442695020e+00, v37;
	v33 =	vsub.f32 v33, v48;
	v35 =	vld [tilespmem:s30+$0x180];
	(erf) = vpow2.f32 v29  }
0x1e7: {  	vm0 =	veq.s32 v28, $0x0;
	v29 =	vmul.f32 $1.442695020e+00, v47;
	v28 =	vld [tilespmem:s30+$0x2180];
	(erf) = vpow2.f32 v36  }
0x1e8: {  	vm1 =	veq.s32 v39, $0x0;
	v33 =	vmul.f32 $1.442695020e+00, v33;
	v36 =	vld [tilespmem:s30+$0x200];
	(erf) = vpow2.f32 v37  }
0x1e9: {  	vm2 =	veq.s32 v50, $0x0;
	vm3 =	veq.s32 v51, $0x0;
	v39 =	vld [tilespmem:s30+$0x2200];
	(erf) = vpow2.f32 v29  }
0x1ea: {  	vm4 =	veq.s32 v7, $0x0;
	vm5 =	veq.s32 v31, $0x0;
	v29 =	vld [tilespmem:s30+$0x280];
	(erf) = vpow2.f32 v33;
	v7 =	vpop (erf)  }
0x1eb: {  	v37 =	vsel vm0, v44, v54;
	v33 =	vsel vm1, v22, v55;
	v22 =	vld [tilespmem:s30+$0x2280];
	v44 =	vmul.f32 v7, v30  }
0x1ec: {  	s3 =	sor.u32 s28, s8;
	s8 =	smov.u32 s22;
	s28 =	smov.u32 s20;
	v47 =	vand.u32 $0x7FFFFFFF, v37;
	v31 =	vsel vm2, v53, v52;
	v7 =	vld [tilespmem:s26+$0xFFFFFFF0];
	v30 =	vsel vm3, v35, v28  }
0x1ed: {  	s5 =	sor.u32 $0x380, s3;
	v28 =	vand.u32 $0x7FFFFFFF, v33;
	v35 =	vand.u32 $0x7FFFFFFF, v31;
	v48 =	vand.u32 $0x7FFFFFFF, v30;
	[tilespmem:s29+$0x6000] =	vst v44;
	v44 =	vld [tilespmem:s18+$0x4000]  }
0x1ee: {  	v47 =	vmul.f32 $1.000000000e+01, v47;
	v49 =	vmul.f32 $1.000000000e+01, v28;
	v28 =	vsel vm4, v36, v39;
	v36 =	vpop (erf);
	v54 =	vld [tilespmem:s5+$0x0]  }
0x1ef: {  	v57 =	vmul.f32 $1.000000000e+01, v35;
	v35 =	vand.u32 $0x7FFFFFFF, v28;
	v50 =	vadd.f32 $1.000000000e+00, v36;
	v39 =	vpop (erf);
	v55 =	vld [tilespmem:s5+$0x4000]  }
0x1f0: {  	v48 =	vmul.f32 $1.000000000e+01, v48;
	v29 =	vsel vm5, v29, v22;
	v53 =	vadd.f32 $1.000000000e+00, v39;
	v39 =	vpop (erf);
	v56 =	vld [tilespmem:s5+$0x2000]  }
0x1f1: {  	v52 =	vand.u32 $0x7FFFFFFF, v29;
	v58 =	vadd.f32 $1.000000000e+00, v39;
	(erf) = vrcp.f32 v50;
	v36 =	vpop (erf);
	v50 =	vld [tilespmem:s18+$0x0]  }
0x1f2: {  	v51 =	vmul.f32 $1.000000000e+01, v35;
	v36 =	vadd.f32 $1.000000000e+00, v36;
	(erf) = vrcp.f32 v53;
	v22 =	vpop (erf);
	v53 =	vld [tilespmem:s18+$0x2000]  }
0x1f3: {  	v52 =	vmul.f32 $1.000000000e+01, v52;
	v22 =	vadd.f32 $1.000000000e+00, v22;
	(erf) = vrcp.f32 v58;
	v39 =	vpop (erf);
	v35 =	vld [tilespmem:s10+$0x4000]  }
0x1f4: {  	v58 =	vadd.f32 $1.000000000e+00, v39;
	(erf) = vrcp.f32 v36;
	vm6 =	veq.s32 v55, $0x0;
	v39 =	vld [tilespmem:s10+$0x0]  }
0x1f5: {  	v59 =	vsel vm0, v6, v7;
	(erf) = vrcp.f32 v22;
	v22 =	vsel vm6, v54, v56;
	v36 =	vld [tilespmem:s10+$0x2000]  }
0x1f6: {  	v60 =	vsel vm1, v6, v7;
	(erf) = vrcp.f32 v58;
	v54 =	vand.u32 $0x7FFFFFFF, v22  }
.Ltmp1:
0x1f7: {  	v61 =	vsel vm3, v6, v7;
	v58 =	vsel vm2, v6, v7;
	v62 =	vmul.f32 $1.000000000e+01, v54;
	(pc) =	sbr.rel @p0 .LBB2_5-.Ltmp1, $4  }
0x1f8: {  	v55 =	vsel vm4, v6, v7;
	v63 =	vsel vm6, v15, v16;
	v15 =	vmovc v18;
	v54 =	vsel vm5, v6, v7  }
0x1f9: {  	v56 =	vsub.f32 v59, v47;
	v47 =	vmul.f32 v43, v19;
	v16 =	vmovc v26;
	v59 =	vsub.f32 v63, v62  }
0x1fa: {  	v27 =	vmul.f32 v45, v27;
	v18 =	vsub.f32 v60, v49;
	v19 =	vsub.f32 v58, v57;
	v26 =	vpop (erf)  }
0x1fb: {  	s13 =	sadd.s32 $0x1, s13;
	v43 =	vsub.f32 v61, v48;
	v45 =	vmul.f32 v26, v46;
	v46 =	vpop (erf);
	[tilespmem:s9+$0x6000] =	vst v47;
	v26 =	vmul.f32 $1.442695020e+00, v59  }
0x1fc: {  	v41 =	vmul.f32 v46, v41;
	v62 =	vpop (erf)  }
0x1fd: {  	s3 =	sadd.s32 $0x2, s21;
	[tilespmem:s24+$0x6000] =	vst v45;
	v42 =	vmul.f32 v62, v42;
	v63 =	vpop (erf)  }
0x1fe: {  	v47 =	vmul.f32 $1.442695020e+00, v56;
	s3 =	sand.u32 $0x7, s3;
	[tilespmem:s24+$0x6080] =	vst v41;
	v40 =	vmul.f32 v63, v40;
	v45 =	vpop (erf)  }
0x1ff: {  	(erf) = vpow2.f32 v26;
	s3 =	sshll.u32 s3, $0x4;
	[tilespmem:s24+$0x6100] =	vst v42;
	v26 =	vmul.f32 v45, v38;
	v46 =	vpop (erf)  }
0x200: {  	s3 =	sadd.s32 s8, s3;
	(erf) = vpow2.f32 v47;
	[tilespmem:s24+$0x6180] =	vst v40;
	v34 =	vmul.f32 v46, v34  }
0x201: {  	v18 =	vmul.f32 $1.442695020e+00, v18;
	v19 =	vmul.f32 $1.442695020e+00, v19;
	s3 =	sadd.s32 $0x10, s3;
	[tilespmem:s24+$0x6200] =	vst v26  }
0x202: {  	v48 =	vsub.f32 v55, v51;
	vm0 =	veq.s32 v44, $0x0;
	v23 =	vadd.f32 $1.000000000e+00, v23;
	s7 =	sor.u32 $0x300, s3;
	[tilespmem:s24+$0x6280] =	vst v34  }
0x203: {  	v49 =	vmul.f32 $1.442695020e+00, v43;
	(erf) = vpow2.f32 v18;
	v18 =	vsub.f32 v54, v52;
	v40 =	vld [tilespmem:s7+$0x0]  }
0x204: {  	(erf) = vpow2.f32 v19;
	v26 =	vsel vm0, v50, v53;
	v19 =	vmul.f32 $1.442695020e+00, v48;
	v51 =	vld [tilespmem:s7+$0x4000]  }
0x205: {  	(erf) = vpow2.f32 v49;
	v53 =	vand.u32 $0x7FFFFFFF, v26;
	v18 =	vmul.f32 $1.442695020e+00, v18;
	v52 =	vld [tilespmem:s7+$0x2000]  }
0x206: {  	(erf) = vpow2.f32 v19;
	v19 =	vmul.f32 $1.000000000e+01, v53  }
0x207: {  	v54 =	vsel vm0, v4, v5  }
0x208: {  	(erf) = vpow2.f32 v18;
	v19 =	vsub.f32 v54, v19;
	v55 =	vpop (erf)  }
0x209: {  	(erf) = vrcp.f32 v23;
	v18 =	vadd.f32 $1.000000000e+00, v55;
	vm0 =	veq.s32 v51, $0x0;
	v23 =	vpop (erf)  }
0x20a: {  	v32 =	vadd.f32 $1.000000000e+00, v32;
	v34 =	vsel vm0, v40, v52;
	v23 =	vadd.f32 $1.000000000e+00, v23  }
0x20b: {  	v19 =	vmul.f32 $1.442695020e+00, v19;
	(erf) = vrcp.f32 v18;
	v18 =	vand.u32 $0x7FFFFFFF, v34  }
0x20c: {  	v56 =	vpop (erf);
	(erf) = vrcp.f32 v32;
	v18 =	vmul.f32 $1.000000000e+01, v18  }
0x20d: {  	v57 =	vsel vm0, v15, v16;
	v32 =	vadd.f32 $1.000000000e+00, v56;
	v58 =	vpop (erf);
	(erf) = vpow2.f32 v19  }
0x20e: {  	v19 =	vadd.f32 $1.000000000e+00, v58;
	(erf) = vrcp.f32 v23;
	v18 =	vsub.f32 v57, v18;
	v23 =	vpop (erf)  }
0x20f: {  	(erf) = vrcp.f32 v32;
	v23 =	vadd.f32 $1.000000000e+00, v23  }
0x210: {  	(erf) = vrcp.f32 v19;
	v18 =	vmul.f32 $1.442695020e+00, v18  }
0x211: {  	v59 =	vpop (erf);
	(erf) = vrcp.f32 v23  }
0x212: {  	v60 =	vpop (erf);
	(erf) = vpow2.f32 v18  }
0x213: {  	v61 =	vpop (erf)  }
0x214: {  	vm0 =	veq.s32 v35, $0x0;
	v19 =	vpop (erf)  }
0x215: {  	v18 =	vsel vm0, v39, v36;
	v23 =	vpop (erf)  }
0x216: {  	v62 =	vand.u32 $0x7FFFFFFF, v18;
	v63 =	vpop (erf)  }
0x217: {  	v35 =	vmul.f32 $1.000000000e+01, v62;
	v45 =	vpop (erf)  }
0x218: {  	v0 =	vsel vm0, v0, v1;
	v1 =	vpop (erf)  }
0x219: {  	v32 =	vadd.f32 $1.000000000e+00, v59;
	v0 =	vsub.f32 v0, v35;
	v46 =	vpop (erf)  }
0x21a: {  	v38 =	vadd.f32 $1.000000000e+00, v60;
	v47 =	vpop (erf)  }
0x21b: {  	(erf) = vrcp.f32 v32;
	v0 =	vmul.f32 $1.442695020e+00, v0;
	v48 =	vpop (erf)  }
0x21c: {  	(erf) = vrcp.f32 v38;
	v32 =	vadd.f32 $1.000000000e+00, v48  }
0x21d: {  	(erf) = vpow2.f32 v0  }
0x21e: {  	(erf) = vrcp.f32 v32;
	_ =	sdelay $0x5  }
0x21f: {  	v49 =	vpop (erf)  }
0x220: {  	v38 =	vpop (erf)  }
0x221: {  	v50 =	vpop (erf)  }
0x222: {  	v0 =	vpop (erf)  }
0x223: {  	v0 =	vmul.f32 v0, v34  }
0x224: {  	s12 =	sor.u32 s28, s8  }
0x225: {  	s13 =	sor.u32 $0x380, s12;
	[tilespmem:s7+$0x6000] =	vst v0  }
0x226: {  	v0 =	vld [tilespmem:s13+$0x0]  }
0x227: {  	v51 =	vld [tilespmem:s13+$0x4000]  }
0x228: {  	v52 =	vld [tilespmem:s13+$0x2000];
	_ =	sdelay $0x3  }
0x229: {  	v11 =	vmul.f32 v20, v11;
	vm0 =	veq.s32 v51, $0x0  }
0x22a: {  	[tilespmem:s9+$0x6080] =	vst v27;
	v12 =	vmul.f32 v21, v12;
	v0 =	vsel vm0, v0, v52  }
0x22b: {  	[tilespmem:s9+$0x6100] =	vst v11;
	v11 =	vmul.f32 v24, v13;
	v13 =	vand.u32 $0x7FFFFFFF, v0  }
0x22c: {  	[tilespmem:s9+$0x6180] =	vst v12;
	v12 =	vmul.f32 v25, v14;
	v13 =	vmul.f32 $1.000000000e+01, v13  }
0x22d: {  	[tilespmem:s9+$0x6200] =	vst v11;
	v11 =	vsel vm0, v15, v16  }
0x22e: {  	[tilespmem:s9+$0x6280] =	vst v12;
	v12 =	vmul.f32 v61, v17;
	v11 =	vsub.f32 v11, v13  }
0x22f: {  	v14 =	vld [tilespmem:s17+$0x0]  }
0x230: {  	[tilespmem:s14+$0x6000] =	vst v12;
	v12 =	vld [tilespmem:s17+$0x2000];
	v11 =	vmul.f32 $1.442695020e+00, v11  }
0x231: {  	v15 =	vld [tilespmem:s11+$0x4000]  }
0x232: {  	v13 =	vld [tilespmem:s17+$0x4000];
	(erf) = vpow2.f32 v11  }
0x233: {  	v1 =	vmul.f32 v1, v33;
	v16 =	vld [tilespmem:s11+$0x2000]  }
0x234: {  	v11 =	vld [tilespmem:s11+$0x0]  }
0x235: {  	[tilespmem:s30+$0x6080] =	vst v1;
	v1 =	vmul.f32 v47, v30;
	_ =	sdelay $0x1  }
0x236: {  	[tilespmem:s30+$0x6180] =	vst v1;
	v1 =	vmul.f32 v38, v29;
	vm0 =	veq.s32 v13, $0x0;
	v13 =	vmul.f32 v45, v37  }
0x237: {  	v12 =	vsel vm0, v14, v12;
	v17 =	vsel vm0, v8, v9;
	vm0 =	veq.s32 v15, $0x0  }
0x238: {  	v14 =	vand.u32 $0x7FFFFFFF, v12;
	[tilespmem:s30+$0x6000] =	vst v13;
	v13 =	vadd.f32 $1.000000000e+00, v63;
	v11 =	vsel vm0, v11, v16  }
0x239: {  	v15 =	vmul.f32 v46, v31;
	v14 =	vmul.f32 $1.000000000e+01, v14;
	v16 =	vand.u32 $0x7FFFFFFF, v11  }
0x23a: {  	v2 =	vsel vm0, v3, v2;
	(erf) = vrcp.f32 v13;
	v16 =	vmul.f32 $1.000000000e+01, v16;
	v3 =	vpop (erf)  }
0x23b: {  	[tilespmem:s30+$0x6100] =	vst v15;
	v15 =	vmul.f32 v49, v28;
	v14 =	vsub.f32 v17, v14;
	v3 =	vadd.f32 $1.000000000e+00, v3  }
0x23c: {  	[tilespmem:s30+$0x6280] =	vst v1;
	v17 =	vadd.f32 $1.000000000e+00, v50;
	v2 =	vsub.f32 v2, v16  }
0x23d: {  	[tilespmem:s30+$0x6200] =	vst v15;
	v1 =	vmul.f32 $1.442695020e+00, v14;
	(erf) = vrcp.f32 v3  }
0x23e: {  	v2 =	vmul.f32 $1.442695020e+00, v2;
	v3 =	vld [tilespmem:s2+$0x4000];
	(erf) = vrcp.f32 v17  }
0x23f: {  	(erf) = vpow2.f32 v1;
	v1 =	vld [tilespmem:s2+$0x0]  }
0x240: {  	(erf) = vpow2.f32 v2;
	v2 =	vld [tilespmem:s2+$0x2000];
	_ =	sdelay $0x2  }
0x241: {  	vm0 =	veq.s32 v3, $0x0;
	v3 =	vpop (erf)  }
0x242: {  	v3 =	vmul.f32 v3, v26  }
0x243: {  	v1 =	vsel vm0, v1, v2  }
0x244: {  	v2 =	vpop (erf);
	v13 =	vand.u32 $0x7FFFFFFF, v1  }
0x245: {  	[tilespmem:s18+$0x6000] =	vst v3;
	v14 =	vpop (erf);
	v13 =	vmul.f32 $1.000000000e+01, v13  }
0x246: {  	v15 =	vsel vm0, v6, v7;
	v17 =	vld [tilespmem:s1+$0x4000];
	v3 =	vpop (erf)  }
0x247: {  	v20 =	vld [tilespmem:s1+$0x2000];
	v16 =	vpop (erf);
	v3 =	vadd.f32 $1.000000000e+00, v3;
	v13 =	vsub.f32 v15, v13  }
0x248: {  	v15 =	vld [tilespmem:s1+$0x0];
	v16 =	vadd.f32 $1.000000000e+00, v16  }
0x249: {  	(erf) = vrcp.f32 v3;
	v3 =	vmul.f32 $1.442695020e+00, v13  }
0x24a: {  	(erf) = vrcp.f32 v16  }
0x24b: {  	(erf) = vpow2.f32 v3  }
0x24c: {  	vm0 =	veq.s32 v17, $0x0  }
0x24d: {  	v3 =	vsel vm0, v15, v20  }
0x24e: {  	v13 =	vand.u32 $0x7FFFFFFF, v3  }
0x24f: {  	v13 =	vmul.f32 $1.000000000e+01, v13;
	_ =	sdelay $0x1  }
0x250: {  	v4 =	vsel vm0, v4, v5  }
0x251: {  	v4 =	vsub.f32 v4, v13;
	v5 =	vpop (erf)  }
0x252: {  	v13 =	vpop (erf)  }
0x253: {  	v4 =	vmul.f32 $1.442695020e+00, v4;
	v5 =	vmul.f32 v5, v12;
	v12 =	vpop (erf)  }
0x254: {  	v12 =	vadd.f32 $1.000000000e+00, v12  }
0x255: {  	(erf) = vpow2.f32 v4;
	[tilespmem:s17+$0x6000] =	vst v5  }
0x256: {  	v4 =	vld [tilespmem:s15+$0x4000];
	(erf) = vrcp.f32 v12  }
0x257: {  	v5 =	vld [tilespmem:s15+$0x0]  }
0x258: {  	v12 =	vld [tilespmem:s15+$0x2000];
	_ =	sdelay $0x3  }
0x259: {  	vm0 =	veq.s32 v4, $0x0  }
0x25a: {  	v4 =	vsel vm0, v5, v12  }
0x25b: {  	v5 =	vpop (erf);
	v12 =	vand.u32 $0x7FFFFFFF, v4  }
0x25c: {  	v12 =	vmul.f32 $1.000000000e+01, v12;
	v15 =	vpop (erf)  }
0x25d: {  	v8 =	vsel vm0, v8, v9;
	v1 =	vmul.f32 v15, v1  }
0x25e: {  	v8 =	vsub.f32 v8, v12  }
0x25f: {  	[tilespmem:s2+$0x6000] =	vst v1;
	v1 =	vadd.f32 $1.000000000e+00, v5  }
0x260: {  	v5 =	vmul.f32 $1.442695020e+00, v8;
	v8 =	vld [tilespmem:s16+$0x4000]  }
0x261: {  	(erf) = vrcp.f32 v1;
	v1 =	vld [tilespmem:s16+$0x0]  }
0x262: {  	(erf) = vpow2.f32 v5;
	v5 =	vld [tilespmem:s16+$0x2000];
	_ =	sdelay $0x3  }
0x263: {  	vm0 =	veq.s32 v8, $0x0  }
0x264: {  	v1 =	vsel vm0, v1, v5  }
0x265: {  	v5 =	vand.u32 $0x7FFFFFFF, v1  }
0x266: {  	v5 =	vmul.f32 $1.000000000e+01, v5  }
0x267: {  	v6 =	vsel vm0, v6, v7;
	v8 =	vpop (erf)  }
0x268: {  	v7 =	vpop (erf);
	v5 =	vsub.f32 v6, v5  }
0x269: {  	v6 =	vadd.f32 $1.000000000e+00, v7  }
0x26a: {  	v5 =	vmul.f32 $1.442695020e+00, v5  }
0x26b: {  	(erf) = vrcp.f32 v6  }
0x26c: {  	(erf) = vpow2.f32 v5;
	_ =	sdelay $0x7  }
0x26d: {  	v5 =	vpop (erf)  }
0x26e: {  	v6 =	vpop (erf)  }
0x26f: {  	v6 =	vadd.f32 $1.000000000e+00, v6;
	_ =	sdelay $0x1  }
0x270: {  	(erf) = vrcp.f32 v6;
	_ =	sdelay $0x2  }
0x271: {  	v0 =	vmul.f32 v2, v0  }
0x272: {  	v2 =	vmul.f32 v14, v18  }
0x273: {  	[tilespmem:s13+$0x6000] =	vst v0;
	v0 =	vmul.f32 v13, v11  }
0x274: {  	[tilespmem:s10+$0x6000] =	vst v2;
	v2 =	vmul.f32 v8, v3  }
0x275: {  	[tilespmem:s11+$0x6000] =	vst v0;
	v7 =	vmul.f32 v23, v10  }
0x276: {  	[tilespmem:s1+$0x6000] =	vst v2;
	v0 =	vmul.f32 v5, v4  }
0x277: {  	[tilespmem:s19+$0x6000] =	vst v7;
	v6 =	vmul.f32 v19, v22;
	v3 =	vpop (erf)  }
0x278: {  	[tilespmem:s15+$0x6000] =	vst v0;
	v1 =	vmul.f32 v3, v1  }
0x279: {  	[tilespmem:s5+$0x6000] =	vst v6  }
0x27a: {  	s31 =	rddreg [dreg:$0x5];
	[tilespmem:s16+$0x6000] =	vst v1  }
0x27b: {  	s18 =	simm.s32 $0x6000;
	s1 =	rddreg [dreg:$0x10]  }
0x27c: {  	s17 =	simm.s32 $0x0;
	s19 =	simm.s32 $0x2;
	s1 =	sadd.s32 s31, s1  }
0x27d: {  	[hbm4b:s1+s17] =	stream.linear.scatter [tilespmem:s18], [sflag:$0x3], $0x2000, $0x38;
	[tilespmem:$0x11000] =	vst v63  }
0x27e: {  	_ =	swait.ge [sflag:s19], $0x2000  }
0x27f: {  	[sflag:s19] =	ssyncset.done $0x0  }
0x280: {  	[sflag:s19] =	ssyncadd.s32 $0xFFFFE000  }
0x281: {  	_ =	swait.ge [sflag:s19], $0x2000  }
0x282: {  	[sflag:s19] =	ssyncset.done $0x0  }
0x283: {  	[sflag:s19] =	ssyncadd.s32 $0xFFFFE000  }
0x284: {  	_ =	swait.ge [sflag:s19], $0x2000  }
0x285: {  	[sflag:s19] =	ssyncset.done $0x0  }
0x286: {  	p0 =	seq.s32 s0, $0x1F;
	s1 =	rddreg [dreg:$0xc];
	[sflag:s19] =	ssyncadd.s32 $0xFFFFE000  }
0x287: {  	s1 =	sadd.s32 @!p0 s4, s1;
	s25 =	rddreg [dreg:$0x0]  }
0x288: {  	s3 =	simm.s32 @!p0 $0x0;
	s29 =	rddreg [dreg:$0x1];
	s2 =	sadd.s32 @!p0 s25, s1  }
0x289: {  	[tilespmem:s3], [sflag:$0x1] =	stream.linear.gather @!p0 [hbm4b:s2+s3], $0x2000, $0x38;
	[tilespmem:$0x11000] =	vst v63  }
0x28a: {  	s4 =	simm.s32 @!p0 $0x2000;
	s2 =	sadd.s32 @!p0 s29, s1  }
0x28b: {  	[tilespmem:s4], [sflag:$0x1] =	stream.linear.gather @!p0 [hbm4b:s2+s3], $0x2000, $0x38;
	[tilespmem:$0x11000] =	vst v63  }
0x28c: {  	s2 =	rddreg [dreg:$0x7]  }
0x28d: {  	p1 =	seq.s32 @!p0 s0, $0x0;
	s1 =	sadd.s32 @!p0 s2, s1;
	s2 =	simm.s32 @!p0 $0x4000  }
0x28e: {  	[tilespmem:s2], [sflag:$0x1] =	stream.linear.gather @!p0 [hbm4b:s1+s3], $0x2000, $0x38;
	[tilespmem:$0x11000] =	vst v63  }
0x28f: {  	p0 =	por p0, !p1  }
0x290: {  	s1 =	simm.s32 @p0 $0x4  }
0x291: {  	_ =	swait.ge @p0 [sflag:s1], $0x2000  }
0x292: {  	[sflag:s1] =	ssyncset.done @p0 $0x0  }
0x293: {  	s20 =	simm.s32 $0x10410;
	s15 =	simm.s32 $0x0;
	[sflag:s1] =	ssyncadd.s32 @p0 $0xFFFFE000  }
0x294: {  	s21 =	simm.s32 $0x10C10;
	s22 =	sand.u32 $0x60, s15;
	s23 =	sand.u32 $0x1C00, s15;
	v1 =	vld [tilespmem:s20+$0x0]  }
0x295: {  	s1 =	sor.u32 s22, s23;
	v9 =	vld [tilespmem:s21+$0x0]  }
0x296: {  	v0 =	vld [tilespmem:s1+$0x8010]  }
0x297: {  	v2 =	vld [tilespmem:s1+$0xA010]  }
0x298: {  	v3 =	vld [tilespmem:s1+$0x8090]  }
0x299: {  	v4 =	vld [tilespmem:s1+$0xA090]  }
0x29a: {  	v5 =	vld [tilespmem:s1+$0x8110]  }
0x29b: {  	v10 =	vld [tilespmem:s1+$0xC010]  }
0x29c: {  	v11 =	vld [tilespmem:s1+$0xC090]  }
0x29d: {  	v12 =	vld [tilespmem:s1+$0xC110]  }
0x29e: {  	v13 =	vld [tilespmem:s1+$0xC190]  }
0x29f: {  	v14 =	vld [tilespmem:s1+$0xC210]  }
0x2a0: {  	v15 =	vld [tilespmem:s1+$0xC290]  }
0x2a1: {  	v6 =	vld [tilespmem:s1+$0xA110]  }
0x2a2: {  	v7 =	vld [tilespmem:s1+$0x8190]  }
0x2a3: {  	v8 =	vld [tilespmem:s1+$0xA190]  }
0x2a4: {  	v16 =	vld [tilespmem:s1+$0x8210];
	vm0 =	veq.s32 v10, $0x0;
	vm1 =	veq.s32 v11, $0x0;
	vm2 =	veq.s32 v12, $0x0  }
0x2a5: {  	v17 =	vld [tilespmem:s1+$0xA210];
	vm3 =	veq.s32 v13, $0x0;
	vm4 =	veq.s32 v14, $0x0;
	vm5 =	veq.s32 v15, $0x0  }
0x2a6: {  	v10 =	vld [tilespmem:s1+$0x8290];
	v12 =	vsel vm0, v1, v9;
	v13 =	vsel vm1, v1, v9;
	v0 =	vsel vm0, v0, v2  }
0x2a7: {  	v11 =	vld [tilespmem:s1+$0xA290];
	v14 =	vsel vm2, v1, v9;
	v4 =	vsel vm1, v3, v4;
	v3 =	vand.u32 $0x7FFFFFFF, v0  }
0x2a8: {  	v5 =	vsel vm2, v5, v6;
	v6 =	vand.u32 $0x7FFFFFFF, v4;
	v3 =	vmul.f32 $1.000000000e+01, v3  }
0x2a9: {  	v15 =	vsel vm3, v1, v9;
	v18 =	vsel vm4, v1, v9;
	v6 =	vmul.f32 $1.000000000e+01, v6  }
0x2aa: {  	v8 =	vsel vm3, v7, v8;
	v7 =	vand.u32 $0x7FFFFFFF, v5;
	v3 =	vsub.f32 v12, v3  }
0x2ab: {  	v17 =	vsel vm4, v16, v17;
	v7 =	vmul.f32 $1.000000000e+01, v7;
	v6 =	vsub.f32 v13, v6  }
0x2ac: {  	v20 =	vsel vm5, v10, v11;
	v10 =	vand.u32 $0x7FFFFFFF, v8;
	v3 =	vmul.f32 $1.442695020e+00, v3  }
0x2ad: {  	v11 =	vand.u32 $0x7FFFFFFF, v17;
	v10 =	vmul.f32 $1.000000000e+01, v10;
	v6 =	vmul.f32 $1.442695020e+00, v6  }
0x2ae: {  	v7 =	vsub.f32 v14, v7;
	v11 =	vmul.f32 $1.000000000e+01, v11;
	(erf) = vpow2.f32 v3  }
0x2af: {  	v21 =	vld [tilespmem:s1+$0xA100];
	v12 =	vand.u32 $0x7FFFFFFF, v20;
	v10 =	vsub.f32 v15, v10;
	(erf) = vpow2.f32 v6  }
0x2b0: {  	v23 =	vld [tilespmem:s1+$0x8180];
	v12 =	vmul.f32 $1.000000000e+01, v12;
	v7 =	vmul.f32 $1.442695020e+00, v7;
	v11 =	vsub.f32 v18, v11  }
0x2b1: {  	v24 =	vld [tilespmem:s1+$0x8200];
	v2 =	vsel vm5, v1, v9;
	v10 =	vmul.f32 $1.442695020e+00, v10  }
0x2b2: {  	v13 =	vld [tilespmem:s1+$0xC000];
	v2 =	vsub.f32 v2, v12;
	v11 =	vmul.f32 $1.442695020e+00, v11;
	(erf) = vpow2.f32 v7  }
0x2b3: {  	v14 =	vld [tilespmem:s1+$0x8080];
	(erf) = vpow2.f32 v10  }
0x2b4: {  	v15 =	vld [tilespmem:s1+$0xA080];
	v2 =	vmul.f32 $1.442695020e+00, v2;
	(erf) = vpow2.f32 v11  }
0x2b5: {  	v18 =	vld [tilespmem:s1+$0x8100]  }
0x2b6: {  	v3 =	vld [tilespmem:s1+$0xC080];
	(erf) = vpow2.f32 v2  }
0x2b7: {  	v12 =	vld [tilespmem:s1+$0xA000];
	v16 =	vpop (erf)  }
0x2b8: {  	v6 =	vld [tilespmem:s1+$0xC100];
	v16 =	vadd.f32 $1.000000000e+00, v16;
	v19 =	vpop (erf)  }
0x2b9: {  	v7 =	vld [tilespmem:s1+$0xC180];
	v19 =	vadd.f32 $1.000000000e+00, v19  }
0x2ba: {  	v10 =	vld [tilespmem:s1+$0xC200]  }
0x2bb: {  	vm2 =	veq.s32 v13, $0x0;
	v13 =	vld [tilespmem:s1+$0xA180];
	v22 =	vpop (erf)  }
0x2bc: {  	v2 =	vld [tilespmem:s1+$0x8000];
	v22 =	vadd.f32 $1.000000000e+00, v22;
	(erf) = vrcp.f32 v16;
	v16 =	vpop (erf)  }
0x2bd: {  	v11 =	vld [tilespmem:s1+$0xC280];
	vm13 =	veq.s32 v3, $0x0;
	(erf) = vrcp.f32 v19;
	v16 =	vadd.f32 $1.000000000e+00, v16;
	v19 =	vpop (erf)  }
0x2be: {  	vm3 =	veq.s32 v7, $0x0;
	v7 =	vld [tilespmem:s21+$0xFFFFFFF0];
	(erf) = vrcp.f32 v22;
	v3 =	vadd.f32 $1.000000000e+00, v19  }
0x2bf: {  	vm1 =	veq.s32 v10, $0x0;
	v10 =	vld [tilespmem:s1+$0x8280];
	v19 =	vpop (erf);
	(erf) = vrcp.f32 v16  }
0x2c0: {  	vm14 =	veq.s32 v6, $0x0;
	v22 =	vld [tilespmem:s1+$0xA200];
	v6 =	vadd.f32 $1.000000000e+00, v19;
	(erf) = vrcp.f32 v3  }
0x2c1: {  	v19 =	vsel vm2, v2, v12;
	v12 =	vld [tilespmem:s1+$0xA280]  }
0x2c2: {  	(erf) = vrcp.f32 v6;
	v6 =	vld [tilespmem:s20+$0xFFFFFFF0]  }
0x2c3: {  	vm0 =	veq.s32 v11, $0x0;
	v16 =	vsel vm13, v14, v15  }
0x2c4: {  	v2 =	vsel vm3, v23, v13;
	v11 =	vand.u32 $0x7FFFFFFF, v19;
	v3 =	vsel vm14, v18, v21  }
0x2c5: {  	v13 =	vand.u32 $0x7FFFFFFF, v16;
	v18 =	vmul.f32 $1.000000000e+01, v11;
	v11 =	vsel vm1, v24, v22;
	v22 =	vpop (erf)  }
0x2c6: {  	v15 =	vand.u32 $0x7FFFFFFF, v2;
	v12 =	vsel vm0, v10, v12;
	v0 =	vmul.f32 v22, v0;
	v10 =	vpop (erf)  }
0x2c7: {  	v14 =	vand.u32 $0x7FFFFFFF, v3;
	v4 =	vmul.f32 v10, v4;
	v10 =	vpop (erf);
	v23 =	vsel vm2, v6, v7  }
0x2c8: {  	v13 =	vmul.f32 $1.000000000e+01, v13;
	[tilespmem:s1+$0xE010] =	vst v0;
	v0 =	vmul.f32 v10, v5;
	v18 =	vsub.f32 v23, v18;
	v5 =	vpop (erf)  }
0x2c9: {  	v14 =	vmul.f32 $1.000000000e+01, v14;
	v24 =	vsel vm13, v6, v7;
	[tilespmem:s1+$0xE090] =	vst v4;
	v4 =	vmul.f32 v5, v8;
	v5 =	vpop (erf)  }
0x2ca: {  	s24 =	sand.u32 $0x3, s15;
	v10 =	vsel vm14, v6, v7;
	[tilespmem:s1+$0xE110] =	vst v0;
	v0 =	vmul.f32 v5, v17;
	v17 =	vmul.f32 $1.442695020e+00, v18  }
0x2cb: {  	s4 =	simm.s32 $0x20;
	s3 =	simm.s32 $0x100;
	s2 =	sshll.u32 s24, $0x5;
	v15 =	vmul.f32 $1.000000000e+01, v15;
	v13 =	vsub.f32 v24, v13;
	v14 =	vsub.f32 v10, v14;
	v5 =	vpop (erf)  }
0x2cc: {  	s6 =	sand.u32 $0x60, s4;
	s30 =	sand.u32 $0x1C00, s3;
	s2 =	sadd.s32 $0x0, s2;
	v8 =	vsel vm3, v6, v7;
	[tilespmem:s1+$0xE190] =	vst v4;
	v4 =	vmul.f32 v5, v20;
	(erf) = vpow2.f32 v17  }
0x2cd: {  	s9 =	sor.u32 s6, s30;
	s6 =	sadd.s32 $0x10, s2;
	v22 =	vand.u32 $0x7FFFFFFF, v12;
	v13 =	vmul.f32 $1.442695020e+00, v13;
	v8 =	vsub.f32 v8, v15;
	[tilespmem:s1+$0xE210] =	vst v0  }
0x2ce: {  	s11 =	sor.u32 $0x300, s6;
	v5 =	vmul.f32 $1.000000000e+01, v22;
	v0 =	vmul.f32 $1.442695020e+00, v14;
	[tilespmem:s1+$0xE290] =	vst v4  }
0x2cf: {  	v8 =	vmul.f32 $1.442695020e+00, v8;
	(erf) = vpow2.f32 v13;
	v17 =	vld [tilespmem:s11+$0x8000]  }
0x2d0: {  	v21 =	vand.u32 $0x7FFFFFFF, v11;
	v13 =	vsel vm0, v6, v7;
	v18 =	vld [tilespmem:s11+$0xC000];
	(erf) = vpow2.f32 v0  }
0x2d1: {  	v21 =	vmul.f32 $1.000000000e+01, v21;
	v0 =	vsub.f32 v13, v5;
	v5 =	vld [tilespmem:s11+$0xA000];
	(erf) = vpow2.f32 v8;
	_ =	sdelay $0x1  }
0x2d2: {  	v27 =	vld [tilespmem:s9+$0xC090];
	v4 =	vsel vm1, v6, v7  }
0x2d3: {  	v28 =	vld [tilespmem:s9+$0xC210];
	v4 =	vsub.f32 v4, v21  }
0x2d4: {  	s28 =	simm.s32 $0x10430;
	v29 =	vld [tilespmem:s9+$0xC290];
	vm0 =	veq.s32 v18, $0x0;
	v21 =	vpop (erf)  }
0x2d5: {  	v10 =	vld [tilespmem:s28+$0x0];
	v4 =	vmul.f32 $1.442695020e+00, v4;
	v5 =	vsel vm0, v17, v5;
	v21 =	vadd.f32 $1.000000000e+00, v21  }
0x2d6: {  	s26 =	simm.s32 $0x10C30;
	v24 =	vld [tilespmem:s9+$0xC010];
	v0 =	vmul.f32 $1.442695020e+00, v0;
	v20 =	vand.u32 $0x7FFFFFFF, v5  }
0x2d7: {  	v15 =	vld [tilespmem:s26+$0x0];
	(erf) = vpow2.f32 v4;
	v20 =	vmul.f32 $1.000000000e+01, v20;
	v23 =	vpop (erf)  }
0x2d8: {  	v22 =	vld [tilespmem:s9+$0xA190];
	(erf) = vpow2.f32 v0;
	v25 =	vsel vm0, v1, v9;
	v23 =	vadd.f32 $1.000000000e+00, v23;
	v26 =	vpop (erf)  }
0x2d9: {  	v14 =	vld [tilespmem:s9+$0x8010];
	v26 =	vadd.f32 $1.000000000e+00, v26;
	v20 =	vsub.f32 v25, v20;
	(erf) = vrcp.f32 v21;
	v21 =	vpop (erf)  }
0x2da: {  	v13 =	vld [tilespmem:s9+$0x8090];
	(erf) = vrcp.f32 v23;
	v21 =	vadd.f32 $1.000000000e+00, v21  }
0x2db: {  	v4 =	vld [tilespmem:s9+$0xA090];
	v20 =	vmul.f32 $1.442695020e+00, v20;
	(erf) = vrcp.f32 v26  }
0x2dc: {  	v8 =	vld [tilespmem:s9+$0xA010];
	(erf) = vrcp.f32 v21  }
0x2dd: {  	v0 =	vld [tilespmem:s9+$0x8110];
	(erf) = vpow2.f32 v20  }
0x2de: {  	v25 =	vld [tilespmem:s9+$0xC110]  }
0x2df: {  	vm2 =	veq.s32 v27, $0x0;
	v23 =	vld [tilespmem:s9+$0xC190]  }
0x2e0: {  	vm8 =	veq.s32 v28, $0x0;
	vm1 =	veq.s32 v24, $0x0;
	v17 =	vld [tilespmem:s9+$0x8190];
	v57 =	vsel vm2, v13, v4;
	v26 =	vpop (erf)  }
0x2e1: {  	v28 =	vsel vm2, v10, v15;
	v18 =	vld [tilespmem:s9+$0xA110];
	v4 =	vand.u32 $0x7FFFFFFF, v57;
	v21 =	vadd.f32 $1.000000000e+00, v26;
	v26 =	vpop (erf)  }
0x2e2: {  	v30 =	vld [tilespmem:s9+$0x8210];
	v55 =	vsel vm8, v10, v15;
	vm0 =	veq.s32 v29, $0x0;
	v4 =	vmul.f32 $1.000000000e+01, v4;
	v31 =	vpop (erf)  }
0x2e3: {  	v56 =	vsel vm1, v14, v8;
	v20 =	vadd.f32 $1.000000000e+00, v26;
	(erf) = vrcp.f32 v21;
	v21 =	vld [tilespmem:s9+$0xA210];
	v54 =	vpop (erf)  }
0x2e4: {  	v24 =	vld [tilespmem:s9+$0xA290];
	v4 =	vsub.f32 v28, v4;
	vm3 =	veq.s32 v25, $0x0;
	vm15 =	veq.s32 v23, $0x0;
	v13 =	vpop (erf)  }
0x2e5: {  	v25 =	vsel vm1, v10, v15;
	v26 =	vsel vm15, v17, v22;
	(erf) = vrcp.f32 v20;
	v20 =	vld [tilespmem:s9+$0x8290];
	v17 =	vpop (erf)  }
0x2e6: {  	v29 =	vsel vm3, v10, v15;
	v27 =	vsel vm3, v0, v18;
	v0 =	vand.u32 $0x7FFFFFFF, v56;
	v8 =	vpop (erf)  }
0x2e7: {  	v0 =	vmul.f32 $1.000000000e+01, v0;
	v14 =	vand.u32 $0x7FFFFFFF, v27;
	v8 =	vadd.f32 $1.000000000e+00, v8  }
0x2e8: {  	v53 =	vsel vm15, v10, v15;
	v14 =	vmul.f32 $1.000000000e+01, v14;
	v23 =	vsel vm8, v30, v21  }
0x2e9: {  	v0 =	vsub.f32 v25, v0;
	v21 =	vand.u32 $0x7FFFFFFF, v23;
	(erf) = vrcp.f32 v8  }
0x2ea: {  	v22 =	vsel vm0, v20, v24;
	v20 =	vand.u32 $0x7FFFFFFF, v26;
	v21 =	vmul.f32 $1.000000000e+01, v21  }
0x2eb: {  	v14 =	vsub.f32 v29, v14;
	v20 =	vmul.f32 $1.000000000e+01, v20;
	v24 =	vand.u32 $0x7FFFFFFF, v22  }
0x2ec: {  	v0 =	vmul.f32 $1.442695020e+00, v0;
	v24 =	vmul.f32 $1.000000000e+01, v24;
	v21 =	vsub.f32 v55, v21  }
0x2ed: {  	v62 =	vld [tilespmem:s9+$0xA180];
	v4 =	vmul.f32 $1.442695020e+00, v4;
	v14 =	vmul.f32 $1.442695020e+00, v14;
	v20 =	vsub.f32 v53, v20  }
0x2ee: {  	v28 =	vld [tilespmem:s9+$0xC180];
	v25 =	vsel vm0, v10, v15;
	v21 =	vmul.f32 $1.442695020e+00, v21;
	(erf) = vpow2.f32 v0  }
0x2ef: {  	v18 =	vld [tilespmem:s9+$0xC000];
	v20 =	vmul.f32 $1.442695020e+00, v20;
	(erf) = vpow2.f32 v4  }
0x2f0: {  	v29 =	vld [tilespmem:s9+$0xC200];
	v59 =	vsub.f32 v25, v24;
	v24 =	vpop (erf);
	(erf) = vpow2.f32 v14  }
0x2f1: {  	v30 =	vld [tilespmem:s9+$0xC080];
	v25 =	vpop (erf);
	(erf) = vpow2.f32 v20  }
0x2f2: {  	v8 =	vld [tilespmem:s9+$0xC100];
	(erf) = vpow2.f32 v21;
	v21 =	vpop (erf)  }
0x2f3: {  	v0 =	vld [tilespmem:s9+$0x8000];
	v34 =	vmul.f32 $1.442695020e+00, v59;
	v5 =	vmul.f32 v21, v5  }
0x2f4: {  	v4 =	vld [tilespmem:s9+$0xA000]  }
0x2f5: {  	v14 =	vld [tilespmem:s9+$0x8080];
	(erf) = vpow2.f32 v34  }
0x2f6: {  	v20 =	vld [tilespmem:s9+$0xA080]  }
0x2f7: {  	s17 =	sor.u32 $0x380, s6;
	v21 =	vld [tilespmem:s9+$0x8180];
	[tilespmem:s11+$0xE000] =	vst v5;
	v5 =	vpop (erf)  }
0x2f8: {  	vm9 =	veq.s32 v18, $0x0;
	vm3 =	veq.s32 v8, $0x0;
	v18 =	vld [tilespmem:s17+$0xC000];
	v8 =	vpop (erf)  }
0x2f9: {  	vm10 =	veq.s32 v30, $0x0;
	v30 =	vld [tilespmem:s17+$0x8000];
	v8 =	vadd.f32 $1.000000000e+00, v8  }
0x2fa: {  	vm1 =	veq.s32 v29, $0x0;
	v29 =	vld [tilespmem:s17+$0xA000];
	v5 =	vadd.f32 $1.000000000e+00, v5  }
0x2fb: {  	v58 =	vld [tilespmem:s9+$0xC280];
	vm2 =	veq.s32 v28, $0x0;
	v4 =	vsel vm9, v0, v4;
	v28 =	vpop (erf)  }
0x2fc: {  	v60 =	vld [tilespmem:s9+$0x8100];
	v0 =	vadd.f32 $1.000000000e+00, v28;
	(erf) = vrcp.f32 v5;
	v28 =	vpop (erf);
	v5 =	vsel vm10, v14, v20  }
0x2fd: {  	v61 =	vld [tilespmem:s9+$0xA100];
	v20 =	vadd.f32 $1.000000000e+00, v28;
	(erf) = vrcp.f32 v8;
	vm6 =	veq.s32 v18, $0x0;
	v8 =	vpop (erf)  }
0x2fe: {  	v63 =	vld [tilespmem:s9+$0x8200];
	v18 =	vsel vm2, v21, v62;
	(erf) = vrcp.f32 v0;
	v0 =	vadd.f32 $1.000000000e+00, v8;
	v8 =	vpop (erf)  }
0x2ff: {  	v40 =	vld [tilespmem:s9+$0xA280];
	(erf) = vrcp.f32 v20;
	v21 =	vadd.f32 $1.000000000e+00, v8;
	v8 =	vsel vm6, v30, v29  }
0x300: {  	v9 =	vsel vm6, v1, v9;
	v1 =	vld [tilespmem:s26+$0xFFFFFFF0];
	(erf) = vrcp.f32 v0;
	v0 =	vand.u32 $0x7FFFFFFF, v8  }
0x301: {  	v20 =	vld [tilespmem:s9+$0xA200];
	(erf) = vrcp.f32 v21;
	v21 =	vmul.f32 $1.000000000e+01, v0  }
0x302: {  	v19 =	vmul.f32 v31, v19;
	v14 =	vsel vm3, v60, v61;
	v29 =	vld [tilespmem:s9+$0x8280]  }
0x303: {  	v16 =	vmul.f32 v54, v16;
	v28 =	vand.u32 $0x7FFFFFFF, v4;
	v37 =	vand.u32 $0x7FFFFFFF, v14;
	v0 =	vld [tilespmem:s28+$0xFFFFFFF0]  }
0x304: {  	v41 =	vand.u32 $0x7FFFFFFF, v18;
	v28 =	vmul.f32 $1.000000000e+01, v28;
	v9 =	vsub.f32 v9, v21  }
0x305: {  	[tilespmem:s1+$0xE000] =	vst v19;
	vm0 =	veq.s32 v58, $0x0;
	v31 =	vmul.f32 $1.000000000e+01, v37;
	v19 =	vmul.f32 $1.000000000e+01, v41;
	v21 =	vpop (erf)  }
0x306: {  	v30 =	vand.u32 $0x7FFFFFFF, v5;
	v20 =	vsel vm1, v63, v20;
	v9 =	vmul.f32 $1.442695020e+00, v9;
	v43 =	vpop (erf)  }
0x307: {  	v42 =	vmul.f32 v21, v56;
	v21 =	vsel vm0, v29, v40;
	v29 =	vmul.f32 v43, v57;
	v44 =	vpop (erf)  }
0x308: {  	[tilespmem:s1+$0xE080] =	vst v16;
	(erf) = vpow2.f32 v9;
	v9 =	vsel vm9, v0, v1;
	v27 =	vmul.f32 v44, v27  }
0x309: {  	v30 =	vmul.f32 $1.000000000e+01, v30;
	v32 =	vand.u32 $0x7FFFFFFF, v20;
	[tilespmem:s9+$0xE010] =	vst v42;
	v9 =	vsub.f32 v9, v28  }
0x30a: {  	s12 =	simm.s32 $0x1;
	s18 =	simm.s32 $0x200;
	s19 =	simm.s32 $0x40;
	v32 =	vmul.f32 $1.000000000e+01, v32;
	v46 =	vsel vm10, v0, v1;
	v45 =	vand.u32 $0x7FFFFFFF, v21;
	v16 =	vpop (erf);
	[tilespmem:s9+$0xE090] =	vst v29  }
0x30b: {  	s5 =	sand.u32 $0x3, s12;
	s21 =	sand.u32 $0x1C00, s18;
	s20 =	sand.u32 $0x60, s19;
	v30 =	vsub.f32 v46, v30;
	v26 =	vmul.f32 v16, v26;
	v16 =	vpop (erf);
	v9 =	vmul.f32 $1.442695020e+00, v9  }
0x30c: {  	s13 =	sshll.u32 s5, $0x5;
	s10 =	sor.u32 s20, s21;
	v28 =	vsel vm2, v0, v1;
	v29 =	vsel vm3, v0, v1;
	[tilespmem:s9+$0xE110] =	vst v27;
	v23 =	vmul.f32 v16, v23;
	v27 =	vpop (erf)  }
0x30d: {  	s7 =	sadd.s32 $0x100, s13;
	v29 =	vsub.f32 v29, v31;
	v31 =	vld [tilespmem:s10+$0x8090];
	[tilespmem:s9+$0xE190] =	vst v26;
	(erf) = vpow2.f32 v9;
	v22 =	vmul.f32 v27, v22  }
0x30e: {  	s22 =	sadd.s32 $0x10, s7;
	v33 =	vld [tilespmem:s10+$0x8110];
	v9 =	vsel vm1, v0, v1;
	v27 =	vsub.f32 v28, v19;
	v28 =	vmul.f32 $1.442695020e+00, v30;
	[tilespmem:s9+$0xE210] =	vst v23  }
0x30f: {  	s12 =	sor.u32 $0x300, s22;
	v49 =	vld [tilespmem:s10+$0xC090];
	v26 =	vmul.f32 $1.000000000e+01, v45;
	v23 =	vmul.f32 $1.442695020e+00, v29;
	v9 =	vsub.f32 v9, v32;
	[tilespmem:s9+$0xE290] =	vst v22  }
0x310: {  	v22 =	vmul.f32 $1.442695020e+00, v27;
	(erf) = vpow2.f32 v28;
	v27 =	vld [tilespmem:s12+$0x8000]  }
0x311: {  	v28 =	vsel vm0, v0, v1;
	v9 =	vmul.f32 $1.442695020e+00, v9;
	v30 =	vld [tilespmem:s12+$0xC000];
	(erf) = vpow2.f32 v23  }
0x312: {  	v23 =	vsub.f32 v28, v26;
	v26 =	vld [tilespmem:s12+$0xA000];
	(erf) = vpow2.f32 v22  }
0x313: {  	v50 =	vld [tilespmem:s10+$0xC110]  }
0x314: {  	v52 =	vld [tilespmem:s10+$0xC210];
	v22 =	vmul.f32 $1.442695020e+00, v23  }
0x315: {  	v54 =	vld [tilespmem:s10+$0xC290];
	(erf) = vpow2.f32 v9;
	v9 =	vpop (erf)  }
0x316: {  	v55 =	vld [tilespmem:s10+$0x8210];
	(erf) = vpow2.f32 v22;
	vm0 =	veq.s32 v30, $0x0;
	v23 =	vpop (erf)  }
0x317: {  	v56 =	vld [tilespmem:s10+$0xA210];
	v26 =	vsel vm0, v27, v26;
	v23 =	vadd.f32 $1.000000000e+00, v23  }
0x318: {  	s16 =	simm.s32 $0x10450;
	v57 =	vld [tilespmem:s10+$0x8290];
	v9 =	vadd.f32 $1.000000000e+00, v9;
	v22 =	vand.u32 $0x7FFFFFFF, v26  }
0x319: {  	s14 =	simm.s32 $0x10C50;
	v16 =	vld [tilespmem:s16+$0x0];
	v22 =	vmul.f32 $1.000000000e+01, v22;
	v27 =	vpop (erf)  }
0x31a: {  	v19 =	vld [tilespmem:s14+$0x0];
	(erf) = vrcp.f32 v9;
	v47 =	vsel vm0, v10, v15;
	v27 =	vadd.f32 $1.000000000e+00, v27;
	v48 =	vpop (erf)  }
0x31b: {  	v29 =	vld [tilespmem:s10+$0x8010];
	(erf) = vrcp.f32 v23;
	v35 =	vadd.f32 $1.000000000e+00, v48;
	v22 =	vsub.f32 v47, v22;
	v23 =	vpop (erf)  }
0x31c: {  	v30 =	vld [tilespmem:s10+$0xA110];
	v23 =	vadd.f32 $1.000000000e+00, v23;
	(erf) = vrcp.f32 v27  }
0x31d: {  	v9 =	vld [tilespmem:s10+$0xC010];
	v22 =	vmul.f32 $1.442695020e+00, v22;
	(erf) = vrcp.f32 v35  }
0x31e: {  	vm1 =	veq.s32 v49, $0x0;
	vm2 =	veq.s32 v50, $0x0;
	v28 =	vld [tilespmem:s10+$0xA010];
	v51 =	vpop (erf);
	(erf) = vrcp.f32 v23  }
0x31f: {  	v32 =	vld [tilespmem:s10+$0xA090];
	vm11 =	veq.s32 v52, $0x0;
	vm12 =	veq.s32 v54, $0x0;
	v53 =	vpop (erf);
	(erf) = vpow2.f32 v22  }
0x320: {  	v58 =	vld [tilespmem:s10+$0xA290];
	v49 =	vmul.f32 v17, v2;
	v60 =	vsel vm1, v16, v19;
	v22 =	vadd.f32 $1.000000000e+00, v53  }
0x321: {  	v61 =	vsel vm2, v16, v19;
	v34 =	vsel vm2, v33, v30;
	v27 =	vld [tilespmem:s10+$0xC190];
	v23 =	vadd.f32 $1.000000000e+00, v51  }
0x322: {  	v36 =	vld [tilespmem:s10+$0x8190];
	v63 =	vsel vm11, v16, v19;
	vm0 =	veq.s32 v9, $0x0;
	v52 =	vand.u32 $0x7FFFFFFF, v34  }
0x323: {  	v37 =	vld [tilespmem:s10+$0xA190];
	v59 =	vsel vm0, v16, v19;
	v47 =	vsel vm0, v29, v28;
	(erf) = vrcp.f32 v23;
	v9 =	vpop (erf)  }
0x324: {  	v35 =	vsel vm1, v31, v32;
	v31 =	vsel vm12, v16, v19;
	(erf) = vrcp.f32 v22;
	v22 =	vpop (erf)  }
0x325: {  	v32 =	vsel vm11, v55, v56;
	v29 =	vsel vm12, v57, v58;
	v38 =	vmul.f32 $1.000000000e+01, v52;
	v23 =	vpop (erf)  }
0x326: {  	v30 =	vand.u32 $0x7FFFFFFF, v47;
	v50 =	vand.u32 $0x7FFFFFFF, v35;
	vm3 =	veq.s32 v27, $0x0;
	v27 =	vpop (erf)  }
0x327: {  	v42 =	vand.u32 $0x7FFFFFFF, v32;
	v54 =	vand.u32 $0x7FFFFFFF, v29;
	v30 =	vmul.f32 $1.000000000e+01, v30;
	v28 =	vpop (erf)  }
0x328: {  	v38 =	vsub.f32 v61, v38;
	v33 =	vsel vm3, v36, v37;
	v36 =	vmul.f32 $1.000000000e+01, v50;
	v51 =	vpop (erf)  }
0x329: {  	v39 =	vld [tilespmem:s10+$0xC000];
	v30 =	vsub.f32 v59, v30;
	v53 =	vand.u32 $0x7FFFFFFF, v33;
	v37 =	vadd.f32 $1.000000000e+00, v51  }
0x32a: {  	v2 =	vld [tilespmem:s10+$0x8180];
	v43 =	vmul.f32 $1.000000000e+01, v54;
	v36 =	vsub.f32 v60, v36;
	v41 =	vmul.f32 $1.000000000e+01, v53  }
0x32b: {  	v48 =	vld [tilespmem:s10+$0xC080];
	v62 =	vsel vm3, v16, v19;
	v30 =	vmul.f32 $1.442695020e+00, v30;
	(erf) = vrcp.f32 v37  }
0x32c: {  	v55 =	vld [tilespmem:s10+$0xC180];
	v56 =	vmul.f32 $1.000000000e+01, v42;
	v36 =	vmul.f32 $1.442695020e+00, v36;
	v41 =	vsub.f32 v62, v41  }
0x32d: {  	v57 =	vld [tilespmem:s10+$0xC200];
	v38 =	vmul.f32 $1.442695020e+00, v38;
	v31 =	vsub.f32 v31, v43;
	(erf) = vpow2.f32 v30  }
0x32e: {  	v58 =	vld [tilespmem:s10+$0xC280];
	v40 =	vsub.f32 v63, v56;
	v30 =	vmul.f32 $1.442695020e+00, v41;
	(erf) = vpow2.f32 v36  }
0x32f: {  	v61 =	vld [tilespmem:s10+$0x8080];
	v31 =	vmul.f32 $1.442695020e+00, v31;
	(erf) = vpow2.f32 v38  }
0x330: {  	v54 =	vld [tilespmem:s10+$0xA200];
	v40 =	vmul.f32 $1.442695020e+00, v40  }
0x331: {  	v59 =	vld [tilespmem:s10+$0x8000];
	(erf) = vpow2.f32 v30  }
0x332: {  	v63 =	vld [tilespmem:s10+$0x8100];
	(erf) = vpow2.f32 v40;
	v30 =	vpop (erf)  }
0x333: {  	v43 =	vmul.f32 v13, v3;
	v3 =	vld [tilespmem:s10+$0xA100];
	(erf) = vpow2.f32 v31;
	v31 =	vpop (erf)  }
0x334: {  	v13 =	vld [tilespmem:s10+$0x8200];
	v50 =	vmul.f32 v24, v11;
	v11 =	vpop (erf)  }
0x335: {  	v60 =	vld [tilespmem:s10+$0xA000];
	v11 =	vmul.f32 v11, v26  }
0x336: {  	vm13 =	veq.s32 v39, $0x0;
	v62 =	vld [tilespmem:s10+$0xA080];
	v17 =	vpop (erf)  }
0x337: {  	vm14 =	veq.s32 v48, $0x0;
	vm2 =	veq.s32 v55, $0x0;
	v37 =	vld [tilespmem:s10+$0xC100];
	[tilespmem:s12+$0xE000] =	vst v11;
	v11 =	vadd.f32 $1.000000000e+00, v17;
	v17 =	vpop (erf)  }
0x338: {  	s11 =	sor.u32 $0x380, s22;
	vm1 =	veq.s32 v57, $0x0;
	v51 =	vmul.f32 v25, v12;
	v12 =	vld [tilespmem:s10+$0xA180];
	v17 =	vadd.f32 $1.000000000e+00, v17;
	v55 =	vpop (erf)  }
0x339: {  	vm0 =	veq.s32 v58, $0x0;
	v26 =	vld [tilespmem:s11+$0x8000];
	v36 =	vadd.f32 $1.000000000e+00, v55;
	(erf) = vrcp.f32 v11  }
0x33a: {  	v13 =	vsel vm1, v13, v54;
	v24 =	vsel vm13, v59, v60;
	v56 =	vld [tilespmem:s11+$0xC000];
	(erf) = vrcp.f32 v17  }
0x33b: {  	v46 =	vand.u32 $0x7FFFFFFF, v13;
	v57 =	vand.u32 $0x7FFFFFFF, v24;
	v58 =	vld [tilespmem:s11+$0xA000];
	v11 =	vpop (erf);
	(erf) = vrcp.f32 v36  }
0x33c: {  	v25 =	vsel vm14, v61, v62;
	vm3 =	veq.s32 v37, $0x0;
	v59 =	vadd.f32 $1.000000000e+00, v11;
	v17 =	vpop (erf)  }
0x33d: {  	v60 =	vld [tilespmem:s10+$0x8280];
	v41 =	vmul.f32 $1.000000000e+01, v46;
	v11 =	vsel vm3, v63, v3;
	v3 =	vadd.f32 $1.000000000e+00, v17;
	v17 =	vpop (erf)  }
0x33e: {  	v61 =	vld [tilespmem:s10+$0xA280];
	v12 =	vsel vm2, v2, v12;
	v2 =	vadd.f32 $1.000000000e+00, v17;
	(erf) = vrcp.f32 v59  }
0x33f: {  	v62 =	vand.u32 $0x7FFFFFFF, v12;
	vm15 =	veq.s32 v56, $0x0;
	(erf) = vrcp.f32 v3  }
0x340: {  	[tilespmem:s1+$0xE180] =	vst v49;
	v49 =	vmul.f32 $1.000000000e+01, v62;
	v26 =	vsel vm15, v26, v58;
	v3 =	vld [tilespmem:s16+$0xFFFFFFF0];
	(erf) = vrcp.f32 v2  }
0x341: {  	v63 =	vmul.f32 $1.000000000e+01, v57;
	v40 =	vand.u32 $0x7FFFFFFF, v11;
	v45 =	vand.u32 $0x7FFFFFFF, v26;
	v2 =	vld [tilespmem:s14+$0xFFFFFFF0]  }
0x342: {  	v17 =	vand.u32 $0x7FFFFFFF, v25;
	v10 =	vsel vm15, v10, v15;
	v48 =	vmul.f32 $1.000000000e+01, v45;
	v15 =	vpop (erf)  }
0x343: {  	v39 =	vmul.f32 $1.000000000e+01, v17;
	v17 =	vsel vm0, v60, v61;
	v15 =	vmul.f32 v15, v47;
	v53 =	vpop (erf)  }
0x344: {  	[tilespmem:s1+$0xE100] =	vst v43;
	v37 =	vmul.f32 $1.000000000e+01, v40;
	v52 =	vand.u32 $0x7FFFFFFF, v17;
	v10 =	vsub.f32 v10, v48;
	v56 =	vpop (erf)  }
0x345: {  	v46 =	vmul.f32 $1.000000000e+01, v52;
	[tilespmem:s10+$0xE010] =	vst v15;
	v15 =	vmul.f32 v56, v34  }
0x346: {  	[tilespmem:s1+$0xE200] =	vst v50;
	v35 =	vmul.f32 v53, v35;
	v10 =	vmul.f32 $1.442695020e+00, v10;
	v54 =	vsel vm13, v3, v2  }
0x347: {  	s5 =	sor.u32 $0x300, s2;
	s23 =	simm.s32 $0x2;
	[tilespmem:s1+$0xE280] =	vst v51;
	v55 =	vsel vm14, v3, v2;
	v58 =	vsel vm3, v3, v2;
	v61 =	vsel vm2, v3, v2;
	v59 =	vpop (erf)  }
0x348: {  	s1 =	sand.u32 $0x3, s23;
	v57 =	vld [tilespmem:s5+$0xC000];
	v38 =	vsub.f32 v54, v63;
	[tilespmem:s10+$0xE090] =	vst v35;
	v39 =	vsub.f32 v55, v39;
	v33 =	vmul.f32 v59, v33;
	v62 =	vpop (erf)  }
0x349: {  	s28 =	simm.s32 $0x300;
	s1 =	sshll.u32 s1, $0x5;
	v60 =	vld [tilespmem:s5+$0x8000];
	s16 =	simm.s32 $0x60;
	(erf) = vpow2.f32 v10;
	v43 =	vsub.f32 v58, v37;
	[tilespmem:s10+$0xE110] =	vst v15;
	v32 =	vmul.f32 v62, v32;
	v15 =	vpop (erf)  }
0x34a: {  	s20 =	sand.u32 $0x1C00, s28;
	s1 =	sadd.s32 $0x200, s1;
	s14 =	sand.u32 $0x60, s16;
	v63 =	vld [tilespmem:s5+$0xA000];
	v48 =	vsub.f32 v61, v49;
	v44 =	vmul.f32 $1.442695020e+00, v38;
	[tilespmem:s10+$0xE190] =	vst v33;
	v29 =	vmul.f32 v15, v29  }
0x34b: {  	s21 =	sadd.s32 $0x10, s1;
	s30 =	sor.u32 s14, s20;
	v39 =	vmul.f32 $1.442695020e+00, v39;
	v34 =	vmul.f32 $1.442695020e+00, v43;
	[tilespmem:s10+$0xE210] =	vst v32  }
0x34c: {  	s13 =	sor.u32 $0x300, s21;
	v40 =	vld [tilespmem:s30+$0x8010];
	v49 =	vsel vm1, v3, v2;
	v50 =	vmul.f32 $1.442695020e+00, v48;
	(erf) = vpow2.f32 v44;
	[tilespmem:s10+$0xE290] =	vst v29  }
0x34d: {  	(erf) = vpow2.f32 v39;
	v32 =	vsub.f32 v49, v41;
	v29 =	vsel vm0, v3, v2;
	v51 =	vld [tilespmem:s13+$0x8000]  }
0x34e: {  	vm0 =	veq.s32 v57, $0x0;
	(erf) = vpow2.f32 v34;
	v52 =	vld [tilespmem:s13+$0xC000];
	v33 =	vsub.f32 v29, v46  }
0x34f: {  	v29 =	vsel vm0, v60, v63;
	v53 =	vld [tilespmem:s13+$0xA000];
	(erf) = vpow2.f32 v50;
	v32 =	vmul.f32 $1.442695020e+00, v32  }
0x350: {  	v42 =	vld [tilespmem:s30+$0x8090];
	v35 =	vand.u32 $0x7FFFFFFF, v29;
	v33 =	vmul.f32 $1.442695020e+00, v33  }
0x351: {  	s26 =	simm.s32 $0x10470;
	v47 =	vld [tilespmem:s30+$0xA190];
	v35 =	vmul.f32 $1.000000000e+01, v35;
	(erf) = vpow2.f32 v32  }
0x352: {  	v10 =	vld [tilespmem:s26+$0x0];
	v54 =	vsel vm0, v6, v7  }
0x353: {  	s24 =	simm.s32 $0x10C70;
	v43 =	vld [tilespmem:s30+$0xC010];
	v55 =	vpop (erf);
	(erf) = vpow2.f32 v33;
	v35 =	vsub.f32 v54, v35;
	vm0 =	veq.s32 v52, $0x0  }
0x354: {  	v15 =	vld [tilespmem:s24+$0x0];
	v56 =	vadd.f32 $1.000000000e+00, v55;
	v46 =	vsel vm0, v51, v53  }
0x355: {  	v41 =	vld [tilespmem:s30+$0xA010];
	v58 =	vpop (erf);
	v35 =	vmul.f32 $1.442695020e+00, v35;
	v57 =	vand.u32 $0x7FFFFFFF, v46  }
0x356: {  	v39 =	vld [tilespmem:s30+$0xA110];
	(erf) = vrcp.f32 v56;
	v59 =	vadd.f32 $1.000000000e+00, v58;
	v60 =	vpop (erf);
	v37 =	vmul.f32 $1.000000000e+01, v57  }
0x357: {  	v34 =	vld [tilespmem:s30+$0x8190];
	v61 =	vsel vm0, v16, v19;
	v38 =	vadd.f32 $1.000000000e+00, v60;
	v62 =	vpop (erf);
	(erf) = vpow2.f32 v35  }
0x358: {  	v63 =	vld [tilespmem:s30+$0xC090];
	v52 =	vadd.f32 $1.000000000e+00, v62;
	(erf) = vrcp.f32 v59;
	v53 =	vpop (erf);
	v37 =	vsub.f32 v61, v37  }
0x359: {  	v50 =	vld [tilespmem:s30+$0x8210];
	v36 =	vadd.f32 $1.000000000e+00, v53;
	(erf) = vrcp.f32 v38  }
0x35a: {  	v32 =	vld [tilespmem:s30+$0xA090];
	(erf) = vrcp.f32 v52;
	v56 =	vpop (erf);
	v37 =	vmul.f32 $1.442695020e+00, v37  }
0x35b: {  	v55 =	vld [tilespmem:s30+$0xC190];
	(erf) = vrcp.f32 v36;
	v35 =	vadd.f32 $1.000000000e+00, v56  }
0x35c: {  	v33 =	vld [tilespmem:s30+$0x8110];
	v58 =	vpop (erf);
	(erf) = vpow2.f32 v37  }
0x35d: {  	v22 =	vmul.f32 v22, v4;
	v54 =	vld [tilespmem:s30+$0xC110];
	v36 =	vadd.f32 $1.000000000e+00, v58  }
0x35e: {  	v23 =	vmul.f32 v23, v5;
	v18 =	vmul.f32 v28, v18;
	vm0 =	veq.s32 v43, $0x0;
	v57 =	vld [tilespmem:s30+$0xC210]  }
0x35f: {  	vm1 =	veq.s32 v63, $0x0;
	v45 =	vsel vm0, v40, v41;
	v60 =	vld [tilespmem:s30+$0xA210];
	(erf) = vrcp.f32 v35;
	v35 =	vpop (erf)  }
0x360: {  	v44 =	vsel vm1, v42, v32;
	vm3 =	veq.s32 v55, $0x0;
	v51 =	vand.u32 $0x7FFFFFFF, v45;
	v59 =	vld [tilespmem:s30+$0xC290];
	v38 =	vpop (erf)  }
0x361: {  	v62 =	vld [tilespmem:s30+$0xA290];
	v42 =	vsel vm3, v34, v47;
	v34 =	vmul.f32 $1.000000000e+01, v51;
	(erf) = vrcp.f32 v36;
	v36 =	vpop (erf)  }
0x362: {  	v28 =	vmul.f32 v30, v20;
	v63 =	vsel vm1, v10, v15;
	v61 =	vld [tilespmem:s30+$0x8290];
	v53 =	vsel vm0, v10, v15;
	v37 =	vpop (erf)  }
0x363: {  	vm2 =	veq.s32 v54, $0x0;
	v55 =	vsel vm3, v10, v15;
	v34 =	vsub.f32 v53, v34;
	v32 =	vpop (erf)  }
0x364: {  	v49 =	vsel vm2, v10, v15;
	v43 =	vsel vm2, v33, v39;
	vm8 =	veq.s32 v57, $0x0;
	v33 =	vpop (erf)  }
0x365: {  	v34 =	vmul.f32 $1.442695020e+00, v34;
	vm9 =	veq.s32 v59, $0x0;
	v56 =	vsel vm8, v10, v15;
	v59 =	vpop (erf)  }
0x366: {  	v41 =	vsel vm8, v50, v60;
	v58 =	vand.u32 $0x7FFFFFFF, v44;
	v47 =	vadd.f32 $1.000000000e+00, v59  }
0x367: {  	v4 =	vld [tilespmem:s30+$0x8100];
	v60 =	vand.u32 $0x7FFFFFFF, v43;
	v40 =	vsel vm9, v61, v62;
	v39 =	vmul.f32 $1.000000000e+01, v58  }
0x368: {  	v5 =	vld [tilespmem:s30+$0xA100];
	v61 =	vand.u32 $0x7FFFFFFF, v42;
	v48 =	vmul.f32 $1.000000000e+01, v60;
	(erf) = vrcp.f32 v47  }
0x369: {  	v20 =	vld [tilespmem:s30+$0x8180];
	v62 =	vand.u32 $0x7FFFFFFF, v41;
	v51 =	vmul.f32 $1.000000000e+01, v61;
	v39 =	vsub.f32 v63, v39  }
0x36a: {  	v54 =	vld [tilespmem:s30+$0xC180];
	v48 =	vsub.f32 v49, v48;
	v59 =	vmul.f32 $1.000000000e+01, v62;
	(erf) = vpow2.f32 v34  }
0x36b: {  	v52 =	vld [tilespmem:s30+$0xC200];
	v63 =	vand.u32 $0x7FFFFFFF, v40;
	v51 =	vsub.f32 v55, v51;
	v39 =	vmul.f32 $1.442695020e+00, v39  }
0x36c: {  	v50 =	vld [tilespmem:s30+$0xC000];
	v53 =	vmul.f32 $1.000000000e+01, v63;
	v48 =	vmul.f32 $1.442695020e+00, v48;
	v49 =	vsub.f32 v56, v59  }
0x36d: {  	v57 =	vsel vm9, v10, v15;
	v58 =	vld [tilespmem:s30+$0xC080];
	v61 =	vmul.f32 $1.442695020e+00, v51;
	(erf) = vpow2.f32 v39  }
0x36e: {  	v60 =	vld [tilespmem:s30+$0x8000];
	v62 =	vsub.f32 v57, v53;
	v49 =	vmul.f32 $1.442695020e+00, v49;
	(erf) = vpow2.f32 v48  }
0x36f: {  	v27 =	vmul.f32 v27, v14;
	v47 =	vld [tilespmem:s30+$0xC100];
	v34 =	vpop (erf);
	(erf) = vpow2.f32 v61  }
0x370: {  	v63 =	vld [tilespmem:s30+$0xA000];
	v51 =	vmul.f32 $1.442695020e+00, v62;
	v14 =	vpop (erf);
	(erf) = vpow2.f32 v49  }
0x371: {  	v57 =	vld [tilespmem:s30+$0x8080];
	v49 =	vmul.f32 v31, v21;
	v30 =	vpop (erf)  }
0x372: {  	v59 =	vld [tilespmem:s30+$0xA080];
	(erf) = vpow2.f32 v51;
	v21 =	vmul.f32 v30, v46  }
0x373: {  	v51 =	vld [tilespmem:s30+$0xA180];
	v30 =	vpop (erf)  }
0x374: {  	vm3 =	veq.s32 v47, $0x0;
	v47 =	vld [tilespmem:s30+$0xA200];
	[tilespmem:s13+$0xE000] =	vst v21;
	v21 =	vadd.f32 $1.000000000e+00, v30  }
0x375: {  	s2 =	sor.u32 $0x380, s21;
	vm10 =	veq.s32 v50, $0x0;
	v46 =	vld [tilespmem:s30+$0x8200]  }
0x376: {  	vm2 =	veq.s32 v54, $0x0;
	vm1 =	veq.s32 v52, $0x0;
	v31 =	vsel vm10, v60, v63;
	v30 =	vpop (erf);
	v39 =	vld [tilespmem:s2+$0x8000]  }
0x377: {  	vm11 =	veq.s32 v58, $0x0;
	v53 =	vand.u32 $0x7FFFFFFF, v31;
	v60 =	vadd.f32 $1.000000000e+00, v30;
	v61 =	vpop (erf);
	v48 =	vld [tilespmem:s2+$0xC000]  }
0x378: {  	v20 =	vsel vm2, v20, v51;
	v54 =	vld [tilespmem:s2+$0xA000];
	v52 =	vadd.f32 $1.000000000e+00, v61;
	(erf) = vrcp.f32 v21;
	v21 =	vpop (erf)  }
0x379: {  	v30 =	vsel vm11, v57, v59;
	(erf) = vrcp.f32 v60;
	v62 =	vadd.f32 $1.000000000e+00, v21;
	v63 =	vpop (erf)  }
0x37a: {  	v55 =	vld [tilespmem:s30+$0xC280];
	(erf) = vrcp.f32 v52;
	v21 =	vsel vm3, v4, v5;
	v4 =	vadd.f32 $1.000000000e+00, v63  }
0x37b: {  	v56 =	vld [tilespmem:s30+$0x8280];
	v57 =	vmul.f32 $1.000000000e+01, v53;
	v61 =	vand.u32 $0x7FFFFFFF, v30;
	v5 =	vpop (erf);
	(erf) = vrcp.f32 v62  }
0x37c: {  	v60 =	vld [tilespmem:s30+$0xA280];
	vm12 =	veq.s32 v48, $0x0;
	v5 =	vadd.f32 $1.000000000e+00, v5;
	(erf) = vrcp.f32 v4  }
0x37d: {  	[tilespmem:s9+$0xE000] =	vst v22;
	v51 =	vmul.f32 $1.000000000e+01, v61;
	v22 =	vsel vm1, v46, v47;
	v39 =	vsel vm12, v39, v54;
	v4 =	vld [tilespmem:s26+$0xFFFFFFF0]  }
0x37e: {  	[tilespmem:s9+$0xE100] =	vst v27;
	v27 =	vand.u32 $0x7FFFFFFF, v22;
	v58 =	vand.u32 $0x7FFFFFFF, v39;
	(erf) = vrcp.f32 v5;
	v5 =	vld [tilespmem:s24+$0xFFFFFFF0]  }
0x37f: {  	vm0 =	veq.s32 v55, $0x0;
	v27 =	vmul.f32 $1.000000000e+01, v27;
	v47 =	vmul.f32 $1.000000000e+01, v58  }
0x380: {  	[tilespmem:s9+$0xE080] =	vst v23;
	v63 =	vand.u32 $0x7FFFFFFF, v20;
	v62 =	vand.u32 $0x7FFFFFFF, v21;
	v16 =	vsel vm12, v16, v19  }
0x381: {  	[tilespmem:s9+$0xE180] =	vst v18;
	v50 =	vmul.f32 $1.000000000e+01, v63;
	v23 =	vsel vm0, v56, v60;
	v18 =	vpop (erf);
	v16 =	vsub.f32 v16, v47  }
0x382: {  	v46 =	vmul.f32 $1.000000000e+01, v62;
	v52 =	vand.u32 $0x7FFFFFFF, v23;
	v18 =	vmul.f32 v18, v45;
	v19 =	vpop (erf)  }
0x383: {  	s21 =	simm.s32 $0x80;
	[tilespmem:s9+$0xE200] =	vst v28;
	s13 =	simm.s32 $0x400;
	v19 =	vmul.f32 v19, v44;
	v60 =	vpop (erf);
	v16 =	vmul.f32 $1.442695020e+00, v16;
	v28 =	vsel vm10, v4, v5  }
0x384: {  	s8 =	sor.u32 $0x300, s7;
	[tilespmem:s9+$0xE280] =	vst v49;
	s26 =	sand.u32 $0x1C00, s13;
	s24 =	sand.u32 $0x60, s21;
	v59 =	vsel vm11, v4, v5;
	v61 =	vsel vm3, v4, v5;
	v28 =	vsub.f32 v28, v57;
	v62 =	vpop (erf)  }
0x385: {  	s22 =	simm.s32 $0x3;
	s9 =	sor.u32 s24, s26;
	v47 =	vld [tilespmem:s8+$0xC000];
	[tilespmem:s30+$0xE010] =	vst v18;
	v18 =	vmul.f32 v60, v43;
	v63 =	vsel vm2, v4, v5;
	(erf) = vpow2.f32 v16;
	v56 =	vpop (erf)  }
0x386: {  	s6 =	sand.u32 $0x3, s22;
	v49 =	vld [tilespmem:s9+$0x8010];
	[tilespmem:s30+$0xE090] =	vst v19;
	v45 =	vsub.f32 v59, v51;
	v28 =	vmul.f32 $1.442695020e+00, v28;
	v16 =	vmul.f32 v56, v41  }
0x387: {  	s6 =	sshll.u32 s6, $0x5;
	v44 =	vld [tilespmem:s8+$0x8000];
	v59 =	vsub.f32 v61, v46;
	v61 =	vsub.f32 v63, v50;
	[tilespmem:s30+$0xE110] =	vst v18;
	v19 =	vmul.f32 v62, v42;
	v58 =	vpop (erf)  }
0x388: {  	s22 =	sadd.s32 $0x300, s6;
	v57 =	vld [tilespmem:s8+$0xA000];
	v40 =	vmul.f32 v58, v40;
	(erf) = vpow2.f32 v28;
	[tilespmem:s30+$0xE210] =	vst v16;
	v16 =	vsel vm1, v4, v5  }
0x389: {  	s6 =	sadd.s32 $0x10, s22;
	v53 =	vld [tilespmem:s9+$0xA190];
	v60 =	vmul.f32 $1.000000000e+01, v52;
	v45 =	vmul.f32 $1.442695020e+00, v45;
	[tilespmem:s30+$0xE190] =	vst v19;
	v16 =	vsub.f32 v16, v27  }
0x38a: {  	s20 =	sor.u32 $0x300, s6;
	v43 =	vld [tilespmem:s9+$0x8090];
	v42 =	vmul.f32 $1.442695020e+00, v59;
	v62 =	vmul.f32 $1.442695020e+00, v61;
	[tilespmem:s30+$0xE290] =	vst v40  }
0x38b: {  	v28 =	vsel vm0, v4, v5;
	(erf) = vpow2.f32 v45;
	v63 =	vld [tilespmem:s20+$0x8000];
	v16 =	vmul.f32 $1.442695020e+00, v16  }
0x38c: {  	vm0 =	veq.s32 v47, $0x0;
	v28 =	vsub.f32 v28, v60;
	(erf) = vpow2.f32 v42;
	v54 =	vld [tilespmem:s20+$0xC000]  }
0x38d: {  	v27 =	vsel vm0, v44, v57;
	v55 =	vld [tilespmem:s20+$0xA000];
	(erf) = vpow2.f32 v62  }
0x38e: {  	v26 =	vmul.f32 v35, v26;
	v52 =	vld [tilespmem:s9+$0x8190];
	v56 =	vand.u32 $0x7FFFFFFF, v27;
	v28 =	vmul.f32 $1.442695020e+00, v28  }
0x38f: {  	v38 =	vadd.f32 $1.000000000e+00, v38;
	v50 =	vld [tilespmem:s9+$0xA090];
	v40 =	vmul.f32 $1.000000000e+01, v56;
	(erf) = vpow2.f32 v16;
	v16 =	vpop (erf)  }
0x390: {  	s23 =	simm.s32 $0x10490;
	v51 =	vld [tilespmem:s9+$0x8110];
	v57 =	vsel vm0, v0, v1;
	(erf) = vpow2.f32 v28;
	v16 =	vadd.f32 $1.000000000e+00, v16  }
0x391: {  	v18 =	vld [tilespmem:s23+$0x0];
	v28 =	vsub.f32 v57, v40;
	vm0 =	veq.s32 v54, $0x0;
	(erf) = vrcp.f32 v38;
	v59 =	vpop (erf)  }
0x392: {  	v41 =	vld [tilespmem:s9+$0xC010];
	v48 =	vsel vm0, v63, v55;
	(erf) = vrcp.f32 v16;
	v16 =	vadd.f32 $1.000000000e+00, v59  }
0x393: {  	s12 =	simm.s32 $0x10C90;
	v32 =	vmul.f32 v32, v11;
	v47 =	vld [tilespmem:s9+$0xC090];
	v28 =	vmul.f32 $1.442695020e+00, v28;
	v58 =	vand.u32 $0x7FFFFFFF, v48  }
0x394: {  	v13 =	vmul.f32 v34, v13;
	v19 =	vld [tilespmem:s12+$0x0];
	v60 =	vpop (erf);
	v38 =	vmul.f32 $1.000000000e+01, v58  }
0x395: {  	v42 =	vld [tilespmem:s9+$0xA010];
	v45 =	vsel vm0, v10, v15;
	v40 =	vadd.f32 $1.000000000e+00, v60;
	v61 =	vpop (erf);
	(erf) = vpow2.f32 v28  }
0x396: {  	v62 =	vld [tilespmem:s9+$0xC110];
	v28 =	vadd.f32 $1.000000000e+00, v61;
	v38 =	vsub.f32 v45, v38;
	(erf) = vrcp.f32 v16;
	v16 =	vpop (erf)  }
0x397: {  	v17 =	vmul.f32 v14, v17;
	v44 =	vld [tilespmem:s9+$0xA110];
	(erf) = vrcp.f32 v40;
	v16 =	vadd.f32 $1.000000000e+00, v16  }
0x398: {  	vm1 =	veq.s32 v47, $0x0;
	v63 =	vld [tilespmem:s9+$0xC190];
	v38 =	vmul.f32 $1.442695020e+00, v38;
	(erf) = vrcp.f32 v28  }
0x399: {  	v46 =	vsel vm1, v43, v50;
	v55 =	vmul.f32 v36, v24;
	v24 =	vld [tilespmem:s9+$0x8210];
	v60 =	vpop (erf);
	(erf) = vrcp.f32 v16  }
0x39a: {  	v28 =	vmul.f32 v9, v8;
	v8 =	vadd.f32 $1.000000000e+00, v60;
	v9 =	vpop (erf);
	v16 =	vld [tilespmem:s9+$0xC290];
	(erf) = vpow2.f32 v38  }
0x39b: {  	v56 =	vmul.f32 v37, v25;
	v50 =	vand.u32 $0x7FFFFFFF, v46;
	vm2 =	veq.s32 v62, $0x0;
	v61 =	vld [tilespmem:s9+$0xC210]  }
0x39c: {  	v54 =	vsel vm1, v18, v19;
	v9 =	vadd.f32 $1.000000000e+00, v9;
	v35 =	vpop (erf);
	(erf) = vrcp.f32 v8;
	v8 =	vld [tilespmem:s9+$0xA210]  }
0x39d: {  	v25 =	vld [tilespmem:s9+$0xA290];
	v50 =	vmul.f32 $1.000000000e+01, v50;
	vm0 =	veq.s32 v41, $0x0;
	v57 =	vsel vm2, v18, v19;
	v36 =	vpop (erf)  }
0x39e: {  	v37 =	vsel vm0, v18, v19;
	v47 =	vsel vm0, v49, v42;
	(erf) = vrcp.f32 v9;
	v9 =	vld [tilespmem:s9+$0x8290];
	v40 =	vpop (erf)  }
0x39f: {  	v45 =	vsel vm2, v51, v44;
	vm3 =	veq.s32 v63, $0x0;
	vm14 =	veq.s32 v16, $0x0;
	v16 =	vpop (erf)  }
0x3a0: {  	v58 =	vsel vm3, v18, v19;
	v44 =	vsel vm3, v52, v53;
	vm13 =	veq.s32 v61, $0x0;
	v41 =	vpop (erf)  }
0x3a1: {  	v53 =	vand.u32 $0x7FFFFFFF, v44;
	v38 =	vpop (erf);
	v43 =	vsel vm13, v24, v8;
	v8 =	vand.u32 $0x7FFFFFFF, v47  }
0x3a2: {  	v59 =	vsel vm13, v18, v19;
	v34 =	vmul.f32 v35, v29;
	v8 =	vmul.f32 $1.000000000e+01, v8;
	v24 =	vpop (erf)  }
0x3a3: {  	v11 =	vld [tilespmem:s9+$0x8100];
	v49 =	vsel vm14, v18, v19;
	v42 =	vsel vm14, v9, v25;
	v25 =	vand.u32 $0x7FFFFFFF, v45;
	v9 =	vpop (erf)  }
0x3a4: {  	v14 =	vld [tilespmem:s9+$0x8180];
	v60 =	vand.u32 $0x7FFFFFFF, v43;
	v8 =	vsub.f32 v37, v8;
	v9 =	vadd.f32 $1.000000000e+00, v9  }
0x3a5: {  	v51 =	vld [tilespmem:s9+$0xC000];
	v25 =	vmul.f32 $1.000000000e+01, v25;
	v37 =	vsub.f32 v54, v50;
	v50 =	vmul.f32 $1.000000000e+01, v53  }
0x3a6: {  	v63 =	vld [tilespmem:s9+$0xA080];
	v53 =	vand.u32 $0x7FFFFFFF, v42;
	v8 =	vmul.f32 $1.442695020e+00, v8;
	(erf) = vrcp.f32 v9  }
0x3a7: {  	v52 =	vld [tilespmem:s9+$0xC080];
	v25 =	vsub.f32 v57, v25;
	v53 =	vmul.f32 $1.000000000e+01, v53;
	v37 =	vmul.f32 $1.442695020e+00, v37  }
0x3a8: {  	v61 =	vld [tilespmem:s9+$0xC100];
	v57 =	vmul.f32 $1.000000000e+01, v60;
	v50 =	vsub.f32 v58, v50;
	(erf) = vpow2.f32 v8  }
0x3a9: {  	v29 =	vld [tilespmem:s9+$0xA180];
	v25 =	vmul.f32 $1.442695020e+00, v25;
	v49 =	vsub.f32 v49, v53;
	(erf) = vpow2.f32 v37  }
0x3aa: {  	v54 =	vld [tilespmem:s9+$0xC200];
	v57 =	vsub.f32 v59, v57;
	v50 =	vmul.f32 $1.442695020e+00, v50  }
0x3ab: {  	v58 =	vld [tilespmem:s9+$0x8000];
	v49 =	vmul.f32 $1.442695020e+00, v49;
	(erf) = vpow2.f32 v25  }
0x3ac: {  	v9 =	vld [tilespmem:s9+$0xC180];
	v62 =	vmul.f32 $1.442695020e+00, v57  }
0x3ad: {  	v8 =	vld [tilespmem:s9+$0xA000];
	(erf) = vpow2.f32 v50;
	v25 =	vpop (erf)  }
0x3ae: {  	v60 =	vld [tilespmem:s9+$0xC280];
	v50 =	vmul.f32 v33, v12;
	(erf) = vpow2.f32 v62;
	v33 =	vpop (erf)  }
0x3af: {  	vm15 =	veq.s32 v51, $0x0;
	v12 =	vld [tilespmem:s9+$0xA100];
	(erf) = vpow2.f32 v49;
	v49 =	vpop (erf)  }
0x3b0: {  	vm3 =	veq.s32 v52, $0x0;
	v35 =	vmul.f32 v36, v39;
	v53 =	vld [tilespmem:s9+$0x8080];
	v36 =	vmul.f32 v49, v48  }
0x3b1: {  	v39 =	vld [tilespmem:s9+$0x8200];
	vm9 =	veq.s32 v61, $0x0;
	v41 =	vmul.f32 v41, v30;
	vm2 =	veq.s32 v9, $0x0;
	v9 =	vpop (erf)  }
0x3b2: {  	s7 =	sor.u32 $0x380, s6;
	vm1 =	veq.s32 v54, $0x0;
	v37 =	vsel vm15, v58, v8;
	v48 =	vld [tilespmem:s9+$0xA200];
	v8 =	vadd.f32 $1.000000000e+00, v9;
	v9 =	vpop (erf);
	[tilespmem:s20+$0xE000] =	vst v36  }
0x3b3: {  	vm0 =	veq.s32 v60, $0x0;
	v51 =	vand.u32 $0x7FFFFFFF, v37;
	v9 =	vadd.f32 $1.000000000e+00, v9;
	v52 =	vld [tilespmem:s7+$0x8000]  }
0x3b4: {  	v51 =	vmul.f32 $1.000000000e+01, v51;
	v11 =	vsel vm9, v11, v12;
	v59 =	vpop (erf);
	v54 =	vld [tilespmem:s7+$0xC000];
	(erf) = vrcp.f32 v8  }
0x3b5: {  	v12 =	vsel vm2, v14, v29;
	v62 =	vand.u32 $0x7FFFFFFF, v11;
	v36 =	vsel vm3, v53, v63;
	v29 =	vld [tilespmem:s7+$0xA000]  }
0x3b6: {  	v60 =	vld [tilespmem:s9+$0xA280];
	v63 =	vand.u32 $0x7FFFFFFF, v12;
	v53 =	vadd.f32 $1.000000000e+00, v59;
	v8 =	vpop (erf);
	(erf) = vrcp.f32 v9  }
0x3b7: {  	[tilespmem:s10+$0xE280] =	vst v17;
	v49 =	vld [tilespmem:s9+$0x8280];
	v14 =	vand.u32 $0x7FFFFFFF, v36;
	v17 =	vmul.f32 $1.000000000e+01, v63;
	v8 =	vadd.f32 $1.000000000e+00, v8;
	v9 =	vpop (erf)  }
0x3b8: {  	[tilespmem:s10+$0xE100] =	vst v32;
	v32 =	vmul.f32 $1.000000000e+01, v14;
	(erf) = vrcp.f32 v53;
	v9 =	vadd.f32 $1.000000000e+00, v9;
	v61 =	vpop (erf)  }
0x3b9: {  	v53 =	vadd.f32 $1.000000000e+00, v61;
	(erf) = vrcp.f32 v8;
	v8 =	vld [tilespmem:s23+$0xFFFFFFF0];
	vm10 =	veq.s32 v54, $0x0  }
0x3ba: {  	[tilespmem:s10+$0xE200] =	vst v13;
	v14 =	vsel vm1, v39, v48;
	(erf) = vrcp.f32 v9;
	v9 =	vld [tilespmem:s12+$0xFFFFFFF0];
	v29 =	vsel vm10, v52, v29  }
0x3bb: {  	[tilespmem:s10+$0xE080] =	vst v56;
	v39 =	vmul.f32 $1.000000000e+01, v62;
	(erf) = vrcp.f32 v53;
	v58 =	vand.u32 $0x7FFFFFFF, v29  }
0x3bc: {  	[tilespmem:s10+$0xE000] =	vst v55;
	v13 =	vsel vm0, v49, v60;
	v48 =	vand.u32 $0x7FFFFFFF, v14;
	v49 =	vmul.f32 $1.000000000e+01, v58  }
0x3bd: {  	s14 =	sor.u32 $0x300, s1;
	[tilespmem:s10+$0xE180] =	vst v50;
	s10 =	sor.u32 s15, s15;
	v59 =	vand.u32 $0x7FFFFFFF, v13;
	v48 =	vmul.f32 $1.000000000e+01, v48;
	v10 =	vsel vm10, v10, v15;
	v15 =	vpop (erf)  }
0x3be: {  	[tilespmem:s5+$0xE000] =	vst v34;
	s10 =	sor.u32 $0x380, s10;
	v34 =	vld [tilespmem:s14+$0xA000];
	v50 =	vmul.f32 $1.000000000e+01, v59;
	v10 =	vsub.f32 v10, v49;
	v15 =	vmul.f32 v15, v47  }
0x3bf: {  	v56 =	vld [tilespmem:s10+$0xC000];
	v54 =	vsel vm15, v8, v9;
	v60 =	vpop (erf);
	v61 =	vsel vm3, v8, v9;
	v55 =	vsel vm9, v8, v9  }
0x3c0: {  	s1 =	simm.s32 $0x500;
	s20 =	simm.s32 $0xA0;
	v52 =	vld [tilespmem:s14+$0xC000];
	s12 =	simm.s32 $0x4;
	v57 =	vsel vm2, v8, v9;
	v58 =	vsel vm1, v8, v9;
	v46 =	vmul.f32 v60, v46  }
0x3c1: {  	s26 =	sand.u32 $0x1C00, s1;
	s24 =	sand.u32 $0x60, s20;
	v53 =	vld [tilespmem:s14+$0x8000];
	s15 =	sand.u32 $0x3, s12;
	v62 =	vpop (erf);
	v10 =	vmul.f32 $1.442695020e+00, v10;
	v51 =	vsub.f32 v54, v51;
	v32 =	vsub.f32 v61, v32  }
0x3c2: {  	s23 =	sshll.u32 s15, $0x5;
	s15 =	sor.u32 s24, s26;
	v47 =	vld [tilespmem:s10+$0x8000];
	[tilespmem:s9+$0xE010] =	vst v15;
	v15 =	vmul.f32 v62, v45;
	v62 =	vsub.f32 v55, v39;
	v39 =	vmul.f32 v16, v31;
	v63 =	vpop (erf)  }
0x3c3: {  	s5 =	simm.s32 $0x10CB0;
	v49 =	vld [tilespmem:s15+$0xA090];
	v17 =	vsub.f32 v57, v17;
	[tilespmem:s9+$0xE090] =	vst v46;
	(erf) = vpow2.f32 v10;
	v44 =	vmul.f32 v63, v44;
	v60 =	vpop (erf)  }
0x3c4: {  	v54 =	vsub.f32 v58, v48;
	v16 =	vld [tilespmem:s5+$0x0];
	v31 =	vmul.f32 $1.442695020e+00, v32;
	[tilespmem:s9+$0xE110] =	vst v15;
	v10 =	vmul.f32 v60, v43;
	v61 =	vpop (erf)  }
0x3c5: {  	s23 =	sadd.s32 $0x400, s23;
	v46 =	vld [tilespmem:s10+$0xA000];
	v63 =	vmul.f32 $1.442695020e+00, v51;
	[tilespmem:s9+$0xE190] =	vst v44;
	v42 =	vmul.f32 v61, v42  }
0x3c6: {  	s12 =	simm.s32 $0x104B0;
	s6 =	sadd.s32 $0x10, s23;
	v55 =	vmul.f32 $1.442695020e+00, v17;
	v58 =	vmul.f32 $1.442695020e+00, v54;
	v32 =	vld [tilespmem:s15+$0x8090];
	[tilespmem:s9+$0xE210] =	vst v10  }
0x3c7: {  	s26 =	sor.u32 $0x300, s6;
	v15 =	vld [tilespmem:s12+$0x0];
	v51 =	vmul.f32 $1.442695020e+00, v62;
	(erf) = vpow2.f32 v63;
	[tilespmem:s9+$0xE290] =	vst v42  }
0x3c8: {  	v10 =	vsel vm0, v8, v9;
	(erf) = vpow2.f32 v31;
	vm0 =	veq.s32 v52, $0x0;
	v57 =	vld [tilespmem:s26+$0x8000]  }
0x3c9: {  	v10 =	vsub.f32 v10, v50;
	(erf) = vpow2.f32 v51;
	v17 =	vsel vm0, v53, v34;
	v31 =	vld [tilespmem:s26+$0xC000]  }
0x3ca: {  	v60 =	vsel vm0, v3, v2;
	vm0 =	veq.s32 v56, $0x0;
	v59 =	vld [tilespmem:s26+$0xA000];
	(erf) = vpow2.f32 v55  }
0x3cb: {  	v43 =	vld [tilespmem:s15+$0x8010];
	v30 =	vand.u32 $0x7FFFFFFF, v17;
	v10 =	vmul.f32 $1.442695020e+00, v10;
	(erf) = vpow2.f32 v58  }
0x3cc: {  	v40 =	vadd.f32 $1.000000000e+00, v40;
	v52 =	vld [tilespmem:s15+$0xA190];
	v6 =	vsel vm0, v6, v7;
	v30 =	vmul.f32 $1.000000000e+01, v30  }
0x3cd: {  	v42 =	vld [tilespmem:s15+$0xA010];
	(erf) = vpow2.f32 v10;
	v10 =	vsel vm0, v47, v46;
	v47 =	vmul.f32 v38, v21  }
0x3ce: {  	v50 =	vld [tilespmem:s15+$0x8110];
	v61 =	vpop (erf);
	v62 =	vand.u32 $0x7FFFFFFF, v10;
	vm1 =	veq.s32 v31, $0x0;
	v31 =	vsub.f32 v60, v30  }
0x3cf: {  	v53 =	vld [tilespmem:s15+$0xC010];
	v46 =	vadd.f32 $1.000000000e+00, v61;
	(erf) = vrcp.f32 v40;
	v30 =	vsel vm1, v57, v59  }
0x3d0: {  	v51 =	vld [tilespmem:s15+$0xA110];
	v44 =	vmul.f32 $1.000000000e+01, v62;
	v48 =	vpop (erf);
	v63 =	vand.u32 $0x7FFFFFFF, v30;
	v31 =	vmul.f32 $1.442695020e+00, v31  }
0x3d1: {  	v34 =	vld [tilespmem:s15+$0x8190];
	(erf) = vrcp.f32 v46;
	v45 =	vadd.f32 $1.000000000e+00, v48;
	v56 =	vpop (erf);
	v40 =	vmul.f32 $1.000000000e+01, v63  }
0x3d2: {  	v61 =	vld [tilespmem:s15+$0xC190];
	v57 =	vsel vm1, v18, v19;
	v46 =	vadd.f32 $1.000000000e+00, v56;
	v58 =	vpop (erf);
	(erf) = vpow2.f32 v31  }
0x3d3: {  	v60 =	vld [tilespmem:s15+$0xC110];
	v48 =	vadd.f32 $1.000000000e+00, v58;
	v59 =	vpop (erf);
	v40 =	vsub.f32 v57, v40;
	(erf) = vrcp.f32 v45  }
0x3d4: {  	vm1 =	veq.s32 v53, $0x0;
	v31 =	vld [tilespmem:s15+$0xC090];
	v45 =	vadd.f32 $1.000000000e+00, v59;
	v7 =	vpop (erf);
	(erf) = vrcp.f32 v46  }
0x3d5: {  	v63 =	vld [tilespmem:s15+$0xC210];
	v7 =	vadd.f32 $1.000000000e+00, v7;
	v40 =	vmul.f32 $1.442695020e+00, v40;
	(erf) = vrcp.f32 v48  }
0x3d6: {  	v6 =	vsub.f32 v6, v44;
	v53 =	vsel vm1, v15, v16;
	v56 =	vld [tilespmem:s15+$0x8210];
	v62 =	vpop (erf);
	(erf) = vrcp.f32 v45  }
0x3d7: {  	v44 =	vsel vm1, v43, v42;
	v57 =	vld [tilespmem:s15+$0xA210];
	v21 =	vadd.f32 $1.000000000e+00, v62;
	(erf) = vpow2.f32 v40  }
0x3d8: {  	v6 =	vmul.f32 $1.442695020e+00, v6;
	vm11 =	veq.s32 v61, $0x0;
	v45 =	vld [tilespmem:s15+$0xC290];
	(erf) = vrcp.f32 v7  }
0x3d9: {  	vm3 =	veq.s32 v60, $0x0;
	vm2 =	veq.s32 v31, $0x0;
	v31 =	vld [tilespmem:s15+$0x8290];
	v7 =	vpop (erf);
	(erf) = vrcp.f32 v21  }
0x3da: {  	v59 =	vsel vm11, v15, v16;
	v55 =	vsel vm3, v15, v16;
	v58 =	vpop (erf);
	(erf) = vpow2.f32 v6;
	v6 =	vld [tilespmem:s15+$0xA290]  }
0x3db: {  	v42 =	vsel vm3, v50, v51;
	v48 =	vmul.f32 v24, v20;
	vm12 =	veq.s32 v63, $0x0;
	v24 =	vpop (erf)  }
0x3dc: {  	v62 =	vand.u32 $0x7FFFFFFF, v42;
	v60 =	vsel vm12, v15, v16;
	v40 =	vsel vm11, v34, v52;
	v46 =	vpop (erf)  }
0x3dd: {  	v50 =	vld [tilespmem:s15+$0xC100];
	v52 =	vmul.f32 $1.000000000e+01, v62;
	v54 =	vsel vm2, v15, v16;
	vm0 =	veq.s32 v45, $0x0;
	v45 =	vpop (erf)  }
0x3de: {  	v43 =	vsel vm2, v32, v49;
	v38 =	vsel vm12, v56, v57;
	v56 =	vand.u32 $0x7FFFFFFF, v44;
	v20 =	vpop (erf)  }
0x3df: {  	v61 =	vld [tilespmem:s15+$0xC000];
	v63 =	vand.u32 $0x7FFFFFFF, v40;
	v21 =	vpop (erf);
	v32 =	vsel vm0, v31, v6;
	v31 =	vmul.f32 $1.000000000e+01, v56  }
0x3e0: {  	v34 =	vld [tilespmem:s15+$0xC180];
	v57 =	vand.u32 $0x7FFFFFFF, v43;
	v62 =	vmul.f32 $1.000000000e+01, v63;
	v63 =	vand.u32 $0x7FFFFFFF, v38;
	v6 =	vpop (erf)  }
0x3e1: {  	v49 =	vld [tilespmem:s15+$0xC080];
	v51 =	vmul.f32 $1.000000000e+01, v57;
	v6 =	vadd.f32 $1.000000000e+00, v6;
	v31 =	vsub.f32 v53, v31  }
0x3e2: {  	v52 =	vsub.f32 v55, v52;
	v55 =	vld [tilespmem:s15+$0xA000];
	vm2 =	veq.s32 v50, $0x0;
	v57 =	vmul.f32 $1.000000000e+01, v63  }
0x3e3: {  	v50 =	vld [tilespmem:s15+$0x8280];
	(erf) = vrcp.f32 v6;
	v6 =	vsub.f32 v54, v51;
	v31 =	vmul.f32 $1.442695020e+00, v31  }
0x3e4: {  	v22 =	vmul.f32 v25, v22;
	v63 =	vld [tilespmem:s15+$0x8180];
	v57 =	vsub.f32 v60, v57;
	v51 =	vsub.f32 v59, v62  }
0x3e5: {  	v60 =	vld [tilespmem:s15+$0xA080];
	v6 =	vmul.f32 $1.442695020e+00, v6;
	(erf) = vpow2.f32 v31;
	v31 =	vand.u32 $0x7FFFFFFF, v32  }
0x3e6: {  	v52 =	vmul.f32 $1.442695020e+00, v52;
	vm14 =	veq.s32 v49, $0x0;
	v49 =	vld [tilespmem:s15+$0xA200];
	v31 =	vmul.f32 $1.000000000e+01, v31  }
0x3e7: {  	v25 =	vsel vm0, v15, v16;
	v56 =	vld [tilespmem:s15+$0xC200];
	v51 =	vmul.f32 $1.442695020e+00, v51;
	(erf) = vpow2.f32 v6  }
0x3e8: {  	v53 =	vld [tilespmem:s15+$0xC280];
	(erf) = vpow2.f32 v52;
	v31 =	vsub.f32 v25, v31  }
0x3e9: {  	v54 =	vld [tilespmem:s15+$0x8000];
	(erf) = vpow2.f32 v51  }
0x3ea: {  	v59 =	vld [tilespmem:s15+$0x8080];
	v51 =	vmul.f32 v7, v27;
	v7 =	vmul.f32 $1.442695020e+00, v31  }
0x3eb: {  	v57 =	vmul.f32 $1.442695020e+00, v57;
	v62 =	vmul.f32 v33, v23;
	v23 =	vpop (erf);
	v6 =	vld [tilespmem:s15+$0x8100]  }
0x3ec: {  	v52 =	vld [tilespmem:s15+$0xA100];
	v25 =	vpop (erf)  }
0x3ed: {  	v27 =	vld [tilespmem:s15+$0xA180];
	(erf) = vpow2.f32 v57;
	v31 =	vpop (erf)  }
0x3ee: {  	vm13 =	veq.s32 v61, $0x0;
	v57 =	vmul.f32 v58, v29;
	v58 =	vld [tilespmem:s15+$0x8200];
	(erf) = vpow2.f32 v7;
	v7 =	vpop (erf)  }
0x3ef: {  	vm3 =	veq.s32 v34, $0x0;
	vm1 =	veq.s32 v53, $0x0;
	v53 =	vld [tilespmem:s15+$0xA280];
	v29 =	vmul.f32 v7, v30  }
0x3f0: {  	v37 =	vmul.f32 v46, v37;
	v34 =	vsel vm13, v54, v55;
	v33 =	vsel vm14, v59, v60;
	v60 =	vpop (erf)  }
0x3f1: {  	v36 =	vmul.f32 v45, v36;
	vm0 =	veq.s32 v56, $0x0;
	v55 =	vand.u32 $0x7FFFFFFF, v34;
	v7 =	vld [tilespmem:s12+$0xFFFFFFF0];
	s12 =	sor.u32 $0x380, s6;
	v61 =	vpop (erf);
	[tilespmem:s26+$0xE000] =	vst v29  }
0x3f2: {  	v30 =	vsel vm2, v6, v52;
	v52 =	vadd.f32 $1.000000000e+00, v60;
	v29 =	vsel vm3, v63, v27;
	v27 =	vpop (erf);
	v60 =	vld [tilespmem:s12+$0x8000]  }
0x3f3: {  	[tilespmem:s17+$0xE000] =	vst v28;
	v54 =	vadd.f32 $1.000000000e+00, v61;
	v61 =	vadd.f32 $1.000000000e+00, v27;
	v27 =	vsel vm0, v58, v49;
	v49 =	vld [tilespmem:s12+$0xC000]  }
0x3f4: {  	[tilespmem:s30+$0xE000] =	vst v39;
	v56 =	vand.u32 $0x7FFFFFFF, v33;
	v39 =	vmul.f32 $1.000000000e+01, v55;
	v28 =	vsel vm1, v50, v53;
	v50 =	vld [tilespmem:s12+$0xA000]  }
0x3f5: {  	v55 =	vmul.f32 $1.000000000e+01, v56;
	v59 =	vand.u32 $0x7FFFFFFF, v30;
	(erf) = vrcp.f32 v52  }
0x3f6: {  	[tilespmem:s30+$0xE080] =	vst v41;
	v6 =	vld [tilespmem:s5+$0xFFFFFFF0];
	v41 =	vmul.f32 $1.000000000e+01, v59;
	v52 =	vand.u32 $0x7FFFFFFF, v29;
	v63 =	vpop (erf);
	(erf) = vrcp.f32 v54  }
0x3f7: {  	[tilespmem:s30+$0xE200] =	vst v22;
	v58 =	vadd.f32 $1.000000000e+00, v63;
	v63 =	vand.u32 $0x7FFFFFFF, v27;
	(erf) = vrcp.f32 v61;
	v61 =	vpop (erf)  }
0x3f8: {  	[tilespmem:s30+$0xE100] =	vst v47;
	v47 =	vmul.f32 $1.000000000e+01, v52;
	v54 =	vadd.f32 $1.000000000e+00, v61;
	v59 =	vpop (erf);
	vm15 =	veq.s32 v49, $0x0  }
0x3f9: {  	[tilespmem:s30+$0xE180] =	vst v48;
	(erf) = vrcp.f32 v58;
	v61 =	vadd.f32 $1.000000000e+00, v59;
	v22 =	vsel vm15, v60, v50  }
0x3fa: {  	[tilespmem:s30+$0xE280] =	vst v62;
	s5 =	sor.u32 $0x300, s22;
	v48 =	vmul.f32 $1.000000000e+01, v63;
	(erf) = vrcp.f32 v54;
	v63 =	vand.u32 $0x7FFFFFFF, v22  }
0x3fb: {  	[tilespmem:s11+$0xE000] =	vst v26;
	v26 =	vld [tilespmem:s5+$0xC000];
	v52 =	vsel vm13, v7, v6;
	(erf) = vrcp.f32 v61;
	v53 =	vmul.f32 $1.000000000e+01, v63  }
0x3fc: {  	[tilespmem:s2+$0xE000] =	vst v35;
	v56 =	vsel vm3, v7, v6;
	v52 =	vsub.f32 v52, v39;
	v18 =	vsel vm15, v18, v19  }
0x3fd: {  	[tilespmem:s8+$0xE000] =	vst v51;
	v51 =	vld [tilespmem:s5+$0xA000];
	v58 =	vand.u32 $0x7FFFFFFF, v28;
	v35 =	vsub.f32 v56, v47;
	v18 =	vsub.f32 v18, v53  }
0x3fe: {  	s17 =	sor.u32 s3, s4;
	s24 =	sor.u32 s28, s16;
	s28 =	sor.u32 s1, s20;
	v49 =	vmul.f32 $1.000000000e+01, v58;
	v58 =	vld [tilespmem:s5+$0x8000];
	v50 =	vsel vm14, v7, v6;
	v59 =	vsel vm0, v7, v6  }
0x3ff: {  	s3 =	sor.u32 $0x380, s17;
	s16 =	sor.u32 $0x380, s24;
	s2 =	sor.u32 $0x380, s28;
	[tilespmem:s9+$0xE000] =	vst v37;
	v60 =	vsel vm1, v7, v6;
	v50 =	vsub.f32 v50, v55;
	v55 =	vpop (erf);
	v18 =	vmul.f32 $1.442695020e+00, v18  }
0x400: {  	s17 =	sor.u32 $0x300, s23;
	s8 =	simm.s32 $0x5;
	[tilespmem:s7+$0xE000] =	vst v57;
	s7 =	simm.s32 $0xA;
	vm0 =	veq.s32 v26, $0x0;
	v54 =	vsel vm2, v7, v6;
	v56 =	vmul.f32 v55, v44;
	v57 =	vpop (erf)  }
0x401: {  	[tilespmem:s9+$0xE080] =	vst v36;
	s30 =	sand.u32 $0x3, s8;
	v45 =	vld [tilespmem:s3+$0xA000];
	s22 =	sor.u32 s18, s19;
	s18 =	simm.s32 $0xC0;
	v46 =	vsub.f32 v59, v48;
	v44 =	vsub.f32 v60, v49;
	v60 =	vmul.f32 v57, v43;
	v61 =	vpop (erf)  }
0x402: {  	s19 =	simm.s32 $0x10CD0;
	s26 =	sor.u32 s13, s21;
	s13 =	simm.s32 $0x600;
	v39 =	vld [tilespmem:s3+$0xC000];
	v19 =	vsub.f32 v54, v41;
	[tilespmem:s15+$0xE010] =	vst v56;
	v62 =	vmul.f32 v61, v42;
	v63 =	vpop (erf);
	(erf) = vpow2.f32 v18  }
0x403: {  	s4 =	sor.u32 $0x380, s22;
	s21 =	simm.s32 $0x104D0;
	s11 =	sor.u32 $0x380, s26;
	v41 =	vld [tilespmem:s3+$0x8000];
	v36 =	vsel vm0, v58, v51;
	v43 =	vmul.f32 $1.442695020e+00, v50;
	[tilespmem:s15+$0xE090] =	vst v60;
	v26 =	vmul.f32 v63, v40;
	v18 =	vpop (erf)  }
0x404: {  	s20 =	sshll.u32 s30, $0x5;
	v37 =	vand.u32 $0x7FFFFFFF, v36;
	v42 =	vmul.f32 $1.442695020e+00, v52;
	[tilespmem:s15+$0xE110] =	vst v62;
	v38 =	vmul.f32 v18, v38;
	v40 =	vpop (erf)  }
.LBB2_7:
0x405: {  	s6 =	sand.u32 $0x60, s18;
	s22 =	sand.u32 $0x1C00, s13;
	v18 =	vld [tilespmem:s21+$0x0];
	v47 =	vmul.f32 $1.442695020e+00, v19;
	s1 =	sadd.s32 s20, s1;
	[tilespmem:s15+$0xE190] =	vst v26;
	v40 =	vmul.f32 v40, v32;
	v48 =	vsel vm0, v4, v5;
	v19 =	vmovc v34  }
0x406: {  	v34 =	vmul.f32 $1.442695020e+00, v35;
	v46 =	vmul.f32 $1.442695020e+00, v46;
	v24 =	vadd.f32 $1.000000000e+00, v24;
	v35 =	vmovc v33;
	s6 =	sor.u32 s6, s22;
	v26 =	vld [tilespmem:s19+$0x0];
	s24 =	sor.u32 $0x300, s1;
	[tilespmem:s15+$0xE210] =	vst v38;
	s20 =	sadd.s32 $0x10, s1  }
0x407: {  	s23 =	sor.u32 s13, s18;
	v33 =	vmul.f32 $1.442695020e+00, v44;
	vm0 =	veq.s32 v39, $0x0;
	s1 =	smov.u32 s13;
	v32 =	vld [tilespmem:s6+$0x8010];
	[tilespmem:s15+$0xE290] =	vst v40;
	s22 =	sor.u32 $0x300, s20;
	(erf) = vpow2.f32 v42  }
0x408: {  	v20 =	vmul.f32 v20, v11;
	v11 =	vmovc v30;
	s23 =	sor.u32 $0x380, s23;
	v39 =	vsel vm0, v41, v45;
	v38 =	vld [tilespmem:s22+$0x8000];
	(erf) = vpow2.f32 v43  }
0x409: {  	v21 =	vmul.f32 v21, v12;
	v12 =	vmovc v29;
	v40 =	vand.u32 $0x7FFFFFFF, v39;
	v30 =	vld [tilespmem:s22+$0xC000];
	(erf) = vpow2.f32 v47  }
0x40a: {  	v14 =	vmul.f32 v23, v14;
	v23 =	vsel vm0, v0, v1;
	v0 =	vmovc v3;
	v29 =	vld [tilespmem:s22+$0xA000];
	(erf) = vpow2.f32 v34;
	[tilespmem:s9+$0xE100] =	vst v20  }
0x40b: {  	v34 =	vmul.f32 v25, v13;
	v13 =	vadd.f32 $1.000000000e+00, v31;
	v20 =	vld [tilespmem:s6+$0xA010];
	(erf) = vpow2.f32 v46;
	[tilespmem:s9+$0xE180] =	vst v21;
	v3 =	vpop (erf)  }
0x40c: {  	v25 =	vmul.f32 $1.000000000e+01, v37;
	v21 =	vld [tilespmem:s6+$0x8090];
	(erf) = vpow2.f32 v33;
	[tilespmem:s9+$0xE200] =	vst v14;
	v33 =	vadd.f32 $1.000000000e+00, v3;
	v3 =	vmovc v4;
	v4 =	vmovc v8  }
0x40d: {  	v1 =	vmovc v2;
	v2 =	vmovc v5;
	v8 =	vmov v7;
	v31 =	vld [tilespmem:s6+$0xA090];
	[tilespmem:s9+$0xE280] =	vst v34;
	(erf) = vrcp.f32 v24;
	v24 =	vmul.f32 $1.000000000e+01, v40;
	s9 =	smov.u32 s15;
	s15 =	smov.u32 s6  }
0x40e: {  	v5 =	vmovc v9;
	v9 =	vmovc v6;
	v25 =	vsub.f32 v48, v25;
	v7 =	vld [tilespmem:s15+$0x8110];
	vm0 =	veq.s32 v30, $0x0;
	(erf) = vrcp.f32 v33  }
0x40f: {  	v14 =	vmovc v27;
	v30 =	vld [tilespmem:s15+$0xA110];
	v6 =	vsel vm0, v38, v29;
	v23 =	vsub.f32 v23, v24;
	(erf) = vrcp.f32 v13;
	v13 =	vmovc v28  }
0x410: {  	v25 =	vmul.f32 $1.442695020e+00, v25;
	v27 =	vld [tilespmem:s15+$0x8190];
	v24 =	vand.u32 $0x7FFFFFFF, v6;
	v28 =	vpop (erf)  }
0x411: {  	v29 =	vld [tilespmem:s15+$0xA190];
	v40 =	vadd.f32 $1.000000000e+00, v28;
	v24 =	vmul.f32 $1.000000000e+01, v24;
	v33 =	vpop (erf);
	v23 =	vmul.f32 $1.442695020e+00, v23  }
0x412: {  	v37 =	vsel vm0, v15, v16;
	v34 =	vld [tilespmem:s15+$0xC010];
	v41 =	vadd.f32 $1.000000000e+00, v33;
	v38 =	vpop (erf);
	(erf) = vpow2.f32 v25  }
0x413: {  	v25 =	vld [tilespmem:s15+$0xC090];
	v42 =	vadd.f32 $1.000000000e+00, v38;
	v24 =	vsub.f32 v37, v24;
	(erf) = vrcp.f32 v40;
	v28 =	vpop (erf)  }
0x414: {  	v37 =	vld [tilespmem:s15+$0xC110];
	v43 =	vadd.f32 $1.000000000e+00, v28;
	(erf) = vrcp.f32 v41;
	v33 =	vpop (erf)  }
0x415: {  	v40 =	vld [tilespmem:s15+$0xC190];
	v33 =	vadd.f32 $1.000000000e+00, v33;
	v44 =	vmul.f32 $1.442695020e+00, v24;
	(erf) = vrcp.f32 v42;
	v38 =	vpop (erf)  }
0x416: {  	v41 =	vld [tilespmem:s15+$0xC210];
	v38 =	vadd.f32 $1.000000000e+00, v38;
	(erf) = vrcp.f32 v43;
	v28 =	vpop (erf)  }
0x417: {  	v42 =	vld [tilespmem:s15+$0xC290];
	(erf) = vpow2.f32 v44;
	v24 =	vpop (erf);
	v28 =	vmul.f32 v28, v17;
	v17 =	vmov v36  }
0x418: {  	v45 =	vld [tilespmem:s15+$0x8210];
	(erf) = vrcp.f32 v33;
	v22 =	vmul.f32 v24, v22;
	v24 =	vpop (erf)  }
0x419: {  	v33 =	vld [tilespmem:s15+$0xA210];
	(erf) = vrcp.f32 v38;
	[tilespmem:s14+$0xE000] =	vst v28;
	v28 =	vmul.f32 v24, v10;
	v10 =	vmov v39;
	s14 =	smov.u32 s5;
	s5 =	smov.u32 s17;
	s17 =	smov.u32 s24  }
0x41a: {  	vm3 =	veq.s32 v34, $0x0;
	vm4 =	veq.s32 v25, $0x0;
	v25 =	vld [tilespmem:s15+$0x8290];
	[tilespmem:s12+$0xE000] =	vst v22;
	(erf) = vpow2.f32 v23  }
0x41b: {  	vm0 =	veq.s32 v37, $0x0;
	vm1 =	veq.s32 v40, $0x0;
	vm2 =	veq.s32 v41, $0x0;
	v22 =	vld [tilespmem:s15+$0xA290];
	v24 =	vpop (erf);
	[tilespmem:s10+$0xE000] =	vst v28;
	s10 =	smov.u32 s3;
	s3 =	smov.u32 s4;
	s4 =	smov.u32 s16  }
0x41c: {  	v34 =	vsel vm3, v18, v26;
	v39 =	vsel vm4, v18, v26;
	s16 =	smov.u32 s11;
	s11 =	smov.u32 s2;
	s2 =	smov.u32 s23;
	v28 =	vld [tilespmem:s15+$0xC000];
	vm5 =	veq.s32 v42, $0x0;
	v42 =	vpop (erf)  }
0x41d: {  	v46 =	vsel vm0, v18, v26;
	v47 =	vsel vm1, v18, v26;
	v48 =	vsel vm2, v18, v26;
	v41 =	vld [tilespmem:s15+$0xC080];
	v43 =	vpop (erf)  }
0x41e: {  	s7 =	sadd.s32 $0x2, s7;
	v44 =	vsel vm3, v32, v20;
	v38 =	vsel vm4, v21, v31;
	v50 =	vsel vm5, v18, v26;
	v49 =	vld [tilespmem:s15+$0xC100];
	v20 =	vpop (erf)  }
0x41f: {  	p0 =	slt.u32 s7, $0x3E;
	v40 =	vsel vm0, v7, v30;
	v36 =	vsel vm1, v27, v29;
	v37 =	vsel vm2, v45, v33;
	v51 =	vld [tilespmem:s15+$0xC180];
	v21 =	vpop (erf)  }
0x420: {  	v27 =	vand.u32 $0x7FFFFFFF, v38;
	v33 =	vand.u32 $0x7FFFFFFF, v44;
	v7 =	vld [tilespmem:s15+$0xC200];
	v32 =	vsel vm5, v25, v22;
	v22 =	vpop (erf)  }
0x421: {  	v54 =	vand.u32 $0x7FFFFFFF, v40;
	v30 =	vmul.f32 $1.000000000e+01, v33;
	v29 =	vld [tilespmem:s15+$0xC280];
	v22 =	vadd.f32 $1.000000000e+00, v22;
	v23 =	vpop (erf)  }
0x422: {  	v27 =	vmul.f32 $1.000000000e+01, v27;
	v45 =	vand.u32 $0x7FFFFFFF, v36;
	v52 =	vand.u32 $0x7FFFFFFF, v37;
	v33 =	vld [tilespmem:s15+$0x8000];
	v25 =	vpop (erf)  }
0x423: {  	v30 =	vsub.f32 v34, v30;
	v34 =	vmul.f32 $1.000000000e+01, v54;
	v53 =	vld [tilespmem:s15+$0xA000];
	(erf) = vrcp.f32 v22;
	v31 =	vpop (erf)  }
0x424: {  	v27 =	vsub.f32 v39, v27;
	v39 =	vmul.f32 $1.000000000e+01, v45;
	v45 =	vand.u32 $0x7FFFFFFF, v32;
	v22 =	vld [tilespmem:s15+$0x8080]  }
0x425: {  	v30 =	vmul.f32 $1.442695020e+00, v30;
	v34 =	vsub.f32 v46, v34;
	v46 =	vmul.f32 $1.000000000e+01, v52;
	v54 =	vld [tilespmem:s15+$0xA080]  }
0x426: {  	v27 =	vmul.f32 $1.442695020e+00, v27;
	v39 =	vsub.f32 v47, v39;
	v45 =	vmul.f32 $1.000000000e+01, v45;
	v52 =	vld [tilespmem:s15+$0x8100]  }
0x427: {  	v34 =	vmul.f32 $1.442695020e+00, v34;
	v46 =	vsub.f32 v48, v46;
	v47 =	vld [tilespmem:s15+$0xA100];
	(erf) = vpow2.f32 v30  }
0x428: {  	v30 =	vmul.f32 $1.442695020e+00, v39;
	v39 =	vsub.f32 v50, v45;
	v48 =	vld [tilespmem:s15+$0x8180];
	(erf) = vpow2.f32 v27  }
0x429: {  	vm0 =	veq.s32 v28, $0x0;
	v28 =	vmul.f32 $1.442695020e+00, v46;
	v27 =	vld [tilespmem:s15+$0xA180];
	(erf) = vpow2.f32 v34  }
0x42a: {  	vm1 =	veq.s32 v41, $0x0;
	v34 =	vmul.f32 $1.442695020e+00, v39;
	v41 =	vld [tilespmem:s15+$0x8200];
	(erf) = vpow2.f32 v30  }
0x42b: {  	vm2 =	veq.s32 v49, $0x0;
	vm3 =	veq.s32 v51, $0x0;
	v39 =	vld [tilespmem:s15+$0xA200];
	(erf) = vpow2.f32 v28  }
0x42c: {  	vm4 =	veq.s32 v7, $0x0;
	vm5 =	veq.s32 v29, $0x0;
	v28 =	vld [tilespmem:s15+$0x8280];
	(erf) = vpow2.f32 v34;
	v7 =	vpop (erf)  }
0x42d: {  	v34 =	vsel vm0, v33, v53;
	v33 =	vsel vm1, v22, v54;
	v22 =	vld [tilespmem:s15+$0xA280];
	v45 =	vmul.f32 v7, v6  }
0x42e: {  	v30 =	vsel vm2, v52, v47;
	v46 =	vand.u32 $0x7FFFFFFF, v34;
	v7 =	vld [tilespmem:s21+$0xFFFFFFF0];
	v29 =	vsel vm3, v48, v27  }
0x42f: {  	s12 =	sor.u32 $0x380, s20;
	v47 =	vand.u32 $0x7FFFFFFF, v30;
	v27 =	vand.u32 $0x7FFFFFFF, v33;
	v6 =	vld [tilespmem:s19+$0xFFFFFFF0];
	v48 =	vand.u32 $0x7FFFFFFF, v29;
	[tilespmem:s22+$0xE000] =	vst v45  }
0x430: {  	v46 =	vmul.f32 $1.000000000e+01, v46;
	v49 =	vmul.f32 $1.000000000e+01, v27;
	v27 =	vsel vm4, v41, v39;
	v39 =	vpop (erf);
	v41 =	vld [tilespmem:s12+$0x8000]  }
0x431: {  	v47 =	vmul.f32 $1.000000000e+01, v47;
	v45 =	vand.u32 $0x7FFFFFFF, v27;
	v54 =	vadd.f32 $1.000000000e+00, v39;
	v50 =	vpop (erf);
	v51 =	vld [tilespmem:s12+$0xC000]  }
0x432: {  	v48 =	vmul.f32 $1.000000000e+01, v48;
	v28 =	vsel vm5, v28, v22;
	v56 =	vadd.f32 $1.000000000e+00, v50;
	v50 =	vpop (erf);
	v52 =	vld [tilespmem:s12+$0xA000]  }
0x433: {  	v53 =	vand.u32 $0x7FFFFFFF, v28;
	v50 =	vadd.f32 $1.000000000e+00, v50;
	(erf) = vrcp.f32 v54;
	v39 =	vpop (erf);
	v54 =	vld [tilespmem:s5+$0xC000]  }
0x434: {  	v55 =	vmul.f32 $1.000000000e+01, v45;
	v39 =	vadd.f32 $1.000000000e+00, v39;
	(erf) = vrcp.f32 v56;
	v22 =	vpop (erf);
	v56 =	vld [tilespmem:s5+$0x8000]  }
0x435: {  	v53 =	vmul.f32 $1.000000000e+01, v53;
	v22 =	vadd.f32 $1.000000000e+00, v22;
	(erf) = vrcp.f32 v50;
	v45 =	vpop (erf);
	v50 =	vld [tilespmem:s5+$0xA000]  }
0x436: {  	v45 =	vadd.f32 $1.000000000e+00, v45;
	(erf) = vrcp.f32 v39;
	vm6 =	veq.s32 v51, $0x0;
	v39 =	vld [tilespmem:s3+$0xC000]  }
0x437: {  	v51 =	vsel vm0, v7, v6;
	(erf) = vrcp.f32 v22;
	v22 =	vsel vm6, v41, v52;
	v41 =	vld [tilespmem:s3+$0x8000]  }
0x438: {  	v52 =	vsel vm1, v7, v6;
	(erf) = vrcp.f32 v45;
	v57 =	vand.u32 $0x7FFFFFFF, v22;
	v45 =	vld [tilespmem:s3+$0xA000]  }
0x439: {  	v58 =	vsel vm2, v7, v6;
	v59 =	vsel vm3, v7, v6;
	v57 =	vmul.f32 $1.000000000e+01, v57  }
0x43a: {  	v60 =	vsel vm4, v7, v6;
	v61 =	vsel vm5, v7, v6;
	v62 =	vsel vm6, v15, v16;
	v15 =	vmovc v18  }
0x43b: {  	v42 =	vmul.f32 v42, v19;
	v18 =	vsub.f32 v51, v46;
	v16 =	vmovc v26;
	v46 =	vsub.f32 v62, v57  }
0x43c: {  	v43 =	vmul.f32 v43, v35;
	v19 =	vsub.f32 v58, v47;
	v49 =	vsub.f32 v52, v49;
	v26 =	vpop (erf)  }
.Ltmp2:
0x43d: {  	v35 =	vsub.f32 v59, v48;
	v48 =	vmul.f32 v26, v44;
	v47 =	vpop (erf);
	[tilespmem:s9+$0xE000] =	vst v42;
	v42 =	vmul.f32 $1.442695020e+00, v46;
	(pc) =	sbr.rel @p0 .LBB2_7-.Ltmp2, $4  }
0x43e: {  	v46 =	vsub.f32 v60, v55;
	v44 =	vsub.f32 v61, v53;
	v38 =	vmul.f32 v47, v38;
	v47 =	vpop (erf);
	[tilespmem:s9+$0xE080] =	vst v43  }
0x43f: {  	s8 =	sadd.s32 $0x1, s8;
	vm0 =	veq.s32 v54, $0x0;
	[tilespmem:s15+$0xE010] =	vst v48;
	v47 =	vmul.f32 v47, v40;
	v26 =	vpop (erf);
	(erf) = vpow2.f32 v42  }
0x440: {  	s18 =	sadd.s32 $0x20, s18;
	s13 =	sadd.s32 $0x100, s13;
	s6 =	sand.u32 $0x3, s8;
	v42 =	vmul.f32 $1.442695020e+00, v18;
	[tilespmem:s15+$0xE090] =	vst v38;
	v26 =	vmul.f32 v26, v36;
	v18 =	vpop (erf);
	v36 =	vsel vm0, v56, v50  }
0x441: {  	s20 =	sshll.u32 s6, $0x5;
	s21 =	sadd.s32 $0x20, s21;
	s19 =	sadd.s32 $0x20, s19;
	v43 =	vmul.f32 $1.442695020e+00, v49;
	[tilespmem:s15+$0xE110] =	vst v47;
	v38 =	vmul.f32 v18, v37;
	v40 =	vpop (erf);
	v37 =	vand.u32 $0x7FFFFFFF, v36  }
0x442: {  	s7 =	sadd.s32 s20, s1;
	[tilespmem:s15+$0xE190] =	vst v26;
	v18 =	vmul.f32 v40, v32  }
0x443: {  	[tilespmem:s15+$0xE210] =	vst v38;
	s1 =	sadd.s32 $0x10, s7  }
0x444: {  	v19 =	vmul.f32 $1.442695020e+00, v19;
	(erf) = vpow2.f32 v42;
	[tilespmem:s15+$0xE290] =	vst v18;
	s8 =	sor.u32 $0x300, s1  }
0x445: {  	v59 =	vmul.f32 $1.442695020e+00, v35;
	(erf) = vpow2.f32 v43;
	v26 =	vld [tilespmem:s8+$0x8000]  }
0x446: {  	(erf) = vpow2.f32 v19;
	v60 =	vld [tilespmem:s8+$0xC000]  }
0x447: {  	v62 =	vld [tilespmem:s8+$0xA000];
	(erf) = vpow2.f32 v59  }
0x448: {  	v61 =	vmul.f32 $1.442695020e+00, v46;
	v40 =	vmul.f32 $1.000000000e+01, v37  }
0x449: {  	v63 =	vmul.f32 $1.442695020e+00, v44;
	v42 =	vsel vm0, v4, v5  }
0x44a: {  	v24 =	vadd.f32 $1.000000000e+00, v24;
	v19 =	vsub.f32 v42, v40;
	(erf) = vpow2.f32 v61;
	v43 =	vpop (erf)  }
0x44b: {  	(erf) = vpow2.f32 v63;
	v44 =	vadd.f32 $1.000000000e+00, v43;
	vm7 =	veq.s32 v60, $0x0  }
0x44c: {  	v31 =	vadd.f32 $1.000000000e+00, v31;
	(erf) = vrcp.f32 v24;
	v26 =	vsel vm7, v26, v62  }
0x44d: {  	v19 =	vmul.f32 $1.442695020e+00, v19;
	(erf) = vrcp.f32 v44;
	v47 =	vpop (erf);
	v46 =	vand.u32 $0x7FFFFFFF, v26  }
0x44e: {  	(erf) = vrcp.f32 v31;
	v24 =	vadd.f32 $1.000000000e+00, v47;
	v48 =	vpop (erf);
	v18 =	vmul.f32 $1.000000000e+01, v46  }
0x44f: {  	v32 =	vsel vm7, v15, v16;
	v31 =	vadd.f32 $1.000000000e+00, v48;
	v49 =	vpop (erf);
	(erf) = vpow2.f32 v19  }
0x450: {  	v50 =	vadd.f32 $1.000000000e+00, v49;
	(erf) = vrcp.f32 v24;
	v51 =	vpop (erf);
	v18 =	vsub.f32 v32, v18  }
0x451: {  	v24 =	vadd.f32 $1.000000000e+00, v51;
	(erf) = vrcp.f32 v31  }
0x452: {  	(erf) = vrcp.f32 v50;
	v18 =	vmul.f32 $1.442695020e+00, v18  }
0x453: {  	v52 =	vpop (erf);
	(erf) = vrcp.f32 v24  }
0x454: {  	v53 =	vpop (erf);
	(erf) = vpow2.f32 v18  }
0x455: {  	v54 =	vpop (erf)  }
0x456: {  	vm8 =	veq.s32 v39, $0x0;
	v19 =	vpop (erf)  }
0x457: {  	v18 =	vsel vm8, v41, v45;
	v24 =	vpop (erf)  }
0x458: {  	v55 =	vand.u32 $0x7FFFFFFF, v18;
	v38 =	vpop (erf)  }
0x459: {  	v37 =	vmul.f32 $1.000000000e+01, v55;
	v56 =	vpop (erf)  }
0x45a: {  	v0 =	vsel vm8, v0, v1;
	v57 =	vpop (erf)  }
0x45b: {  	v31 =	vadd.f32 $1.000000000e+00, v52;
	v0 =	vsub.f32 v0, v37;
	v58 =	vpop (erf)  }
0x45c: {  	v32 =	vadd.f32 $1.000000000e+00, v53;
	v40 =	vpop (erf)  }
0x45d: {  	(erf) = vrcp.f32 v31;
	v0 =	vmul.f32 $1.442695020e+00, v0;
	v59 =	vpop (erf)  }
0x45e: {  	(erf) = vrcp.f32 v32;
	v31 =	vadd.f32 $1.000000000e+00, v59  }
0x45f: {  	(erf) = vpow2.f32 v0  }
0x460: {  	(erf) = vrcp.f32 v31;
	_ =	sdelay $0x5  }
0x461: {  	v60 =	vpop (erf)  }
0x462: {  	v32 =	vpop (erf)  }
0x463: {  	v41 =	vpop (erf)  }
0x464: {  	v61 =	vpop (erf)  }
0x465: {  	v0 =	vmul.f32 v61, v26;
	_ =	sdelay $0x1  }
0x466: {  	s1 =	sor.u32 $0x380, s1;
	[tilespmem:s8+$0xE000] =	vst v0  }
0x467: {  	v0 =	vld [tilespmem:s1+$0x8000]  }
0x468: {  	v62 =	vld [tilespmem:s1+$0xC000]  }
0x469: {  	v63 =	vld [tilespmem:s1+$0xA000];
	_ =	sdelay $0x3  }
0x46a: {  	v11 =	vmul.f32 v20, v11;
	vm9 =	veq.s32 v62, $0x0  }
0x46b: {  	v12 =	vmul.f32 v21, v12;
	v0 =	vsel vm9, v0, v63  }
0x46c: {  	[tilespmem:s9+$0xE100] =	vst v11;
	v43 =	vmul.f32 v23, v14;
	v44 =	vand.u32 $0x7FFFFFFF, v0  }
0x46d: {  	[tilespmem:s9+$0xE180] =	vst v12;
	v45 =	vmul.f32 v25, v13;
	v46 =	vmul.f32 $1.000000000e+01, v44  }
0x46e: {  	[tilespmem:s9+$0xE200] =	vst v43;
	v47 =	vsel vm9, v15, v16  }
0x46f: {  	[tilespmem:s9+$0xE280] =	vst v45;
	v11 =	vsub.f32 v47, v46  }
0x470: {  	v48 =	vmul.f32 v54, v17;
	v49 =	vld [tilespmem:s17+$0xC000]  }
0x471: {  	v50 =	vld [tilespmem:s17+$0x8000];
	v11 =	vmul.f32 $1.442695020e+00, v11  }
0x472: {  	[tilespmem:s14+$0xE000] =	vst v48;
	v51 =	vld [tilespmem:s17+$0xA000]  }
0x473: {  	v52 =	vld [tilespmem:s4+$0xC000];
	(erf) = vpow2.f32 v11  }
0x474: {  	v53 =	vld [tilespmem:s4+$0x8000]  }
0x475: {  	v54 =	vld [tilespmem:s4+$0xA000];
	_ =	sdelay $0x1  }
0x476: {  	v55 =	vmul.f32 v56, v34  }
0x477: {  	v1 =	vmul.f32 v57, v33;
	v57 =	vadd.f32 $1.000000000e+00, v38;
	vm10 =	veq.s32 v49, $0x0  }
0x478: {  	v58 =	vmul.f32 v58, v30;
	vm11 =	veq.s32 v52, $0x0;
	v12 =	vsel vm10, v50, v51  }
0x479: {  	[tilespmem:s15+$0xE000] =	vst v55;
	v56 =	vsel vm10, v8, v9;
	v14 =	vand.u32 $0x7FFFFFFF, v12;
	v11 =	vsel vm11, v53, v54  }
0x47a: {  	[tilespmem:s15+$0xE080] =	vst v1;
	v59 =	vmul.f32 v40, v29;
	v14 =	vmul.f32 $1.000000000e+01, v14;
	v16 =	vand.u32 $0x7FFFFFFF, v11  }
0x47b: {  	[tilespmem:s15+$0xE100] =	vst v58;
	v2 =	vsel vm11, v3, v2;
	v60 =	vmul.f32 v60, v27;
	v16 =	vmul.f32 $1.000000000e+01, v16;
	v61 =	vpop (erf)  }
0x47c: {  	[tilespmem:s15+$0xE180] =	vst v59;
	v14 =	vsub.f32 v56, v14;
	v62 =	vmul.f32 v32, v28;
	v3 =	vadd.f32 $1.000000000e+00, v61  }
0x47d: {  	[tilespmem:s15+$0xE200] =	vst v60;
	v63 =	vadd.f32 $1.000000000e+00, v41;
	(erf) = vrcp.f32 v57;
	v2 =	vsub.f32 v2, v16  }
0x47e: {  	s6 =	sor.u32 $0x300, s7;
	[tilespmem:s15+$0xE280] =	vst v62;
	v16 =	vmul.f32 $1.442695020e+00, v14;
	(erf) = vrcp.f32 v3  }
0x47f: {  	v20 =	vld [tilespmem:s6+$0xC000];
	v2 =	vmul.f32 $1.442695020e+00, v2;
	(erf) = vrcp.f32 v63  }
0x480: {  	v21 =	vld [tilespmem:s6+$0x8000];
	(erf) = vpow2.f32 v16  }
0x481: {  	v23 =	vld [tilespmem:s6+$0xA000];
	(erf) = vpow2.f32 v2;
	_ =	sdelay $0x3  }
0x482: {  	vm12 =	veq.s32 v20, $0x0  }
0x483: {  	v1 =	vsel vm12, v21, v23;
	v25 =	vpop (erf)  }
0x484: {  	v27 =	vand.u32 $0x7FFFFFFF, v1;
	v3 =	vmul.f32 v25, v36;
	v26 =	vpop (erf)  }
0x485: {  	v13 =	vmul.f32 $1.000000000e+01, v27;
	v28 =	vpop (erf)  }
0x486: {  	v30 =	vsel vm12, v7, v6;
	[tilespmem:s5+$0xE000] =	vst v3;
	v29 =	vpop (erf)  }
0x487: {  	v13 =	vsub.f32 v30, v13;
	v32 =	vld [tilespmem:s16+$0xC000];
	v31 =	vpop (erf);
	v3 =	vadd.f32 $1.000000000e+00, v29  }
0x488: {  	v33 =	vld [tilespmem:s16+$0x8000];
	v16 =	vadd.f32 $1.000000000e+00, v31  }
0x489: {  	v35 =	vmul.f32 $1.442695020e+00, v13;
	v34 =	vld [tilespmem:s16+$0xA000];
	(erf) = vrcp.f32 v3  }
0x48a: {  	(erf) = vrcp.f32 v16  }
0x48b: {  	(erf) = vpow2.f32 v35;
	_ =	sdelay $0x1  }
0x48c: {  	vm13 =	veq.s32 v32, $0x0  }
0x48d: {  	v36 =	vsel vm13, v33, v34  }
0x48e: {  	v37 =	vand.u32 $0x7FFFFFFF, v36  }
0x48f: {  	v13 =	vmul.f32 $1.000000000e+01, v37  }
0x490: {  	v38 =	vsel vm13, v4, v5  }
0x491: {  	v4 =	vsub.f32 v38, v13;
	v39 =	vpop (erf)  }
0x492: {  	v40 =	vpop (erf)  }
0x493: {  	v4 =	vmul.f32 $1.442695020e+00, v4;
	v5 =	vmul.f32 v39, v12;
	v41 =	vpop (erf)  }
0x494: {  	v12 =	vadd.f32 $1.000000000e+00, v41  }
0x495: {  	(erf) = vpow2.f32 v4;
	[tilespmem:s17+$0xE000] =	vst v5  }
0x496: {  	v42 =	vld [tilespmem:s11+$0xC000];
	(erf) = vrcp.f32 v12  }
0x497: {  	v5 =	vld [tilespmem:s11+$0x8000]  }
0x498: {  	v43 =	vld [tilespmem:s11+$0xA000];
	_ =	sdelay $0x3  }
0x499: {  	vm14 =	veq.s32 v42, $0x0  }
0x49a: {  	v4 =	vsel vm14, v5, v43  }
0x49b: {  	v44 =	vpop (erf);
	v12 =	vand.u32 $0x7FFFFFFF, v4  }
0x49c: {  	v12 =	vmul.f32 $1.000000000e+01, v12;
	v45 =	vpop (erf)  }
0x49d: {  	v46 =	vsel vm14, v8, v9;
	v1 =	vmul.f32 v45, v1  }
0x49e: {  	v8 =	vsub.f32 v46, v12  }
0x49f: {  	v5 =	vadd.f32 $1.000000000e+00, v44;
	[tilespmem:s6+$0xE000] =	vst v1  }
0x4a0: {  	v47 =	vmul.f32 $1.442695020e+00, v8;
	v48 =	vld [tilespmem:s2+$0xC000]  }
0x4a1: {  	(erf) = vrcp.f32 v5;
	v49 =	vld [tilespmem:s2+$0x8000]  }
0x4a2: {  	(erf) = vpow2.f32 v47;
	v50 =	vld [tilespmem:s2+$0xA000];
	_ =	sdelay $0x3  }
0x4a3: {  	vm15 =	veq.s32 v48, $0x0  }
0x4a4: {  	v1 =	vsel vm15, v49, v50  }
0x4a5: {  	v5 =	vand.u32 $0x7FFFFFFF, v1  }
0x4a6: {  	v5 =	vmul.f32 $1.000000000e+01, v5  }
0x4a7: {  	v51 =	vpop (erf);
	v52 =	vsel vm15, v7, v6  }
0x4a8: {  	v53 =	vpop (erf);
	v5 =	vsub.f32 v52, v5  }
0x4a9: {  	v54 =	vadd.f32 $1.000000000e+00, v53  }
0x4aa: {  	v5 =	vmul.f32 $1.442695020e+00, v5  }
0x4ab: {  	(erf) = vrcp.f32 v54  }
0x4ac: {  	(erf) = vpow2.f32 v5;
	_ =	sdelay $0x7  }
0x4ad: {  	v55 =	vpop (erf)  }
0x4ae: {  	v56 =	vpop (erf)  }
0x4af: {  	v6 =	vadd.f32 $1.000000000e+00, v56;
	_ =	sdelay $0x1  }
0x4b0: {  	(erf) = vrcp.f32 v6;
	_ =	sdelay $0x2  }
0x4b1: {  	v58 =	vmul.f32 v24, v10  }
0x4b2: {  	v57 =	vmul.f32 v19, v22  }
0x4b3: {  	[tilespmem:s10+$0xE000] =	vst v58;
	v0 =	vmul.f32 v26, v0  }
0x4b4: {  	[tilespmem:s12+$0xE000] =	vst v57;
	v59 =	vmul.f32 v28, v18  }
0x4b5: {  	[tilespmem:s1+$0xE000] =	vst v0;
	v60 =	vmul.f32 v40, v11  }
0x4b6: {  	[tilespmem:s3+$0xE000] =	vst v59;
	v61 =	vmul.f32 v51, v36  }
0x4b7: {  	s0 =	sadd.s32 $0x1, s0;
	[tilespmem:s4+$0xE000] =	vst v60;
	v62 =	vmul.f32 v55, v4;
	v63 =	vpop (erf)  }
0x4b8: {  	p0 =	sne.s32 s0, $0x20;
	[tilespmem:s16+$0xE000] =	vst v61;
	v1 =	vmul.f32 v63, v1  }
.Ltmp3:
0x4b9: {  	[tilespmem:s11+$0xE000] =	vst v62;
	(pc) =	sbr.rel @p0 .LBB2_4-.Ltmp3, $4  }
0x4ba: {  	[tilespmem:s2+$0xE000] =	vst v1  }
0x4bb: {  	s1 =	rddreg [dreg:$0xf]  }
0x4bc: {  	s5 =	simm.s32 $0x0;
	s1 =	sadd.s32 s31, s1;
	s31 =	simm.s32 $0xE000  }
0x4bd: {  	[hbm4b:s1+s5] =	stream.linear.scatter [tilespmem:s31], [sflag:$0x4], $0x2000, $0x38;
	[tilespmem:$0x11000] =	vst v63  }
0x4be: {  	s0 =	simm.s32 $0x3  }
0x4bf: {  	_ =	swait.ge [sflag:s0], $0x2000  }
0x4c0: {  	[sflag:s0] =	ssyncset.done $0x0  }
0x4c1: {  	s1 =	simm.s32 $0x4;
	[sflag:s0] =	ssyncadd.s32 $0xFFFFE000  }
0x4c2: {  	_ =	swait.ge [sflag:s1], $0x2000  }
0x4c3: {  	s2 =	rddreg [dreg:$0xe]  }
0x4c4: {  	s31 =	rddreg [dreg:$0xd];
	s2 =	sadd.s32 $0x1, s2  }
0x4c5: {  	p0 =	sne.s32 s2, s31  }
.Ltmp4:
0x4c6: {  	_ = 	snop;
	(pc) =	sbr.rel @p0 .LBB2_1-.Ltmp4, $3  }
0x4c7: {  	_ =	sdelay $0x1  }
0x4c8: {  	[sflag:s1] =	ssyncset.done $0x0  }
0x4c9: {  	[sflag:s1] =	ssyncadd.s32 $0xFFFFE000  }
0x4ca: {  	_ =	sfence.sel $0x180000  }
0x4cb: {  	[bflag:$0x0] =	sbarrier.arrive $0xFFFF  }
0x4cc: {  	_ =	strace $0x9000004A  }
0x4cd: {  	s0 =	stileid.u32;
	[bflag:$0x2] =	sbarrier.arrive $0xFFFF  }
0x4ce: {  	p0 =	sne.s32 s0, $0x0;
	s0 =	rddreg [dreg:$0x6]  }
0x4cf: {  	s0 =	sadd.s32 @!p0 $0x100000, s0  }
0x4d0: {  	[sflag:s0] =	ssyncadd.tile.s32 @!p0 $0x1;
	_ =	shalt  }
.Lfunc_end2:
_tile_overlayer_lowered:
.L_overlay_start_2:
0x4d1: {  	(tag) =	ssettag $0x2  }
0x4d2: {  	s0 =	rddreg [dreg:$0x0];
	s2 =	stileid.u32  }
0x4d3: {  	s1 =	rddreg [dreg:$0x1];
	p0 =	sne.s32 s2, $0x0  }
0x4d4: {  	s3 =	rddreg [dreg:$0x2];
	[bflag:$0x3] =	sbarrier.arrive $0xFFFF;
	s2 =	simm.s32 @!p0 $0x1C05  }
0x4d5: {  	[timem:s3], [sflag:s2] =	dma.local @!p0 [hbm:s0], s1  }
0x4d6: {  	s0 =	simm.s32 @!p0 $0x5  }
0x4d7: {  	_ =	swait.ge @!p0 [sflag:s0], s1  }
0x4d8: {  	s1 =	ssub.s32 @!p0 $0x0, s1;
	[sflag:s0] =	ssyncset.done @!p0 $0x0  }
0x4d9: {  	[sflag:s0] =	ssyncadd.s32 @!p0 s1  }
0x4da: {  	[bflag:$0x3] =	sbarrier.arrive $0xFFFF  }
0x4db: {  	_ =	shalt  }

// kernel: sparse-core-data-format-call.cloned.1.call-start
scs
called_computation_lowered:
.L_overlay_start_0:
0x0: {  	s2 =	sld [smem:$0x3FD9]  }
0x1: {  	s3 =	sld [smem:$0x3FFE];
	_ =	sdelay $0x1  }
0x2: {  	s1 =	srdreg.scid  }
0x3: {  	s0 =	sand.u32 $0x1, s1  }
0x4: {  	s19 =	sshll.u32 s0, $0xA;
	s2 =	sadd.s32 s3, s2  }
0x5: {  	s2 =	sadd.s32 s2, s19  }
0x6: {  	[smem:$0x3FC3] =	sst s2  }
0x7: {  	_ = 	snop  }
0x8: {  	s2 =	sld [smem:$0x3FC5]  }
0x9: {  	s20 =	sld [smem:$0x3FD0];
	(tm) =	ssettm $0x1  }
0xa: {  	s4 =	sld [smem:$0x3FFB];
	_ =	sdelay $0x3  }
0xb: {  	_ =	strace s4  }
0xc: {  	s4 =	sld [smem:$0x3FFC];
	_ =	sdelay $0x3  }
0xd: {  	_ =	strace s4  }
0xe: {  	s4 =	sld [smem:$0x3FFD];
	_ =	sdelay $0x3  }
0xf: {  	_ =	strace s4  }
0x10: {  	_ =	strace $0x8FFFFFFF  }
0x11: {  	s21 =	sld [smem:$0x3FDB];
	_ =	sdelay $0x1  }
0x12: {  	s5 =	simm.s32 $_scs_section_size  }
0x13: {  	s6 =	simm.s32 $_size__tile_overlayer_lowered;
	s7 =	simm.s32 $_tile_overlayer_lowered  }
0x14: {  	s24 =	simm.s32 $0x1BFF;
	s23 =	sshll.u32 s7, $0x1;
	s4 =	sadd.s32 s5, s21  }
0x15: {  	s8 =	simm.s32 $0x0;
	s22 =	sshll.u32 s6, $0x1;
	s6 =	sadd.s32 s23, s4  }
0x16: {  	[timem:s8], [sflag:s24] =	dma.local [hbm:s6], s22  }
0x17: {  	_ =	swait.ge [sflag:s24], s22  }
0x18: {  	s5 =	ssub.s32 $0x0, s22;
	[sflag:s24] =	ssyncset.done $0x0  }
0x19: {  	[sflag:s24] =	ssyncadd.s32 s5;
	_ =	sdelay $0x1  }
0x1a: {  	s25 =	simm.s32 $0x1B8B  }
0x1b: {  	_ =	swait.ge [sflag:s25], $0x1  }
0x1c: {  	[sflag:s25] =	ssyncset.done $0x0  }
0x1d: {  	s26 =	simm.s32 $0x1B8E;
	[sflag:s25] =	ssyncadd.s32 $0xFFFFFFFF  }
0x1e: {  	s27 =	simm.s32 $execute0_lowered;
	[smem:$0x3FD2] =	sst s26  }
0x1f: {  	s5 =	sshll.u32 s27, $0x1;
	_ =	strace $0x80000046;
	[dreg:$0x1] =	wrdreg $0xFFFFFFFF  }
0x20: {  	s28 =	simm.s32 $_size_execute0_lowered;
	s4 =	sadd.s32 s4, s5;
	[dreg:$0x0] =	wrdreg $0x0  }
0x21: {  	s5 =	sshll.u32 s28, $0x1;
	[dreg:$0x2] =	wrdreg s4  }
0x22: {  	[dreg:$0x3] =	wrdreg s5  }
0x23: {  	[dreg:$0x4] =	wrdreg $0xC0  }
0x24: {  	_ =	task [dreg:s8], $0x5FFFF  }
0x25: {  	[dreg:$0x1] =	wrdreg $0xFFFFFFFF  }
0x26: {  	[dreg:$0x0] =	wrdreg $0x60  }
0x27: {  	[dreg:$0x2] =	wrdreg s2  }
0x28: {  	[dreg:$0x3] =	wrdreg s20  }
0x29: {  	[dreg:$0x4] =	wrdreg $0x9  }
0x2a: {  	_ =	task.clear_ibuf [dreg:s8], $0x5FFFF;
	_ =	strace $0x90000046  }
0x2b: {  	s29 =	simm.s32 $0x9;
	_ =	strace $0x80000048  }
0x2c: {  	_ =	swait.ge [sflag:s29], $0x1  }
0x2d: {  	[sflag:s29] =	ssyncadd.s32 $0xFFFFFFFF  }
0x2e: {  	_ =	strace $0x90000048  }
0x2f: {  	_ =	sfence  }
0x30: {  	s30 =	sld [smem:$0x0];
	_ =	sdelay $0x2  }
0x31: {  	s31 =	sshll.u32 s1, $0xD;
	s1 =	sshrl.u32 s1, $0x2  }
0x32: {  	s3 =	sand.u32 $0x4000, s31;
	s1 =	sadd.s32 s1, s30  }
0x33: {  	s0 =	sor.u32 s3, s0;
	s1 =	sshll.u32 s1, $0x11  }
0x34: {  	s0 =	sor.u32 s1, s0  }
0x35: {  	s0 =	sadd.s32 $0x8F2B, s0  }
0x36: {  	[sflag:s0] =	ssyncadd.remote.s32 $0x1  }
0x37: {  	_ =	sfence.sel $0xFFFF  }
0x38: {  	[dreg:$0x0] =	wrdreg $0xFFFFFFFF;
	(pc) =	sbr.abs _section_cstart, $3  }
0x39: {  	[dreg:$0x1] =	wrdreg $0xFFFFFFFF  }
0x3a: {  	_ =	task.clear_ibuf [dreg:s8], $0x2FFFF;
	_ =	strace $0x9FFFFFFF  }
0x3b: {  	(tm) =	ssettm $0x7FFFFFFF  }
tec
execute0_lowered:
.L_overlay_start_1:
0x0: {  	(tag) =	ssettag $0x1  }
0x1: {  	s2 =	rddreg [dreg:$0x0]  }
0x2: {  	s3 =	rddreg [dreg:$0x1]  }
0x3: {  	s1 =	srdreg.scid;
	s0 =	rddreg [dreg:$0x2];
	_ =	strace $0x80000047  }
0x4: {  	s6 =	simm.s32 $0x1;
	s9 =	simm.s32 $0x2;
	s16 =	simm.s32 $0x0  }
0x5: {  	p0 =	por $0x0, $0x0;
	s15 =	simm.s32 $0x0;
	s14 =	simm.s32 $0x0  }
0x6: {  	s11 =	simm.s32 $0x0;
	s4 =	sand.u32 $0x1, s1;
	s1 =	stileid.u32  }
.Ltmp0:
0x7: {  	[sflag:s6] =	ssyncpa.u1 $0x0;
	s7 =	ssub.s32 $0x4, s4;
	(pc) =	sbr.rel .LBB1_1-.Ltmp0, $4  }
0x8: {  	s5 =	sshll.u32 s1, $0x7;
	[sflag:s9] =	ssyncpa.u1 $0x0;
	s8 =	sshrl.u32 s7, $0x1  }
0x9: {  	s9 =	simm.s32 $0x4000;
	s12 =	smov.u32 s4;
	s10 =	sadd.s32 s4, s8  }
0xa: {  	s13 =	smov.u32 s5;
	s7 =	ssub.s32 s7, s8;
	s31 =	sshll.u32 s10, $0x4  }
0xb: {  	s7 =	sshll.u32 s7, $0x4;
	s10 =	simm.s32 $0x0;
	s8 =	ssub.s32 $0x42, s31  }
.LBB1_4:
0xc: {  	v5 =	vld [tilespmem:s19+$0xFFFFFFD0]  }
0xd: {  	[tilespmem:s20+$0x2040 ss:$0x81] =	vst.msk $0xffff, v1;
	v58 =	vld [tilespmem:s19+$0xFFFFFFE0]  }
0xe: {  	[tilespmem:s20+$0x2850 ss:$0x81] =	vst.msk $0xffff, v2;
	v59 =	vld [tilespmem:s19+$0xFFFFFFF0]  }
0xf: {  	s21 =	sshra.s32 s21, $0x2;
	[tilespmem:s20+$0x3060 ss:$0x81] =	vst.msk $0xffff, v3;
	v60 =	vld [tilespmem:s19+$0x0]  }
0x10: {  	[tilespmem:s20+$0x0 ss:$0x81] =	vst.msk $0xffff, v0;
	v61 =	vld [tilespmem:s19+$0x10];
	s18 =	sadd.s32 s21, s18  }
0x11: {  	s26 =	sshll.u32 s16, $0xB;
	v62 =	vld [tilespmem:s19+$0x20];
	[tilespmem:s18+$0x3870 ss:$0x81] =	vst.msk $0xffff, v4  }
0x12: {  	s27 =	sand.u32 $0x78, s14;
	s22 =	sshll.u32 s14, $0x3;
	v63 =	vld [tilespmem:s19+$0xFFFFFFC0];
	s29 =	sshll.u32 s16, $0x7;
	[tilespmem:s18+$0x810 ss:$0x81] =	vst.msk $0xffff, v5  }
0x13: {  	s15 =	sshll.u32 s15, $0x13;
	s20 =	sand.u32 $0x3FC000, s26;
	s28 =	sand.u32 $0x3FFC00, s22;
	[tilespmem:s18+$0x1020 ss:$0x81] =	vst.msk $0xffff, v58  }
0x14: {  	s31 =	sand.u32 $0x7, s14;
	s22 =	sand.u32 $0x400, s22;
	s19 =	sadd.s32 s28, s20;
	[tilespmem:s18+$0x1830 ss:$0x81] =	vst.msk $0xffff, v59  }
0x15: {  	s16 =	sand.u32 $0x380, s29;
	s30 =	sor.u32 s27, s22;
	s19 =	sshrl.u32 s19, $0x3;
	[tilespmem:s18+$0x2040 ss:$0x81] =	vst.msk $0xffff, v60  }
0x16: {  	s15 =	sadd.s32 s3, s15;
	s16 =	sor.u32 s16, s30;
	s19 =	sand.u32 $0x7FF00, s19;
	[tilespmem:s18+$0x2850 ss:$0x81] =	vst.msk $0xffff, v61  }
0x17: {  	s14 =	sshll.u32 s31, $0x12;
	s16 =	sshrl.u32 s16, $0x3;
	[tilespmem:s18+$0x3060 ss:$0x81] =	vst.msk $0xffff, v62;
	s15 =	sadd.s32 s19, s15  }
0x18: {  	s14 =	sor.u32 $0x400, s14;
	[tilespmem:s18+$0x0 ss:$0x81] =	vst.msk $0xffff, v63;
	s15 =	sadd.s32 s16, s15  }
0x19: {  	[hbm4b:s15+s14] =	stream.strided.scatter [tilespmem:s17], [sflag:$0x2], $0x4000, s9, s14, $0x20;
	[tilespmem:$0x10100] =	vst v63  }
.LBB1_5:
0x1a: {  	s17 =	sadd.s32 $0x80, s11  }
0x1b: {  	s14 =	sadd.s32 $0x2, s12;
	s18 =	smov.u32 s12;
	p2 =	sgt.s32 s17, $0x7FF  }
0x1c: {  	s18 =	smov.u32 @p2 s14  }
0x1d: {  	s20 =	smov.u32 s13;
	s14 =	sadd.s32 $0x800, s13;
	p3 =	sgt.s32 s18, $0x3  }
0x1e: {  	p1 =	slt.u32 s10, $0x2;
	s20 =	smov.u32 @p3 s14  }
0x1f: {  	s10 =	sadd.s32 $0x1, s10;
	s17 =	simm.s32 @p2 $0x0;
	p2 =	sgt.s32 s20, $0x7FD  }
0x20: {  	s20 =	smov.u32 @p2 s5;
	p2 =	sne.s32 s10, s8  }
.Ltmp1:
0x21: {  	s19 =	simm.s32 @!p1 $0x2;
	(pc) =	sbr.rel @!p2 .LBB1_6-.Ltmp1, $4  }
0x22: {  	s16 =	smov.u32 s11;
	_ =	swait.ge @!p1 [sflag:s19], $0x4000  }
0x23: {  	s15 =	smov.u32 s12;
	p0 =	por !p0, !p0;
	[sflag:s19] =	ssyncset.done @!p1 $0x0  }
0x24: {  	s11 =	smov.u32 s17;
	s18 =	smov.u32 @p3 s4;
	s14 =	smov.u32 s13  }
0x25: {  	[sflag:s19] =	ssyncadd.s32 @!p1 $0xFFFFC000;
	s12 =	smov.u32 s18;
	s13 =	smov.u32 s20  }
.LBB1_1:
0x26: {  	p1 =	sge.u32 s10, s7;
	s19 =	smov.u32 s13  }
0x27: {  	s21 =	smov.u32 s11;
	s31 =	sadd.s32 $0xFFFFFFFF, s10;
	s17 =	sand.u32 @!p1 $0x78, s11  }
0x28: {  	s18 =	sshll.u32 @!p1 s12, $0x7;
	p2 =	sgt.s32 @!p1 s13, $0x77E;
	s20 =	sshra.s32 @!p1 s13, $0x1F  }
0x29: {  	s18 =	sand.u32 @!p1 $0x180, s18;
	p2 =	por !p2, p1;
	s20 =	sand.u32 @!p1 s20, s13  }
0x2a: {  	s19 =	simm.s32 @p2 $0x77E;
	p2 =	sgt.s32 @!p1 s12, $0x3;
	s17 =	sor.u32 @!p1 s18, s17  }
0x2b: {  	s18 =	ssub.s32 @!p1 s19, s20;
	p2 =	por !p2, p1;
	s19 =	smov.u32 s12  }
0x2c: {  	s20 =	sshra.s32 @!p1 s12, $0x1F;
	s19 =	simm.s32 @p2 $0x3;
	p2 =	sgt.s32 @!p1 s11, $0x780  }
0x2d: {  	s22 =	sshra.s32 @!p1 s11, $0x1F;
	s20 =	sand.u32 @!p1 s20, s12;
	p2 =	por !p2, p1  }
0x2e: {  	s19 =	ssub.s32 @!p1 s19, s20;
	s20 =	sand.u32 @!p1 s22, s11;
	s22 =	sadd.s32 @!p1 $0xFFFFF882, s18  }
0x2f: {  	s18 =	ssub.s32 @!p1 $0x7FE, s18;
	s21 =	simm.s32 @p2 $0x780;
	p2 =	sgt.s32 @!p1 s22, $0x7F  }
0x30: {  	s20 =	ssub.s32 @!p1 s21, s20;
	s21 =	sadd.s32 @!p1 $0xFFFFFFFD, s19;
	p2 =	por !p2, p1  }
0x31: {  	s19 =	ssub.s32 @!p1 $0x4, s19;
	p3 =	sgt.s32 @!p1 s21, $0x0;
	s21 =	sadd.s32 @!p1 $0xFFFFF880, s20  }
0x32: {  	p4 =	sgt.s32 @!p1 s21, $0x7F;
	s21 =	sshll.u32 @!p1 s11, $0x2;
	p3 =	por !p3, p1  }
0x33: {  	s18 =	simm.s32 @!p2 $0x0;
	s19 =	simm.s32 @!p3 $0x0;
	s21 =	sand.u32 @!p1 $0x600, s21  }
0x34: {  	p2 =	por !p4, p1;
	s18 =	smul.u32 @!p1 s18, s19;
	s19 =	ssub.s32 @!p1 $0x800, s20  }
0x35: {  	s20 =	sxor.u32 @!p1 $0xFFFFFFFF, s10;
	s17 =	sor.u32 @!p1 s21, s17;
	s19 =	simm.s32 @!p2 $0x0  }
0x36: {  	s21 =	sshrl.u32 @!p1 s11, $0x1;
	s18 =	smul.u32 @!p1 s19, s18;
	s19 =	sshll.u32 @!p1 s13, $0xA  }
0x37: {  	s20 =	sshll.u32 @!p1 s20, $0xE;
	s21 =	sand.u32 @!p1 $0x300, s21;
	s19 =	sadd.s32 @!p1 s2, s19  }
0x38: {  	s17 =	sshrl.u32 @!p1 s17, $0x3;
	s19 =	sadd.s32 @!p1 s21, s19;
	s21 =	sand.u32 @!p1 $0x7, s11  }
0x39: {  	s20 =	sand.u32 @!p1 $0x4000, s20;
	s18 =	sand.u32 @!p1 $0x3FFFFFFF, s18;
	s21 =	sshll.u32 @!p1 s21, $0x12  }
0x3a: {  	s17 =	sadd.s32 @!p1 s17, s19;
	s19 =	sor.u32 @!p1 $0x80, s21;
	s21 =	simm.s32 @!p1 $0x2000  }
0x3b: {  	[tilespmem:s20], [sflag:$0x1] =	stream.strided.gather @!p1 [hbm4b:s17+s19], s18, s21, s19, $0x38;
	[tilespmem:$0x10100] =	vst v63  }
0x3c: {  	p1 =	sge.u32 s31, s7  }
.Ltmp2:
0x3d: {  	_ = 	snop;
	(pc) =	sbr.rel @p1 .LBB1_5-.Ltmp2, $1  }
0x3e: {  	_ =	sdelay $0x3  }
0x3f: {  	p1 =	sgt.s32 s14, $0x77E;
	s17 =	smov.u32 s14;
	s18 =	sshra.s32 s14, $0x1F  }
0x40: {  	s17 =	simm.s32 @!p1 $0x77E;
	s18 =	sand.u32 s18, s14  }
0x41: {  	s17 =	ssub.s32 s17, s18  }
0x42: {  	p2 =	sgt.s32 s15, $0x3;
	s19 =	sshra.s32 s15, $0x1F;
	s18 =	sadd.s32 $0xFFFFF882, s17  }
0x43: {  	s20 =	sshra.s32 s16, $0x1F;
	p1 =	sgt.s32 s18, $0x7F;
	s18 =	smov.u32 s15  }
0x44: {  	s19 =	sand.u32 s19, s15;
	s20 =	sand.u32 s20, s16;
	s18 =	simm.s32 @!p2 $0x3  }
0x45: {  	p2 =	sgt.s32 s16, $0x780;
	s18 =	ssub.s32 s18, s19;
	s19 =	smov.u32 s16  }
0x46: {  	s17 =	ssub.s32 $0x7FE, s17;
	s21 =	sadd.s32 $0xFFFFFFFD, s18;
	s19 =	simm.s32 @!p2 $0x780  }
0x47: {  	s18 =	ssub.s32 $0x4, s18;
	p2 =	sgt.s32 s21, $0x0;
	s19 =	ssub.s32 s19, s20  }
0x48: {  	s17 =	simm.s32 @p1 $0x0;
	s18 =	simm.s32 @p2 $0x0;
	s20 =	sadd.s32 $0xFFFFF880, s19  }
0x49: {  	s17 =	smul.u32 s17, s18;
	p1 =	sgt.s32 s20, $0x7F;
	s18 =	ssub.s32 $0x800, s19  }
0x4a: {  	s18 =	simm.s32 @p1 $0x0  }
0x4b: {  	s17 =	smul.u32 s18, s17;
	_ =	sdelay $0x1  }
0x4c: {  	s18 =	simm.s32 $0x1;
	s17 =	sand.u32 $0x3FFFFFFF, s17  }
0x4d: {  	s18 =	simm.s32 @!p0 $0x0;
	_ =	swait.ge [sflag:s6], s17  }
0x4e: {  	s29 =	sshll.u32 s18, $0xE;
	s17 =	ssub.s32 $0x0, s17;
	[sflag:s6] =	ssyncset.done $0x0  }
0x4f: {  	s19 =	sor.u32 $0x40, s29;
	[sflag:s6] =	ssyncadd.s32 s17  }
0x50: {  	s30 =	smul.u32 $0x10200, s18;
	v0 =	vld [tilespmem:s19+$0x30]  }
0x51: {  	v3 =	vld [tilespmem:s19+$0xFFFFFFD0]  }
0x52: {  	s17 =	sshrl.u32 s30, $0x2;
	v4 =	vld [tilespmem:s19+$0xFFFFFFE0]  }
0x53: {  	s18 =	sor.u32 $0x8000, s17;
	v5 =	vld [tilespmem:s19+$0xFFFFFFF0]  }
0x54: {  	s31 =	sand.u32 $0x1, s10;
	v1 =	vld [tilespmem:s19+$0x0];
	s20 =	sadd.s32 $0x0, s18  }
0x55: {  	s17 =	smul.u32 $0x10200, s31;
	v2 =	vld [tilespmem:s19+$0x10];
	[tilespmem:s20+$0x3870 ss:$0x81] =	vst.msk $0xffff, v0  }
0x56: {  	[tilespmem:s20+$0x810 ss:$0x81] =	vst.msk $0xffff, v3;
	v3 =	vld [tilespmem:s19+$0x20]  }
0x57: {  	s17 =	sshrl.u32 s17, $0x2;
	v0 =	vld [tilespmem:s19+$0xFFFFFFC0];
	[tilespmem:s20+$0x1020 ss:$0x81] =	vst.msk $0xffff, v4;
	s19 =	sadd.s32 $0x80, s19  }
0x58: {  	s22 =	simm.s32 $0x8;
	s21 =	simm.s32 $0x4;
	s17 =	sor.u32 $0x8000, s17;
	[tilespmem:s20+$0x1830 ss:$0x81] =	vst.msk $0xffff, v5;
	v4 =	vld [tilespmem:s19+$0x30]  }
.LBB1_3:
0x59: {  	p1 =	sne.s32 s22, $0x1FC;
	v5 =	vld [tilespmem:s19+$0xFFFFFFD0];
	[tilespmem:s20+$0x2040 ss:$0x81] =	vst.msk $0xffff, v1  }
0x5a: {  	v6 =	vld [tilespmem:s19+$0xFFFFFFE0];
	[tilespmem:s20+$0x2850 ss:$0x81] =	vst.msk $0xffff, v2  }
0x5b: {  	s23 =	sshra.s32 s21, $0x2;
	s21 =	smov.u32 s22;
	v7 =	vld [tilespmem:s19+$0xFFFFFFF0];
	[tilespmem:s20+$0x3060 ss:$0x81] =	vst.msk $0xffff, v3  }
.Ltmp3:
0x5c: {  	v1 =	vld [tilespmem:s19+$0x0];
	[tilespmem:s20+$0x0 ss:$0x81] =	vst.msk $0xffff, v0;
	s20 =	sadd.s32 s23, s18;
	(pc) =	sbr.rel @p1 .LBB1_3-.Ltmp3, $4  }
0x5d: {  	v2 =	vld [tilespmem:s19+$0x10];
	[tilespmem:s20+$0x3870 ss:$0x81] =	vst.msk $0xffff, v4  }
0x5e: {  	[tilespmem:s20+$0x810 ss:$0x81] =	vst.msk $0xffff, v5;
	v3 =	vld [tilespmem:s19+$0x20]  }
0x5f: {  	v0 =	vld [tilespmem:s19+$0xFFFFFFC0];
	[tilespmem:s20+$0x1020 ss:$0x81] =	vst.msk $0xffff, v6;
	s19 =	sadd.s32 $0x80, s19  }
0x60: {  	s22 =	sadd.s32 $0x4, s22;
	v4 =	vld [tilespmem:s19+$0x30];
	[tilespmem:s20+$0x1830 ss:$0x81] =	vst.msk $0xffff, v7  }
.Ltmp4:
0x61: {  	_ = 	snop;
	(pc) =	sbr.rel .LBB1_4-.Ltmp4, $1  }
0x62: {  	_ =	sdelay $0x3  }
.LBB1_6:
0x63: {  	_ =	sfence.sel $0x180000  }
0x64: {  	s2 =	simm.s32 $0x1;
	[bflag:$0x0] =	sbarrier.arrive $0xFFFF  }
0x65: {  	s31 =	simm.s32 $0x2;
	[sflag:s2] =	ssyncpa.u1 $0x1  }
0x66: {  	[sflag:s31] =	ssyncpa.u1 $0x1  }
0x67: {  	p0 =	sne.s32 s1, $0x0;
	_ =	strace $0x90000047  }
0x68: {  	s0 =	sadd.s32 @!p0 $0x100000, s0;
	[bflag:$0x2] =	sbarrier.arrive $0xFFFF  }
0x69: {  	[sflag:s0] =	ssyncadd.tile.s32 @!p0 $0x1;
	_ =	shalt  }
.Lfunc_end1:
_tile_overlayer_lowered:
.L_overlay_start_2:
0x6a: {  	(tag) =	ssettag $0x2  }
0x6b: {  	s0 =	rddreg [dreg:$0x0];
	s2 =	stileid.u32  }
0x6c: {  	s1 =	rddreg [dreg:$0x1];
	p0 =	sne.s32 s2, $0x0  }
0x6d: {  	s3 =	rddreg [dreg:$0x2];
	[bflag:$0x3] =	sbarrier.arrive $0xFFFF;
	s2 =	simm.s32 @!p0 $0x1C01  }
0x6e: {  	[timem:s3], [sflag:s2] =	dma.local @!p0 [hbm:s0], s1  }
0x6f: {  	s0 =	simm.s32 @!p0 $0x1  }
0x70: {  	_ =	swait.ge @!p0 [sflag:s0], s1  }
0x71: {  	s1 =	ssub.s32 @!p0 $0x0, s1;
	[sflag:s0] =	ssyncset.done @!p0 $0x0  }
0x72: {  	[sflag:s0] =	ssyncadd.s32 @!p0 s1  }
0x73: {  	[bflag:$0x3] =	sbarrier.arrive $0xFFFF  }
0x74: {  	_ =	shalt  }

</sc_bundles>
